<compile_context>
chip_gen: v7x
topology: tpu7x:2x2x1
jax: 0.10.2.dev20260603
libtpu: 0.0.44.dev20260713+nightly
codegen_flags: <defaults>
</compile_context>

<pallas_src>
import functools

import jax
import jax.numpy as jnp
from jax import lax
from jax.experimental import pallas as pl
from jax.experimental.pallas import tpu as pltpu
from jax.experimental.pallas import tpu_sc as plsc

N = 10000
D = 128
H = 128
L = 32
C = 16
E = 320000

NC = 2
NS = 16
NW = NC * NS
LANE = 128
CPW = (-(-E // (NW * LANE)) + 7) // 8 * 8
E_PAD = NW * LANE * CPW
GRP = 8
CPW0 = 120
CPW1 = 2 * CPW - CPW0
N_PAD = 10112
RPT = N_PAD // NS
AW = 144

_f32 = jnp.float32


def _make_spmm(w: int):
  mesh = plsc.VectorSubcoreMesh(core_axis_name="c", subcore_axis_name="s",
                                num_cores=NC, num_subcores=NS)

  out_type = jax.ShapeDtypeStruct((NC, N_PAD, w), _f32)
  scratch = [
      pltpu.VMEM((GRP, LANE), jnp.int32),
      pltpu.VMEM((GRP, LANE), jnp.int32),
      pltpu.VMEM((LANE, w), _f32),
      pltpu.VMEM((LANE, w), _f32),
      pltpu.VMEM((8, w), _f32),
      pltpu.VMEM_SHARED((N_PAD, w), _f32),
      pltpu.SemaphoreType.DMA,
      pltpu.SemaphoreType.DMA,
      pltpu.SemaphoreType.DMA,
      pltpu.SemaphoreType.DMA,
  ]

  def body(g, srcb, dstb, acc_out, src_v, dst_v, rows_a, rows_b, zb,

           acc_s, sga, sgb, ssa, ssb):
    c = lax.axis_index("c")
    s = lax.axis_index("s")
    base_w = s * (CPW0 + CPW1) + c * CPW0
    ngrp = jnp.where(c == 0, CPW0 // GRP, CPW1 // GRP)

    zero16 = jnp.zeros((16,), _f32)
    for r in range(8):
      for q in range(w // 16):
        zb[r, pl.ds(q * 16, 16)] = zero16

    def zcp(k, carry):
      pltpu.sync_copy(zb, acc_s.at[pl.ds(s * RPT + k * 8, 8)])
      return carry

    lax.fori_loop(0, RPT // 8, zcp, 0)
    plsc.subcore_barrier()

    rows = (rows_a, rows_b)
    sg = (sga, sgb)
    ss = (ssa, ssb)

    def group(gi, carry):
      base = base_w + gi * GRP
      pltpu.sync_copy(srcb.at[pl.ds(base, GRP)], src_v)
      pltpu.sync_copy(dstb.at[pl.ds(base, GRP)], dst_v)

      gd = [None, None]
      sd = [None, None]
      gd[0] = pltpu.async_copy(g.at[src_v.at[0]], rows[0], sg[0])
      for j in range(1, GRP + 1):
        p, q = (j - 1) % 2, j % 2
        gd[p].wait()
        if j < GRP:
          if sd[q] is not None:
            sd[q].wait()
          gd[q] = pltpu.async_copy(g.at[src_v.at[j]], rows[q], sg[q])
        sd[p] = pltpu.async_copy(rows[p], acc_s.at[dst_v.at[j - 1]],
                                 ss[p], add=True)
      sd[0].wait()
      sd[1].wait()
      return carry

    lax.fori_loop(0, ngrp, group, 0)
    plsc.subcore_barrier()

    r0 = s * RPT
    pltpu.sync_copy(acc_s.at[pl.ds(r0, RPT)],
                    acc_out.at[c].at[pl.ds(r0, RPT)])

  return pl.kernel(body, out_type=out_type, mesh=mesh, scratch_types=scratch,
                   compiler_params=pltpu.CompilerParams(
                       use_tc_tiling_on_sc=False))


@functools.lru_cache(maxsize=None)
def _get_spmm(w: int):
  return _make_spmm(w)



_BM = 632
_GRID = (N_PAD // _BM,)


def _row_spec(w):
  return pl.BlockSpec((_BM, w), lambda i: (i, 0))


def _full_spec(r, w):
  return pl.BlockSpec((r, w), lambda i: (0, 0))


def _tc1_body(x, ws1, wn1, b1, wfcm, bfcm, wmum, bmum, s1, g1, zm):
  h0 = jnp.log(x[...] + 1.0)
  s1[...] = jnp.dot(h0, ws1[...], preferred_element_type=_f32) + b1[...]
  g1[:, :H] = jnp.dot(h0, wn1[...], preferred_element_type=_f32)
  g1[:, H:] = jnp.ones((_BM, AW - H), _f32)
  hm = jnp.maximum(
      jnp.dot(h0, wfcm[...], preferred_element_type=_f32) + bfcm[...], 0.0)
  zm[...] = jnp.dot(hm, wmum[...], preferred_element_type=_f32) + bmum[...]


_tc1 = pl.pallas_call(
    _tc1_body,
    grid=_GRID,
    in_specs=[_row_spec(D), _full_spec(D, H), _full_spec(D, H),
              _full_spec(1, H), _full_spec(D, H), _full_spec(1, H),
              _full_spec(H, L), _full_spec(1, L)],
    out_specs=[_row_spec(H), _row_spec(AW), _row_spec(L)],
    out_shape=[jax.ShapeDtypeStruct((N_PAD, H), _f32),
               jax.ShapeDtypeStruct((N_PAD, AW), _f32),
               jax.ShapeDtypeStruct((N_PAD, L), _f32)],
)


def _combine(s_ref, a0, a1, invd):
  t = s_ref[...] + (a0 + a1) * invd
  t = jnp.maximum(t, 0.0)
  nrm = jnp.sqrt(jnp.sum(t * t, axis=-1, keepdims=True))
  return t / jnp.maximum(nrm, 1e-12)


def _invdeg(a0, a1):
  return 1.0 / jnp.maximum(a0[:, H:H + 1] + a1[:, H:H + 1], 1.0)


def _tc2_body(s1, a0, a1, ws2, wn2, b2, s2, g2):
  invd = _invdeg(a0[...], a1[...])
  h1 = _combine(s1, a0[:, :H], a1[:, :H], invd)
  s2[...] = jnp.dot(h1, ws2[...], preferred_element_type=_f32) + b2[...]
  g2[...] = jnp.dot(h1, wn2[...], preferred_element_type=_f32)


_tc2 = pl.pallas_call(
    _tc2_body,
    grid=_GRID,
    in_specs=[_row_spec(H), _row_spec(AW), _row_spec(AW),
              _full_spec(H, H), _full_spec(H, H), _full_spec(1, H)],
    out_specs=[_row_spec(H), _row_spec(H)],
    out_shape=[jax.ShapeDtypeStruct((N_PAD, H), _f32),
               jax.ShapeDtypeStruct((N_PAD, H), _f32)],
)


def _tc3_body(s2, a0, a1, d0, d1, zm,
              wmu, bmu, wdec, bdec, wsc, bsc, wr, br, wdo, bdo,
              scale, r_out, do_out):
  invd = _invdeg(d0[...], d1[...])
  h2 = _combine(s2, a0[...], a1[...], invd)
  z_loc = jnp.dot(h2, wmu[...], preferred_element_type=_f32) + bmu[...]
  hz = z_loc * zm[...]
  px = jnp.maximum(
      jnp.dot(hz, wdec[...], preferred_element_type=_f32) + bdec[...], 0.0)
  logits = jnp.dot(px, wsc[...], preferred_element_type=_f32) + bsc[...]
  m = jnp.max(logits, axis=-1, keepdims=True)
  e = jnp.exp(logits - m)
  scale[...] = e / jnp.sum(e, axis=-1, keepdims=True)
  r_out[...] = jnp.dot(px, wr[...], preferred_element_type=_f32) + br[...]
  do_out[...] = jnp.dot(px, wdo[...], preferred_element_type=_f32) + bdo[...]


_tc3 = pl.pallas_call(
    _tc3_body,
    grid=_GRID,
    in_specs=[_row_spec(H), _row_spec(H), _row_spec(H),
              _row_spec(AW), _row_spec(AW), _row_spec(L),
              _full_spec(H, L), _full_spec(1, L),
              _full_spec(L, H), _full_spec(1, H),
              _full_spec(H, C), _full_spec(1, C),
              _full_spec(H, D), _full_spec(1, D),
              _full_spec(H, D), _full_spec(1, D)],
    out_specs=[_row_spec(C), _row_spec(D), _row_spec(D)],
    out_shape=[jax.ShapeDtypeStruct((N_PAD, C), _f32),
               jax.ShapeDtypeStruct((N_PAD, D), _f32),
               jax.ShapeDtypeStruct((N_PAD, D), _f32)],
)


def kernel(x, edge_index, W_self1, W_neigh1, b1, W_self2, W_neigh2, b2,
           W_mu, b_mu, W_fcm, b_fcm, W_mum, b_mum, W_dec, b_dec,
           W_sc, b_sc, W_r, b_r, W_do, b_do):
  src = edge_index[0].astype(jnp.int32)
  dst = edge_index[1].astype(jnp.int32)
  pad = E_PAD - E
  srcb = jnp.concatenate([src, jnp.zeros((pad,), jnp.int32)])
  dstb = jnp.concatenate([dst, jnp.full((pad,), N, jnp.int32)])
  srcb = srcb.reshape(E_PAD // LANE, LANE)
  dstb = dstb.reshape(E_PAD // LANE, LANE)

  xp = jnp.zeros((N_PAD, D), _f32).at[:N].set(x)
  r1 = lambda b: b.reshape(1, -1)

  s1, g1, zm = _tc1(xp, W_self1, W_neigh1, r1(b1), W_fcm, r1(b_fcm),
                    W_mum, r1(b_mum))
  acc1 = _get_spmm(AW)(g1, srcb, dstb)
  s2, g2 = _tc2(s1, acc1[0], acc1[1], W_self2, W_neigh2, r1(b2))
  acc2 = _get_spmm(H)(g2, srcb, dstb)
  px_scale, px_r, px_dropout = _tc3(
      s2, acc2[0], acc2[1], acc1[0], acc1[1], zm,
      W_mu, r1(b_mu), W_dec, r1(b_dec), W_sc, r1(b_sc),
      W_r, r1(b_r), W_do, r1(b_do))
  return (px_scale[:N], px_r[:N], px_dropout[:N])

# --- scband reference (transcript-rebuilt; emitter-appended) ---
"""Pipeline reference for scband-sage-37675453120928 (READ-ONLY COPY).

The authoritative reference and input builder live on the scoring server;
editing this copy changes nothing except your own understanding.
"""

import jax, jax.numpy as jnp
import numpy as np

N = 10000
E = 320000
D = 128
H = 128
L = 32
C = 16


def setup_inputs(seed: int = 0) -> dict:
    key = jax.random.key(seed)
    ks = [jax.random.fold_in(key, i) for i in range(32)]
    s = 0.05
    inp = {}
    inp["x"] = jax.random.uniform(ks[0], (N, D), dtype=jnp.float32)
    inp["edge_index"] = jax.random.randint(ks[1], (2, E), 0, N)
    inp["W_self1"] = jax.random.normal(ks[2], (D, H), dtype=jnp.float32) * s
    inp["W_neigh1"] = jax.random.normal(ks[3], (D, H), dtype=jnp.float32) * s
    inp["b1"] = jnp.zeros((H,), dtype=jnp.float32)
    inp["W_self2"] = jax.random.normal(ks[4], (H, H), dtype=jnp.float32) * s
    inp["W_neigh2"] = jax.random.normal(ks[5], (H, H), dtype=jnp.float32) * s
    inp["b2"] = jnp.zeros((H,), dtype=jnp.float32)
    inp["W_mu"] = jax.random.normal(ks[6], (H, L), dtype=jnp.float32) * s
    inp["b_mu"] = jnp.zeros((L,), dtype=jnp.float32)
    inp["W_fcm"] = jax.random.normal(ks[7], (D, H), dtype=jnp.float32) * s
    inp["b_fcm"] = jnp.zeros((H,), dtype=jnp.float32)
    inp["W_mum"] = jax.random.normal(ks[8], (H, L), dtype=jnp.float32) * s
    inp["b_mum"] = jnp.zeros((L,), dtype=jnp.float32)
    inp["W_dec"] = jax.random.normal(ks[9], (L, H), dtype=jnp.float32) * s
    inp["b_dec"] = jnp.zeros((H,), dtype=jnp.float32)
    inp["W_sc"] = jax.random.normal(ks[10], (H, C), dtype=jnp.float32) * s
    inp["b_sc"] = jnp.zeros((C,), dtype=jnp.float32)
    inp["W_r"] = jax.random.normal(ks[11], (H, D), dtype=jnp.float32) * s
    inp["b_r"] = jnp.zeros((D,), dtype=jnp.float32)
    inp["W_do"] = jax.random.normal(ks[12], (H, D), dtype=jnp.float32) * s
    inp["b_do"] = jnp.zeros((D,), dtype=jnp.float32)
    return inp


def _sage_layer(h, src, dst, W_self, W_neigh, b, n):
    # DGL SAGEConv 'mean': fc_self(h_dst) + fc_neigh(mean of neighbor feats), then activation, then L2 norm
    msg = h[src]
    agg = jax.ops.segment_sum(msg, dst, num_segments=n)
    deg = jax.ops.segment_sum(jnp.ones((src.shape[0],), dtype=h.dtype), dst, num_segments=n)
    mean = agg / jnp.clip(deg, 1.0)[:, None]
    out = h @ W_self + mean @ W_neigh + b
    out = jax.nn.relu(out)
    nrm = jnp.sqrt(jnp.sum(out * out, axis=-1, keepdims=True))
    return out / jnp.maximum(nrm, 1e-12)


def reference(x, edge_index, W_self1, W_neigh1, b1, W_self2, W_neigh2, b2,
              W_mu, b_mu, W_fcm, b_fcm, W_mum, b_mum, W_dec, b_dec,
              W_sc, b_sc, W_r, b_r, W_do, b_do):
    src = edge_index[0]
    dst = edge_index[1]
    n = x.shape[0]
    # Encoder (GraphSAGE)
    h = jnp.log(x + 1.0)
    h = _sage_layer(h, src, dst, W_self1, W_neigh1, b1, n)
    h = _sage_layer(h, src, dst, W_self2, W_neigh2, b2, n)
    z_loc = h @ W_mu + b_mu
    # EncoderMolecule (eval-mode FCLayers approx: Linear + ReLU)
    xm = jnp.log(x + 1.0)
    hm = jax.nn.relu(xm @ W_fcm + b_fcm)
    zm = hm @ W_mum + b_mum
    # combine as in SAGE.inference: h = gs_mu(h) * mu(encoder_molecule)
    hz = z_loc * zm
    # Decoder
    px = jax.nn.relu(hz @ W_dec + b_dec)
    px_scale = jax.nn.softmax(px @ W_sc + b_sc, axis=-1)
    px_r = px @ W_r + b_r
    px_dropout = px @ W_do + b_do
    return (px_scale, px_r, px_dropout)

if __name__ == "__main__":
    import jax
    _d = setup_inputs()
    print(jax.jit(kernel)(*tuple(_d.values())))

</pallas_src>

<mosaic_0001>
#map = affine_map<(d0, d1) -> (0, 0)>
#map1 = affine_map<(d0, d1) -> (0, 0, 0)>
module attributes {stable_mosaic.version = 14 : i64} {
  func.func @body(%arg0: i32, %arg1: i32, %arg2: memref<10112x144xf32, #tpu.memory_space<hbm>>, %arg3: memref<2560x128xi32, #tpu.memory_space<hbm>>, %arg4: memref<2560x128xi32, #tpu.memory_space<hbm>>, %arg5: memref<2x10112x144xf32, #tpu.memory_space<hbm>>, %arg6: memref<8x128xi32, #tpu.memory_space<vmem>>, %arg7: memref<8x128xi32, #tpu.memory_space<vmem>>, %arg8: memref<128x144xf32, #tpu.memory_space<vmem>>, %arg9: memref<128x144xf32, #tpu.memory_space<vmem>>, %arg10: memref<8x144xf32, #tpu.memory_space<vmem>>, %arg11: memref<10112x144xf32, #tpu.memory_space<vmem_shared>>, %arg12: memref<!tpu.dma_semaphore, #tpu.memory_space<semaphore_mem>>, %arg13: memref<!tpu.dma_semaphore, #tpu.memory_space<semaphore_mem>>, %arg14: memref<!tpu.dma_semaphore, #tpu.memory_space<semaphore_mem>>, %arg15: memref<!tpu.dma_semaphore, #tpu.memory_space<semaphore_mem>>) attributes {dimension_semantics = [#tpu.dimension_semantics<core_parallel>, #tpu.dimension_semantics<subcore_parallel>], iteration_bounds = array<i64: 2, 16>, scalar_prefetch = 0 : i64, scratch_operands = 10 : i64, tpu.core_type = #tpu.core_type<sc_vector_subcore>, window_params = [{transform_indices = #map}, {transform_indices = #map}, {transform_indices = #map}, {transform_indices = #map1}]} {
    %mul3A = arith.constant 160 : i32
    %mul3A_0 = arith.muli %arg1, %mul3A : i32
    %mul3A_1 = arith.constant 120 : i32
    %mul3A_2 = arith.muli %arg0, %mul3A_1 : i32
    %add3A = arith.addi %mul3A_0, %mul3A_2 : i32
    %eq3A = arith.constant 0 : i32
    %eq3A_3 = arith.cmpi eq, %arg0, %eq3A : i32
    %jit3A = arith.constant 15 : i32
    %jit3A_4 = arith.constant 5 : i32
    %select_n3A = arith.select %eq3A_3, %jit3A, %jit3A_4 : i32
    %broadcast_in_dim3A = arith.constant 0.000000e+00 : f32
    %broadcast_in_dim3A_5 = vector.broadcast %broadcast_in_dim3A : f32 to vector<16xf32>
    %swap3A = arith.constant 0 : i32
    %swap3A_6 = arith.index_cast %swap3A : i32 to index
    %swap3A_7 = arith.constant 0 : index
    %swap3A_8 = tpu.vector_load %arg10[%swap3A_6, %swap3A_7] {strides = array<i32>} : memref<8x144xf32, #tpu.memory_space<vmem>>, vector<1x16xf32>,
    %swap3A_9 = vector.shape_cast %swap3A_8 : vector<1x16xf32> to vector<16xf32>
    %swap3A_10 = vector.shape_cast %broadcast_in_dim3A_5 : vector<16xf32> to vector<1x16xf32>
    tpu.vector_store %arg10[%swap3A_6, %swap3A_7], %swap3A_10 {strides = array<i32>} : memref<8x144xf32, #tpu.memory_space<vmem>>, vector<1x16xf32>,
    %swap3A_11 = arith.constant 0 : i32
    %swap3A_12 = arith.index_cast %swap3A_11 : i32 to index
    %swap3A_13 = arith.constant 16 : index
    %swap3A_14 = tpu.vector_load %arg10[%swap3A_12, %swap3A_13] {strides = array<i32>} : memref<8x144xf32, #tpu.memory_space<vmem>>, vector<1x16xf32>,
    %swap3A_15 = vector.shape_cast %swap3A_14 : vector<1x16xf32> to vector<16xf32>
    %swap3A_16 = vector.shape_cast %broadcast_in_dim3A_5 : vector<16xf32> to vector<1x16xf32>
    tpu.vector_store %arg10[%swap3A_12, %swap3A_13], %swap3A_16 {strides = array<i32>} : memref<8x144xf32, #tpu.memory_space<vmem>>, vector<1x16xf32>,
    %swap3A_17 = arith.constant 0 : i32
    %swap3A_18 = arith.index_cast %swap3A_17 : i32 to index
    %swap3A_19 = arith.constant 32 : index
    %swap3A_20 = tpu.vector_load %arg10[%swap3A_18, %swap3A_19] {strides = array<i32>} : memref<8x144xf32, #tpu.memory_space<vmem>>, vector<1x16xf32>,
    %swap3A_21 = vector.shape_cast %swap3A_20 : vector<1x16xf32> to vector<16xf32>
    %swap3A_22 = vector.shape_cast %broadcast_in_dim3A_5 : vector<16xf32> to vector<1x16xf32>
    tpu.vector_store %arg10[%swap3A_18, %swap3A_19], %swap3A_22 {strides = array<i32>} : memref<8x144xf32, #tpu.memory_space<vmem>>, vector<1x16xf32>,
    %swap3A_23 = arith.constant 0 : i32
    %swap3A_24 = arith.index_cast %swap3A_23 : i32 to index
    %swap3A_25 = arith.constant 48 : index
    %swap3A_26 = tpu.vector_load %arg10[%swap3A_24, %swap3A_25] {strides = array<i32>} : memref<8x144xf32, #tpu.memory_space<vmem>>, vector<1x16xf32>,
    %swap3A_27 = vector.shape_cast %swap3A_26 : vector<1x16xf32> to vector<16xf32>
    %swap3A_28 = vector.shape_cast %broadcast_in_dim3A_5 : vector<16xf32> to vector<1x16xf32>
    tpu.vector_store %arg10[%swap3A_24, %swap3A_25], %swap3A_28 {strides = array<i32>} : memref<8x144xf32, #tpu.memory_space<vmem>>, vector<1x16xf32>,
    %swap3A_29 = arith.constant 0 : i32
    %swap3A_30 = arith.index_cast %swap3A_29 : i32 to index
    %swap3A_31 = arith.constant 64 : index
    %swap3A_32 = tpu.vector_load %arg10[%swap3A_30, %swap3A_31] {strides = array<i32>} : memref<8x144xf32, #tpu.memory_space<vmem>>, vector<1x16xf32>,
    %swap3A_33 = vector.shape_cast %swap3A_32 : vector<1x16xf32> to vector<16xf32>
    %swap3A_34 = vector.shape_cast %broadcast_in_dim3A_5 : vector<16xf32> to vector<1x16xf32>
    tpu.vector_store %arg10[%swap3A_30, %swap3A_31], %swap3A_34 {strides = array<i32>} : memref<8x144xf32, #tpu.memory_space<vmem>>, vector<1x16xf32>,
    %swap3A_35 = arith.constant 0 : i32
    %swap3A_36 = arith.index_cast %swap3A_35 : i32 to index
    %swap3A_37 = arith.constant 80 : index
    %swap3A_38 = tpu.vector_load %arg10[%swap3A_36, %swap3A_37] {strides = array<i32>} : memref<8x144xf32, #tpu.memory_space<vmem>>, vector<1x16xf32>,
    %swap3A_39 = vector.shape_cast %swap3A_38 : vector<1x16xf32> to vector<16xf32>
    %swap3A_40 = vector.shape_cast %broadcast_in_dim3A_5 : vector<16xf32> to vector<1x16xf32>
    tpu.vector_store %arg10[%swap3A_36, %swap3A_37], %swap3A_40 {strides = array<i32>} : memref<8x144xf32, #tpu.memory_space<vmem>>, vector<1x16xf32>,
    %swap3A_41 = arith.constant 0 : i32
    %swap3A_42 = arith.index_cast %swap3A_41 : i32 to index
    %swap3A_43 = arith.constant 96 : index
    %swap3A_44 = tpu.vector_load %arg10[%swap3A_42, %swap3A_43] {strides = array<i32>} : memref<8x144xf32, #tpu.memory_space<vmem>>, vector<1x16xf32>,
    %swap3A_45 = vector.shape_cast %swap3A_44 : vector<1x16xf32> to vector<16xf32>
    %swap3A_46 = vector.shape_cast %broadcast_in_dim3A_5 : vector<16xf32> to vector<1x16xf32>
    tpu.vector_store %arg10[%swap3A_42, %swap3A_43], %swap3A_46 {strides = array<i32>} : memref<8x144xf32, #tpu.memory_space<vmem>>, vector<1x16xf32>,
    %swap3A_47 = arith.constant 0 : i32
    %swap3A_48 = arith.index_cast %swap3A_47 : i32 to index
    %swap3A_49 = arith.constant 112 : index
    %swap3A_50 = tpu.vector_load %arg10[%swap3A_48, %swap3A_49] {strides = array<i32>} : memref<8x144xf32, #tpu.memory_space<vmem>>, vector<1x16xf32>,
    %swap3A_51 = vector.shape_cast %swap3A_50 : vector<1x16xf32> to vector<16xf32>
    %swap3A_52 = vector.shape_cast %broadcast_in_dim3A_5 : vector<16xf32> to vector<1x16xf32>
    tpu.vector_store %arg10[%swap3A_48, %swap3A_49], %swap3A_52 {strides = array<i32>} : memref<8x144xf32, #tpu.memory_space<vmem>>, vector<1x16xf32>,
    %swap3A_53 = arith.constant 0 : i32
    %swap3A_54 = arith.index_cast %swap3A_53 : i32 to index
    %swap3A_55 = arith.constant 128 : index
    %swap3A_56 = tpu.vector_load %arg10[%swap3A_54, %swap3A_55] {strides = array<i32>} : memref<8x144xf32, #tpu.memory_space<vmem>>, vector<1x16xf32>,
    %swap3A_57 = vector.shape_cast %swap3A_56 : vector<1x16xf32> to vector<16xf32>
    %swap3A_58 = vector.shape_cast %broadcast_in_dim3A_5 : vector<16xf32> to vector<1x16xf32>
    tpu.vector_store %arg10[%swap3A_54, %swap3A_55], %swap3A_58 {strides = array<i32>} : memref<8x144xf32, #tpu.memory_space<vmem>>, vector<1x16xf32>,
    %swap3A_59 = arith.constant 1 : i32
    %swap3A_60 = arith.index_cast %swap3A_59 : i32 to index
    %swap3A_61 = arith.constant 0 : index
    %swap3A_62 = tpu.vector_load %arg10[%swap3A_60, %swap3A_61] {strides = array<i32>} : memref<8x144xf32, #tpu.memory_space<vmem>>, vector<1x16xf32>,
    %swap3A_63 = vector.shape_cast %swap3A_62 : vector<1x16xf32> to vector<16xf32>
    %swap3A_64 = vector.shape_cast %broadcast_in_dim3A_5 : vector<16xf32> to vector<1x16xf32>
    tpu.vector_store %arg10[%swap3A_60, %swap3A_61], %swap3A_64 {strides = array<i32>} : memref<8x144xf32, #tpu.memory_space<vmem>>, vector<1x16xf32>,
    %swap3A_65 = arith.constant 1 : i32
    %swap3A_66 = arith.index_cast %swap3A_65 : i32 to index
    %swap3A_67 = arith.constant 16 : index
    %swap3A_68 = tpu.vector_load %arg10[%swap3A_66, %swap3A_67] {strides = array<i32>} : memref<8x144xf32, #tpu.memory_space<vmem>>, vector<1x16xf32>,
    %swap3A_69 = vector.shape_cast %swap3A_68 : vector<1x16xf32> to vector<16xf32>
    %swap3A_70 = vector.shape_cast %broadcast_in_dim3A_5 : vector<16xf32> to vector<1x16xf32>
    tpu.vector_store %arg10[%swap3A_66, %swap3A_67], %swap3A_70 {strides = array<i32>} : memref<8x144xf32, #tpu.memory_space<vmem>>, vector<1x16xf32>,
    %swap3A_71 = arith.constant 1 : i32
    %swap3A_72 = arith.index_cast %swap3A_71 : i32 to index
    %swap3A_73 = arith.constant 32 : index
    %swap3A_74 = tpu.vector_load %arg10[%swap3A_72, %swap3A_73] {strides = array<i32>} : memref<8x144xf32, #tpu.memory_space<vmem>>, vector<1x16xf32>,
    %swap3A_75 = vector.shape_cast %swap3A_74 : vector<1x16xf32> to vector<16xf32>
    %swap3A_76 = vector.shape_cast %broadcast_in_dim3A_5 : vector<16xf32> to vector<1x16xf32>
    tpu.vector_store %arg10[%swap3A_72, %swap3A_73], %swap3A_76 {strides = array<i32>} : memref<8x144xf32, #tpu.memory_space<vmem>>, vector<1x16xf32>,
    %swap3A_77 = arith.constant 1 : i32
    %swap3A_78 = arith.index_cast %swap3A_77 : i32 to index
    %swap3A_79 = arith.constant 48 : index
    %swap3A_80 = tpu.vector_load %arg10[%swap3A_78, %swap3A_79] {strides = array<i32>} : memref<8x144xf32, #tpu.memory_space<vmem>>, vector<1x16xf32>,
    %swap3A_81 = vector.shape_cast %swap3A_80 : vector<1x16xf32> to vector<16xf32>
    %swap3A_82 = vector.shape_cast %broadcast_in_dim3A_5 : vector<16xf32> to vector<1x16xf32>
    tpu.vector_store %arg10[%swap3A_78, %swap3A_79], %swap3A_82 {strides = array<i32>} : memref<8x144xf32, #tpu.memory_space<vmem>>, vector<1x16xf32>,
    %swap3A_83 = arith.constant 1 : i32
    %swap3A_84 = arith.index_cast %swap3A_83 : i32 to index
    %swap3A_85 = arith.constant 64 : index
    %swap3A_86 = tpu.vector_load %arg10[%swap3A_84, %swap3A_85] {strides = array<i32>} : memref<8x144xf32, #tpu.memory_space<vmem>>, vector<1x16xf32>,
    %swap3A_87 = vector.shape_cast %swap3A_86 : vector<1x16xf32> to vector<16xf32>
    %swap3A_88 = vector.shape_cast %broadcast_in_dim3A_5 : vector<16xf32> to vector<1x16xf32>
    tpu.vector_store %arg10[%swap3A_84, %swap3A_85], %swap3A_88 {strides = array<i32>} : memref<8x144xf32, #tpu.memory_space<vmem>>, vector<1x16xf32>,
    %swap3A_89 = arith.constant 1 : i32
    %swap3A_90 = arith.index_cast %swap3A_89 : i32 to index
    %swap3A_91 = arith.constant 80 : index
    %swap3A_92 = tpu.vector_load %arg10[%swap3A_90, %swap3A_91] {strides = array<i32>} : memref<8x144xf32, #tpu.memory_space<vmem>>, vector<1x16xf32>,
    %swap3A_93 = vector.shape_cast %swap3A_92 : vector<1x16xf32> to vector<16xf32>
    %swap3A_94 = vector.shape_cast %broadcast_in_dim3A_5 : vector<16xf32> to vector<1x16xf32>
    tpu.vector_store %arg10[%swap3A_90, %swap3A_91], %swap3A_94 {strides = array<i32>} : memref<8x144xf32, #tpu.memory_space<vmem>>, vector<1x16xf32>,
    %swap3A_95 = arith.constant 1 : i32
    %swap3A_96 = arith.index_cast %swap3A_95 : i32 to index
    %swap3A_97 = arith.constant 96 : index
    %swap3A_98 = tpu.vector_load %arg10[%swap3A_96, %swap3A_97] {strides = array<i32>} : memref<8x144xf32, #tpu.memory_space<vmem>>, vector<1x16xf32>,
    %swap3A_99 = vector.shape_cast %swap3A_98 : vector<1x16xf32> to vector<16xf32>
    %swap3A_100 = vector.shape_cast %broadcast_in_dim3A_5 : vector<16xf32> to vector<1x16xf32>
    tpu.vector_store %arg10[%swap3A_96, %swap3A_97], %swap3A_100 {strides = array<i32>} : memref<8x144xf32, #tpu.memory_space<vmem>>, vector<1x16xf32>,
    %swap3A_101 = arith.constant 1 : i32
    %swap3A_102 = arith.index_cast %swap3A_101 : i32 to index
    %swap3A_103 = arith.constant 112 : index
    %swap3A_104 = tpu.vector_load %arg10[%swap3A_102, %swap3A_103] {strides = array<i32>} : memref<8x144xf32, #tpu.memory_space<vmem>>, vector<1x16xf32>,
    %swap3A_105 = vector.shape_cast %swap3A_104 : vector<1x16xf32> to vector<16xf32>
    %swap3A_106 = vector.shape_cast %broadcast_in_dim3A_5 : vector<16xf32> to vector<1x16xf32>
    tpu.vector_store %arg10[%swap3A_102, %swap3A_103], %swap3A_106 {strides = array<i32>} : memref<8x144xf32, #tpu.memory_space<vmem>>, vector<1x16xf32>,
    %swap3A_107 = arith.constant 1 : i32
    %swap3A_108 = arith.index_cast %swap3A_107 : i32 to index
    %swap3A_109 = arith.constant 128 : index
    %swap3A_110 = tpu.vector_load %arg10[%swap3A_108, %swap3A_109] {strides = array<i32>} : memref<8x144xf32, #tpu.memory_space<vmem>>, vector<1x16xf32>,
    %swap3A_111 = vector.shape_cast %swap3A_110 : vector<1x16xf32> to vector<16xf32>
    %swap3A_112 = vector.shape_cast %broadcast_in_dim3A_5 : vector<16xf32> to vector<1x16xf32>
    tpu.vector_store %arg10[%swap3A_108, %swap3A_109], %swap3A_112 {strides = array<i32>} : memref<8x144xf32, #tpu.memory_space<vmem>>, vector<1x16xf32>,
    %swap3A_113 = arith.constant 2 : i32
    %swap3A_114 = arith.index_cast %swap3A_113 : i32 to index
    %swap3A_115 = arith.constant 0 : index
    %swap3A_116 = tpu.vector_load %arg10[%swap3A_114, %swap3A_115] {strides = array<i32>} : memref<8x144xf32, #tpu.memory_space<vmem>>, vector<1x16xf32>,
    %swap3A_117 = vector.shape_cast %swap3A_116 : vector<1x16xf32> to vector<16xf32>
    %swap3A_118 = vector.shape_cast %broadcast_in_dim3A_5 : vector<16xf32> to vector<1x16xf32>
    tpu.vector_store %arg10[%swap3A_114, %swap3A_115], %swap3A_118 {strides = array<i32>} : memref<8x144xf32, #tpu.memory_space<vmem>>, vector<1x16xf32>,
    %swap3A_119 = arith.constant 2 : i32
    %swap3A_120 = arith.index_cast %swap3A_119 : i32 to index
    %swap3A_121 = arith.constant 16 : index
    %swap3A_122 = tpu.vector_load %arg10[%swap3A_120, %swap3A_121] {strides = array<i32>} : memref<8x144xf32, #tpu.memory_space<vmem>>, vector<1x16xf32>,
    %swap3A_123 = vector.shape_cast %swap3A_122 : vector<1x16xf32> to vector<16xf32>
    %swap3A_124 = vector.shape_cast %broadcast_in_dim3A_5 : vector<16xf32> to vector<1x16xf32>
    tpu.vector_store %arg10[%swap3A_120, %swap3A_121], %swap3A_124 {strides = array<i32>} : memref<8x144xf32, #tpu.memory_space<vmem>>, vector<1x16xf32>,
    %swap3A_125 = arith.constant 2 : i32
    %swap3A_126 = arith.index_cast %swap3A_125 : i32 to index
    %swap3A_127 = arith.constant 32 : index
    %swap3A_128 = tpu.vector_load %arg10[%swap3A_126, %swap3A_127] {strides = array<i32>} : memref<8x144xf32, #tpu.memory_space<vmem>>, vector<1x16xf32>,
    %swap3A_129 = vector.shape_cast %swap3A_128 : vector<1x16xf32> to vector<16xf32>
    %swap3A_130 = vector.shape_cast %broadcast_in_dim3A_5 : vector<16xf32> to vector<1x16xf32>
    tpu.vector_store %arg10[%swap3A_126, %swap3A_127], %swap3A_130 {strides = array<i32>} : memref<8x144xf32, #tpu.memory_space<vmem>>, vector<1x16xf32>,
    %swap3A_131 = arith.constant 2 : i32
    %swap3A_132 = arith.index_cast %swap3A_131 : i32 to index
    %swap3A_133 = arith.constant 48 : index
    %swap3A_134 = tpu.vector_load %arg10[%swap3A_132, %swap3A_133] {strides = array<i32>} : memref<8x144xf32, #tpu.memory_space<vmem>>, vector<1x16xf32>,
    %swap3A_135 = vector.shape_cast %swap3A_134 : vector<1x16xf32> to vector<16xf32>
    %swap3A_136 = vector.shape_cast %broadcast_in_dim3A_5 : vector<16xf32> to vector<1x16xf32>
    tpu.vector_store %arg10[%swap3A_132, %swap3A_133], %swap3A_136 {strides = array<i32>} : memref<8x144xf32, #tpu.memory_space<vmem>>, vector<1x16xf32>,
    %swap3A_137 = arith.constant 2 : i32
    %swap3A_138 = arith.index_cast %swap3A_137 : i32 to index
    %swap3A_139 = arith.constant 64 : index
    %swap3A_140 = tpu.vector_load %arg10[%swap3A_138, %swap3A_139] {strides = array<i32>} : memref<8x144xf32, #tpu.memory_space<vmem>>, vector<1x16xf32>,
    %swap3A_141 = vector.shape_cast %swap3A_140 : vector<1x16xf32> to vector<16xf32>
    %swap3A_142 = vector.shape_cast %broadcast_in_dim3A_5 : vector<16xf32> to vector<1x16xf32>
    tpu.vector_store %arg10[%swap3A_138, %swap3A_139], %swap3A_142 {strides = array<i32>} : memref<8x144xf32, #tpu.memory_space<vmem>>, vector<1x16xf32>,
    %swap3A_143 = arith.constant 2 : i32
    %swap3A_144 = arith.index_cast %swap3A_143 : i32 to index
    %swap3A_145 = arith.constant 80 : index
    %swap3A_146 = tpu.vector_load %arg10[%swap3A_144, %swap3A_145] {strides = array<i32>} : memref<8x144xf32, #tpu.memory_space<vmem>>, vector<1x16xf32>,
    %swap3A_147 = vector.shape_cast %swap3A_146 : vector<1x16xf32> to vector<16xf32>
    %swap3A_148 = vector.shape_cast %broadcast_in_dim3A_5 : vector<16xf32> to vector<1x16xf32>
    tpu.vector_store %arg10[%swap3A_144, %swap3A_145], %swap3A_148 {strides = array<i32>} : memref<8x144xf32, #tpu.memory_space<vmem>>, vector<1x16xf32>,
    %swap3A_149 = arith.constant 2 : i32
    %swap3A_150 = arith.index_cast %swap3A_149 : i32 to index
    %swap3A_151 = arith.constant 96 : index
    %swap3A_152 = tpu.vector_load %arg10[%swap3A_150, %swap3A_151] {strides = array<i32>} : memref<8x144xf32, #tpu.memory_space<vmem>>, vector<1x16xf32>,
    %swap3A_153 = vector.shape_cast %swap3A_152 : vector<1x16xf32> to vector<16xf32>
    %swap3A_154 = vector.shape_cast %broadcast_in_dim3A_5 : vector<16xf32> to vector<1x16xf32>
    tpu.vector_store %arg10[%swap3A_150, %swap3A_151], %swap3A_154 {strides = array<i32>} : memref<8x144xf32, #tpu.memory_space<vmem>>, vector<1x16xf32>,
    %swap3A_155 = arith.constant 2 : i32
    %swap3A_156 = arith.index_cast %swap3A_155 : i32 to index
    %swap3A_157 = arith.constant 112 : index
    %swap3A_158 = tpu.vector_load %arg10[%swap3A_156, %swap3A_157] {strides = array<i32>} : memref<8x144xf32, #tpu.memory_space<vmem>>, vector<1x16xf32>,
    %swap3A_159 = vector.shape_cast %swap3A_158 : vector<1x16xf32> to vector<16xf32>
    %swap3A_160 = vector.shape_cast %broadcast_in_dim3A_5 : vector<16xf32> to vector<1x16xf32>
    tpu.vector_store %arg10[%swap3A_156, %swap3A_157], %swap3A_160 {strides = array<i32>} : memref<8x144xf32, #tpu.memory_space<vmem>>, vector<1x16xf32>,
    %swap3A_161 = arith.constant 2 : i32
    %swap3A_162 = arith.index_cast %swap3A_161 : i32 to index
    %swap3A_163 = arith.constant 128 : index
    %swap3A_164 = tpu.vector_load %arg10[%swap3A_162, %swap3A_163] {strides = array<i32>} : memref<8x144xf32, #tpu.memory_space<vmem>>, vector<1x16xf32>,
    %swap3A_165 = vector.shape_cast %swap3A_164 : vector<1x16xf32> to vector<16xf32>
    %swap3A_166 = vector.shape_cast %broadcast_in_dim3A_5 : vector<16xf32> to vector<1x16xf32>
    tpu.vector_store %arg10[%swap3A_162, %swap3A_163], %swap3A_166 {strides = array<i32>} : memref<8x144xf32, #tpu.memory_space<vmem>>, vector<1x16xf32>,
    %swap3A_167 = arith.constant 3 : i32
    %swap3A_168 = arith.index_cast %swap3A_167 : i32 to index
    %swap3A_169 = arith.constant 0 : index
    %swap3A_170 = tpu.vector_load %arg10[%swap3A_168, %swap3A_169] {strides = array<i32>} : memref<8x144xf32, #tpu.memory_space<vmem>>, vector<1x16xf32>,
    %swap3A_171 = vector.shape_cast %swap3A_170 : vector<1x16xf32> to vector<16xf32>
    %swap3A_172 = vector.shape_cast %broadcast_in_dim3A_5 : vector<16xf32> to vector<1x16xf32>
    tpu.vector_store %arg10[%swap3A_168, %swap3A_169], %swap3A_172 {strides = array<i32>} : memref<8x144xf32, #tpu.memory_space<vmem>>, vector<1x16xf32>,
    %swap3A_173 = arith.constant 3 : i32
    %swap3A_174 = arith.index_cast %swap3A_173 : i32 to index
    %swap3A_175 = arith.constant 16 : index
    %swap3A_176 = tpu.vector_load %arg10[%swap3A_174, %swap3A_175] {strides = array<i32>} : memref<8x144xf32, #tpu.memory_space<vmem>>, vector<1x16xf32>,
    %swap3A_177 = vector.shape_cast %swap3A_176 : vector<1x16xf32> to vector<16xf32>
    %swap3A_178 = vector.shape_cast %broadcast_in_dim3A_5 : vector<16xf32> to vector<1x16xf32>
    tpu.vector_store %arg10[%swap3A_174, %swap3A_175], %swap3A_178 {strides = array<i32>} : memref<8x144xf32, #tpu.memory_space<vmem>>, vector<1x16xf32>,
    %swap3A_179 = arith.constant 3 : i32
    %swap3A_180 = arith.index_cast %swap3A_179 : i32 to index
    %swap3A_181 = arith.constant 32 : index
    %swap3A_182 = tpu.vector_load %arg10[%swap3A_180, %swap3A_181] {strides = array<i32>} : memref<8x144xf32, #tpu.memory_space<vmem>>, vector<1x16xf32>,
    %swap3A_183 = vector.shape_cast %swap3A_182 : vector<1x16xf32> to vector<16xf32>
    %swap3A_184 = vector.shape_cast %broadcast_in_dim3A_5 : vector<16xf32> to vector<1x16xf32>
    tpu.vector_store %arg10[%swap3A_180, %swap3A_181], %swap3A_184 {strides = array<i32>} : memref<8x144xf32, #tpu.memory_space<vmem>>, vector<1x16xf32>,
    %swap3A_185 = arith.constant 3 : i32
    %swap3A_186 = arith.index_cast %swap3A_185 : i32 to index
    %swap3A_187 = arith.constant 48 : index
    %swap3A_188 = tpu.vector_load %arg10[%swap3A_186, %swap3A_187] {strides = array<i32>} : memref<8x144xf32, #tpu.memory_space<vmem>>, vector<1x16xf32>,
    %swap3A_189 = vector.shape_cast %swap3A_188 : vector<1x16xf32> to vector<16xf32>
    %swap3A_190 = vector.shape_cast %broadcast_in_dim3A_5 : vector<16xf32> to vector<1x16xf32>
    tpu.vector_store %arg10[%swap3A_186, %swap3A_187], %swap3A_190 {strides = array<i32>} : memref<8x144xf32, #tpu.memory_space<vmem>>, vector<1x16xf32>,
    %swap3A_191 = arith.constant 3 : i32
    %swap3A_192 = arith.index_cast %swap3A_191 : i32 to index
    %swap3A_193 = arith.constant 64 : index
    %swap3A_194 = tpu.vector_load %arg10[%swap3A_192, %swap3A_193] {strides = array<i32>} : memref<8x144xf32, #tpu.memory_space<vmem>>, vector<1x16xf32>,
    %swap3A_195 = vector.shape_cast %swap3A_194 : vector<1x16xf32> to vector<16xf32>
    %swap3A_196 = vector.shape_cast %broadcast_in_dim3A_5 : vector<16xf32> to vector<1x16xf32>
    tpu.vector_store %arg10[%swap3A_192, %swap3A_193], %swap3A_196 {strides = array<i32>} : memref<8x144xf32, #tpu.memory_space<vmem>>, vector<1x16xf32>,
    %swap3A_197 = arith.constant 3 : i32
    %swap3A_198 = arith.index_cast %swap3A_197 : i32 to index
    %swap3A_199 = arith.constant 80 : index
    %swap3A_200 = tpu.vector_load %arg10[%swap3A_198, %swap3A_199] {strides = array<i32>} : memref<8x144xf32, #tpu.memory_space<vmem>>, vector<1x16xf32>,
    %swap3A_201 = vector.shape_cast %swap3A_200 : vector<1x16xf32> to vector<16xf32>
    %swap3A_202 = vector.shape_cast %broadcast_in_dim3A_5 : vector<16xf32> to vector<1x16xf32>
    tpu.vector_store %arg10[%swap3A_198, %swap3A_199], %swap3A_202 {strides = array<i32>} : memref<8x144xf32, #tpu.memory_space<vmem>>, vector<1x16xf32>,
    %swap3A_203 = arith.constant 3 : i32
    %swap3A_204 = arith.index_cast %swap3A_203 : i32 to index
    %swap3A_205 = arith.constant 96 : index
    %swap3A_206 = tpu.vector_load %arg10[%swap3A_204, %swap3A_205] {strides = array<i32>} : memref<8x144xf32, #tpu.memory_space<vmem>>, vector<1x16xf32>,
    %swap3A_207 = vector.shape_cast %swap3A_206 : vector<1x16xf32> to vector<16xf32>
    %swap3A_208 = vector.shape_cast %broadcast_in_dim3A_5 : vector<16xf32> to vector<1x16xf32>
    tpu.vector_store %arg10[%swap3A_204, %swap3A_205], %swap3A_208 {strides = array<i32>} : memref<8x144xf32, #tpu.memory_space<vmem>>, vector<1x16xf32>,
    %swap3A_209 = arith.constant 3 : i32
    %swap3A_210 = arith.index_cast %swap3A_209 : i32 to index
    %swap3A_211 = arith.constant 112 : index
    %swap3A_212 = tpu.vector_load %arg10[%swap3A_210, %swap3A_211] {strides = array<i32>} : memref<8x144xf32, #tpu.memory_space<vmem>>, vector<1x16xf32>,
    %swap3A_213 = vector.shape_cast %swap3A_212 : vector<1x16xf32> to vector<16xf32>
    %swap3A_214 = vector.shape_cast %broadcast_in_dim3A_5 : vector<16xf32> to vector<1x16xf32>
    tpu.vector_store %arg10[%swap3A_210, %swap3A_211], %swap3A_214 {strides = array<i32>} : memref<8x144xf32, #tpu.memory_space<vmem>>, vector<1x16xf32>,
    %swap3A_215 = arith.constant 3 : i32
    %swap3A_216 = arith.index_cast %swap3A_215 : i32 to index
    %swap3A_217 = arith.constant 128 : index
    %swap3A_218 = tpu.vector_load %arg10[%swap3A_216, %swap3A_217] {strides = array<i32>} : memref<8x144xf32, #tpu.memory_space<vmem>>, vector<1x16xf32>,
    %swap3A_219 = vector.shape_cast %swap3A_218 : vector<1x16xf32> to vector<16xf32>
    %swap3A_220 = vector.shape_cast %broadcast_in_dim3A_5 : vector<16xf32> to vector<1x16xf32>
    tpu.vector_store %arg10[%swap3A_216, %swap3A_217], %swap3A_220 {strides = array<i32>} : memref<8x144xf32, #tpu.memory_space<vmem>>, vector<1x16xf32>,
    %swap3A_221 = arith.constant 4 : i32
    %swap3A_222 = arith.index_cast %swap3A_221 : i32 to index
    %swap3A_223 = arith.constant 0 : index
    %swap3A_224 = tpu.vector_load %arg10[%swap3A_222, %swap3A_223] {strides = array<i32>} : memref<8x144xf32, #tpu.memory_space<vmem>>, vector<1x16xf32>,
    %swap3A_225 = vector.shape_cast %swap3A_224 : vector<1x16xf32> to vector<16xf32>
    %swap3A_226 = vector.shape_cast %broadcast_in_dim3A_5 : vector<16xf32> to vector<1x16xf32>
    tpu.vector_store %arg10[%swap3A_222, %swap3A_223], %swap3A_226 {strides = array<i32>} : memref<8x144xf32, #tpu.memory_space<vmem>>, vector<1x16xf32>,
    %swap3A_227 = arith.constant 4 : i32
    %swap3A_228 = arith.index_cast %swap3A_227 : i32 to index
    %swap3A_229 = arith.constant 16 : index
    %swap3A_230 = tpu.vector_load %arg10[%swap3A_228, %swap3A_229] {strides = array<i32>} : memref<8x144xf32, #tpu.memory_space<vmem>>, vector<1x16xf32>,
    %swap3A_231 = vector.shape_cast %swap3A_230 : vector<1x16xf32> to vector<16xf32>
    %swap3A_232 = vector.shape_cast %broadcast_in_dim3A_5 : vector<16xf32> to vector<1x16xf32>
    tpu.vector_store %arg10[%swap3A_228, %swap3A_229], %swap3A_232 {strides = array<i32>} : memref<8x144xf32, #tpu.memory_space<vmem>>, vector<1x16xf32>,
    %swap3A_233 = arith.constant 4 : i32
    %swap3A_234 = arith.index_cast %swap3A_233 : i32 to index
    %swap3A_235 = arith.constant 32 : index
    %swap3A_236 = tpu.vector_load %arg10[%swap3A_234, %swap3A_235] {strides = array<i32>} : memref<8x144xf32, #tpu.memory_space<vmem>>, vector<1x16xf32>,
    %swap3A_237 = vector.shape_cast %swap3A_236 : vector<1x16xf32> to vector<16xf32>
    %swap3A_238 = vector.shape_cast %broadcast_in_dim3A_5 : vector<16xf32> to vector<1x16xf32>
    tpu.vector_store %arg10[%swap3A_234, %swap3A_235], %swap3A_238 {strides = array<i32>} : memref<8x144xf32, #tpu.memory_space<vmem>>, vector<1x16xf32>,
    %swap3A_239 = arith.constant 4 : i32
    %swap3A_240 = arith.index_cast %swap3A_239 : i32 to index
    %swap3A_241 = arith.constant 48 : index
    %swap3A_242 = tpu.vector_load %arg10[%swap3A_240, %swap3A_241] {strides = array<i32>} : memref<8x144xf32, #tpu.memory_space<vmem>>, vector<1x16xf32>,
    %swap3A_243 = vector.shape_cast %swap3A_242 : vector<1x16xf32> to vector<16xf32>
    %swap3A_244 = vector.shape_cast %broadcast_in_dim3A_5 : vector<16xf32> to vector<1x16xf32>
    tpu.vector_store %arg10[%swap3A_240, %swap3A_241], %swap3A_244 {strides = array<i32>} : memref<8x144xf32, #tpu.memory_space<vmem>>, vector<1x16xf32>,
    %swap3A_245 = arith.constant 4 : i32
    %swap3A_246 = arith.index_cast %swap3A_245 : i32 to index
    %swap3A_247 = arith.constant 64 : index
    %swap3A_248 = tpu.vector_load %arg10[%swap3A_246, %swap3A_247] {strides = array<i32>} : memref<8x144xf32, #tpu.memory_space<vmem>>, vector<1x16xf32>,
    %swap3A_249 = vector.shape_cast %swap3A_248 : vector<1x16xf32> to vector<16xf32>
    %swap3A_250 = vector.shape_cast %broadcast_in_dim3A_5 : vector<16xf32> to vector<1x16xf32>
    tpu.vector_store %arg10[%swap3A_246, %swap3A_247], %swap3A_250 {strides = array<i32>} : memref<8x144xf32, #tpu.memory_space<vmem>>, vector<1x16xf32>,
    %swap3A_251 = arith.constant 4 : i32
    %swap3A_252 = arith.index_cast %swap3A_251 : i32 to index
    %swap3A_253 = arith.constant 80 : index
    %swap3A_254 = tpu.vector_load %arg10[%swap3A_252, %swap3A_253] {strides = array<i32>} : memref<8x144xf32, #tpu.memory_space<vmem>>, vector<1x16xf32>,
    %swap3A_255 = vector.shape_cast %swap3A_254 : vector<1x16xf32> to vector<16xf32>
    %swap3A_256 = vector.shape_cast %broadcast_in_dim3A_5 : vector<16xf32> to vector<1x16xf32>
    tpu.vector_store %arg10[%swap3A_252, %swap3A_253], %swap3A_256 {strides = array<i32>} : memref<8x144xf32, #tpu.memory_space<vmem>>, vector<1x16xf32>,
    %swap3A_257 = arith.constant 4 : i32
    %swap3A_258 = arith.index_cast %swap3A_257 : i32 to index
    %swap3A_259 = arith.constant 96 : index
    %swap3A_260 = tpu.vector_load %arg10[%swap3A_258, %swap3A_259] {strides = array<i32>} : memref<8x144xf32, #tpu.memory_space<vmem>>, vector<1x16xf32>,
    %swap3A_261 = vector.shape_cast %swap3A_260 : vector<1x16xf32> to vector<16xf32>
    %swap3A_262 = vector.shape_cast %broadcast_in_dim3A_5 : vector<16xf32> to vector<1x16xf32>
    tpu.vector_store %arg10[%swap3A_258, %swap3A_259], %swap3A_262 {strides = array<i32>} : memref<8x144xf32, #tpu.memory_space<vmem>>, vector<1x16xf32>,
    %swap3A_263 = arith.constant 4 : i32
    %swap3A_264 = arith.index_cast %swap3A_263 : i32 to index
    %swap3A_265 = arith.constant 112 : index
    %swap3A_266 = tpu.vector_load %arg10[%swap3A_264, %swap3A_265] {strides = array<i32>} : memref<8x144xf32, #tpu.memory_space<vmem>>, vector<1x16xf32>,
    %swap3A_267 = vector.shape_cast %swap3A_266 : vector<1x16xf32> to vector<16xf32>
    %swap3A_268 = vector.shape_cast %broadcast_in_dim3A_5 : vector<16xf32> to vector<1x16xf32>
    tpu.vector_store %arg10[%swap3A_264, %swap3A_265], %swap3A_268 {strides = array<i32>} : memref<8x144xf32, #tpu.memory_space<vmem>>, vector<1x16xf32>,
    %swap3A_269 = arith.constant 4 : i32
    %swap3A_270 = arith.index_cast %swap3A_269 : i32 to index
    %swap3A_271 = arith.constant 128 : index
    %swap3A_272 = tpu.vector_load %arg10[%swap3A_270, %swap3A_271] {strides = array<i32>} : memref<8x144xf32, #tpu.memory_space<vmem>>, vector<1x16xf32>,
    %swap3A_273 = vector.shape_cast %swap3A_272 : vector<1x16xf32> to vector<16xf32>
    %swap3A_274 = vector.shape_cast %broadcast_in_dim3A_5 : vector<16xf32> to vector<1x16xf32>
    tpu.vector_store %arg10[%swap3A_270, %swap3A_271], %swap3A_274 {strides = array<i32>} : memref<8x144xf32, #tpu.memory_space<vmem>>, vector<1x16xf32>,
    %swap3A_275 = arith.constant 5 : i32
    %swap3A_276 = arith.index_cast %swap3A_275 : i32 to index
    %swap3A_277 = arith.constant 0 : index
    %swap3A_278 = tpu.vector_load %arg10[%swap3A_276, %swap3A_277] {strides = array<i32>} : memref<8x144xf32, #tpu.memory_space<vmem>>, vector<1x16xf32>,
    %swap3A_279 = vector.shape_cast %swap3A_278 : vector<1x16xf32> to vector<16xf32>
    %swap3A_280 = vector.shape_cast %broadcast_in_dim3A_5 : vector<16xf32> to vector<1x16xf32>
    tpu.vector_store %arg10[%swap3A_276, %swap3A_277], %swap3A_280 {strides = array<i32>} : memref<8x144xf32, #tpu.memory_space<vmem>>, vector<1x16xf32>,
    %swap3A_281 = arith.constant 5 : i32
    %swap3A_282 = arith.index_cast %swap3A_281 : i32 to index
    %swap3A_283 = arith.constant 16 : index
    %swap3A_284 = tpu.vector_load %arg10[%swap3A_282, %swap3A_283] {strides = array<i32>} : memref<8x144xf32, #tpu.memory_space<vmem>>, vector<1x16xf32>,
    %swap3A_285 = vector.shape_cast %swap3A_284 : vector<1x16xf32> to vector<16xf32>
    %swap3A_286 = vector.shape_cast %broadcast_in_dim3A_5 : vector<16xf32> to vector<1x16xf32>
    tpu.vector_store %arg10[%swap3A_282, %swap3A_283], %swap3A_286 {strides = array<i32>} : memref<8x144xf32, #tpu.memory_space<vmem>>, vector<1x16xf32>,
    %swap3A_287 = arith.constant 5 : i32
    %swap3A_288 = arith.index_cast %swap3A_287 : i32 to index
    %swap3A_289 = arith.constant 32 : index
    %swap3A_290 = tpu.vector_load %arg10[%swap3A_288, %swap3A_289] {strides = array<i32>} : memref<8x144xf32, #tpu.memory_space<vmem>>, vector<1x16xf32>,
    %swap3A_291 = vector.shape_cast %swap3A_290 : vector<1x16xf32> to vector<16xf32>
    %swap3A_292 = vector.shape_cast %broadcast_in_dim3A_5 : vector<16xf32> to vector<1x16xf32>
    tpu.vector_store %arg10[%swap3A_288, %swap3A_289], %swap3A_292 {strides = array<i32>} : memref<8x144xf32, #tpu.memory_space<vmem>>, vector<1x16xf32>,
    %swap3A_293 = arith.constant 5 : i32
    %swap3A_294 = arith.index_cast %swap3A_293 : i32 to index
    %swap3A_295 = arith.constant 48 : index
    %swap3A_296 = tpu.vector_load %arg10[%swap3A_294, %swap3A_295] {strides = array<i32>} : memref<8x144xf32, #tpu.memory_space<vmem>>, vector<1x16xf32>,
    %swap3A_297 = vector.shape_cast %swap3A_296 : vector<1x16xf32> to vector<16xf32>
    %swap3A_298 = vector.shape_cast %broadcast_in_dim3A_5 : vector<16xf32> to vector<1x16xf32>
    tpu.vector_store %arg10[%swap3A_294, %swap3A_295], %swap3A_298 {strides = array<i32>} : memref<8x144xf32, #tpu.memory_space<vmem>>, vector<1x16xf32>,
    %swap3A_299 = arith.constant 5 : i32
    %swap3A_300 = arith.index_cast %swap3A_299 : i32 to index
    %swap3A_301 = arith.constant 64 : index
    %swap3A_302 = tpu.vector_load %arg10[%swap3A_300, %swap3A_301] {strides = array<i32>} : memref<8x144xf32, #tpu.memory_space<vmem>>, vector<1x16xf32>,
    %swap3A_303 = vector.shape_cast %swap3A_302 : vector<1x16xf32> to vector<16xf32>
    %swap3A_304 = vector.shape_cast %broadcast_in_dim3A_5 : vector<16xf32> to vector<1x16xf32>
    tpu.vector_store %arg10[%swap3A_300, %swap3A_301], %swap3A_304 {strides = array<i32>} : memref<8x144xf32, #tpu.memory_space<vmem>>, vector<1x16xf32>,
    %swap3A_305 = arith.constant 5 : i32
    %swap3A_306 = arith.index_cast %swap3A_305 : i32 to index
    %swap3A_307 = arith.constant 80 : index
    %swap3A_308 = tpu.vector_load %arg10[%swap3A_306, %swap3A_307] {strides = array<i32>} : memref<8x144xf32, #tpu.memory_space<vmem>>, vector<1x16xf32>,
    %swap3A_309 = vector.shape_cast %swap3A_308 : vector<1x16xf32> to vector<16xf32>
    %swap3A_310 = vector.shape_cast %broadcast_in_dim3A_5 : vector<16xf32> to vector<1x16xf32>
    tpu.vector_store %arg10[%swap3A_306, %swap3A_307], %swap3A_310 {strides = array<i32>} : memref<8x144xf32, #tpu.memory_space<vmem>>, vector<1x16xf32>,
    %swap3A_311 = arith.constant 5 : i32
    %swap3A_312 = arith.index_cast %swap3A_311 : i32 to index
    %swap3A_313 = arith.constant 96 : index
    %swap3A_314 = tpu.vector_load %arg10[%swap3A_312, %swap3A_313] {strides = array<i32>} : memref<8x144xf32, #tpu.memory_space<vmem>>, vector<1x16xf32>,
    %swap3A_315 = vector.shape_cast %swap3A_314 : vector<1x16xf32> to vector<16xf32>
    %swap3A_316 = vector.shape_cast %broadcast_in_dim3A_5 : vector<16xf32> to vector<1x16xf32>
    tpu.vector_store %arg10[%swap3A_312, %swap3A_313], %swap3A_316 {strides = array<i32>} : memref<8x144xf32, #tpu.memory_space<vmem>>, vector<1x16xf32>,
    %swap3A_317 = arith.constant 5 : i32
    %swap3A_318 = arith.index_cast %swap3A_317 : i32 to index
    %swap3A_319 = arith.constant 112 : index
    %swap3A_320 = tpu.vector_load %arg10[%swap3A_318, %swap3A_319] {strides = array<i32>} : memref<8x144xf32, #tpu.memory_space<vmem>>, vector<1x16xf32>,
    %swap3A_321 = vector.shape_cast %swap3A_320 : vector<1x16xf32> to vector<16xf32>
    %swap3A_322 = vector.shape_cast %broadcast_in_dim3A_5 : vector<16xf32> to vector<1x16xf32>
    tpu.vector_store %arg10[%swap3A_318, %swap3A_319], %swap3A_322 {strides = array<i32>} : memref<8x144xf32, #tpu.memory_space<vmem>>, vector<1x16xf32>,
    %swap3A_323 = arith.constant 5 : i32
    %swap3A_324 = arith.index_cast %swap3A_323 : i32 to index
    %swap3A_325 = arith.constant 128 : index
    %swap3A_326 = tpu.vector_load %arg10[%swap3A_324, %swap3A_325] {strides = array<i32>} : memref<8x144xf32, #tpu.memory_space<vmem>>, vector<1x16xf32>,
    %swap3A_327 = vector.shape_cast %swap3A_326 : vector<1x16xf32> to vector<16xf32>
    %swap3A_328 = vector.shape_cast %broadcast_in_dim3A_5 : vector<16xf32> to vector<1x16xf32>
    tpu.vector_store %arg10[%swap3A_324, %swap3A_325], %swap3A_328 {strides = array<i32>} : memref<8x144xf32, #tpu.memory_space<vmem>>, vector<1x16xf32>,
    %swap3A_329 = arith.constant 6 : i32
    %swap3A_330 = arith.index_cast %swap3A_329 : i32 to index
    %swap3A_331 = arith.constant 0 : index
    %swap3A_332 = tpu.vector_load %arg10[%swap3A_330, %swap3A_331] {strides = array<i32>} : memref<8x144xf32, #tpu.memory_space<vmem>>, vector<1x16xf32>,
    %swap3A_333 = vector.shape_cast %swap3A_332 : vector<1x16xf32> to vector<16xf32>
    %swap3A_334 = vector.shape_cast %broadcast_in_dim3A_5 : vector<16xf32> to vector<1x16xf32>
    tpu.vector_store %arg10[%swap3A_330, %swap3A_331], %swap3A_334 {strides = array<i32>} : memref<8x144xf32, #tpu.memory_space<vmem>>, vector<1x16xf32>,
    %swap3A_335 = arith.constant 6 : i32
    %swap3A_336 = arith.index_cast %swap3A_335 : i32 to index
    %swap3A_337 = arith.constant 16 : index
    %swap3A_338 = tpu.vector_load %arg10[%swap3A_336, %swap3A_337] {strides = array<i32>} : memref<8x144xf32, #tpu.memory_space<vmem>>, vector<1x16xf32>,
    %swap3A_339 = vector.shape_cast %swap3A_338 : vector<1x16xf32> to vector<16xf32>
    %swap3A_340 = vector.shape_cast %broadcast_in_dim3A_5 : vector<16xf32> to vector<1x16xf32>
    tpu.vector_store %arg10[%swap3A_336, %swap3A_337], %swap3A_340 {strides = array<i32>} : memref<8x144xf32, #tpu.memory_space<vmem>>, vector<1x16xf32>,
    %swap3A_341 = arith.constant 6 : i32
    %swap3A_342 = arith.index_cast %swap3A_341 : i32 to index
    %swap3A_343 = arith.constant 32 : index
    %swap3A_344 = tpu.vector_load %arg10[%swap3A_342, %swap3A_343] {strides = array<i32>} : memref<8x144xf32, #tpu.memory_space<vmem>>, vector<1x16xf32>,
    %swap3A_345 = vector.shape_cast %swap3A_344 : vector<1x16xf32> to vector<16xf32>
    %swap3A_346 = vector.shape_cast %broadcast_in_dim3A_5 : vector<16xf32> to vector<1x16xf32>
    tpu.vector_store %arg10[%swap3A_342, %swap3A_343], %swap3A_346 {strides = array<i32>} : memref<8x144xf32, #tpu.memory_space<vmem>>, vector<1x16xf32>,
    %swap3A_347 = arith.constant 6 : i32
    %swap3A_348 = arith.index_cast %swap3A_347 : i32 to index
    %swap3A_349 = arith.constant 48 : index
    %swap3A_350 = tpu.vector_load %arg10[%swap3A_348, %swap3A_349] {strides = array<i32>} : memref<8x144xf32, #tpu.memory_space<vmem>>, vector<1x16xf32>,
    %swap3A_351 = vector.shape_cast %swap3A_350 : vector<1x16xf32> to vector<16xf32>
    %swap3A_352 = vector.shape_cast %broadcast_in_dim3A_5 : vector<16xf32> to vector<1x16xf32>
    tpu.vector_store %arg10[%swap3A_348, %swap3A_349], %swap3A_352 {strides = array<i32>} : memref<8x144xf32, #tpu.memory_space<vmem>>, vector<1x16xf32>,
    %swap3A_353 = arith.constant 6 : i32
    %swap3A_354 = arith.index_cast %swap3A_353 : i32 to index
    %swap3A_355 = arith.constant 64 : index
    %swap3A_356 = tpu.vector_load %arg10[%swap3A_354, %swap3A_355] {strides = array<i32>} : memref<8x144xf32, #tpu.memory_space<vmem>>, vector<1x16xf32>,
    %swap3A_357 = vector.shape_cast %swap3A_356 : vector<1x16xf32> to vector<16xf32>
    %swap3A_358 = vector.shape_cast %broadcast_in_dim3A_5 : vector<16xf32> to vector<1x16xf32>
    tpu.vector_store %arg10[%swap3A_354, %swap3A_355], %swap3A_358 {strides = array<i32>} : memref<8x144xf32, #tpu.memory_space<vmem>>, vector<1x16xf32>,
    %swap3A_359 = arith.constant 6 : i32
    %swap3A_360 = arith.index_cast %swap3A_359 : i32 to index
    %swap3A_361 = arith.constant 80 : index
    %swap3A_362 = tpu.vector_load %arg10[%swap3A_360, %swap3A_361] {strides = array<i32>} : memref<8x144xf32, #tpu.memory_space<vmem>>, vector<1x16xf32>,
    %swap3A_363 = vector.shape_cast %swap3A_362 : vector<1x16xf32> to vector<16xf32>
    %swap3A_364 = vector.shape_cast %broadcast_in_dim3A_5 : vector<16xf32> to vector<1x16xf32>
    tpu.vector_store %arg10[%swap3A_360, %swap3A_361], %swap3A_364 {strides = array<i32>} : memref<8x144xf32, #tpu.memory_space<vmem>>, vector<1x16xf32>,
    %swap3A_365 = arith.constant 6 : i32
    %swap3A_366 = arith.index_cast %swap3A_365 : i32 to index
    %swap3A_367 = arith.constant 96 : index
    %swap3A_368 = tpu.vector_load %arg10[%swap3A_366, %swap3A_367] {strides = array<i32>} : memref<8x144xf32, #tpu.memory_space<vmem>>, vector<1x16xf32>,
    %swap3A_369 = vector.shape_cast %swap3A_368 : vector<1x16xf32> to vector<16xf32>
    %swap3A_370 = vector.shape_cast %broadcast_in_dim3A_5 : vector<16xf32> to vector<1x16xf32>
    tpu.vector_store %arg10[%swap3A_366, %swap3A_367], %swap3A_370 {strides = array<i32>} : memref<8x144xf32, #tpu.memory_space<vmem>>, vector<1x16xf32>,
    %swap3A_371 = arith.constant 6 : i32
    %swap3A_372 = arith.index_cast %swap3A_371 : i32 to index
    %swap3A_373 = arith.constant 112 : index
    %swap3A_374 = tpu.vector_load %arg10[%swap3A_372, %swap3A_373] {strides = array<i32>} : memref<8x144xf32, #tpu.memory_space<vmem>>, vector<1x16xf32>,
    %swap3A_375 = vector.shape_cast %swap3A_374 : vector<1x16xf32> to vector<16xf32>
    %swap3A_376 = vector.shape_cast %broadcast_in_dim3A_5 : vector<16xf32> to vector<1x16xf32>
    tpu.vector_store %arg10[%swap3A_372, %swap3A_373], %swap3A_376 {strides = array<i32>} : memref<8x144xf32, #tpu.memory_space<vmem>>, vector<1x16xf32>,
    %swap3A_377 = arith.constant 6 : i32
    %swap3A_378 = arith.index_cast %swap3A_377 : i32 to index
    %swap3A_379 = arith.constant 128 : index
    %swap3A_380 = tpu.vector_load %arg10[%swap3A_378, %swap3A_379] {strides = array<i32>} : memref<8x144xf32, #tpu.memory_space<vmem>>, vector<1x16xf32>,
    %swap3A_381 = vector.shape_cast %swap3A_380 : vector<1x16xf32> to vector<16xf32>
    %swap3A_382 = vector.shape_cast %broadcast_in_dim3A_5 : vector<16xf32> to vector<1x16xf32>
    tpu.vector_store %arg10[%swap3A_378, %swap3A_379], %swap3A_382 {strides = array<i32>} : memref<8x144xf32, #tpu.memory_space<vmem>>, vector<1x16xf32>,
    %swap3A_383 = arith.constant 7 : i32
    %swap3A_384 = arith.index_cast %swap3A_383 : i32 to index
    %swap3A_385 = arith.constant 0 : index
    %swap3A_386 = tpu.vector_load %arg10[%swap3A_384, %swap3A_385] {strides = array<i32>} : memref<8x144xf32, #tpu.memory_space<vmem>>, vector<1x16xf32>,
    %swap3A_387 = vector.shape_cast %swap3A_386 : vector<1x16xf32> to vector<16xf32>
    %swap3A_388 = vector.shape_cast %broadcast_in_dim3A_5 : vector<16xf32> to vector<1x16xf32>
    tpu.vector_store %arg10[%swap3A_384, %swap3A_385], %swap3A_388 {strides = array<i32>} : memref<8x144xf32, #tpu.memory_space<vmem>>, vector<1x16xf32>,
    %swap3A_389 = arith.constant 7 : i32
    %swap3A_390 = arith.index_cast %swap3A_389 : i32 to index
    %swap3A_391 = arith.constant 16 : index
    %swap3A_392 = tpu.vector_load %arg10[%swap3A_390, %swap3A_391] {strides = array<i32>} : memref<8x144xf32, #tpu.memory_space<vmem>>, vector<1x16xf32>,
    %swap3A_393 = vector.shape_cast %swap3A_392 : vector<1x16xf32> to vector<16xf32>
    %swap3A_394 = vector.shape_cast %broadcast_in_dim3A_5 : vector<16xf32> to vector<1x16xf32>
    tpu.vector_store %arg10[%swap3A_390, %swap3A_391], %swap3A_394 {strides = array<i32>} : memref<8x144xf32, #tpu.memory_space<vmem>>, vector<1x16xf32>,
    %swap3A_395 = arith.constant 7 : i32
    %swap3A_396 = arith.index_cast %swap3A_395 : i32 to index
    %swap3A_397 = arith.constant 32 : index
    %swap3A_398 = tpu.vector_load %arg10[%swap3A_396, %swap3A_397] {strides = array<i32>} : memref<8x144xf32, #tpu.memory_space<vmem>>, vector<1x16xf32>,
    %swap3A_399 = vector.shape_cast %swap3A_398 : vector<1x16xf32> to vector<16xf32>
    %swap3A_400 = vector.shape_cast %broadcast_in_dim3A_5 : vector<16xf32> to vector<1x16xf32>
    tpu.vector_store %arg10[%swap3A_396, %swap3A_397], %swap3A_400 {strides = array<i32>} : memref<8x144xf32, #tpu.memory_space<vmem>>, vector<1x16xf32>,
    %swap3A_401 = arith.constant 7 : i32
    %swap3A_402 = arith.index_cast %swap3A_401 : i32 to index
    %swap3A_403 = arith.constant 48 : index
    %swap3A_404 = tpu.vector_load %arg10[%swap3A_402, %swap3A_403] {strides = array<i32>} : memref<8x144xf32, #tpu.memory_space<vmem>>, vector<1x16xf32>,
    %swap3A_405 = vector.shape_cast %swap3A_404 : vector<1x16xf32> to vector<16xf32>
    %swap3A_406 = vector.shape_cast %broadcast_in_dim3A_5 : vector<16xf32> to vector<1x16xf32>
    tpu.vector_store %arg10[%swap3A_402, %swap3A_403], %swap3A_406 {strides = array<i32>} : memref<8x144xf32, #tpu.memory_space<vmem>>, vector<1x16xf32>,
    %swap3A_407 = arith.constant 7 : i32
    %swap3A_408 = arith.index_cast %swap3A_407 : i32 to index
    %swap3A_409 = arith.constant 64 : index
    %swap3A_410 = tpu.vector_load %arg10[%swap3A_408, %swap3A_409] {strides = array<i32>} : memref<8x144xf32, #tpu.memory_space<vmem>>, vector<1x16xf32>,
    %swap3A_411 = vector.shape_cast %swap3A_410 : vector<1x16xf32> to vector<16xf32>
    %swap3A_412 = vector.shape_cast %broadcast_in_dim3A_5 : vector<16xf32> to vector<1x16xf32>
    tpu.vector_store %arg10[%swap3A_408, %swap3A_409], %swap3A_412 {strides = array<i32>} : memref<8x144xf32, #tpu.memory_space<vmem>>, vector<1x16xf32>,
    %swap3A_413 = arith.constant 7 : i32
    %swap3A_414 = arith.index_cast %swap3A_413 : i32 to index
    %swap3A_415 = arith.constant 80 : index
    %swap3A_416 = tpu.vector_load %arg10[%swap3A_414, %swap3A_415] {strides = array<i32>} : memref<8x144xf32, #tpu.memory_space<vmem>>, vector<1x16xf32>,
    %swap3A_417 = vector.shape_cast %swap3A_416 : vector<1x16xf32> to vector<16xf32>
    %swap3A_418 = vector.shape_cast %broadcast_in_dim3A_5 : vector<16xf32> to vector<1x16xf32>
    tpu.vector_store %arg10[%swap3A_414, %swap3A_415], %swap3A_418 {strides = array<i32>} : memref<8x144xf32, #tpu.memory_space<vmem>>, vector<1x16xf32>,
    %swap3A_419 = arith.constant 7 : i32
    %swap3A_420 = arith.index_cast %swap3A_419 : i32 to index
    %swap3A_421 = arith.constant 96 : index
    %swap3A_422 = tpu.vector_load %arg10[%swap3A_420, %swap3A_421] {strides = array<i32>} : memref<8x144xf32, #tpu.memory_space<vmem>>, vector<1x16xf32>,
    %swap3A_423 = vector.shape_cast %swap3A_422 : vector<1x16xf32> to vector<16xf32>
    %swap3A_424 = vector.shape_cast %broadcast_in_dim3A_5 : vector<16xf32> to vector<1x16xf32>
    tpu.vector_store %arg10[%swap3A_420, %swap3A_421], %swap3A_424 {strides = array<i32>} : memref<8x144xf32, #tpu.memory_space<vmem>>, vector<1x16xf32>,
    %swap3A_425 = arith.constant 7 : i32
    %swap3A_426 = arith.index_cast %swap3A_425 : i32 to index
    %swap3A_427 = arith.constant 112 : index
    %swap3A_428 = tpu.vector_load %arg10[%swap3A_426, %swap3A_427] {strides = array<i32>} : memref<8x144xf32, #tpu.memory_space<vmem>>, vector<1x16xf32>,
    %swap3A_429 = vector.shape_cast %swap3A_428 : vector<1x16xf32> to vector<16xf32>
    %swap3A_430 = vector.shape_cast %broadcast_in_dim3A_5 : vector<16xf32> to vector<1x16xf32>
    tpu.vector_store %arg10[%swap3A_426, %swap3A_427], %swap3A_430 {strides = array<i32>} : memref<8x144xf32, #tpu.memory_space<vmem>>, vector<1x16xf32>,
    %swap3A_431 = arith.constant 7 : i32
    %swap3A_432 = arith.index_cast %swap3A_431 : i32 to index
    %swap3A_433 = arith.constant 128 : index
    %swap3A_434 = tpu.vector_load %arg10[%swap3A_432, %swap3A_433] {strides = array<i32>} : memref<8x144xf32, #tpu.memory_space<vmem>>, vector<1x16xf32>,
    %swap3A_435 = vector.shape_cast %swap3A_434 : vector<1x16xf32> to vector<16xf32>
    %swap3A_436 = vector.shape_cast %broadcast_in_dim3A_5 : vector<16xf32> to vector<1x16xf32>
    tpu.vector_store %arg10[%swap3A_432, %swap3A_433], %swap3A_436 {strides = array<i32>} : memref<8x144xf32, #tpu.memory_space<vmem>>, vector<1x16xf32>,
    %scan3A = arith.constant 0 : i32
    %scan3A_437 = arith.constant 0 : i32
    %scan3A_438 = arith.constant 79 : i32
    %scan3A_439 = arith.addi %scan3A_437, %scan3A_438 : i32
    %scan3A_440 = arith.constant 1 : i32
    scf.for %scan3A_454 = %scan3A_437 to %scan3A_439 step %scan3A_440  : i32 {
      %mul3A_455 = arith.constant 632 : i32
      %mul3A_456 = arith.muli %arg1, %mul3A_455 : i32
      %mul3A_457 = arith.constant 8 : i32
      %mul3A_458 = arith.muli %scan3A_454, %mul3A_457 : i32
      %add3A_459 = arith.addi %mul3A_456, %mul3A_458 : i32
      "tpu.region"() ({
        %run_scoped3A = tpu.sem_alloc : memref<!tpu.dma_semaphore, #tpu.memory_space<semaphore_mem>>
        %dma_start3A = arith.constant 0 : i32
        %dma_start3A_460 = tpu.memref_slice %arg11[%add3A_459, %dma_start3A] : memref<10112x144xf32, #tpu.memory_space<vmem_shared>> -> memref<8x144xf32, #tpu.memory_space<vmem_shared>>
        %dma_start3A_461 = arith.constant 0 : i32
        %dma_start3A_462 = tpu.memref_slice %arg11[%add3A_459, %dma_start3A_461] : memref<10112x144xf32, #tpu.memory_space<vmem_shared>> -> memref<8x144xf32, #tpu.memory_space<vmem_shared>>
        tpu.enqueue_dma source(%arg10 : memref<8x144xf32, #tpu.memory_space<vmem>>) target(%dma_start3A_462 : memref<8x144xf32, #tpu.memory_space<vmem_shared>>) target_semaphore(%run_scoped3A : memref<!tpu.dma_semaphore, #tpu.memory_space<semaphore_mem>>)
        %dma_wait3A = arith.constant 0 : i32
        %dma_wait3A_463 = tpu.memref_slice %arg11[%add3A_459, %dma_wait3A] : memref<10112x144xf32, #tpu.memory_space<vmem_shared>> -> memref<8x144xf32, #tpu.memory_space<vmem_shared>>
        %dma_wait3A_464 = arith.constant 0 : i32
        %dma_wait3A_465 = tpu.memref_slice %arg11[%add3A_459, %dma_wait3A_464] : memref<10112x144xf32, #tpu.memory_space<vmem_shared>> -> memref<8x144xf32, #tpu.memory_space<vmem_shared>>
        tpu.wait_dma2 semaphore(%run_scoped3A : memref<!tpu.dma_semaphore, #tpu.memory_space<semaphore_mem>>) src(%arg10 : memref<8x144xf32, #tpu.memory_space<vmem>>) dst(%dma_wait3A_465 : memref<8x144xf32, #tpu.memory_space<vmem_shared>>)
        tpu.yield
      }) : () -> ()
    }
    %scan3A_441 = arith.constant 79 : i32
    %barrier3A = arith.constant 0 : index
    tpu.barrier barrier_id(%barrier3A)
    %while3A = arith.constant 0 : i32
    %while3A_442 = arith.constant 0 : i32
    %while3A_443 = arith.subi %select_n3A, %while3A_442 : i32
    %while3A_444 = arith.addi %while3A_442, %while3A_443 : i32
    %while3A_445 = arith.constant 1 : i32
    %while3A_446 = arith.divsi %while3A_443, %while3A_445 : i32
    %while3A_447 = arith.muli %while3A_446, %while3A_445 : i32
    %while3A_448 = arith.addi %while3A_442, %while3A_447 : i32
    %while3A_449 = arith.constant 1 : i32
    scf.for %while3A_454 = %while3A_442 to %while3A_448 step %while3A_449  : i32 {
      %mul3A_455 = arith.constant 8 : i32
      %mul3A_456 = arith.muli %while3A_454, %mul3A_455 : i32
      %add3A_457 = arith.addi %add3A, %mul3A_456 : i32
      "tpu.region"() ({
        %run_scoped3A = tpu.sem_alloc : memref<!tpu.dma_semaphore, #tpu.memory_space<semaphore_mem>>
        %dma_start3A_680 = arith.constant 0 : i32
        %dma_start3A_681 = tpu.memref_slice %arg3[%add3A_457, %dma_start3A_680] : memref<2560x128xi32, #tpu.memory_space<hbm>> -> memref<8x128xi32, #tpu.memory_space<hbm>>
        %dma_start3A_682 = arith.constant 0 : i32
        %dma_start3A_683 = tpu.memref_slice %arg3[%add3A_457, %dma_start3A_682] : memref<2560x128xi32, #tpu.memory_space<hbm>> -> memref<8x128xi32, #tpu.memory_space<hbm>>
        tpu.enqueue_dma source(%dma_start3A_683 : memref<8x128xi32, #tpu.memory_space<hbm>>) target(%arg6 : memref<8x128xi32, #tpu.memory_space<vmem>>) target_semaphore(%run_scoped3A : memref<!tpu.dma_semaphore, #tpu.memory_space<semaphore_mem>>)
        %dma_wait3A_684 = arith.constant 0 : i32
        %dma_wait3A_685 = tpu.memref_slice %arg3[%add3A_457, %dma_wait3A_684] : memref<2560x128xi32, #tpu.memory_space<hbm>> -> memref<8x128xi32, #tpu.memory_space<hbm>>
        %dma_wait3A_686 = arith.constant 0 : i32
        %dma_wait3A_687 = tpu.memref_slice %arg3[%add3A_457, %dma_wait3A_686] : memref<2560x128xi32, #tpu.memory_space<hbm>> -> memref<8x128xi32, #tpu.memory_space<hbm>>
        tpu.wait_dma2 semaphore(%run_scoped3A : memref<!tpu.dma_semaphore, #tpu.memory_space<semaphore_mem>>) src(%dma_wait3A_687 : memref<8x128xi32, #tpu.memory_space<hbm>>) dst(%arg6 : memref<8x128xi32, #tpu.memory_space<vmem>>)
        tpu.yield
      }) : () -> ()
      "tpu.region"() ({
        %run_scoped3A = tpu.sem_alloc : memref<!tpu.dma_semaphore, #tpu.memory_space<semaphore_mem>>
        %dma_start3A_680 = arith.constant 0 : i32
        %dma_start3A_681 = tpu.memref_slice %arg4[%add3A_457, %dma_start3A_680] : memref<2560x128xi32, #tpu.memory_space<hbm>> -> memref<8x128xi32, #tpu.memory_space<hbm>>
        %dma_start3A_682 = arith.constant 0 : i32
        %dma_start3A_683 = tpu.memref_slice %arg4[%add3A_457, %dma_start3A_682] : memref<2560x128xi32, #tpu.memory_space<hbm>> -> memref<8x128xi32, #tpu.memory_space<hbm>>
        tpu.enqueue_dma source(%dma_start3A_683 : memref<8x128xi32, #tpu.memory_space<hbm>>) target(%arg7 : memref<8x128xi32, #tpu.memory_space<vmem>>) target_semaphore(%run_scoped3A : memref<!tpu.dma_semaphore, #tpu.memory_space<semaphore_mem>>)
        %dma_wait3A_684 = arith.constant 0 : i32
        %dma_wait3A_685 = tpu.memref_slice %arg4[%add3A_457, %dma_wait3A_684] : memref<2560x128xi32, #tpu.memory_space<hbm>> -> memref<8x128xi32, #tpu.memory_space<hbm>>
        %dma_wait3A_686 = arith.constant 0 : i32
        %dma_wait3A_687 = tpu.memref_slice %arg4[%add3A_457, %dma_wait3A_686] : memref<2560x128xi32, #tpu.memory_space<hbm>> -> memref<8x128xi32, #tpu.memory_space<hbm>>
        tpu.wait_dma2 semaphore(%run_scoped3A : memref<!tpu.dma_semaphore, #tpu.memory_space<semaphore_mem>>) src(%dma_wait3A_687 : memref<8x128xi32, #tpu.memory_space<hbm>>) dst(%arg7 : memref<8x128xi32, #tpu.memory_space<vmem>>)
        tpu.yield
      }) : () -> ()
      %dma_start3A = arith.constant 0 : i32
      %dma_start3A_458 = arith.constant 0 : i32
      %dma_start3A_459 = tpu.memref_slice %arg6[%dma_start3A, %dma_start3A_458] : memref<8x128xi32, #tpu.memory_space<vmem>> -> memref<1x128xi32, #tpu.memory_space<vmem>>
      %dma_start3A_460 = tpu.memref_squeeze %dma_start3A_459 : memref<1x128xi32, #tpu.memory_space<vmem>> -> memref<128xi32, #tpu.memory_space<vmem>>
      %dma_start3A_461 = arith.constant 0 : i32
      %dma_start3A_462 = arith.constant 0 : i32
      %dma_start3A_463 = tpu.memref_slice %arg2[%dma_start3A_461, %dma_start3A_462] : memref<10112x144xf32, #tpu.memory_space<hbm>> -> memref<10112x144xf32, #tpu.memory_space<hbm>>
      tpu.enqueue_indirect_dma source(%dma_start3A_463 : memref<10112x144xf32, #tpu.memory_space<hbm>>) target(%arg8 : memref<128x144xf32, #tpu.memory_space<vmem>>) offsets(%dma_start3A_460 : memref<128xi32, #tpu.memory_space<vmem>>) semaphore(%arg12 : memref<!tpu.dma_semaphore, #tpu.memory_space<semaphore_mem>>)
      %dma_wait3A = arith.constant 0 : i32
      %dma_wait3A_464 = arith.constant 0 : i32
      %dma_wait3A_465 = tpu.memref_slice %arg6[%dma_wait3A, %dma_wait3A_464] : memref<8x128xi32, #tpu.memory_space<vmem>> -> memref<1x128xi32, #tpu.memory_space<vmem>>
      %dma_wait3A_466 = tpu.memref_squeeze %dma_wait3A_465 : memref<1x128xi32, #tpu.memory_space<vmem>> -> memref<128xi32, #tpu.memory_space<vmem>>
      %dma_wait3A_467 = arith.constant 0 : i32
      %dma_wait3A_468 = arith.constant 0 : i32
      %dma_wait3A_469 = tpu.memref_slice %arg2[%dma_wait3A_467, %dma_wait3A_468] : memref<10112x144xf32, #tpu.memory_space<hbm>> -> memref<10112x144xf32, #tpu.memory_space<hbm>>
      tpu.wait_indirect_dma semaphore(%arg12 : memref<!tpu.dma_semaphore, #tpu.memory_space<semaphore_mem>>) src(%dma_wait3A_469 : memref<10112x144xf32, #tpu.memory_space<hbm>>) dst(%arg8 : memref<128x144xf32, #tpu.memory_space<vmem>>)
      %dma_start3A_470 = arith.constant 1 : i32
      %dma_start3A_471 = arith.constant 0 : i32
      %dma_start3A_472 = tpu.memref_slice %arg6[%dma_start3A_470, %dma_start3A_471] : memref<8x128xi32, #tpu.memory_space<vmem>> -> memref<1x128xi32, #tpu.memory_space<vmem>>
      %dma_start3A_473 = tpu.memref_squeeze %dma_start3A_472 : memref<1x128xi32, #tpu.memory_space<vmem>> -> memref<128xi32, #tpu.memory_space<vmem>>
      %dma_start3A_474 = arith.constant 0 : i32
      %dma_start3A_475 = arith.constant 0 : i32
      %dma_start3A_476 = tpu.memref_slice %arg2[%dma_start3A_474, %dma_start3A_475] : memref<10112x144xf32, #tpu.memory_space<hbm>> -> memref<10112x144xf32, #tpu.memory_space<hbm>>
      tpu.enqueue_indirect_dma source(%dma_start3A_476 : memref<10112x144xf32, #tpu.memory_space<hbm>>) target(%arg9 : memref<128x144xf32, #tpu.memory_space<vmem>>) offsets(%dma_start3A_473 : memref<128xi32, #tpu.memory_space<vmem>>) semaphore(%arg13 : memref<!tpu.dma_semaphore, #tpu.memory_space<semaphore_mem>>)
      %dma_start3A_477 = arith.constant 0 : i32
      %dma_start3A_478 = arith.constant 0 : i32
      %dma_start3A_479 = tpu.memref_slice %arg7[%dma_start3A_477, %dma_start3A_478] : memref<8x128xi32, #tpu.memory_space<vmem>> -> memref<1x128xi32, #tpu.memory_space<vmem>>
      %dma_start3A_480 = tpu.memref_squeeze %dma_start3A_479 : memref<1x128xi32, #tpu.memory_space<vmem>> -> memref<128xi32, #tpu.memory_space<vmem>>
      %dma_start3A_481 = arith.constant 0 : i32
      %dma_start3A_482 = arith.constant 0 : i32
      %dma_start3A_483 = tpu.memref_slice %arg11[%dma_start3A_481, %dma_start3A_482] : memref<10112x144xf32, #tpu.memory_space<vmem_shared>> -> memref<10112x144xf32, #tpu.memory_space<vmem_shared>>
      tpu.enqueue_indirect_dma source(%arg8 : memref<128x144xf32, #tpu.memory_space<vmem>>) target(%dma_start3A_483 : memref<10112x144xf32, #tpu.memory_space<vmem_shared>>) offsets(%dma_start3A_480 : memref<128xi32, #tpu.memory_space<vmem>>) semaphore(%arg14 : memref<!tpu.dma_semaphore, #tpu.memory_space<semaphore_mem>>) {add = true}
      %dma_wait3A_484 = arith.constant 1 : i32
      %dma_wait3A_485 = arith.constant 0 : i32
      %dma_wait3A_486 = tpu.memref_slice %arg6[%dma_wait3A_484, %dma_wait3A_485] : memref<8x128xi32, #tpu.memory_space<vmem>> -> memref<1x128xi32, #tpu.memory_space<vmem>>
      %dma_wait3A_487 = tpu.memref_squeeze %dma_wait3A_486 : memref<1x128xi32, #tpu.memory_space<vmem>> -> memref<128xi32, #tpu.memory_space<vmem>>
      %dma_wait3A_488 = arith.constant 0 : i32
      %dma_wait3A_489 = arith.constant 0 : i32
      %dma_wait3A_490 = tpu.memref_slice %arg2[%dma_wait3A_488, %dma_wait3A_489] : memref<10112x144xf32, #tpu.memory_space<hbm>> -> memref<10112x144xf32, #tpu.memory_space<hbm>>
      tpu.wait_indirect_dma semaphore(%arg13 : memref<!tpu.dma_semaphore, #tpu.memory_space<semaphore_mem>>) src(%dma_wait3A_490 : memref<10112x144xf32, #tpu.memory_space<hbm>>) dst(%arg9 : memref<128x144xf32, #tpu.memory_space<vmem>>)
      %dma_wait3A_491 = arith.constant 0 : i32
      %dma_wait3A_492 = arith.constant 0 : i32
      %dma_wait3A_493 = tpu.memref_slice %arg7[%dma_wait3A_491, %dma_wait3A_492] : memref<8x128xi32, #tpu.memory_space<vmem>> -> memref<1x128xi32, #tpu.memory_space<vmem>>
      %dma_wait3A_494 = tpu.memref_squeeze %dma_wait3A_493 : memref<1x128xi32, #tpu.memory_space<vmem>> -> memref<128xi32, #tpu.memory_space<vmem>>
      %dma_wait3A_495 = arith.constant 0 : i32
      %dma_wait3A_496 = arith.constant 0 : i32
      %dma_wait3A_497 = tpu.memref_slice %arg11[%dma_wait3A_495, %dma_wait3A_496] : memref<10112x144xf32, #tpu.memory_space<vmem_shared>> -> memref<10112x144xf32, #tpu.memory_space<vmem_shared>>
      tpu.wait_indirect_dma semaphore(%arg14 : memref<!tpu.dma_semaphore, #tpu.memory_space<semaphore_mem>>) src(%arg8 : memref<128x144xf32, #tpu.memory_space<vmem>>) dst(%dma_wait3A_497 : memref<10112x144xf32, #tpu.memory_space<vmem_shared>>)
      %dma_start3A_498 = arith.constant 2 : i32
      %dma_start3A_499 = arith.constant 0 : i32
      %dma_start3A_500 = tpu.memref_slice %arg6[%dma_start3A_498, %dma_start3A_499] : memref<8x128xi32, #tpu.memory_space<vmem>> -> memref<1x128xi32, #tpu.memory_space<vmem>>
      %dma_start3A_501 = tpu.memref_squeeze %dma_start3A_500 : memref<1x128xi32, #tpu.memory_space<vmem>> -> memref<128xi32, #tpu.memory_space<vmem>>
      %dma_start3A_502 = arith.constant 0 : i32
      %dma_start3A_503 = arith.constant 0 : i32
      %dma_start3A_504 = tpu.memref_slice %arg2[%dma_start3A_502, %dma_start3A_503] : memref<10112x144xf32, #tpu.memory_space<hbm>> -> memref<10112x144xf32, #tpu.memory_space<hbm>>
      tpu.enqueue_indirect_dma source(%dma_start3A_504 : memref<10112x144xf32, #tpu.memory_space<hbm>>) target(%arg8 : memref<128x144xf32, #tpu.memory_space<vmem>>) offsets(%dma_start3A_501 : memref<128xi32, #tpu.memory_space<vmem>>) semaphore(%arg12 : memref<!tpu.dma_semaphore, #tpu.memory_space<semaphore_mem>>)
      %dma_start3A_505 = arith.constant 1 : i32
      %dma_start3A_506 = arith.constant 0 : i32
      %dma_start3A_507 = tpu.memref_slice %arg7[%dma_start3A_505, %dma_start3A_506] : memref<8x128xi32, #tpu.memory_space<vmem>> -> memref<1x128xi32, #tpu.memory_space<vmem>>
      %dma_start3A_508 = tpu.memref_squeeze %dma_start3A_507 : memref<1x128xi32, #tpu.memory_space<vmem>> -> memref<128xi32, #tpu.memory_space<vmem>>
      %dma_start3A_509 = arith.constant 0 : i32
      %dma_start3A_510 = arith.constant 0 : i32
      %dma_start3A_511 = tpu.memref_slice %arg11[%dma_start3A_509, %dma_start3A_510] : memref<10112x144xf32, #tpu.memory_space<vmem_shared>> -> memref<10112x144xf32, #tpu.memory_space<vmem_shared>>
      tpu.enqueue_indirect_dma source(%arg9 : memref<128x144xf32, #tpu.memory_space<vmem>>) target(%dma_start3A_511 : memref<10112x144xf32, #tpu.memory_space<vmem_shared>>) offsets(%dma_start3A_508 : memref<128xi32, #tpu.memory_space<vmem>>) semaphore(%arg15 : memref<!tpu.dma_semaphore, #tpu.memory_space<semaphore_mem>>) {add = true}
      %dma_wait3A_512 = arith.constant 2 : i32
      %dma_wait3A_513 = arith.constant 0 : i32
      %dma_wait3A_514 = tpu.memref_slice %arg6[%dma_wait3A_512, %dma_wait3A_513] : memref<8x128xi32, #tpu.memory_space<vmem>> -> memref<1x128xi32, #tpu.memory_space<vmem>>
      %dma_wait3A_515 = tpu.memref_squeeze %dma_wait3A_514 : memref<1x128xi32, #tpu.memory_space<vmem>> -> memref<128xi32, #tpu.memory_space<vmem>>
      %dma_wait3A_516 = arith.constant 0 : i32
      %dma_wait3A_517 = arith.constant 0 : i32
      %dma_wait3A_518 = tpu.memref_slice %arg2[%dma_wait3A_516, %dma_wait3A_517] : memref<10112x144xf32, #tpu.memory_space<hbm>> -> memref<10112x144xf32, #tpu.memory_space<hbm>>
      tpu.wait_indirect_dma semaphore(%arg12 : memref<!tpu.dma_semaphore, #tpu.memory_space<semaphore_mem>>) src(%dma_wait3A_518 : memref<10112x144xf32, #tpu.memory_space<hbm>>) dst(%arg8 : memref<128x144xf32, #tpu.memory_space<vmem>>)
      %dma_wait3A_519 = arith.constant 1 : i32
      %dma_wait3A_520 = arith.constant 0 : i32
      %dma_wait3A_521 = tpu.memref_slice %arg7[%dma_wait3A_519, %dma_wait3A_520] : memref<8x128xi32, #tpu.memory_space<vmem>> -> memref<1x128xi32, #tpu.memory_space<vmem>>
      %dma_wait3A_522 = tpu.memref_squeeze %dma_wait3A_521 : memref<1x128xi32, #tpu.memory_space<vmem>> -> memref<128xi32, #tpu.memory_space<vmem>>
      %dma_wait3A_523 = arith.constant 0 : i32
      %dma_wait3A_524 = arith.constant 0 : i32
      %dma_wait3A_525 = tpu.memref_slice %arg11[%dma_wait3A_523, %dma_wait3A_524] : memref<10112x144xf32, #tpu.memory_space<vmem_shared>> -> memref<10112x144xf32, #tpu.memory_space<vmem_shared>>
      tpu.wait_indirect_dma semaphore(%arg15 : memref<!tpu.dma_semaphore, #tpu.memory_space<semaphore_mem>>) src(%arg9 : memref<128x144xf32, #tpu.memory_space<vmem>>) dst(%dma_wait3A_525 : memref<10112x144xf32, #tpu.memory_space<vmem_shared>>)
      %dma_start3A_526 = arith.constant 3 : i32
      %dma_start3A_527 = arith.constant 0 : i32
      %dma_start3A_528 = tpu.memref_slice %arg6[%dma_start3A_526, %dma_start3A_527] : memref<8x128xi32, #tpu.memory_space<vmem>> -> memref<1x128xi32, #tpu.memory_space<vmem>>
      %dma_start3A_529 = tpu.memref_squeeze %dma_start3A_528 : memref<1x128xi32, #tpu.memory_space<vmem>> -> memref<128xi32, #tpu.memory_space<vmem>>
      %dma_start3A_530 = arith.constant 0 : i32
      %dma_start3A_531 = arith.constant 0 : i32
      %dma_start3A_532 = tpu.memref_slice %arg2[%dma_start3A_530, %dma_start3A_531] : memref<10112x144xf32, #tpu.memory_space<hbm>> -> memref<10112x144xf32, #tpu.memory_space<hbm>>
      tpu.enqueue_indirect_dma source(%dma_start3A_532 : memref<10112x144xf32, #tpu.memory_space<hbm>>) target(%arg9 : memref<128x144xf32, #tpu.memory_space<vmem>>) offsets(%dma_start3A_529 : memref<128xi32, #tpu.memory_space<vmem>>) semaphore(%arg13 : memref<!tpu.dma_semaphore, #tpu.memory_space<semaphore_mem>>)
      %dma_start3A_533 = arith.constant 2 : i32
      %dma_start3A_534 = arith.constant 0 : i32
      %dma_start3A_535 = tpu.memref_slice %arg7[%dma_start3A_533, %dma_start3A_534] : memref<8x128xi32, #tpu.memory_space<vmem>> -> memref<1x128xi32, #tpu.memory_space<vmem>>
      %dma_start3A_536 = tpu.memref_squeeze %dma_start3A_535 : memref<1x128xi32, #tpu.memory_space<vmem>> -> memref<128xi32, #tpu.memory_space<vmem>>
      %dma_start3A_537 = arith.constant 0 : i32
      %dma_start3A_538 = arith.constant 0 : i32
      %dma_start3A_539 = tpu.memref_slice %arg11[%dma_start3A_537, %dma_start3A_538] : memref<10112x144xf32, #tpu.memory_space<vmem_shared>> -> memref<10112x144xf32, #tpu.memory_space<vmem_shared>>
      tpu.enqueue_indirect_dma source(%arg8 : memref<128x144xf32, #tpu.memory_space<vmem>>) target(%dma_start3A_539 : memref<10112x144xf32, #tpu.memory_space<vmem_shared>>) offsets(%dma_start3A_536 : memref<128xi32, #tpu.memory_space<vmem>>) semaphore(%arg14 : memref<!tpu.dma_semaphore, #tpu.memory_space<semaphore_mem>>) {add = true}
      %dma_wait3A_540 = arith.constant 3 : i32
      %dma_wait3A_541 = arith.constant 0 : i32
      %dma_wait3A_542 = tpu.memref_slice %arg6[%dma_wait3A_540, %dma_wait3A_541] : memref<8x128xi32, #tpu.memory_space<vmem>> -> memref<1x128xi32, #tpu.memory_space<vmem>>
      %dma_wait3A_543 = tpu.memref_squeeze %dma_wait3A_542 : memref<1x128xi32, #tpu.memory_space<vmem>> -> memref<128xi32, #tpu.memory_space<vmem>>
      %dma_wait3A_544 = arith.constant 0 : i32
      %dma_wait3A_545 = arith.constant 0 : i32
      %dma_wait3A_546 = tpu.memref_slice %arg2[%dma_wait3A_544, %dma_wait3A_545] : memref<10112x144xf32, #tpu.memory_space<hbm>> -> memref<10112x144xf32, #tpu.memory_space<hbm>>
      tpu.wait_indirect_dma semaphore(%arg13 : memref<!tpu.dma_semaphore, #tpu.memory_space<semaphore_mem>>) src(%dma_wait3A_546 : memref<10112x144xf32, #tpu.memory_space<hbm>>) dst(%arg9 : memref<128x144xf32, #tpu.memory_space<vmem>>)
      %dma_wait3A_547 = arith.constant 2 : i32
      %dma_wait3A_548 = arith.constant 0 : i32
      %dma_wait3A_549 = tpu.memref_slice %arg7[%dma_wait3A_547, %dma_wait3A_548] : memref<8x128xi32, #tpu.memory_space<vmem>> -> memref<1x128xi32, #tpu.memory_space<vmem>>
      %dma_wait3A_550 = tpu.memref_squeeze %dma_wait3A_549 : memref<1x128xi32, #tpu.memory_space<vmem>> -> memref<128xi32, #tpu.memory_space<vmem>>
      %dma_wait3A_551 = arith.constant 0 : i32
      %dma_wait3A_552 = arith.constant 0 : i32
      %dma_wait3A_553 = tpu.memref_slice %arg11[%dma_wait3A_551, %dma_wait3A_552] : memref<10112x144xf32, #tpu.memory_space<vmem_shared>> -> memref<10112x144xf32, #tpu.memory_space<vmem_shared>>
      tpu.wait_indirect_dma semaphore(%arg14 : memref<!tpu.dma_semaphore, #tpu.memory_space<semaphore_mem>>) src(%arg8 : memref<128x144xf32, #tpu.memory_space<vmem>>) dst(%dma_wait3A_553 : memref<10112x144xf32, #tpu.memory_space<vmem_shared>>)
      %dma_start3A_554 = arith.constant 4 : i32
      %dma_start3A_555 = arith.constant 0 : i32
      %dma_start3A_556 = tpu.memref_slice %arg6[%dma_start3A_554, %dma_start3A_555] : memref<8x128xi32, #tpu.memory_space<vmem>> -> memref<1x128xi32, #tpu.memory_space<vmem>>
      %dma_start3A_557 = tpu.memref_squeeze %dma_start3A_556 : memref<1x128xi32, #tpu.memory_space<vmem>> -> memref<128xi32, #tpu.memory_space<vmem>>
      %dma_start3A_558 = arith.constant 0 : i32
      %dma_start3A_559 = arith.constant 0 : i32
      %dma_start3A_560 = tpu.memref_slice %arg2[%dma_start3A_558, %dma_start3A_559] : memref<10112x144xf32, #tpu.memory_space<hbm>> -> memref<10112x144xf32, #tpu.memory_space<hbm>>
      tpu.enqueue_indirect_dma source(%dma_start3A_560 : memref<10112x144xf32, #tpu.memory_space<hbm>>) target(%arg8 : memref<128x144xf32, #tpu.memory_space<vmem>>) offsets(%dma_start3A_557 : memref<128xi32, #tpu.memory_space<vmem>>) semaphore(%arg12 : memref<!tpu.dma_semaphore, #tpu.memory_space<semaphore_mem>>)
      %dma_start3A_561 = arith.constant 3 : i32
      %dma_start3A_562 = arith.constant 0 : i32
      %dma_start3A_563 = tpu.memref_slice %arg7[%dma_start3A_561, %dma_start3A_562] : memref<8x128xi32, #tpu.memory_space<vmem>> -> memref<1x128xi32, #tpu.memory_space<vmem>>
      %dma_start3A_564 = tpu.memref_squeeze %dma_start3A_563 : memref<1x128xi32, #tpu.memory_space<vmem>> -> memref<128xi32, #tpu.memory_space<vmem>>
      %dma_start3A_565 = arith.constant 0 : i32
      %dma_start3A_566 = arith.constant 0 : i32
      %dma_start3A_567 = tpu.memref_slice %arg11[%dma_start3A_565, %dma_start3A_566] : memref<10112x144xf32, #tpu.memory_space<vmem_shared>> -> memref<10112x144xf32, #tpu.memory_space<vmem_shared>>
      tpu.enqueue_indirect_dma source(%arg9 : memref<128x144xf32, #tpu.memory_space<vmem>>) target(%dma_start3A_567 : memref<10112x144xf32, #tpu.memory_space<vmem_shared>>) offsets(%dma_start3A_564 : memref<128xi32, #tpu.memory_space<vmem>>) semaphore(%arg15 : memref<!tpu.dma_semaphore, #tpu.memory_space<semaphore_mem>>) {add = true}
      %dma_wait3A_568 = arith.constant 4 : i32
      %dma_wait3A_569 = arith.constant 0 : i32
      %dma_wait3A_570 = tpu.memref_slice %arg6[%dma_wait3A_568, %dma_wait3A_569] : memref<8x128xi32, #tpu.memory_space<vmem>> -> memref<1x128xi32, #tpu.memory_space<vmem>>
      %dma_wait3A_571 = tpu.memref_squeeze %dma_wait3A_570 : memref<1x128xi32, #tpu.memory_space<vmem>> -> memref<128xi32, #tpu.memory_space<vmem>>
      %dma_wait3A_572 = arith.constant 0 : i32
      %dma_wait3A_573 = arith.constant 0 : i32
      %dma_wait3A_574 = tpu.memref_slice %arg2[%dma_wait3A_572, %dma_wait3A_573] : memref<10112x144xf32, #tpu.memory_space<hbm>> -> memref<10112x144xf32, #tpu.memory_space<hbm>>
      tpu.wait_indirect_dma semaphore(%arg12 : memref<!tpu.dma_semaphore, #tpu.memory_space<semaphore_mem>>) src(%dma_wait3A_574 : memref<10112x144xf32, #tpu.memory_space<hbm>>) dst(%arg8 : memref<128x144xf32, #tpu.memory_space<vmem>>)
      %dma_wait3A_575 = arith.constant 3 : i32
      %dma_wait3A_576 = arith.constant 0 : i32
      %dma_wait3A_577 = tpu.memref_slice %arg7[%dma_wait3A_575, %dma_wait3A_576] : memref<8x128xi32, #tpu.memory_space<vmem>> -> memref<1x128xi32, #tpu.memory_space<vmem>>
      %dma_wait3A_578 = tpu.memref_squeeze %dma_wait3A_577 : memref<1x128xi32, #tpu.memory_space<vmem>> -> memref<128xi32, #tpu.memory_space<vmem>>
      %dma_wait3A_579 = arith.constant 0 : i32
      %dma_wait3A_580 = arith.constant 0 : i32
      %dma_wait3A_581 = tpu.memref_slice %arg11[%dma_wait3A_579, %dma_wait3A_580] : memref<10112x144xf32, #tpu.memory_space<vmem_shared>> -> memref<10112x144xf32, #tpu.memory_space<vmem_shared>>
      tpu.wait_indirect_dma semaphore(%arg15 : memref<!tpu.dma_semaphore, #tpu.memory_space<semaphore_mem>>) src(%arg9 : memref<128x144xf32, #tpu.memory_space<vmem>>) dst(%dma_wait3A_581 : memref<10112x144xf32, #tpu.memory_space<vmem_shared>>)
      %dma_start3A_582 = arith.constant 5 : i32
      %dma_start3A_583 = arith.constant 0 : i32
      %dma_start3A_584 = tpu.memref_slice %arg6[%dma_start3A_582, %dma_start3A_583] : memref<8x128xi32, #tpu.memory_space<vmem>> -> memref<1x128xi32, #tpu.memory_space<vmem>>
      %dma_start3A_585 = tpu.memref_squeeze %dma_start3A_584 : memref<1x128xi32, #tpu.memory_space<vmem>> -> memref<128xi32, #tpu.memory_space<vmem>>
      %dma_start3A_586 = arith.constant 0 : i32
      %dma_start3A_587 = arith.constant 0 : i32
      %dma_start3A_588 = tpu.memref_slice %arg2[%dma_start3A_586, %dma_start3A_587] : memref<10112x144xf32, #tpu.memory_space<hbm>> -> memref<10112x144xf32, #tpu.memory_space<hbm>>
      tpu.enqueue_indirect_dma source(%dma_start3A_588 : memref<10112x144xf32, #tpu.memory_space<hbm>>) target(%arg9 : memref<128x144xf32, #tpu.memory_space<vmem>>) offsets(%dma_start3A_585 : memref<128xi32, #tpu.memory_space<vmem>>) semaphore(%arg13 : memref<!tpu.dma_semaphore, #tpu.memory_space<semaphore_mem>>)
      %dma_start3A_589 = arith.constant 4 : i32
      %dma_start3A_590 = arith.constant 0 : i32
      %dma_start3A_591 = tpu.memref_slice %arg7[%dma_start3A_589, %dma_start3A_590] : memref<8x128xi32, #tpu.memory_space<vmem>> -> memref<1x128xi32, #tpu.memory_space<vmem>>
      %dma_start3A_592 = tpu.memref_squeeze %dma_start3A_591 : memref<1x128xi32, #tpu.memory_space<vmem>> -> memref<128xi32, #tpu.memory_space<vmem>>
      %dma_start3A_593 = arith.constant 0 : i32
      %dma_start3A_594 = arith.constant 0 : i32
      %dma_start3A_595 = tpu.memref_slice %arg11[%dma_start3A_593, %dma_start3A_594] : memref<10112x144xf32, #tpu.memory_space<vmem_shared>> -> memref<10112x144xf32, #tpu.memory_space<vmem_shared>>
      tpu.enqueue_indirect_dma source(%arg8 : memref<128x144xf32, #tpu.memory_space<vmem>>) target(%dma_start3A_595 : memref<10112x144xf32, #tpu.memory_space<vmem_shared>>) offsets(%dma_start3A_592 : memref<128xi32, #tpu.memory_space<vmem>>) semaphore(%arg14 : memref<!tpu.dma_semaphore, #tpu.memory_space<semaphore_mem>>) {add = true}
      %dma_wait3A_596 = arith.constant 5 : i32
      %dma_wait3A_597 = arith.constant 0 : i32
      %dma_wait3A_598 = tpu.memref_slice %arg6[%dma_wait3A_596, %dma_wait3A_597] : memref<8x128xi32, #tpu.memory_space<vmem>> -> memref<1x128xi32, #tpu.memory_space<vmem>>
      %dma_wait3A_599 = tpu.memref_squeeze %dma_wait3A_598 : memref<1x128xi32, #tpu.memory_space<vmem>> -> memref<128xi32, #tpu.memory_space<vmem>>
      %dma_wait3A_600 = arith.constant 0 : i32
      %dma_wait3A_601 = arith.constant 0 : i32
      %dma_wait3A_602 = tpu.memref_slice %arg2[%dma_wait3A_600, %dma_wait3A_601] : memref<10112x144xf32, #tpu.memory_space<hbm>> -> memref<10112x144xf32, #tpu.memory_space<hbm>>
      tpu.wait_indirect_dma semaphore(%arg13 : memref<!tpu.dma_semaphore, #tpu.memory_space<semaphore_mem>>) src(%dma_wait3A_602 : memref<10112x144xf32, #tpu.memory_space<hbm>>) dst(%arg9 : memref<128x144xf32, #tpu.memory_space<vmem>>)
      %dma_wait3A_603 = arith.constant 4 : i32
      %dma_wait3A_604 = arith.constant 0 : i32
      %dma_wait3A_605 = tpu.memref_slice %arg7[%dma_wait3A_603, %dma_wait3A_604] : memref<8x128xi32, #tpu.memory_space<vmem>> -> memref<1x128xi32, #tpu.memory_space<vmem>>
      %dma_wait3A_606 = tpu.memref_squeeze %dma_wait3A_605 : memref<1x128xi32, #tpu.memory_space<vmem>> -> memref<128xi32, #tpu.memory_space<vmem>>
      %dma_wait3A_607 = arith.constant 0 : i32
      %dma_wait3A_608 = arith.constant 0 : i32
      %dma_wait3A_609 = tpu.memref_slice %arg11[%dma_wait3A_607, %dma_wait3A_608] : memref<10112x144xf32, #tpu.memory_space<vmem_shared>> -> memref<10112x144xf32, #tpu.memory_space<vmem_shared>>
      tpu.wait_indirect_dma semaphore(%arg14 : memref<!tpu.dma_semaphore, #tpu.memory_space<semaphore_mem>>) src(%arg8 : memref<128x144xf32, #tpu.memory_space<vmem>>) dst(%dma_wait3A_609 : memref<10112x144xf32, #tpu.memory_space<vmem_shared>>)
      %dma_start3A_610 = arith.constant 6 : i32
      %dma_start3A_611 = arith.constant 0 : i32
      %dma_start3A_612 = tpu.memref_slice %arg6[%dma_start3A_610, %dma_start3A_611] : memref<8x128xi32, #tpu.memory_space<vmem>> -> memref<1x128xi32, #tpu.memory_space<vmem>>
      %dma_start3A_613 = tpu.memref_squeeze %dma_start3A_612 : memref<1x128xi32, #tpu.memory_space<vmem>> -> memref<128xi32, #tpu.memory_space<vmem>>
      %dma_start3A_614 = arith.constant 0 : i32
      %dma_start3A_615 = arith.constant 0 : i32
      %dma_start3A_616 = tpu.memref_slice %arg2[%dma_start3A_614, %dma_start3A_615] : memref<10112x144xf32, #tpu.memory_space<hbm>> -> memref<10112x144xf32, #tpu.memory_space<hbm>>
      tpu.enqueue_indirect_dma source(%dma_start3A_616 : memref<10112x144xf32, #tpu.memory_space<hbm>>) target(%arg8 : memref<128x144xf32, #tpu.memory_space<vmem>>) offsets(%dma_start3A_613 : memref<128xi32, #tpu.memory_space<vmem>>) semaphore(%arg12 : memref<!tpu.dma_semaphore, #tpu.memory_space<semaphore_mem>>)
      %dma_start3A_617 = arith.constant 5 : i32
      %dma_start3A_618 = arith.constant 0 : i32
      %dma_start3A_619 = tpu.memref_slice %arg7[%dma_start3A_617, %dma_start3A_618] : memref<8x128xi32, #tpu.memory_space<vmem>> -> memref<1x128xi32, #tpu.memory_space<vmem>>
      %dma_start3A_620 = tpu.memref_squeeze %dma_start3A_619 : memref<1x128xi32, #tpu.memory_space<vmem>> -> memref<128xi32, #tpu.memory_space<vmem>>
      %dma_start3A_621 = arith.constant 0 : i32
      %dma_start3A_622 = arith.constant 0 : i32
      %dma_start3A_623 = tpu.memref_slice %arg11[%dma_start3A_621, %dma_start3A_622] : memref<10112x144xf32, #tpu.memory_space<vmem_shared>> -> memref<10112x144xf32, #tpu.memory_space<vmem_shared>>
      tpu.enqueue_indirect_dma source(%arg9 : memref<128x144xf32, #tpu.memory_space<vmem>>) target(%dma_start3A_623 : memref<10112x144xf32, #tpu.memory_space<vmem_shared>>) offsets(%dma_start3A_620 : memref<128xi32, #tpu.memory_space<vmem>>) semaphore(%arg15 : memref<!tpu.dma_semaphore, #tpu.memory_space<semaphore_mem>>) {add = true}
      %dma_wait3A_624 = arith.constant 6 : i32
      %dma_wait3A_625 = arith.constant 0 : i32
      %dma_wait3A_626 = tpu.memref_slice %arg6[%dma_wait3A_624, %dma_wait3A_625] : memref<8x128xi32, #tpu.memory_space<vmem>> -> memref<1x128xi32, #tpu.memory_space<vmem>>
      %dma_wait3A_627 = tpu.memref_squeeze %dma_wait3A_626 : memref<1x128xi32, #tpu.memory_space<vmem>> -> memref<128xi32, #tpu.memory_space<vmem>>
      %dma_wait3A_628 = arith.constant 0 : i32
      %dma_wait3A_629 = arith.constant 0 : i32
      %dma_wait3A_630 = tpu.memref_slice %arg2[%dma_wait3A_628, %dma_wait3A_629] : memref<10112x144xf32, #tpu.memory_space<hbm>> -> memref<10112x144xf32, #tpu.memory_space<hbm>>
      tpu.wait_indirect_dma semaphore(%arg12 : memref<!tpu.dma_semaphore, #tpu.memory_space<semaphore_mem>>) src(%dma_wait3A_630 : memref<10112x144xf32, #tpu.memory_space<hbm>>) dst(%arg8 : memref<128x144xf32, #tpu.memory_space<vmem>>)
      %dma_wait3A_631 = arith.constant 5 : i32
      %dma_wait3A_632 = arith.constant 0 : i32
      %dma_wait3A_633 = tpu.memref_slice %arg7[%dma_wait3A_631, %dma_wait3A_632] : memref<8x128xi32, #tpu.memory_space<vmem>> -> memref<1x128xi32, #tpu.memory_space<vmem>>
      %dma_wait3A_634 = tpu.memref_squeeze %dma_wait3A_633 : memref<1x128xi32, #tpu.memory_space<vmem>> -> memref<128xi32, #tpu.memory_space<vmem>>
      %dma_wait3A_635 = arith.constant 0 : i32
      %dma_wait3A_636 = arith.constant 0 : i32
      %dma_wait3A_637 = tpu.memref_slice %arg11[%dma_wait3A_635, %dma_wait3A_636] : memref<10112x144xf32, #tpu.memory_space<vmem_shared>> -> memref<10112x144xf32, #tpu.memory_space<vmem_shared>>
      tpu.wait_indirect_dma semaphore(%arg15 : memref<!tpu.dma_semaphore, #tpu.memory_space<semaphore_mem>>) src(%arg9 : memref<128x144xf32, #tpu.memory_space<vmem>>) dst(%dma_wait3A_637 : memref<10112x144xf32, #tpu.memory_space<vmem_shared>>)
      %dma_start3A_638 = arith.constant 7 : i32
      %dma_start3A_639 = arith.constant 0 : i32
      %dma_start3A_640 = tpu.memref_slice %arg6[%dma_start3A_638, %dma_start3A_639] : memref<8x128xi32, #tpu.memory_space<vmem>> -> memref<1x128xi32, #tpu.memory_space<vmem>>
      %dma_start3A_641 = tpu.memref_squeeze %dma_start3A_640 : memref<1x128xi32, #tpu.memory_space<vmem>> -> memref<128xi32, #tpu.memory_space<vmem>>
      %dma_start3A_642 = arith.constant 0 : i32
      %dma_start3A_643 = arith.constant 0 : i32
      %dma_start3A_644 = tpu.memref_slice %arg2[%dma_start3A_642, %dma_start3A_643] : memref<10112x144xf32, #tpu.memory_space<hbm>> -> memref<10112x144xf32, #tpu.memory_space<hbm>>
      tpu.enqueue_indirect_dma source(%dma_start3A_644 : memref<10112x144xf32, #tpu.memory_space<hbm>>) target(%arg9 : memref<128x144xf32, #tpu.memory_space<vmem>>) offsets(%dma_start3A_641 : memref<128xi32, #tpu.memory_space<vmem>>) semaphore(%arg13 : memref<!tpu.dma_semaphore, #tpu.memory_space<semaphore_mem>>)
      %dma_start3A_645 = arith.constant 6 : i32
      %dma_start3A_646 = arith.constant 0 : i32
      %dma_start3A_647 = tpu.memref_slice %arg7[%dma_start3A_645, %dma_start3A_646] : memref<8x128xi32, #tpu.memory_space<vmem>> -> memref<1x128xi32, #tpu.memory_space<vmem>>
      %dma_start3A_648 = tpu.memref_squeeze %dma_start3A_647 : memref<1x128xi32, #tpu.memory_space<vmem>> -> memref<128xi32, #tpu.memory_space<vmem>>
      %dma_start3A_649 = arith.constant 0 : i32
      %dma_start3A_650 = arith.constant 0 : i32
      %dma_start3A_651 = tpu.memref_slice %arg11[%dma_start3A_649, %dma_start3A_650] : memref<10112x144xf32, #tpu.memory_space<vmem_shared>> -> memref<10112x144xf32, #tpu.memory_space<vmem_shared>>
      tpu.enqueue_indirect_dma source(%arg8 : memref<128x144xf32, #tpu.memory_space<vmem>>) target(%dma_start3A_651 : memref<10112x144xf32, #tpu.memory_space<vmem_shared>>) offsets(%dma_start3A_648 : memref<128xi32, #tpu.memory_space<vmem>>) semaphore(%arg14 : memref<!tpu.dma_semaphore, #tpu.memory_space<semaphore_mem>>) {add = true}
      %dma_wait3A_652 = arith.constant 7 : i32
      %dma_wait3A_653 = arith.constant 0 : i32
      %dma_wait3A_654 = tpu.memref_slice %arg6[%dma_wait3A_652, %dma_wait3A_653] : memref<8x128xi32, #tpu.memory_space<vmem>> -> memref<1x128xi32, #tpu.memory_space<vmem>>
      %dma_wait3A_655 = tpu.memref_squeeze %dma_wait3A_654 : memref<1x128xi32, #tpu.memory_space<vmem>> -> memref<128xi32, #tpu.memory_space<vmem>>
      %dma_wait3A_656 = arith.constant 0 : i32
      %dma_wait3A_657 = arith.constant 0 : i32
      %dma_wait3A_658 = tpu.memref_slice %arg2[%dma_wait3A_656, %dma_wait3A_657] : memref<10112x144xf32, #tpu.memory_space<hbm>> -> memref<10112x144xf32, #tpu.memory_space<hbm>>
      tpu.wait_indirect_dma semaphore(%arg13 : memref<!tpu.dma_semaphore, #tpu.memory_space<semaphore_mem>>) src(%dma_wait3A_658 : memref<10112x144xf32, #tpu.memory_space<hbm>>) dst(%arg9 : memref<128x144xf32, #tpu.memory_space<vmem>>)
      %dma_start3A_659 = arith.constant 7 : i32
      %dma_start3A_660 = arith.constant 0 : i32
      %dma_start3A_661 = tpu.memref_slice %arg7[%dma_start3A_659, %dma_start3A_660] : memref<8x128xi32, #tpu.memory_space<vmem>> -> memref<1x128xi32, #tpu.memory_space<vmem>>
      %dma_start3A_662 = tpu.memref_squeeze %dma_start3A_661 : memref<1x128xi32, #tpu.memory_space<vmem>> -> memref<128xi32, #tpu.memory_space<vmem>>
      %dma_start3A_663 = arith.constant 0 : i32
      %dma_start3A_664 = arith.constant 0 : i32
      %dma_start3A_665 = tpu.memref_slice %arg11[%dma_start3A_663, %dma_start3A_664] : memref<10112x144xf32, #tpu.memory_space<vmem_shared>> -> memref<10112x144xf32, #tpu.memory_space<vmem_shared>>
      tpu.enqueue_indirect_dma source(%arg9 : memref<128x144xf32, #tpu.memory_space<vmem>>) target(%dma_start3A_665 : memref<10112x144xf32, #tpu.memory_space<vmem_shared>>) offsets(%dma_start3A_662 : memref<128xi32, #tpu.memory_space<vmem>>) semaphore(%arg15 : memref<!tpu.dma_semaphore, #tpu.memory_space<semaphore_mem>>) {add = true}
      %dma_wait3A_666 = arith.constant 6 : i32
      %dma_wait3A_667 = arith.constant 0 : i32
      %dma_wait3A_668 = tpu.memref_slice %arg7[%dma_wait3A_666, %dma_wait3A_667] : memref<8x128xi32, #tpu.memory_space<vmem>> -> memref<1x128xi32, #tpu.memory_space<vmem>>
      %dma_wait3A_669 = tpu.memref_squeeze %dma_wait3A_668 : memref<1x128xi32, #tpu.memory_space<vmem>> -> memref<128xi32, #tpu.memory_space<vmem>>
      %dma_wait3A_670 = arith.constant 0 : i32
      %dma_wait3A_671 = arith.constant 0 : i32
      %dma_wait3A_672 = tpu.memref_slice %arg11[%dma_wait3A_670, %dma_wait3A_671] : memref<10112x144xf32, #tpu.memory_space<vmem_shared>> -> memref<10112x144xf32, #tpu.memory_space<vmem_shared>>
      tpu.wait_indirect_dma semaphore(%arg14 : memref<!tpu.dma_semaphore, #tpu.memory_space<semaphore_mem>>) src(%arg8 : memref<128x144xf32, #tpu.memory_space<vmem>>) dst(%dma_wait3A_672 : memref<10112x144xf32, #tpu.memory_space<vmem_shared>>)
      %dma_wait3A_673 = arith.constant 7 : i32
      %dma_wait3A_674 = arith.constant 0 : i32
      %dma_wait3A_675 = tpu.memref_slice %arg7[%dma_wait3A_673, %dma_wait3A_674] : memref<8x128xi32, #tpu.memory_space<vmem>> -> memref<1x128xi32, #tpu.memory_space<vmem>>
      %dma_wait3A_676 = tpu.memref_squeeze %dma_wait3A_675 : memref<1x128xi32, #tpu.memory_space<vmem>> -> memref<128xi32, #tpu.memory_space<vmem>>
      %dma_wait3A_677 = arith.constant 0 : i32
      %dma_wait3A_678 = arith.constant 0 : i32
      %dma_wait3A_679 = tpu.memref_slice %arg11[%dma_wait3A_677, %dma_wait3A_678] : memref<10112x144xf32, #tpu.memory_space<vmem_shared>> -> memref<10112x144xf32, #tpu.memory_space<vmem_shared>>
      tpu.wait_indirect_dma semaphore(%arg15 : memref<!tpu.dma_semaphore, #tpu.memory_space<semaphore_mem>>) src(%arg9 : memref<128x144xf32, #tpu.memory_space<vmem>>) dst(%dma_wait3A_679 : memref<10112x144xf32, #tpu.memory_space<vmem_shared>>)
    }
    %while3A_450 = arith.constant 1 : i32
    scf.for %while3A_454 = %while3A_448 to %while3A_444 step %while3A_450  : i32 {
      %mul3A_455 = arith.constant 8 : i32
      %mul3A_456 = arith.muli %while3A_454, %mul3A_455 : i32
      %add3A_457 = arith.addi %add3A, %mul3A_456 : i32
      "tpu.region"() ({
        %run_scoped3A = tpu.sem_alloc : memref<!tpu.dma_semaphore, #tpu.memory_space<semaphore_mem>>
        %dma_start3A_680 = arith.constant 0 : i32
        %dma_start3A_681 = tpu.memref_slice %arg3[%add3A_457, %dma_start3A_680] : memref<2560x128xi32, #tpu.memory_space<hbm>> -> memref<8x128xi32, #tpu.memory_space<hbm>>
        %dma_start3A_682 = arith.constant 0 : i32
        %dma_start3A_683 = tpu.memref_slice %arg3[%add3A_457, %dma_start3A_682] : memref<2560x128xi32, #tpu.memory_space<hbm>> -> memref<8x128xi32, #tpu.memory_space<hbm>>
        tpu.enqueue_dma source(%dma_start3A_683 : memref<8x128xi32, #tpu.memory_space<hbm>>) target(%arg6 : memref<8x128xi32, #tpu.memory_space<vmem>>) target_semaphore(%run_scoped3A : memref<!tpu.dma_semaphore, #tpu.memory_space<semaphore_mem>>)
        %dma_wait3A_684 = arith.constant 0 : i32
        %dma_wait3A_685 = tpu.memref_slice %arg3[%add3A_457, %dma_wait3A_684] : memref<2560x128xi32, #tpu.memory_space<hbm>> -> memref<8x128xi32, #tpu.memory_space<hbm>>
        %dma_wait3A_686 = arith.constant 0 : i32
        %dma_wait3A_687 = tpu.memref_slice %arg3[%add3A_457, %dma_wait3A_686] : memref<2560x128xi32, #tpu.memory_space<hbm>> -> memref<8x128xi32, #tpu.memory_space<hbm>>
        tpu.wait_dma2 semaphore(%run_scoped3A : memref<!tpu.dma_semaphore, #tpu.memory_space<semaphore_mem>>) src(%dma_wait3A_687 : memref<8x128xi32, #tpu.memory_space<hbm>>) dst(%arg6 : memref<8x128xi32, #tpu.memory_space<vmem>>)
        tpu.yield
      }) : () -> ()
      "tpu.region"() ({
        %run_scoped3A = tpu.sem_alloc : memref<!tpu.dma_semaphore, #tpu.memory_space<semaphore_mem>>
        %dma_start3A_680 = arith.constant 0 : i32
        %dma_start3A_681 = tpu.memref_slice %arg4[%add3A_457, %dma_start3A_680] : memref<2560x128xi32, #tpu.memory_space<hbm>> -> memref<8x128xi32, #tpu.memory_space<hbm>>
        %dma_start3A_682 = arith.constant 0 : i32
        %dma_start3A_683 = tpu.memref_slice %arg4[%add3A_457, %dma_start3A_682] : memref<2560x128xi32, #tpu.memory_space<hbm>> -> memref<8x128xi32, #tpu.memory_space<hbm>>
        tpu.enqueue_dma source(%dma_start3A_683 : memref<8x128xi32, #tpu.memory_space<hbm>>) target(%arg7 : memref<8x128xi32, #tpu.memory_space<vmem>>) target_semaphore(%run_scoped3A : memref<!tpu.dma_semaphore, #tpu.memory_space<semaphore_mem>>)
        %dma_wait3A_684 = arith.constant 0 : i32
        %dma_wait3A_685 = tpu.memref_slice %arg4[%add3A_457, %dma_wait3A_684] : memref<2560x128xi32, #tpu.memory_space<hbm>> -> memref<8x128xi32, #tpu.memory_space<hbm>>
        %dma_wait3A_686 = arith.constant 0 : i32
        %dma_wait3A_687 = tpu.memref_slice %arg4[%add3A_457, %dma_wait3A_686] : memref<2560x128xi32, #tpu.memory_space<hbm>> -> memref<8x128xi32, #tpu.memory_space<hbm>>
        tpu.wait_dma2 semaphore(%run_scoped3A : memref<!tpu.dma_semaphore, #tpu.memory_space<semaphore_mem>>) src(%dma_wait3A_687 : memref<8x128xi32, #tpu.memory_space<hbm>>) dst(%arg7 : memref<8x128xi32, #tpu.memory_space<vmem>>)
        tpu.yield
      }) : () -> ()
      %dma_start3A = arith.constant 0 : i32
      %dma_start3A_458 = arith.constant 0 : i32
      %dma_start3A_459 = tpu.memref_slice %arg6[%dma_start3A, %dma_start3A_458] : memref<8x128xi32, #tpu.memory_space<vmem>> -> memref<1x128xi32, #tpu.memory_space<vmem>>
      %dma_start3A_460 = tpu.memref_squeeze %dma_start3A_459 : memref<1x128xi32, #tpu.memory_space<vmem>> -> memref<128xi32, #tpu.memory_space<vmem>>
      %dma_start3A_461 = arith.constant 0 : i32
      %dma_start3A_462 = arith.constant 0 : i32
      %dma_start3A_463 = tpu.memref_slice %arg2[%dma_start3A_461, %dma_start3A_462] : memref<10112x144xf32, #tpu.memory_space<hbm>> -> memref<10112x144xf32, #tpu.memory_space<hbm>>
      tpu.enqueue_indirect_dma source(%dma_start3A_463 : memref<10112x144xf32, #tpu.memory_space<hbm>>) target(%arg8 : memref<128x144xf32, #tpu.memory_space<vmem>>) offsets(%dma_start3A_460 : memref<128xi32, #tpu.memory_space<vmem>>) semaphore(%arg12 : memref<!tpu.dma_semaphore, #tpu.memory_space<semaphore_mem>>)
      %dma_wait3A = arith.constant 0 : i32
      %dma_wait3A_464 = arith.constant 0 : i32
      %dma_wait3A_465 = tpu.memref_slice %arg6[%dma_wait3A, %dma_wait3A_464] : memref<8x128xi32, #tpu.memory_space<vmem>> -> memref<1x128xi32, #tpu.memory_space<vmem>>
      %dma_wait3A_466 = tpu.memref_squeeze %dma_wait3A_465 : memref<1x128xi32, #tpu.memory_space<vmem>> -> memref<128xi32, #tpu.memory_space<vmem>>
      %dma_wait3A_467 = arith.constant 0 : i32
      %dma_wait3A_468 = arith.constant 0 : i32
      %dma_wait3A_469 = tpu.memref_slice %arg2[%dma_wait3A_467, %dma_wait3A_468] : memref<10112x144xf32, #tpu.memory_space<hbm>> -> memref<10112x144xf32, #tpu.memory_space<hbm>>
      tpu.wait_indirect_dma semaphore(%arg12 : memref<!tpu.dma_semaphore, #tpu.memory_space<semaphore_mem>>) src(%dma_wait3A_469 : memref<10112x144xf32, #tpu.memory_space<hbm>>) dst(%arg8 : memref<128x144xf32, #tpu.memory_space<vmem>>)
      %dma_start3A_470 = arith.constant 1 : i32
      %dma_start3A_471 = arith.constant 0 : i32
      %dma_start3A_472 = tpu.memref_slice %arg6[%dma_start3A_470, %dma_start3A_471] : memref<8x128xi32, #tpu.memory_space<vmem>> -> memref<1x128xi32, #tpu.memory_space<vmem>>
      %dma_start3A_473 = tpu.memref_squeeze %dma_start3A_472 : memref<1x128xi32, #tpu.memory_space<vmem>> -> memref<128xi32, #tpu.memory_space<vmem>>
      %dma_start3A_474 = arith.constant 0 : i32
      %dma_start3A_475 = arith.constant 0 : i32
      %dma_start3A_476 = tpu.memref_slice %arg2[%dma_start3A_474, %dma_start3A_475] : memref<10112x144xf32, #tpu.memory_space<hbm>> -> memref<10112x144xf32, #tpu.memory_space<hbm>>
      tpu.enqueue_indirect_dma source(%dma_start3A_476 : memref<10112x144xf32, #tpu.memory_space<hbm>>) target(%arg9 : memref<128x144xf32, #tpu.memory_space<vmem>>) offsets(%dma_start3A_473 : memref<128xi32, #tpu.memory_space<vmem>>) semaphore(%arg13 : memref<!tpu.dma_semaphore, #tpu.memory_space<semaphore_mem>>)
      %dma_start3A_477 = arith.constant 0 : i32
      %dma_start3A_478 = arith.constant 0 : i32
      %dma_start3A_479 = tpu.memref_slice %arg7[%dma_start3A_477, %dma_start3A_478] : memref<8x128xi32, #tpu.memory_space<vmem>> -> memref<1x128xi32, #tpu.memory_space<vmem>>
      %dma_start3A_480 = tpu.memref_squeeze %dma_start3A_479 : memref<1x128xi32, #tpu.memory_space<vmem>> -> memref<128xi32, #tpu.memory_space<vmem>>
      %dma_start3A_481 = arith.constant 0 : i32
      %dma_start3A_482 = arith.constant 0 : i32
      %dma_start3A_483 = tpu.memref_slice %arg11[%dma_start3A_481, %dma_start3A_482] : memref<10112x144xf32, #tpu.memory_space<vmem_shared>> -> memref<10112x144xf32, #tpu.memory_space<vmem_shared>>
      tpu.enqueue_indirect_dma source(%arg8 : memref<128x144xf32, #tpu.memory_space<vmem>>) target(%dma_start3A_483 : memref<10112x144xf32, #tpu.memory_space<vmem_shared>>) offsets(%dma_start3A_480 : memref<128xi32, #tpu.memory_space<vmem>>) semaphore(%arg14 : memref<!tpu.dma_semaphore, #tpu.memory_space<semaphore_mem>>) {add = true}
      %dma_wait3A_484 = arith.constant 1 : i32
      %dma_wait3A_485 = arith.constant 0 : i32
      %dma_wait3A_486 = tpu.memref_slice %arg6[%dma_wait3A_484, %dma_wait3A_485] : memref<8x128xi32, #tpu.memory_space<vmem>> -> memref<1x128xi32, #tpu.memory_space<vmem>>
      %dma_wait3A_487 = tpu.memref_squeeze %dma_wait3A_486 : memref<1x128xi32, #tpu.memory_space<vmem>> -> memref<128xi32, #tpu.memory_space<vmem>>
      %dma_wait3A_488 = arith.constant 0 : i32
      %dma_wait3A_489 = arith.constant 0 : i32
      %dma_wait3A_490 = tpu.memref_slice %arg2[%dma_wait3A_488, %dma_wait3A_489] : memref<10112x144xf32, #tpu.memory_space<hbm>> -> memref<10112x144xf32, #tpu.memory_space<hbm>>
      tpu.wait_indirect_dma semaphore(%arg13 : memref<!tpu.dma_semaphore, #tpu.memory_space<semaphore_mem>>) src(%dma_wait3A_490 : memref<10112x144xf32, #tpu.memory_space<hbm>>) dst(%arg9 : memref<128x144xf32, #tpu.memory_space<vmem>>)
      %dma_wait3A_491 = arith.constant 0 : i32
      %dma_wait3A_492 = arith.constant 0 : i32
      %dma_wait3A_493 = tpu.memref_slice %arg7[%dma_wait3A_491, %dma_wait3A_492] : memref<8x128xi32, #tpu.memory_space<vmem>> -> memref<1x128xi32, #tpu.memory_space<vmem>>
      %dma_wait3A_494 = tpu.memref_squeeze %dma_wait3A_493 : memref<1x128xi32, #tpu.memory_space<vmem>> -> memref<128xi32, #tpu.memory_space<vmem>>
      %dma_wait3A_495 = arith.constant 0 : i32
      %dma_wait3A_496 = arith.constant 0 : i32
      %dma_wait3A_497 = tpu.memref_slice %arg11[%dma_wait3A_495, %dma_wait3A_496] : memref<10112x144xf32, #tpu.memory_space<vmem_shared>> -> memref<10112x144xf32, #tpu.memory_space<vmem_shared>>
      tpu.wait_indirect_dma semaphore(%arg14 : memref<!tpu.dma_semaphore, #tpu.memory_space<semaphore_mem>>) src(%arg8 : memref<128x144xf32, #tpu.memory_space<vmem>>) dst(%dma_wait3A_497 : memref<10112x144xf32, #tpu.memory_space<vmem_shared>>)
      %dma_start3A_498 = arith.constant 2 : i32
      %dma_start3A_499 = arith.constant 0 : i32
      %dma_start3A_500 = tpu.memref_slice %arg6[%dma_start3A_498, %dma_start3A_499] : memref<8x128xi32, #tpu.memory_space<vmem>> -> memref<1x128xi32, #tpu.memory_space<vmem>>
      %dma_start3A_501 = tpu.memref_squeeze %dma_start3A_500 : memref<1x128xi32, #tpu.memory_space<vmem>> -> memref<128xi32, #tpu.memory_space<vmem>>
      %dma_start3A_502 = arith.constant 0 : i32
      %dma_start3A_503 = arith.constant 0 : i32
      %dma_start3A_504 = tpu.memref_slice %arg2[%dma_start3A_502, %dma_start3A_503] : memref<10112x144xf32, #tpu.memory_space<hbm>> -> memref<10112x144xf32, #tpu.memory_space<hbm>>
      tpu.enqueue_indirect_dma source(%dma_start3A_504 : memref<10112x144xf32, #tpu.memory_space<hbm>>) target(%arg8 : memref<128x144xf32, #tpu.memory_space<vmem>>) offsets(%dma_start3A_501 : memref<128xi32, #tpu.memory_space<vmem>>) semaphore(%arg12 : memref<!tpu.dma_semaphore, #tpu.memory_space<semaphore_mem>>)
      %dma_start3A_505 = arith.constant 1 : i32
      %dma_start3A_506 = arith.constant 0 : i32
      %dma_start3A_507 = tpu.memref_slice %arg7[%dma_start3A_505, %dma_start3A_506] : memref<8x128xi32, #tpu.memory_space<vmem>> -> memref<1x128xi32, #tpu.memory_space<vmem>>
      %dma_start3A_508 = tpu.memref_squeeze %dma_start3A_507 : memref<1x128xi32, #tpu.memory_space<vmem>> -> memref<128xi32, #tpu.memory_space<vmem>>
      %dma_start3A_509 = arith.constant 0 : i32
      %dma_start3A_510 = arith.constant 0 : i32
      %dma_start3A_511 = tpu.memref_slice %arg11[%dma_start3A_509, %dma_start3A_510] : memref<10112x144xf32, #tpu.memory_space<vmem_shared>> -> memref<10112x144xf32, #tpu.memory_space<vmem_shared>>
      tpu.enqueue_indirect_dma source(%arg9 : memref<128x144xf32, #tpu.memory_space<vmem>>) target(%dma_start3A_511 : memref<10112x144xf32, #tpu.memory_space<vmem_shared>>) offsets(%dma_start3A_508 : memref<128xi32, #tpu.memory_space<vmem>>) semaphore(%arg15 : memref<!tpu.dma_semaphore, #tpu.memory_space<semaphore_mem>>) {add = true}
      %dma_wait3A_512 = arith.constant 2 : i32
      %dma_wait3A_513 = arith.constant 0 : i32
      %dma_wait3A_514 = tpu.memref_slice %arg6[%dma_wait3A_512, %dma_wait3A_513] : memref<8x128xi32, #tpu.memory_space<vmem>> -> memref<1x128xi32, #tpu.memory_space<vmem>>
      %dma_wait3A_515 = tpu.memref_squeeze %dma_wait3A_514 : memref<1x128xi32, #tpu.memory_space<vmem>> -> memref<128xi32, #tpu.memory_space<vmem>>
      %dma_wait3A_516 = arith.constant 0 : i32
      %dma_wait3A_517 = arith.constant 0 : i32
      %dma_wait3A_518 = tpu.memref_slice %arg2[%dma_wait3A_516, %dma_wait3A_517] : memref<10112x144xf32, #tpu.memory_space<hbm>> -> memref<10112x144xf32, #tpu.memory_space<hbm>>
      tpu.wait_indirect_dma semaphore(%arg12 : memref<!tpu.dma_semaphore, #tpu.memory_space<semaphore_mem>>) src(%dma_wait3A_518 : memref<10112x144xf32, #tpu.memory_space<hbm>>) dst(%arg8 : memref<128x144xf32, #tpu.memory_space<vmem>>)
      %dma_wait3A_519 = arith.constant 1 : i32
      %dma_wait3A_520 = arith.constant 0 : i32
      %dma_wait3A_521 = tpu.memref_slice %arg7[%dma_wait3A_519, %dma_wait3A_520] : memref<8x128xi32, #tpu.memory_space<vmem>> -> memref<1x128xi32, #tpu.memory_space<vmem>>
      %dma_wait3A_522 = tpu.memref_squeeze %dma_wait3A_521 : memref<1x128xi32, #tpu.memory_space<vmem>> -> memref<128xi32, #tpu.memory_space<vmem>>
      %dma_wait3A_523 = arith.constant 0 : i32
      %dma_wait3A_524 = arith.constant 0 : i32
      %dma_wait3A_525 = tpu.memref_slice %arg11[%dma_wait3A_523, %dma_wait3A_524] : memref<10112x144xf32, #tpu.memory_space<vmem_shared>> -> memref<10112x144xf32, #tpu.memory_space<vmem_shared>>
      tpu.wait_indirect_dma semaphore(%arg15 : memref<!tpu.dma_semaphore, #tpu.memory_space<semaphore_mem>>) src(%arg9 : memref<128x144xf32, #tpu.memory_space<vmem>>) dst(%dma_wait3A_525 : memref<10112x144xf32, #tpu.memory_space<vmem_shared>>)
      %dma_start3A_526 = arith.constant 3 : i32
      %dma_start3A_527 = arith.constant 0 : i32
      %dma_start3A_528 = tpu.memref_slice %arg6[%dma_start3A_526, %dma_start3A_527] : memref<8x128xi32, #tpu.memory_space<vmem>> -> memref<1x128xi32, #tpu.memory_space<vmem>>
      %dma_start3A_529 = tpu.memref_squeeze %dma_start3A_528 : memref<1x128xi32, #tpu.memory_space<vmem>> -> memref<128xi32, #tpu.memory_space<vmem>>
      %dma_start3A_530 = arith.constant 0 : i32
      %dma_start3A_531 = arith.constant 0 : i32
      %dma_start3A_532 = tpu.memref_slice %arg2[%dma_start3A_530, %dma_start3A_531] : memref<10112x144xf32, #tpu.memory_space<hbm>> -> memref<10112x144xf32, #tpu.memory_space<hbm>>
      tpu.enqueue_indirect_dma source(%dma_start3A_532 : memref<10112x144xf32, #tpu.memory_space<hbm>>) target(%arg9 : memref<128x144xf32, #tpu.memory_space<vmem>>) offsets(%dma_start3A_529 : memref<128xi32, #tpu.memory_space<vmem>>) semaphore(%arg13 : memref<!tpu.dma_semaphore, #tpu.memory_space<semaphore_mem>>)
      %dma_start3A_533 = arith.constant 2 : i32
      %dma_start3A_534 = arith.constant 0 : i32
      %dma_start3A_535 = tpu.memref_slice %arg7[%dma_start3A_533, %dma_start3A_534] : memref<8x128xi32, #tpu.memory_space<vmem>> -> memref<1x128xi32, #tpu.memory_space<vmem>>
      %dma_start3A_536 = tpu.memref_squeeze %dma_start3A_535 : memref<1x128xi32, #tpu.memory_space<vmem>> -> memref<128xi32, #tpu.memory_space<vmem>>
      %dma_start3A_537 = arith.constant 0 : i32
      %dma_start3A_538 = arith.constant 0 : i32
      %dma_start3A_539 = tpu.memref_slice %arg11[%dma_start3A_537, %dma_start3A_538] : memref<10112x144xf32, #tpu.memory_space<vmem_shared>> -> memref<10112x144xf32, #tpu.memory_space<vmem_shared>>
      tpu.enqueue_indirect_dma source(%arg8 : memref<128x144xf32, #tpu.memory_space<vmem>>) target(%dma_start3A_539 : memref<10112x144xf32, #tpu.memory_space<vmem_shared>>) offsets(%dma_start3A_536 : memref<128xi32, #tpu.memory_space<vmem>>) semaphore(%arg14 : memref<!tpu.dma_semaphore, #tpu.memory_space<semaphore_mem>>) {add = true}
      %dma_wait3A_540 = arith.constant 3 : i32
      %dma_wait3A_541 = arith.constant 0 : i32
      %dma_wait3A_542 = tpu.memref_slice %arg6[%dma_wait3A_540, %dma_wait3A_541] : memref<8x128xi32, #tpu.memory_space<vmem>> -> memref<1x128xi32, #tpu.memory_space<vmem>>
      %dma_wait3A_543 = tpu.memref_squeeze %dma_wait3A_542 : memref<1x128xi32, #tpu.memory_space<vmem>> -> memref<128xi32, #tpu.memory_space<vmem>>
      %dma_wait3A_544 = arith.constant 0 : i32
      %dma_wait3A_545 = arith.constant 0 : i32
      %dma_wait3A_546 = tpu.memref_slice %arg2[%dma_wait3A_544, %dma_wait3A_545] : memref<10112x144xf32, #tpu.memory_space<hbm>> -> memref<10112x144xf32, #tpu.memory_space<hbm>>
      tpu.wait_indirect_dma semaphore(%arg13 : memref<!tpu.dma_semaphore, #tpu.memory_space<semaphore_mem>>) src(%dma_wait3A_546 : memref<10112x144xf32, #tpu.memory_space<hbm>>) dst(%arg9 : memref<128x144xf32, #tpu.memory_space<vmem>>)
      %dma_wait3A_547 = arith.constant 2 : i32
      %dma_wait3A_548 = arith.constant 0 : i32
      %dma_wait3A_549 = tpu.memref_slice %arg7[%dma_wait3A_547, %dma_wait3A_548] : memref<8x128xi32, #tpu.memory_space<vmem>> -> memref<1x128xi32, #tpu.memory_space<vmem>>
      %dma_wait3A_550 = tpu.memref_squeeze %dma_wait3A_549 : memref<1x128xi32, #tpu.memory_space<vmem>> -> memref<128xi32, #tpu.memory_space<vmem>>
      %dma_wait3A_551 = arith.constant 0 : i32
      %dma_wait3A_552 = arith.constant 0 : i32
      %dma_wait3A_553 = tpu.memref_slice %arg11[%dma_wait3A_551, %dma_wait3A_552] : memref<10112x144xf32, #tpu.memory_space<vmem_shared>> -> memref<10112x144xf32, #tpu.memory_space<vmem_shared>>
      tpu.wait_indirect_dma semaphore(%arg14 : memref<!tpu.dma_semaphore, #tpu.memory_space<semaphore_mem>>) src(%arg8 : memref<128x144xf32, #tpu.memory_space<vmem>>) dst(%dma_wait3A_553 : memref<10112x144xf32, #tpu.memory_space<vmem_shared>>)
      %dma_start3A_554 = arith.constant 4 : i32
      %dma_start3A_555 = arith.constant 0 : i32
      %dma_start3A_556 = tpu.memref_slice %arg6[%dma_start3A_554, %dma_start3A_555] : memref<8x128xi32, #tpu.memory_space<vmem>> -> memref<1x128xi32, #tpu.memory_space<vmem>>
      %dma_start3A_557 = tpu.memref_squeeze %dma_start3A_556 : memref<1x128xi32, #tpu.memory_space<vmem>> -> memref<128xi32, #tpu.memory_space<vmem>>
      %dma_start3A_558 = arith.constant 0 : i32
      %dma_start3A_559 = arith.constant 0 : i32
      %dma_start3A_560 = tpu.memref_slice %arg2[%dma_start3A_558, %dma_start3A_559] : memref<10112x144xf32, #tpu.memory_space<hbm>> -> memref<10112x144xf32, #tpu.memory_space<hbm>>
      tpu.enqueue_indirect_dma source(%dma_start3A_560 : memref<10112x144xf32, #tpu.memory_space<hbm>>) target(%arg8 : memref<128x144xf32, #tpu.memory_space<vmem>>) offsets(%dma_start3A_557 : memref<128xi32, #tpu.memory_space<vmem>>) semaphore(%arg12 : memref<!tpu.dma_semaphore, #tpu.memory_space<semaphore_mem>>)
      %dma_start3A_561 = arith.constant 3 : i32
      %dma_start3A_562 = arith.constant 0 : i32
      %dma_start3A_563 = tpu.memref_slice %arg7[%dma_start3A_561, %dma_start3A_562] : memref<8x128xi32, #tpu.memory_space<vmem>> -> memref<1x128xi32, #tpu.memory_space<vmem>>
      %dma_start3A_564 = tpu.memref_squeeze %dma_start3A_563 : memref<1x128xi32, #tpu.memory_space<vmem>> -> memref<128xi32, #tpu.memory_space<vmem>>
      %dma_start3A_565 = arith.constant 0 : i32
      %dma_start3A_566 = arith.constant 0 : i32
      %dma_start3A_567 = tpu.memref_slice %arg11[%dma_start3A_565, %dma_start3A_566] : memref<10112x144xf32, #tpu.memory_space<vmem_shared>> -> memref<10112x144xf32, #tpu.memory_space<vmem_shared>>
      tpu.enqueue_indirect_dma source(%arg9 : memref<128x144xf32, #tpu.memory_space<vmem>>) target(%dma_start3A_567 : memref<10112x144xf32, #tpu.memory_space<vmem_shared>>) offsets(%dma_start3A_564 : memref<128xi32, #tpu.memory_space<vmem>>) semaphore(%arg15 : memref<!tpu.dma_semaphore, #tpu.memory_space<semaphore_mem>>) {add = true}
      %dma_wait3A_568 = arith.constant 4 : i32
      %dma_wait3A_569 = arith.constant 0 : i32
      %dma_wait3A_570 = tpu.memref_slice %arg6[%dma_wait3A_568, %dma_wait3A_569] : memref<8x128xi32, #tpu.memory_space<vmem>> -> memref<1x128xi32, #tpu.memory_space<vmem>>
      %dma_wait3A_571 = tpu.memref_squeeze %dma_wait3A_570 : memref<1x128xi32, #tpu.memory_space<vmem>> -> memref<128xi32, #tpu.memory_space<vmem>>
      %dma_wait3A_572 = arith.constant 0 : i32
      %dma_wait3A_573 = arith.constant 0 : i32
      %dma_wait3A_574 = tpu.memref_slice %arg2[%dma_wait3A_572, %dma_wait3A_573] : memref<10112x144xf32, #tpu.memory_space<hbm>> -> memref<10112x144xf32, #tpu.memory_space<hbm>>
      tpu.wait_indirect_dma semaphore(%arg12 : memref<!tpu.dma_semaphore, #tpu.memory_space<semaphore_mem>>) src(%dma_wait3A_574 : memref<10112x144xf32, #tpu.memory_space<hbm>>) dst(%arg8 : memref<128x144xf32, #tpu.memory_space<vmem>>)
      %dma_wait3A_575 = arith.constant 3 : i32
      %dma_wait3A_576 = arith.constant 0 : i32
      %dma_wait3A_577 = tpu.memref_slice %arg7[%dma_wait3A_575, %dma_wait3A_576] : memref<8x128xi32, #tpu.memory_space<vmem>> -> memref<1x128xi32, #tpu.memory_space<vmem>>
      %dma_wait3A_578 = tpu.memref_squeeze %dma_wait3A_577 : memref<1x128xi32, #tpu.memory_space<vmem>> -> memref<128xi32, #tpu.memory_space<vmem>>
      %dma_wait3A_579 = arith.constant 0 : i32
      %dma_wait3A_580 = arith.constant 0 : i32
      %dma_wait3A_581 = tpu.memref_slice %arg11[%dma_wait3A_579, %dma_wait3A_580] : memref<10112x144xf32, #tpu.memory_space<vmem_shared>> -> memref<10112x144xf32, #tpu.memory_space<vmem_shared>>
      tpu.wait_indirect_dma semaphore(%arg15 : memref<!tpu.dma_semaphore, #tpu.memory_space<semaphore_mem>>) src(%arg9 : memref<128x144xf32, #tpu.memory_space<vmem>>) dst(%dma_wait3A_581 : memref<10112x144xf32, #tpu.memory_space<vmem_shared>>)
      %dma_start3A_582 = arith.constant 5 : i32
      %dma_start3A_583 = arith.constant 0 : i32
      %dma_start3A_584 = tpu.memref_slice %arg6[%dma_start3A_582, %dma_start3A_583] : memref<8x128xi32, #tpu.memory_space<vmem>> -> memref<1x128xi32, #tpu.memory_space<vmem>>
      %dma_start3A_585 = tpu.memref_squeeze %dma_start3A_584 : memref<1x128xi32, #tpu.memory_space<vmem>> -> memref<128xi32, #tpu.memory_space<vmem>>
      %dma_start3A_586 = arith.constant 0 : i32
      %dma_start3A_587 = arith.constant 0 : i32
      %dma_start3A_588 = tpu.memref_slice %arg2[%dma_start3A_586, %dma_start3A_587] : memref<10112x144xf32, #tpu.memory_space<hbm>> -> memref<10112x144xf32, #tpu.memory_space<hbm>>
      tpu.enqueue_indirect_dma source(%dma_start3A_588 : memref<10112x144xf32, #tpu.memory_space<hbm>>) target(%arg9 : memref<128x144xf32, #tpu.memory_space<vmem>>) offsets(%dma_start3A_585 : memref<128xi32, #tpu.memory_space<vmem>>) semaphore(%arg13 : memref<!tpu.dma_semaphore, #tpu.memory_space<semaphore_mem>>)
      %dma_start3A_589 = arith.constant 4 : i32
      %dma_start3A_590 = arith.constant 0 : i32
      %dma_start3A_591 = tpu.memref_slice %arg7[%dma_start3A_589, %dma_start3A_590] : memref<8x128xi32, #tpu.memory_space<vmem>> -> memref<1x128xi32, #tpu.memory_space<vmem>>
      %dma_start3A_592 = tpu.memref_squeeze %dma_start3A_591 : memref<1x128xi32, #tpu.memory_space<vmem>> -> memref<128xi32, #tpu.memory_space<vmem>>
      %dma_start3A_593 = arith.constant 0 : i32
      %dma_start3A_594 = arith.constant 0 : i32
      %dma_start3A_595 = tpu.memref_slice %arg11[%dma_start3A_593, %dma_start3A_594] : memref<10112x144xf32, #tpu.memory_space<vmem_shared>> -> memref<10112x144xf32, #tpu.memory_space<vmem_shared>>
      tpu.enqueue_indirect_dma source(%arg8 : memref<128x144xf32, #tpu.memory_space<vmem>>) target(%dma_start3A_595 : memref<10112x144xf32, #tpu.memory_space<vmem_shared>>) offsets(%dma_start3A_592 : memref<128xi32, #tpu.memory_space<vmem>>) semaphore(%arg14 : memref<!tpu.dma_semaphore, #tpu.memory_space<semaphore_mem>>) {add = true}
      %dma_wait3A_596 = arith.constant 5 : i32
      %dma_wait3A_597 = arith.constant 0 : i32
      %dma_wait3A_598 = tpu.memref_slice %arg6[%dma_wait3A_596, %dma_wait3A_597] : memref<8x128xi32, #tpu.memory_space<vmem>> -> memref<1x128xi32, #tpu.memory_space<vmem>>
      %dma_wait3A_599 = tpu.memref_squeeze %dma_wait3A_598 : memref<1x128xi32, #tpu.memory_space<vmem>> -> memref<128xi32, #tpu.memory_space<vmem>>
      %dma_wait3A_600 = arith.constant 0 : i32
      %dma_wait3A_601 = arith.constant 0 : i32
      %dma_wait3A_602 = tpu.memref_slice %arg2[%dma_wait3A_600, %dma_wait3A_601] : memref<10112x144xf32, #tpu.memory_space<hbm>> -> memref<10112x144xf32, #tpu.memory_space<hbm>>
      tpu.wait_indirect_dma semaphore(%arg13 : memref<!tpu.dma_semaphore, #tpu.memory_space<semaphore_mem>>) src(%dma_wait3A_602 : memref<10112x144xf32, #tpu.memory_space<hbm>>) dst(%arg9 : memref<128x144xf32, #tpu.memory_space<vmem>>)
      %dma_wait3A_603 = arith.constant 4 : i32
      %dma_wait3A_604 = arith.constant 0 : i32
      %dma_wait3A_605 = tpu.memref_slice %arg7[%dma_wait3A_603, %dma_wait3A_604] : memref<8x128xi32, #tpu.memory_space<vmem>> -> memref<1x128xi32, #tpu.memory_space<vmem>>
      %dma_wait3A_606 = tpu.memref_squeeze %dma_wait3A_605 : memref<1x128xi32, #tpu.memory_space<vmem>> -> memref<128xi32, #tpu.memory_space<vmem>>
      %dma_wait3A_607 = arith.constant 0 : i32
      %dma_wait3A_608 = arith.constant 0 : i32
      %dma_wait3A_609 = tpu.memref_slice %arg11[%dma_wait3A_607, %dma_wait3A_608] : memref<10112x144xf32, #tpu.memory_space<vmem_shared>> -> memref<10112x144xf32, #tpu.memory_space<vmem_shared>>
      tpu.wait_indirect_dma semaphore(%arg14 : memref<!tpu.dma_semaphore, #tpu.memory_space<semaphore_mem>>) src(%arg8 : memref<128x144xf32, #tpu.memory_space<vmem>>) dst(%dma_wait3A_609 : memref<10112x144xf32, #tpu.memory_space<vmem_shared>>)
      %dma_start3A_610 = arith.constant 6 : i32
      %dma_start3A_611 = arith.constant 0 : i32
      %dma_start3A_612 = tpu.memref_slice %arg6[%dma_start3A_610, %dma_start3A_611] : memref<8x128xi32, #tpu.memory_space<vmem>> -> memref<1x128xi32, #tpu.memory_space<vmem>>
      %dma_start3A_613 = tpu.memref_squeeze %dma_start3A_612 : memref<1x128xi32, #tpu.memory_space<vmem>> -> memref<128xi32, #tpu.memory_space<vmem>>
      %dma_start3A_614 = arith.constant 0 : i32
      %dma_start3A_615 = arith.constant 0 : i32
      %dma_start3A_616 = tpu.memref_slice %arg2[%dma_start3A_614, %dma_start3A_615] : memref<10112x144xf32, #tpu.memory_space<hbm>> -> memref<10112x144xf32, #tpu.memory_space<hbm>>
      tpu.enqueue_indirect_dma source(%dma_start3A_616 : memref<10112x144xf32, #tpu.memory_space<hbm>>) target(%arg8 : memref<128x144xf32, #tpu.memory_space<vmem>>) offsets(%dma_start3A_613 : memref<128xi32, #tpu.memory_space<vmem>>) semaphore(%arg12 : memref<!tpu.dma_semaphore, #tpu.memory_space<semaphore_mem>>)
      %dma_start3A_617 = arith.constant 5 : i32
      %dma_start3A_618 = arith.constant 0 : i32
      %dma_start3A_619 = tpu.memref_slice %arg7[%dma_start3A_617, %dma_start3A_618] : memref<8x128xi32, #tpu.memory_space<vmem>> -> memref<1x128xi32, #tpu.memory_space<vmem>>
      %dma_start3A_620 = tpu.memref_squeeze %dma_start3A_619 : memref<1x128xi32, #tpu.memory_space<vmem>> -> memref<128xi32, #tpu.memory_space<vmem>>
      %dma_start3A_621 = arith.constant 0 : i32
      %dma_start3A_622 = arith.constant 0 : i32
      %dma_start3A_623 = tpu.memref_slice %arg11[%dma_start3A_621, %dma_start3A_622] : memref<10112x144xf32, #tpu.memory_space<vmem_shared>> -> memref<10112x144xf32, #tpu.memory_space<vmem_shared>>
      tpu.enqueue_indirect_dma source(%arg9 : memref<128x144xf32, #tpu.memory_space<vmem>>) target(%dma_start3A_623 : memref<10112x144xf32, #tpu.memory_space<vmem_shared>>) offsets(%dma_start3A_620 : memref<128xi32, #tpu.memory_space<vmem>>) semaphore(%arg15 : memref<!tpu.dma_semaphore, #tpu.memory_space<semaphore_mem>>) {add = true}
      %dma_wait3A_624 = arith.constant 6 : i32
      %dma_wait3A_625 = arith.constant 0 : i32
      %dma_wait3A_626 = tpu.memref_slice %arg6[%dma_wait3A_624, %dma_wait3A_625] : memref<8x128xi32, #tpu.memory_space<vmem>> -> memref<1x128xi32, #tpu.memory_space<vmem>>
      %dma_wait3A_627 = tpu.memref_squeeze %dma_wait3A_626 : memref<1x128xi32, #tpu.memory_space<vmem>> -> memref<128xi32, #tpu.memory_space<vmem>>
      %dma_wait3A_628 = arith.constant 0 : i32
      %dma_wait3A_629 = arith.constant 0 : i32
      %dma_wait3A_630 = tpu.memref_slice %arg2[%dma_wait3A_628, %dma_wait3A_629] : memref<10112x144xf32, #tpu.memory_space<hbm>> -> memref<10112x144xf32, #tpu.memory_space<hbm>>
      tpu.wait_indirect_dma semaphore(%arg12 : memref<!tpu.dma_semaphore, #tpu.memory_space<semaphore_mem>>) src(%dma_wait3A_630 : memref<10112x144xf32, #tpu.memory_space<hbm>>) dst(%arg8 : memref<128x144xf32, #tpu.memory_space<vmem>>)
      %dma_wait3A_631 = arith.constant 5 : i32
      %dma_wait3A_632 = arith.constant 0 : i32
      %dma_wait3A_633 = tpu.memref_slice %arg7[%dma_wait3A_631, %dma_wait3A_632] : memref<8x128xi32, #tpu.memory_space<vmem>> -> memref<1x128xi32, #tpu.memory_space<vmem>>
      %dma_wait3A_634 = tpu.memref_squeeze %dma_wait3A_633 : memref<1x128xi32, #tpu.memory_space<vmem>> -> memref<128xi32, #tpu.memory_space<vmem>>
      %dma_wait3A_635 = arith.constant 0 : i32
      %dma_wait3A_636 = arith.constant 0 : i32
      %dma_wait3A_637 = tpu.memref_slice %arg11[%dma_wait3A_635, %dma_wait3A_636] : memref<10112x144xf32, #tpu.memory_space<vmem_shared>> -> memref<10112x144xf32, #tpu.memory_space<vmem_shared>>
      tpu.wait_indirect_dma semaphore(%arg15 : memref<!tpu.dma_semaphore, #tpu.memory_space<semaphore_mem>>) src(%arg9 : memref<128x144xf32, #tpu.memory_space<vmem>>) dst(%dma_wait3A_637 : memref<10112x144xf32, #tpu.memory_space<vmem_shared>>)
      %dma_start3A_638 = arith.constant 7 : i32
      %dma_start3A_639 = arith.constant 0 : i32
      %dma_start3A_640 = tpu.memref_slice %arg6[%dma_start3A_638, %dma_start3A_639] : memref<8x128xi32, #tpu.memory_space<vmem>> -> memref<1x128xi32, #tpu.memory_space<vmem>>
      %dma_start3A_641 = tpu.memref_squeeze %dma_start3A_640 : memref<1x128xi32, #tpu.memory_space<vmem>> -> memref<128xi32, #tpu.memory_space<vmem>>
      %dma_start3A_642 = arith.constant 0 : i32
      %dma_start3A_643 = arith.constant 0 : i32
      %dma_start3A_644 = tpu.memref_slice %arg2[%dma_start3A_642, %dma_start3A_643] : memref<10112x144xf32, #tpu.memory_space<hbm>> -> memref<10112x144xf32, #tpu.memory_space<hbm>>
      tpu.enqueue_indirect_dma source(%dma_start3A_644 : memref<10112x144xf32, #tpu.memory_space<hbm>>) target(%arg9 : memref<128x144xf32, #tpu.memory_space<vmem>>) offsets(%dma_start3A_641 : memref<128xi32, #tpu.memory_space<vmem>>) semaphore(%arg13 : memref<!tpu.dma_semaphore, #tpu.memory_space<semaphore_mem>>)
      %dma_start3A_645 = arith.constant 6 : i32
      %dma_start3A_646 = arith.constant 0 : i32
      %dma_start3A_647 = tpu.memref_slice %arg7[%dma_start3A_645, %dma_start3A_646] : memref<8x128xi32, #tpu.memory_space<vmem>> -> memref<1x128xi32, #tpu.memory_space<vmem>>
      %dma_start3A_648 = tpu.memref_squeeze %dma_start3A_647 : memref<1x128xi32, #tpu.memory_space<vmem>> -> memref<128xi32, #tpu.memory_space<vmem>>
      %dma_start3A_649 = arith.constant 0 : i32
      %dma_start3A_650 = arith.constant 0 : i32
      %dma_start3A_651 = tpu.memref_slice %arg11[%dma_start3A_649, %dma_start3A_650] : memref<10112x144xf32, #tpu.memory_space<vmem_shared>> -> memref<10112x144xf32, #tpu.memory_space<vmem_shared>>
      tpu.enqueue_indirect_dma source(%arg8 : memref<128x144xf32, #tpu.memory_space<vmem>>) target(%dma_start3A_651 : memref<10112x144xf32, #tpu.memory_space<vmem_shared>>) offsets(%dma_start3A_648 : memref<128xi32, #tpu.memory_space<vmem>>) semaphore(%arg14 : memref<!tpu.dma_semaphore, #tpu.memory_space<semaphore_mem>>) {add = true}
      %dma_wait3A_652 = arith.constant 7 : i32
      %dma_wait3A_653 = arith.constant 0 : i32
      %dma_wait3A_654 = tpu.memref_slice %arg6[%dma_wait3A_652, %dma_wait3A_653] : memref<8x128xi32, #tpu.memory_space<vmem>> -> memref<1x128xi32, #tpu.memory_space<vmem>>
      %dma_wait3A_655 = tpu.memref_squeeze %dma_wait3A_654 : memref<1x128xi32, #tpu.memory_space<vmem>> -> memref<128xi32, #tpu.memory_space<vmem>>
      %dma_wait3A_656 = arith.constant 0 : i32
      %dma_wait3A_657 = arith.constant 0 : i32
      %dma_wait3A_658 = tpu.memref_slice %arg2[%dma_wait3A_656, %dma_wait3A_657] : memref<10112x144xf32, #tpu.memory_space<hbm>> -> memref<10112x144xf32, #tpu.memory_space<hbm>>
      tpu.wait_indirect_dma semaphore(%arg13 : memref<!tpu.dma_semaphore, #tpu.memory_space<semaphore_mem>>) src(%dma_wait3A_658 : memref<10112x144xf32, #tpu.memory_space<hbm>>) dst(%arg9 : memref<128x144xf32, #tpu.memory_space<vmem>>)
      %dma_start3A_659 = arith.constant 7 : i32
      %dma_start3A_660 = arith.constant 0 : i32
      %dma_start3A_661 = tpu.memref_slice %arg7[%dma_start3A_659, %dma_start3A_660] : memref<8x128xi32, #tpu.memory_space<vmem>> -> memref<1x128xi32, #tpu.memory_space<vmem>>
      %dma_start3A_662 = tpu.memref_squeeze %dma_start3A_661 : memref<1x128xi32, #tpu.memory_space<vmem>> -> memref<128xi32, #tpu.memory_space<vmem>>
      %dma_start3A_663 = arith.constant 0 : i32
      %dma_start3A_664 = arith.constant 0 : i32
      %dma_start3A_665 = tpu.memref_slice %arg11[%dma_start3A_663, %dma_start3A_664] : memref<10112x144xf32, #tpu.memory_space<vmem_shared>> -> memref<10112x144xf32, #tpu.memory_space<vmem_shared>>
      tpu.enqueue_indirect_dma source(%arg9 : memref<128x144xf32, #tpu.memory_space<vmem>>) target(%dma_start3A_665 : memref<10112x144xf32, #tpu.memory_space<vmem_shared>>) offsets(%dma_start3A_662 : memref<128xi32, #tpu.memory_space<vmem>>) semaphore(%arg15 : memref<!tpu.dma_semaphore, #tpu.memory_space<semaphore_mem>>) {add = true}
      %dma_wait3A_666 = arith.constant 6 : i32
      %dma_wait3A_667 = arith.constant 0 : i32
      %dma_wait3A_668 = tpu.memref_slice %arg7[%dma_wait3A_666, %dma_wait3A_667] : memref<8x128xi32, #tpu.memory_space<vmem>> -> memref<1x128xi32, #tpu.memory_space<vmem>>
      %dma_wait3A_669 = tpu.memref_squeeze %dma_wait3A_668 : memref<1x128xi32, #tpu.memory_space<vmem>> -> memref<128xi32, #tpu.memory_space<vmem>>
      %dma_wait3A_670 = arith.constant 0 : i32
      %dma_wait3A_671 = arith.constant 0 : i32
      %dma_wait3A_672 = tpu.memref_slice %arg11[%dma_wait3A_670, %dma_wait3A_671] : memref<10112x144xf32, #tpu.memory_space<vmem_shared>> -> memref<10112x144xf32, #tpu.memory_space<vmem_shared>>
      tpu.wait_indirect_dma semaphore(%arg14 : memref<!tpu.dma_semaphore, #tpu.memory_space<semaphore_mem>>) src(%arg8 : memref<128x144xf32, #tpu.memory_space<vmem>>) dst(%dma_wait3A_672 : memref<10112x144xf32, #tpu.memory_space<vmem_shared>>)
      %dma_wait3A_673 = arith.constant 7 : i32
      %dma_wait3A_674 = arith.constant 0 : i32
      %dma_wait3A_675 = tpu.memref_slice %arg7[%dma_wait3A_673, %dma_wait3A_674] : memref<8x128xi32, #tpu.memory_space<vmem>> -> memref<1x128xi32, #tpu.memory_space<vmem>>
      %dma_wait3A_676 = tpu.memref_squeeze %dma_wait3A_675 : memref<1x128xi32, #tpu.memory_space<vmem>> -> memref<128xi32, #tpu.memory_space<vmem>>
      %dma_wait3A_677 = arith.constant 0 : i32
      %dma_wait3A_678 = arith.constant 0 : i32
      %dma_wait3A_679 = tpu.memref_slice %arg11[%dma_wait3A_677, %dma_wait3A_678] : memref<10112x144xf32, #tpu.memory_space<vmem_shared>> -> memref<10112x144xf32, #tpu.memory_space<vmem_shared>>
      tpu.wait_indirect_dma semaphore(%arg15 : memref<!tpu.dma_semaphore, #tpu.memory_space<semaphore_mem>>) src(%arg9 : memref<128x144xf32, #tpu.memory_space<vmem>>) dst(%dma_wait3A_679 : memref<10112x144xf32, #tpu.memory_space<vmem_shared>>)
    }
    %barrier3A_451 = arith.constant 0 : index
    tpu.barrier barrier_id(%barrier3A_451)
    %mul3A_452 = arith.constant 632 : i32
    %mul3A_453 = arith.muli %arg1, %mul3A_452 : i32
    "tpu.region"() ({
      %run_scoped3A = tpu.sem_alloc : memref<!tpu.dma_semaphore, #tpu.memory_space<semaphore_mem>>
      %dma_start3A = arith.constant 0 : i32
      %dma_start3A_454 = arith.constant 0 : i32
      %dma_start3A_455 = tpu.memref_slice %arg5[%arg0, %dma_start3A, %dma_start3A_454] : memref<2x10112x144xf32, #tpu.memory_space<hbm>> -> memref<1x10112x144xf32, #tpu.memory_space<hbm>>
      %dma_start3A_456 = tpu.memref_squeeze %dma_start3A_455 : memref<1x10112x144xf32, #tpu.memory_space<hbm>> -> memref<10112x144xf32, #tpu.memory_space<hbm>>
      %dma_start3A_457 = arith.constant 0 : i32
      %dma_start3A_458 = tpu.memref_slice %dma_start3A_456[%mul3A_453, %dma_start3A_457] : memref<10112x144xf32, #tpu.memory_space<hbm>> -> memref<632x144xf32, #tpu.memory_space<hbm>>
      %dma_start3A_459 = arith.constant 0 : i32
      %dma_start3A_460 = tpu.memref_slice %arg11[%mul3A_453, %dma_start3A_459] : memref<10112x144xf32, #tpu.memory_space<vmem_shared>> -> memref<632x144xf32, #tpu.memory_space<vmem_shared>>
      tpu.enqueue_dma source(%dma_start3A_460 : memref<632x144xf32, #tpu.memory_space<vmem_shared>>) target(%dma_start3A_458 : memref<632x144xf32, #tpu.memory_space<hbm>>) target_semaphore(%run_scoped3A : memref<!tpu.dma_semaphore, #tpu.memory_space<semaphore_mem>>)
      %dma_wait3A = arith.constant 0 : i32
      %dma_wait3A_461 = arith.constant 0 : i32
      %dma_wait3A_462 = tpu.memref_slice %arg5[%arg0, %dma_wait3A, %dma_wait3A_461] : memref<2x10112x144xf32, #tpu.memory_space<hbm>> -> memref<1x10112x144xf32, #tpu.memory_space<hbm>>
      %dma_wait3A_463 = tpu.memref_squeeze %dma_wait3A_462 : memref<1x10112x144xf32, #tpu.memory_space<hbm>> -> memref<10112x144xf32, #tpu.memory_space<hbm>>
      %dma_wait3A_464 = arith.constant 0 : i32
      %dma_wait3A_465 = tpu.memref_slice %dma_wait3A_463[%mul3A_453, %dma_wait3A_464] : memref<10112x144xf32, #tpu.memory_space<hbm>> -> memref<632x144xf32, #tpu.memory_space<hbm>>
      %dma_wait3A_466 = arith.constant 0 : i32
      %dma_wait3A_467 = tpu.memref_slice %arg11[%mul3A_453, %dma_wait3A_466] : memref<10112x144xf32, #tpu.memory_space<vmem_shared>> -> memref<632x144xf32, #tpu.memory_space<vmem_shared>>
      tpu.wait_dma2 semaphore(%run_scoped3A : memref<!tpu.dma_semaphore, #tpu.memory_space<semaphore_mem>>) src(%dma_wait3A_467 : memref<632x144xf32, #tpu.memory_space<vmem_shared>>) dst(%dma_wait3A_465 : memref<632x144xf32, #tpu.memory_space<hbm>>)
      tpu.yield
    }) : () -> ()
    return
  }
}

#map = affine_map<(d0, d1) -> (0, 0)>
#map1 = affine_map<(d0, d1) -> (0, 0, 0)>
module attributes {stable_mosaic.version = 14 : i64} {
  func.func @body(%arg0: i32, %arg1: i32, %arg2: memref<10112x128xf32, #tpu.memory_space<hbm>>, %arg3: memref<2560x128xi32, #tpu.memory_space<hbm>>, %arg4: memref<2560x128xi32, #tpu.memory_space<hbm>>, %arg5: memref<2x10112x128xf32, #tpu.memory_space<hbm>>, %arg6: memref<8x128xi32, #tpu.memory_space<vmem>>, %arg7: memref<8x128xi32, #tpu.memory_space<vmem>>, %arg8: memref<128x128xf32, #tpu.memory_space<vmem>>, %arg9: memref<128x128xf32, #tpu.memory_space<vmem>>, %arg10: memref<8x128xf32, #tpu.memory_space<vmem>>, %arg11: memref<10112x128xf32, #tpu.memory_space<vmem_shared>>, %arg12: memref<!tpu.dma_semaphore, #tpu.memory_space<semaphore_mem>>, %arg13: memref<!tpu.dma_semaphore, #tpu.memory_space<semaphore_mem>>, %arg14: memref<!tpu.dma_semaphore, #tpu.memory_space<semaphore_mem>>, %arg15: memref<!tpu.dma_semaphore, #tpu.memory_space<semaphore_mem>>) attributes {dimension_semantics = [#tpu.dimension_semantics<core_parallel>, #tpu.dimension_semantics<subcore_parallel>], iteration_bounds = array<i64: 2, 16>, scalar_prefetch = 0 : i64, scratch_operands = 10 : i64, tpu.core_type = #tpu.core_type<sc_vector_subcore>, window_params = [{transform_indices = #map}, {transform_indices = #map}, {transform_indices = #map}, {transform_indices = #map1}]} {
    %mul3A = arith.constant 160 : i32
    %mul3A_0 = arith.muli %arg1, %mul3A : i32
    %mul3A_1 = arith.constant 120 : i32
    %mul3A_2 = arith.muli %arg0, %mul3A_1 : i32
    %add3A = arith.addi %mul3A_0, %mul3A_2 : i32
    %eq3A = arith.constant 0 : i32
    %eq3A_3 = arith.cmpi eq, %arg0, %eq3A : i32
    %jit3A = arith.constant 15 : i32
    %jit3A_4 = arith.constant 5 : i32
    %select_n3A = arith.select %eq3A_3, %jit3A, %jit3A_4 : i32
    %broadcast_in_dim3A = arith.constant 0.000000e+00 : f32
    %broadcast_in_dim3A_5 = vector.broadcast %broadcast_in_dim3A : f32 to vector<16xf32>
    %swap3A = arith.constant 0 : i32
    %swap3A_6 = arith.index_cast %swap3A : i32 to index
    %swap3A_7 = arith.constant 0 : index
    %swap3A_8 = tpu.vector_load %arg10[%swap3A_6, %swap3A_7] {strides = array<i32>} : memref<8x128xf32, #tpu.memory_space<vmem>>, vector<1x16xf32>,
    %swap3A_9 = vector.shape_cast %swap3A_8 : vector<1x16xf32> to vector<16xf32>
    %swap3A_10 = vector.shape_cast %broadcast_in_dim3A_5 : vector<16xf32> to vector<1x16xf32>
    tpu.vector_store %arg10[%swap3A_6, %swap3A_7], %swap3A_10 {strides = array<i32>} : memref<8x128xf32, #tpu.memory_space<vmem>>, vector<1x16xf32>,
    %swap3A_11 = arith.constant 0 : i32
    %swap3A_12 = arith.index_cast %swap3A_11 : i32 to index
    %swap3A_13 = arith.constant 16 : index
    %swap3A_14 = tpu.vector_load %arg10[%swap3A_12, %swap3A_13] {strides = array<i32>} : memref<8x128xf32, #tpu.memory_space<vmem>>, vector<1x16xf32>,
    %swap3A_15 = vector.shape_cast %swap3A_14 : vector<1x16xf32> to vector<16xf32>
    %swap3A_16 = vector.shape_cast %broadcast_in_dim3A_5 : vector<16xf32> to vector<1x16xf32>
    tpu.vector_store %arg10[%swap3A_12, %swap3A_13], %swap3A_16 {strides = array<i32>} : memref<8x128xf32, #tpu.memory_space<vmem>>, vector<1x16xf32>,
    %swap3A_17 = arith.constant 0 : i32
    %swap3A_18 = arith.index_cast %swap3A_17 : i32 to index
    %swap3A_19 = arith.constant 32 : index
    %swap3A_20 = tpu.vector_load %arg10[%swap3A_18, %swap3A_19] {strides = array<i32>} : memref<8x128xf32, #tpu.memory_space<vmem>>, vector<1x16xf32>,
    %swap3A_21 = vector.shape_cast %swap3A_20 : vector<1x16xf32> to vector<16xf32>
    %swap3A_22 = vector.shape_cast %broadcast_in_dim3A_5 : vector<16xf32> to vector<1x16xf32>
    tpu.vector_store %arg10[%swap3A_18, %swap3A_19], %swap3A_22 {strides = array<i32>} : memref<8x128xf32, #tpu.memory_space<vmem>>, vector<1x16xf32>,
    %swap3A_23 = arith.constant 0 : i32
    %swap3A_24 = arith.index_cast %swap3A_23 : i32 to index
    %swap3A_25 = arith.constant 48 : index
    %swap3A_26 = tpu.vector_load %arg10[%swap3A_24, %swap3A_25] {strides = array<i32>} : memref<8x128xf32, #tpu.memory_space<vmem>>, vector<1x16xf32>,
    %swap3A_27 = vector.shape_cast %swap3A_26 : vector<1x16xf32> to vector<16xf32>
    %swap3A_28 = vector.shape_cast %broadcast_in_dim3A_5 : vector<16xf32> to vector<1x16xf32>
    tpu.vector_store %arg10[%swap3A_24, %swap3A_25], %swap3A_28 {strides = array<i32>} : memref<8x128xf32, #tpu.memory_space<vmem>>, vector<1x16xf32>,
    %swap3A_29 = arith.constant 0 : i32
    %swap3A_30 = arith.index_cast %swap3A_29 : i32 to index
    %swap3A_31 = arith.constant 64 : index
    %swap3A_32 = tpu.vector_load %arg10[%swap3A_30, %swap3A_31] {strides = array<i32>} : memref<8x128xf32, #tpu.memory_space<vmem>>, vector<1x16xf32>,
    %swap3A_33 = vector.shape_cast %swap3A_32 : vector<1x16xf32> to vector<16xf32>
    %swap3A_34 = vector.shape_cast %broadcast_in_dim3A_5 : vector<16xf32> to vector<1x16xf32>
    tpu.vector_store %arg10[%swap3A_30, %swap3A_31], %swap3A_34 {strides = array<i32>} : memref<8x128xf32, #tpu.memory_space<vmem>>, vector<1x16xf32>,
    %swap3A_35 = arith.constant 0 : i32
    %swap3A_36 = arith.index_cast %swap3A_35 : i32 to index
    %swap3A_37 = arith.constant 80 : index
    %swap3A_38 = tpu.vector_load %arg10[%swap3A_36, %swap3A_37] {strides = array<i32>} : memref<8x128xf32, #tpu.memory_space<vmem>>, vector<1x16xf32>,
    %swap3A_39 = vector.shape_cast %swap3A_38 : vector<1x16xf32> to vector<16xf32>
    %swap3A_40 = vector.shape_cast %broadcast_in_dim3A_5 : vector<16xf32> to vector<1x16xf32>
    tpu.vector_store %arg10[%swap3A_36, %swap3A_37], %swap3A_40 {strides = array<i32>} : memref<8x128xf32, #tpu.memory_space<vmem>>, vector<1x16xf32>,
    %swap3A_41 = arith.constant 0 : i32
    %swap3A_42 = arith.index_cast %swap3A_41 : i32 to index
    %swap3A_43 = arith.constant 96 : index
    %swap3A_44 = tpu.vector_load %arg10[%swap3A_42, %swap3A_43] {strides = array<i32>} : memref<8x128xf32, #tpu.memory_space<vmem>>, vector<1x16xf32>,
    %swap3A_45 = vector.shape_cast %swap3A_44 : vector<1x16xf32> to vector<16xf32>
    %swap3A_46 = vector.shape_cast %broadcast_in_dim3A_5 : vector<16xf32> to vector<1x16xf32>
    tpu.vector_store %arg10[%swap3A_42, %swap3A_43], %swap3A_46 {strides = array<i32>} : memref<8x128xf32, #tpu.memory_space<vmem>>, vector<1x16xf32>,
    %swap3A_47 = arith.constant 0 : i32
    %swap3A_48 = arith.index_cast %swap3A_47 : i32 to index
    %swap3A_49 = arith.constant 112 : index
    %swap3A_50 = tpu.vector_load %arg10[%swap3A_48, %swap3A_49] {strides = array<i32>} : memref<8x128xf32, #tpu.memory_space<vmem>>, vector<1x16xf32>,
    %swap3A_51 = vector.shape_cast %swap3A_50 : vector<1x16xf32> to vector<16xf32>
    %swap3A_52 = vector.shape_cast %broadcast_in_dim3A_5 : vector<16xf32> to vector<1x16xf32>
    tpu.vector_store %arg10[%swap3A_48, %swap3A_49], %swap3A_52 {strides = array<i32>} : memref<8x128xf32, #tpu.memory_space<vmem>>, vector<1x16xf32>,
    %swap3A_53 = arith.constant 1 : i32
    %swap3A_54 = arith.index_cast %swap3A_53 : i32 to index
    %swap3A_55 = arith.constant 0 : index
    %swap3A_56 = tpu.vector_load %arg10[%swap3A_54, %swap3A_55] {strides = array<i32>} : memref<8x128xf32, #tpu.memory_space<vmem>>, vector<1x16xf32>,
    %swap3A_57 = vector.shape_cast %swap3A_56 : vector<1x16xf32> to vector<16xf32>
    %swap3A_58 = vector.shape_cast %broadcast_in_dim3A_5 : vector<16xf32> to vector<1x16xf32>
    tpu.vector_store %arg10[%swap3A_54, %swap3A_55], %swap3A_58 {strides = array<i32>} : memref<8x128xf32, #tpu.memory_space<vmem>>, vector<1x16xf32>,
    %swap3A_59 = arith.constant 1 : i32
    %swap3A_60 = arith.index_cast %swap3A_59 : i32 to index
    %swap3A_61 = arith.constant 16 : index
    %swap3A_62 = tpu.vector_load %arg10[%swap3A_60, %swap3A_61] {strides = array<i32>} : memref<8x128xf32, #tpu.memory_space<vmem>>, vector<1x16xf32>,
    %swap3A_63 = vector.shape_cast %swap3A_62 : vector<1x16xf32> to vector<16xf32>
    %swap3A_64 = vector.shape_cast %broadcast_in_dim3A_5 : vector<16xf32> to vector<1x16xf32>
    tpu.vector_store %arg10[%swap3A_60, %swap3A_61], %swap3A_64 {strides = array<i32>} : memref<8x128xf32, #tpu.memory_space<vmem>>, vector<1x16xf32>,
    %swap3A_65 = arith.constant 1 : i32
    %swap3A_66 = arith.index_cast %swap3A_65 : i32 to index
    %swap3A_67 = arith.constant 32 : index
    %swap3A_68 = tpu.vector_load %arg10[%swap3A_66, %swap3A_67] {strides = array<i32>} : memref<8x128xf32, #tpu.memory_space<vmem>>, vector<1x16xf32>,
    %swap3A_69 = vector.shape_cast %swap3A_68 : vector<1x16xf32> to vector<16xf32>
    %swap3A_70 = vector.shape_cast %broadcast_in_dim3A_5 : vector<16xf32> to vector<1x16xf32>
    tpu.vector_store %arg10[%swap3A_66, %swap3A_67], %swap3A_70 {strides = array<i32>} : memref<8x128xf32, #tpu.memory_space<vmem>>, vector<1x16xf32>,
    %swap3A_71 = arith.constant 1 : i32
    %swap3A_72 = arith.index_cast %swap3A_71 : i32 to index
    %swap3A_73 = arith.constant 48 : index
    %swap3A_74 = tpu.vector_load %arg10[%swap3A_72, %swap3A_73] {strides = array<i32>} : memref<8x128xf32, #tpu.memory_space<vmem>>, vector<1x16xf32>,
    %swap3A_75 = vector.shape_cast %swap3A_74 : vector<1x16xf32> to vector<16xf32>
    %swap3A_76 = vector.shape_cast %broadcast_in_dim3A_5 : vector<16xf32> to vector<1x16xf32>
    tpu.vector_store %arg10[%swap3A_72, %swap3A_73], %swap3A_76 {strides = array<i32>} : memref<8x128xf32, #tpu.memory_space<vmem>>, vector<1x16xf32>,
    %swap3A_77 = arith.constant 1 : i32
    %swap3A_78 = arith.index_cast %swap3A_77 : i32 to index
    %swap3A_79 = arith.constant 64 : index
    %swap3A_80 = tpu.vector_load %arg10[%swap3A_78, %swap3A_79] {strides = array<i32>} : memref<8x128xf32, #tpu.memory_space<vmem>>, vector<1x16xf32>,
    %swap3A_81 = vector.shape_cast %swap3A_80 : vector<1x16xf32> to vector<16xf32>
    %swap3A_82 = vector.shape_cast %broadcast_in_dim3A_5 : vector<16xf32> to vector<1x16xf32>
    tpu.vector_store %arg10[%swap3A_78, %swap3A_79], %swap3A_82 {strides = array<i32>} : memref<8x128xf32, #tpu.memory_space<vmem>>, vector<1x16xf32>,
    %swap3A_83 = arith.constant 1 : i32
    %swap3A_84 = arith.index_cast %swap3A_83 : i32 to index
    %swap3A_85 = arith.constant 80 : index
    %swap3A_86 = tpu.vector_load %arg10[%swap3A_84, %swap3A_85] {strides = array<i32>} : memref<8x128xf32, #tpu.memory_space<vmem>>, vector<1x16xf32>,
    %swap3A_87 = vector.shape_cast %swap3A_86 : vector<1x16xf32> to vector<16xf32>
    %swap3A_88 = vector.shape_cast %broadcast_in_dim3A_5 : vector<16xf32> to vector<1x16xf32>
    tpu.vector_store %arg10[%swap3A_84, %swap3A_85], %swap3A_88 {strides = array<i32>} : memref<8x128xf32, #tpu.memory_space<vmem>>, vector<1x16xf32>,
    %swap3A_89 = arith.constant 1 : i32
    %swap3A_90 = arith.index_cast %swap3A_89 : i32 to index
    %swap3A_91 = arith.constant 96 : index
    %swap3A_92 = tpu.vector_load %arg10[%swap3A_90, %swap3A_91] {strides = array<i32>} : memref<8x128xf32, #tpu.memory_space<vmem>>, vector<1x16xf32>,
    %swap3A_93 = vector.shape_cast %swap3A_92 : vector<1x16xf32> to vector<16xf32>
    %swap3A_94 = vector.shape_cast %broadcast_in_dim3A_5 : vector<16xf32> to vector<1x16xf32>
    tpu.vector_store %arg10[%swap3A_90, %swap3A_91], %swap3A_94 {strides = array<i32>} : memref<8x128xf32, #tpu.memory_space<vmem>>, vector<1x16xf32>,
    %swap3A_95 = arith.constant 1 : i32
    %swap3A_96 = arith.index_cast %swap3A_95 : i32 to index
    %swap3A_97 = arith.constant 112 : index
    %swap3A_98 = tpu.vector_load %arg10[%swap3A_96, %swap3A_97] {strides = array<i32>} : memref<8x128xf32, #tpu.memory_space<vmem>>, vector<1x16xf32>,
    %swap3A_99 = vector.shape_cast %swap3A_98 : vector<1x16xf32> to vector<16xf32>
    %swap3A_100 = vector.shape_cast %broadcast_in_dim3A_5 : vector<16xf32> to vector<1x16xf32>
    tpu.vector_store %arg10[%swap3A_96, %swap3A_97], %swap3A_100 {strides = array<i32>} : memref<8x128xf32, #tpu.memory_space<vmem>>, vector<1x16xf32>,
    %swap3A_101 = arith.constant 2 : i32
    %swap3A_102 = arith.index_cast %swap3A_101 : i32 to index
    %swap3A_103 = arith.constant 0 : index
    %swap3A_104 = tpu.vector_load %arg10[%swap3A_102, %swap3A_103] {strides = array<i32>} : memref<8x128xf32, #tpu.memory_space<vmem>>, vector<1x16xf32>,
    %swap3A_105 = vector.shape_cast %swap3A_104 : vector<1x16xf32> to vector<16xf32>
    %swap3A_106 = vector.shape_cast %broadcast_in_dim3A_5 : vector<16xf32> to vector<1x16xf32>
    tpu.vector_store %arg10[%swap3A_102, %swap3A_103], %swap3A_106 {strides = array<i32>} : memref<8x128xf32, #tpu.memory_space<vmem>>, vector<1x16xf32>,
    %swap3A_107 = arith.constant 2 : i32
    %swap3A_108 = arith.index_cast %swap3A_107 : i32 to index
    %swap3A_109 = arith.constant 16 : index
    %swap3A_110 = tpu.vector_load %arg10[%swap3A_108, %swap3A_109] {strides = array<i32>} : memref<8x128xf32, #tpu.memory_space<vmem>>, vector<1x16xf32>,
    %swap3A_111 = vector.shape_cast %swap3A_110 : vector<1x16xf32> to vector<16xf32>
    %swap3A_112 = vector.shape_cast %broadcast_in_dim3A_5 : vector<16xf32> to vector<1x16xf32>
    tpu.vector_store %arg10[%swap3A_108, %swap3A_109], %swap3A_112 {strides = array<i32>} : memref<8x128xf32, #tpu.memory_space<vmem>>, vector<1x16xf32>,
    %swap3A_113 = arith.constant 2 : i32
    %swap3A_114 = arith.index_cast %swap3A_113 : i32 to index
    %swap3A_115 = arith.constant 32 : index
    %swap3A_116 = tpu.vector_load %arg10[%swap3A_114, %swap3A_115] {strides = array<i32>} : memref<8x128xf32, #tpu.memory_space<vmem>>, vector<1x16xf32>,
    %swap3A_117 = vector.shape_cast %swap3A_116 : vector<1x16xf32> to vector<16xf32>
    %swap3A_118 = vector.shape_cast %broadcast_in_dim3A_5 : vector<16xf32> to vector<1x16xf32>
    tpu.vector_store %arg10[%swap3A_114, %swap3A_115], %swap3A_118 {strides = array<i32>} : memref<8x128xf32, #tpu.memory_space<vmem>>, vector<1x16xf32>,
    %swap3A_119 = arith.constant 2 : i32
    %swap3A_120 = arith.index_cast %swap3A_119 : i32 to index
    %swap3A_121 = arith.constant 48 : index
    %swap3A_122 = tpu.vector_load %arg10[%swap3A_120, %swap3A_121] {strides = array<i32>} : memref<8x128xf32, #tpu.memory_space<vmem>>, vector<1x16xf32>,
    %swap3A_123 = vector.shape_cast %swap3A_122 : vector<1x16xf32> to vector<16xf32>
    %swap3A_124 = vector.shape_cast %broadcast_in_dim3A_5 : vector<16xf32> to vector<1x16xf32>
    tpu.vector_store %arg10[%swap3A_120, %swap3A_121], %swap3A_124 {strides = array<i32>} : memref<8x128xf32, #tpu.memory_space<vmem>>, vector<1x16xf32>,
    %swap3A_125 = arith.constant 2 : i32
    %swap3A_126 = arith.index_cast %swap3A_125 : i32 to index
    %swap3A_127 = arith.constant 64 : index
    %swap3A_128 = tpu.vector_load %arg10[%swap3A_126, %swap3A_127] {strides = array<i32>} : memref<8x128xf32, #tpu.memory_space<vmem>>, vector<1x16xf32>,
    %swap3A_129 = vector.shape_cast %swap3A_128 : vector<1x16xf32> to vector<16xf32>
    %swap3A_130 = vector.shape_cast %broadcast_in_dim3A_5 : vector<16xf32> to vector<1x16xf32>
    tpu.vector_store %arg10[%swap3A_126, %swap3A_127], %swap3A_130 {strides = array<i32>} : memref<8x128xf32, #tpu.memory_space<vmem>>, vector<1x16xf32>,
    %swap3A_131 = arith.constant 2 : i32
    %swap3A_132 = arith.index_cast %swap3A_131 : i32 to index
    %swap3A_133 = arith.constant 80 : index
    %swap3A_134 = tpu.vector_load %arg10[%swap3A_132, %swap3A_133] {strides = array<i32>} : memref<8x128xf32, #tpu.memory_space<vmem>>, vector<1x16xf32>,
    %swap3A_135 = vector.shape_cast %swap3A_134 : vector<1x16xf32> to vector<16xf32>
    %swap3A_136 = vector.shape_cast %broadcast_in_dim3A_5 : vector<16xf32> to vector<1x16xf32>
    tpu.vector_store %arg10[%swap3A_132, %swap3A_133], %swap3A_136 {strides = array<i32>} : memref<8x128xf32, #tpu.memory_space<vmem>>, vector<1x16xf32>,
    %swap3A_137 = arith.constant 2 : i32
    %swap3A_138 = arith.index_cast %swap3A_137 : i32 to index
    %swap3A_139 = arith.constant 96 : index
    %swap3A_140 = tpu.vector_load %arg10[%swap3A_138, %swap3A_139] {strides = array<i32>} : memref<8x128xf32, #tpu.memory_space<vmem>>, vector<1x16xf32>,
    %swap3A_141 = vector.shape_cast %swap3A_140 : vector<1x16xf32> to vector<16xf32>
    %swap3A_142 = vector.shape_cast %broadcast_in_dim3A_5 : vector<16xf32> to vector<1x16xf32>
    tpu.vector_store %arg10[%swap3A_138, %swap3A_139], %swap3A_142 {strides = array<i32>} : memref<8x128xf32, #tpu.memory_space<vmem>>, vector<1x16xf32>,
    %swap3A_143 = arith.constant 2 : i32
    %swap3A_144 = arith.index_cast %swap3A_143 : i32 to index
    %swap3A_145 = arith.constant 112 : index
    %swap3A_146 = tpu.vector_load %arg10[%swap3A_144, %swap3A_145] {strides = array<i32>} : memref<8x128xf32, #tpu.memory_space<vmem>>, vector<1x16xf32>,
    %swap3A_147 = vector.shape_cast %swap3A_146 : vector<1x16xf32> to vector<16xf32>
    %swap3A_148 = vector.shape_cast %broadcast_in_dim3A_5 : vector<16xf32> to vector<1x16xf32>
    tpu.vector_store %arg10[%swap3A_144, %swap3A_145], %swap3A_148 {strides = array<i32>} : memref<8x128xf32, #tpu.memory_space<vmem>>, vector<1x16xf32>,
    %swap3A_149 = arith.constant 3 : i32
    %swap3A_150 = arith.index_cast %swap3A_149 : i32 to index
    %swap3A_151 = arith.constant 0 : index
    %swap3A_152 = tpu.vector_load %arg10[%swap3A_150, %swap3A_151] {strides = array<i32>} : memref<8x128xf32, #tpu.memory_space<vmem>>, vector<1x16xf32>,
    %swap3A_153 = vector.shape_cast %swap3A_152 : vector<1x16xf32> to vector<16xf32>
    %swap3A_154 = vector.shape_cast %broadcast_in_dim3A_5 : vector<16xf32> to vector<1x16xf32>
    tpu.vector_store %arg10[%swap3A_150, %swap3A_151], %swap3A_154 {strides = array<i32>} : memref<8x128xf32, #tpu.memory_space<vmem>>, vector<1x16xf32>,
    %swap3A_155 = arith.constant 3 : i32
    %swap3A_156 = arith.index_cast %swap3A_155 : i32 to index
    %swap3A_157 = arith.constant 16 : index
    %swap3A_158 = tpu.vector_load %arg10[%swap3A_156, %swap3A_157] {strides = array<i32>} : memref<8x128xf32, #tpu.memory_space<vmem>>, vector<1x16xf32>,
    %swap3A_159 = vector.shape_cast %swap3A_158 : vector<1x16xf32> to vector<16xf32>
    %swap3A_160 = vector.shape_cast %broadcast_in_dim3A_5 : vector<16xf32> to vector<1x16xf32>
    tpu.vector_store %arg10[%swap3A_156, %swap3A_157], %swap3A_160 {strides = array<i32>} : memref<8x128xf32, #tpu.memory_space<vmem>>, vector<1x16xf32>,
    %swap3A_161 = arith.constant 3 : i32
    %swap3A_162 = arith.index_cast %swap3A_161 : i32 to index
    %swap3A_163 = arith.constant 32 : index
    %swap3A_164 = tpu.vector_load %arg10[%swap3A_162, %swap3A_163] {strides = array<i32>} : memref<8x128xf32, #tpu.memory_space<vmem>>, vector<1x16xf32>,
    %swap3A_165 = vector.shape_cast %swap3A_164 : vector<1x16xf32> to vector<16xf32>
    %swap3A_166 = vector.shape_cast %broadcast_in_dim3A_5 : vector<16xf32> to vector<1x16xf32>
    tpu.vector_store %arg10[%swap3A_162, %swap3A_163], %swap3A_166 {strides = array<i32>} : memref<8x128xf32, #tpu.memory_space<vmem>>, vector<1x16xf32>,
    %swap3A_167 = arith.constant 3 : i32
    %swap3A_168 = arith.index_cast %swap3A_167 : i32 to index
    %swap3A_169 = arith.constant 48 : index
    %swap3A_170 = tpu.vector_load %arg10[%swap3A_168, %swap3A_169] {strides = array<i32>} : memref<8x128xf32, #tpu.memory_space<vmem>>, vector<1x16xf32>,
    %swap3A_171 = vector.shape_cast %swap3A_170 : vector<1x16xf32> to vector<16xf32>
    %swap3A_172 = vector.shape_cast %broadcast_in_dim3A_5 : vector<16xf32> to vector<1x16xf32>
    tpu.vector_store %arg10[%swap3A_168, %swap3A_169], %swap3A_172 {strides = array<i32>} : memref<8x128xf32, #tpu.memory_space<vmem>>, vector<1x16xf32>,
    %swap3A_173 = arith.constant 3 : i32
    %swap3A_174 = arith.index_cast %swap3A_173 : i32 to index
    %swap3A_175 = arith.constant 64 : index
    %swap3A_176 = tpu.vector_load %arg10[%swap3A_174, %swap3A_175] {strides = array<i32>} : memref<8x128xf32, #tpu.memory_space<vmem>>, vector<1x16xf32>,
    %swap3A_177 = vector.shape_cast %swap3A_176 : vector<1x16xf32> to vector<16xf32>
    %swap3A_178 = vector.shape_cast %broadcast_in_dim3A_5 : vector<16xf32> to vector<1x16xf32>
    tpu.vector_store %arg10[%swap3A_174, %swap3A_175], %swap3A_178 {strides = array<i32>} : memref<8x128xf32, #tpu.memory_space<vmem>>, vector<1x16xf32>,
    %swap3A_179 = arith.constant 3 : i32
    %swap3A_180 = arith.index_cast %swap3A_179 : i32 to index
    %swap3A_181 = arith.constant 80 : index
    %swap3A_182 = tpu.vector_load %arg10[%swap3A_180, %swap3A_181] {strides = array<i32>} : memref<8x128xf32, #tpu.memory_space<vmem>>, vector<1x16xf32>,
    %swap3A_183 = vector.shape_cast %swap3A_182 : vector<1x16xf32> to vector<16xf32>
    %swap3A_184 = vector.shape_cast %broadcast_in_dim3A_5 : vector<16xf32> to vector<1x16xf32>
    tpu.vector_store %arg10[%swap3A_180, %swap3A_181], %swap3A_184 {strides = array<i32>} : memref<8x128xf32, #tpu.memory_space<vmem>>, vector<1x16xf32>,
    %swap3A_185 = arith.constant 3 : i32
    %swap3A_186 = arith.index_cast %swap3A_185 : i32 to index
    %swap3A_187 = arith.constant 96 : index
    %swap3A_188 = tpu.vector_load %arg10[%swap3A_186, %swap3A_187] {strides = array<i32>} : memref<8x128xf32, #tpu.memory_space<vmem>>, vector<1x16xf32>,
    %swap3A_189 = vector.shape_cast %swap3A_188 : vector<1x16xf32> to vector<16xf32>
    %swap3A_190 = vector.shape_cast %broadcast_in_dim3A_5 : vector<16xf32> to vector<1x16xf32>
    tpu.vector_store %arg10[%swap3A_186, %swap3A_187], %swap3A_190 {strides = array<i32>} : memref<8x128xf32, #tpu.memory_space<vmem>>, vector<1x16xf32>,
    %swap3A_191 = arith.constant 3 : i32
    %swap3A_192 = arith.index_cast %swap3A_191 : i32 to index
    %swap3A_193 = arith.constant 112 : index
    %swap3A_194 = tpu.vector_load %arg10[%swap3A_192, %swap3A_193] {strides = array<i32>} : memref<8x128xf32, #tpu.memory_space<vmem>>, vector<1x16xf32>,
    %swap3A_195 = vector.shape_cast %swap3A_194 : vector<1x16xf32> to vector<16xf32>
    %swap3A_196 = vector.shape_cast %broadcast_in_dim3A_5 : vector<16xf32> to vector<1x16xf32>
    tpu.vector_store %arg10[%swap3A_192, %swap3A_193], %swap3A_196 {strides = array<i32>} : memref<8x128xf32, #tpu.memory_space<vmem>>, vector<1x16xf32>,
    %swap3A_197 = arith.constant 4 : i32
    %swap3A_198 = arith.index_cast %swap3A_197 : i32 to index
    %swap3A_199 = arith.constant 0 : index
    %swap3A_200 = tpu.vector_load %arg10[%swap3A_198, %swap3A_199] {strides = array<i32>} : memref<8x128xf32, #tpu.memory_space<vmem>>, vector<1x16xf32>,
    %swap3A_201 = vector.shape_cast %swap3A_200 : vector<1x16xf32> to vector<16xf32>
    %swap3A_202 = vector.shape_cast %broadcast_in_dim3A_5 : vector<16xf32> to vector<1x16xf32>
    tpu.vector_store %arg10[%swap3A_198, %swap3A_199], %swap3A_202 {strides = array<i32>} : memref<8x128xf32, #tpu.memory_space<vmem>>, vector<1x16xf32>,
    %swap3A_203 = arith.constant 4 : i32
    %swap3A_204 = arith.index_cast %swap3A_203 : i32 to index
    %swap3A_205 = arith.constant 16 : index
    %swap3A_206 = tpu.vector_load %arg10[%swap3A_204, %swap3A_205] {strides = array<i32>} : memref<8x128xf32, #tpu.memory_space<vmem>>, vector<1x16xf32>,
    %swap3A_207 = vector.shape_cast %swap3A_206 : vector<1x16xf32> to vector<16xf32>
    %swap3A_208 = vector.shape_cast %broadcast_in_dim3A_5 : vector<16xf32> to vector<1x16xf32>
    tpu.vector_store %arg10[%swap3A_204, %swap3A_205], %swap3A_208 {strides = array<i32>} : memref<8x128xf32, #tpu.memory_space<vmem>>, vector<1x16xf32>,
    %swap3A_209 = arith.constant 4 : i32
    %swap3A_210 = arith.index_cast %swap3A_209 : i32 to index
    %swap3A_211 = arith.constant 32 : index
    %swap3A_212 = tpu.vector_load %arg10[%swap3A_210, %swap3A_211] {strides = array<i32>} : memref<8x128xf32, #tpu.memory_space<vmem>>, vector<1x16xf32>,
    %swap3A_213 = vector.shape_cast %swap3A_212 : vector<1x16xf32> to vector<16xf32>
    %swap3A_214 = vector.shape_cast %broadcast_in_dim3A_5 : vector<16xf32> to vector<1x16xf32>
    tpu.vector_store %arg10[%swap3A_210, %swap3A_211], %swap3A_214 {strides = array<i32>} : memref<8x128xf32, #tpu.memory_space<vmem>>, vector<1x16xf32>,
    %swap3A_215 = arith.constant 4 : i32
    %swap3A_216 = arith.index_cast %swap3A_215 : i32 to index
    %swap3A_217 = arith.constant 48 : index
    %swap3A_218 = tpu.vector_load %arg10[%swap3A_216, %swap3A_217] {strides = array<i32>} : memref<8x128xf32, #tpu.memory_space<vmem>>, vector<1x16xf32>,
    %swap3A_219 = vector.shape_cast %swap3A_218 : vector<1x16xf32> to vector<16xf32>
    %swap3A_220 = vector.shape_cast %broadcast_in_dim3A_5 : vector<16xf32> to vector<1x16xf32>
    tpu.vector_store %arg10[%swap3A_216, %swap3A_217], %swap3A_220 {strides = array<i32>} : memref<8x128xf32, #tpu.memory_space<vmem>>, vector<1x16xf32>,
    %swap3A_221 = arith.constant 4 : i32
    %swap3A_222 = arith.index_cast %swap3A_221 : i32 to index
    %swap3A_223 = arith.constant 64 : index
    %swap3A_224 = tpu.vector_load %arg10[%swap3A_222, %swap3A_223] {strides = array<i32>} : memref<8x128xf32, #tpu.memory_space<vmem>>, vector<1x16xf32>,
    %swap3A_225 = vector.shape_cast %swap3A_224 : vector<1x16xf32> to vector<16xf32>
    %swap3A_226 = vector.shape_cast %broadcast_in_dim3A_5 : vector<16xf32> to vector<1x16xf32>
    tpu.vector_store %arg10[%swap3A_222, %swap3A_223], %swap3A_226 {strides = array<i32>} : memref<8x128xf32, #tpu.memory_space<vmem>>, vector<1x16xf32>,
    %swap3A_227 = arith.constant 4 : i32
    %swap3A_228 = arith.index_cast %swap3A_227 : i32 to index
    %swap3A_229 = arith.constant 80 : index
    %swap3A_230 = tpu.vector_load %arg10[%swap3A_228, %swap3A_229] {strides = array<i32>} : memref<8x128xf32, #tpu.memory_space<vmem>>, vector<1x16xf32>,
    %swap3A_231 = vector.shape_cast %swap3A_230 : vector<1x16xf32> to vector<16xf32>
    %swap3A_232 = vector.shape_cast %broadcast_in_dim3A_5 : vector<16xf32> to vector<1x16xf32>
    tpu.vector_store %arg10[%swap3A_228, %swap3A_229], %swap3A_232 {strides = array<i32>} : memref<8x128xf32, #tpu.memory_space<vmem>>, vector<1x16xf32>,
    %swap3A_233 = arith.constant 4 : i32
    %swap3A_234 = arith.index_cast %swap3A_233 : i32 to index
    %swap3A_235 = arith.constant 96 : index
    %swap3A_236 = tpu.vector_load %arg10[%swap3A_234, %swap3A_235] {strides = array<i32>} : memref<8x128xf32, #tpu.memory_space<vmem>>, vector<1x16xf32>,
    %swap3A_237 = vector.shape_cast %swap3A_236 : vector<1x16xf32> to vector<16xf32>
    %swap3A_238 = vector.shape_cast %broadcast_in_dim3A_5 : vector<16xf32> to vector<1x16xf32>
    tpu.vector_store %arg10[%swap3A_234, %swap3A_235], %swap3A_238 {strides = array<i32>} : memref<8x128xf32, #tpu.memory_space<vmem>>, vector<1x16xf32>,
    %swap3A_239 = arith.constant 4 : i32
    %swap3A_240 = arith.index_cast %swap3A_239 : i32 to index
    %swap3A_241 = arith.constant 112 : index
    %swap3A_242 = tpu.vector_load %arg10[%swap3A_240, %swap3A_241] {strides = array<i32>} : memref<8x128xf32, #tpu.memory_space<vmem>>, vector<1x16xf32>,
    %swap3A_243 = vector.shape_cast %swap3A_242 : vector<1x16xf32> to vector<16xf32>
    %swap3A_244 = vector.shape_cast %broadcast_in_dim3A_5 : vector<16xf32> to vector<1x16xf32>
    tpu.vector_store %arg10[%swap3A_240, %swap3A_241], %swap3A_244 {strides = array<i32>} : memref<8x128xf32, #tpu.memory_space<vmem>>, vector<1x16xf32>,
    %swap3A_245 = arith.constant 5 : i32
    %swap3A_246 = arith.index_cast %swap3A_245 : i32 to index
    %swap3A_247 = arith.constant 0 : index
    %swap3A_248 = tpu.vector_load %arg10[%swap3A_246, %swap3A_247] {strides = array<i32>} : memref<8x128xf32, #tpu.memory_space<vmem>>, vector<1x16xf32>,
    %swap3A_249 = vector.shape_cast %swap3A_248 : vector<1x16xf32> to vector<16xf32>
    %swap3A_250 = vector.shape_cast %broadcast_in_dim3A_5 : vector<16xf32> to vector<1x16xf32>
    tpu.vector_store %arg10[%swap3A_246, %swap3A_247], %swap3A_250 {strides = array<i32>} : memref<8x128xf32, #tpu.memory_space<vmem>>, vector<1x16xf32>,
    %swap3A_251 = arith.constant 5 : i32
    %swap3A_252 = arith.index_cast %swap3A_251 : i32 to index
    %swap3A_253 = arith.constant 16 : index
    %swap3A_254 = tpu.vector_load %arg10[%swap3A_252, %swap3A_253] {strides = array<i32>} : memref<8x128xf32, #tpu.memory_space<vmem>>, vector<1x16xf32>,
    %swap3A_255 = vector.shape_cast %swap3A_254 : vector<1x16xf32> to vector<16xf32>
    %swap3A_256 = vector.shape_cast %broadcast_in_dim3A_5 : vector<16xf32> to vector<1x16xf32>
    tpu.vector_store %arg10[%swap3A_252, %swap3A_253], %swap3A_256 {strides = array<i32>} : memref<8x128xf32, #tpu.memory_space<vmem>>, vector<1x16xf32>,
    %swap3A_257 = arith.constant 5 : i32
    %swap3A_258 = arith.index_cast %swap3A_257 : i32 to index
    %swap3A_259 = arith.constant 32 : index
    %swap3A_260 = tpu.vector_load %arg10[%swap3A_258, %swap3A_259] {strides = array<i32>} : memref<8x128xf32, #tpu.memory_space<vmem>>, vector<1x16xf32>,
    %swap3A_261 = vector.shape_cast %swap3A_260 : vector<1x16xf32> to vector<16xf32>
    %swap3A_262 = vector.shape_cast %broadcast_in_dim3A_5 : vector<16xf32> to vector<1x16xf32>
    tpu.vector_store %arg10[%swap3A_258, %swap3A_259], %swap3A_262 {strides = array<i32>} : memref<8x128xf32, #tpu.memory_space<vmem>>, vector<1x16xf32>,
    %swap3A_263 = arith.constant 5 : i32
    %swap3A_264 = arith.index_cast %swap3A_263 : i32 to index
    %swap3A_265 = arith.constant 48 : index
    %swap3A_266 = tpu.vector_load %arg10[%swap3A_264, %swap3A_265] {strides = array<i32>} : memref<8x128xf32, #tpu.memory_space<vmem>>, vector<1x16xf32>,
    %swap3A_267 = vector.shape_cast %swap3A_266 : vector<1x16xf32> to vector<16xf32>
    %swap3A_268 = vector.shape_cast %broadcast_in_dim3A_5 : vector<16xf32> to vector<1x16xf32>
    tpu.vector_store %arg10[%swap3A_264, %swap3A_265], %swap3A_268 {strides = array<i32>} : memref<8x128xf32, #tpu.memory_space<vmem>>, vector<1x16xf32>,
    %swap3A_269 = arith.constant 5 : i32
    %swap3A_270 = arith.index_cast %swap3A_269 : i32 to index
    %swap3A_271 = arith.constant 64 : index
    %swap3A_272 = tpu.vector_load %arg10[%swap3A_270, %swap3A_271] {strides = array<i32>} : memref<8x128xf32, #tpu.memory_space<vmem>>, vector<1x16xf32>,
    %swap3A_273 = vector.shape_cast %swap3A_272 : vector<1x16xf32> to vector<16xf32>
    %swap3A_274 = vector.shape_cast %broadcast_in_dim3A_5 : vector<16xf32> to vector<1x16xf32>
    tpu.vector_store %arg10[%swap3A_270, %swap3A_271], %swap3A_274 {strides = array<i32>} : memref<8x128xf32, #tpu.memory_space<vmem>>, vector<1x16xf32>,
    %swap3A_275 = arith.constant 5 : i32
    %swap3A_276 = arith.index_cast %swap3A_275 : i32 to index
    %swap3A_277 = arith.constant 80 : index
    %swap3A_278 = tpu.vector_load %arg10[%swap3A_276, %swap3A_277] {strides = array<i32>} : memref<8x128xf32, #tpu.memory_space<vmem>>, vector<1x16xf32>,
    %swap3A_279 = vector.shape_cast %swap3A_278 : vector<1x16xf32> to vector<16xf32>
    %swap3A_280 = vector.shape_cast %broadcast_in_dim3A_5 : vector<16xf32> to vector<1x16xf32>
    tpu.vector_store %arg10[%swap3A_276, %swap3A_277], %swap3A_280 {strides = array<i32>} : memref<8x128xf32, #tpu.memory_space<vmem>>, vector<1x16xf32>,
    %swap3A_281 = arith.constant 5 : i32
    %swap3A_282 = arith.index_cast %swap3A_281 : i32 to index
    %swap3A_283 = arith.constant 96 : index
    %swap3A_284 = tpu.vector_load %arg10[%swap3A_282, %swap3A_283] {strides = array<i32>} : memref<8x128xf32, #tpu.memory_space<vmem>>, vector<1x16xf32>,
    %swap3A_285 = vector.shape_cast %swap3A_284 : vector<1x16xf32> to vector<16xf32>
    %swap3A_286 = vector.shape_cast %broadcast_in_dim3A_5 : vector<16xf32> to vector<1x16xf32>
    tpu.vector_store %arg10[%swap3A_282, %swap3A_283], %swap3A_286 {strides = array<i32>} : memref<8x128xf32, #tpu.memory_space<vmem>>, vector<1x16xf32>,
    %swap3A_287 = arith.constant 5 : i32
    %swap3A_288 = arith.index_cast %swap3A_287 : i32 to index
    %swap3A_289 = arith.constant 112 : index
    %swap3A_290 = tpu.vector_load %arg10[%swap3A_288, %swap3A_289] {strides = array<i32>} : memref<8x128xf32, #tpu.memory_space<vmem>>, vector<1x16xf32>,
    %swap3A_291 = vector.shape_cast %swap3A_290 : vector<1x16xf32> to vector<16xf32>
    %swap3A_292 = vector.shape_cast %broadcast_in_dim3A_5 : vector<16xf32> to vector<1x16xf32>
    tpu.vector_store %arg10[%swap3A_288, %swap3A_289], %swap3A_292 {strides = array<i32>} : memref<8x128xf32, #tpu.memory_space<vmem>>, vector<1x16xf32>,
    %swap3A_293 = arith.constant 6 : i32
    %swap3A_294 = arith.index_cast %swap3A_293 : i32 to index
    %swap3A_295 = arith.constant 0 : index
    %swap3A_296 = tpu.vector_load %arg10[%swap3A_294, %swap3A_295] {strides = array<i32>} : memref<8x128xf32, #tpu.memory_space<vmem>>, vector<1x16xf32>,
    %swap3A_297 = vector.shape_cast %swap3A_296 : vector<1x16xf32> to vector<16xf32>
    %swap3A_298 = vector.shape_cast %broadcast_in_dim3A_5 : vector<16xf32> to vector<1x16xf32>
    tpu.vector_store %arg10[%swap3A_294, %swap3A_295], %swap3A_298 {strides = array<i32>} : memref<8x128xf32, #tpu.memory_space<vmem>>, vector<1x16xf32>,
    %swap3A_299 = arith.constant 6 : i32
    %swap3A_300 = arith.index_cast %swap3A_299 : i32 to index
    %swap3A_301 = arith.constant 16 : index
    %swap3A_302 = tpu.vector_load %arg10[%swap3A_300, %swap3A_301] {strides = array<i32>} : memref<8x128xf32, #tpu.memory_space<vmem>>, vector<1x16xf32>,
    %swap3A_303 = vector.shape_cast %swap3A_302 : vector<1x16xf32> to vector<16xf32>
    %swap3A_304 = vector.shape_cast %broadcast_in_dim3A_5 : vector<16xf32> to vector<1x16xf32>
    tpu.vector_store %arg10[%swap3A_300, %swap3A_301], %swap3A_304 {strides = array<i32>} : memref<8x128xf32, #tpu.memory_space<vmem>>, vector<1x16xf32>,
    %swap3A_305 = arith.constant 6 : i32
    %swap3A_306 = arith.index_cast %swap3A_305 : i32 to index
    %swap3A_307 = arith.constant 32 : index
    %swap3A_308 = tpu.vector_load %arg10[%swap3A_306, %swap3A_307] {strides = array<i32>} : memref<8x128xf32, #tpu.memory_space<vmem>>, vector<1x16xf32>,
    %swap3A_309 = vector.shape_cast %swap3A_308 : vector<1x16xf32> to vector<16xf32>
    %swap3A_310 = vector.shape_cast %broadcast_in_dim3A_5 : vector<16xf32> to vector<1x16xf32>
    tpu.vector_store %arg10[%swap3A_306, %swap3A_307], %swap3A_310 {strides = array<i32>} : memref<8x128xf32, #tpu.memory_space<vmem>>, vector<1x16xf32>,
    %swap3A_311 = arith.constant 6 : i32
    %swap3A_312 = arith.index_cast %swap3A_311 : i32 to index
    %swap3A_313 = arith.constant 48 : index
    %swap3A_314 = tpu.vector_load %arg10[%swap3A_312, %swap3A_313] {strides = array<i32>} : memref<8x128xf32, #tpu.memory_space<vmem>>, vector<1x16xf32>,
    %swap3A_315 = vector.shape_cast %swap3A_314 : vector<1x16xf32> to vector<16xf32>
    %swap3A_316 = vector.shape_cast %broadcast_in_dim3A_5 : vector<16xf32> to vector<1x16xf32>
    tpu.vector_store %arg10[%swap3A_312, %swap3A_313], %swap3A_316 {strides = array<i32>} : memref<8x128xf32, #tpu.memory_space<vmem>>, vector<1x16xf32>,
    %swap3A_317 = arith.constant 6 : i32
    %swap3A_318 = arith.index_cast %swap3A_317 : i32 to index
    %swap3A_319 = arith.constant 64 : index
    %swap3A_320 = tpu.vector_load %arg10[%swap3A_318, %swap3A_319] {strides = array<i32>} : memref<8x128xf32, #tpu.memory_space<vmem>>, vector<1x16xf32>,
    %swap3A_321 = vector.shape_cast %swap3A_320 : vector<1x16xf32> to vector<16xf32>
    %swap3A_322 = vector.shape_cast %broadcast_in_dim3A_5 : vector<16xf32> to vector<1x16xf32>
    tpu.vector_store %arg10[%swap3A_318, %swap3A_319], %swap3A_322 {strides = array<i32>} : memref<8x128xf32, #tpu.memory_space<vmem>>, vector<1x16xf32>,
    %swap3A_323 = arith.constant 6 : i32
    %swap3A_324 = arith.index_cast %swap3A_323 : i32 to index
    %swap3A_325 = arith.constant 80 : index
    %swap3A_326 = tpu.vector_load %arg10[%swap3A_324, %swap3A_325] {strides = array<i32>} : memref<8x128xf32, #tpu.memory_space<vmem>>, vector<1x16xf32>,
    %swap3A_327 = vector.shape_cast %swap3A_326 : vector<1x16xf32> to vector<16xf32>
    %swap3A_328 = vector.shape_cast %broadcast_in_dim3A_5 : vector<16xf32> to vector<1x16xf32>
    tpu.vector_store %arg10[%swap3A_324, %swap3A_325], %swap3A_328 {strides = array<i32>} : memref<8x128xf32, #tpu.memory_space<vmem>>, vector<1x16xf32>,
    %swap3A_329 = arith.constant 6 : i32
    %swap3A_330 = arith.index_cast %swap3A_329 : i32 to index
    %swap3A_331 = arith.constant 96 : index
    %swap3A_332 = tpu.vector_load %arg10[%swap3A_330, %swap3A_331] {strides = array<i32>} : memref<8x128xf32, #tpu.memory_space<vmem>>, vector<1x16xf32>,
    %swap3A_333 = vector.shape_cast %swap3A_332 : vector<1x16xf32> to vector<16xf32>
    %swap3A_334 = vector.shape_cast %broadcast_in_dim3A_5 : vector<16xf32> to vector<1x16xf32>
    tpu.vector_store %arg10[%swap3A_330, %swap3A_331], %swap3A_334 {strides = array<i32>} : memref<8x128xf32, #tpu.memory_space<vmem>>, vector<1x16xf32>,
    %swap3A_335 = arith.constant 6 : i32
    %swap3A_336 = arith.index_cast %swap3A_335 : i32 to index
    %swap3A_337 = arith.constant 112 : index
    %swap3A_338 = tpu.vector_load %arg10[%swap3A_336, %swap3A_337] {strides = array<i32>} : memref<8x128xf32, #tpu.memory_space<vmem>>, vector<1x16xf32>,
    %swap3A_339 = vector.shape_cast %swap3A_338 : vector<1x16xf32> to vector<16xf32>
    %swap3A_340 = vector.shape_cast %broadcast_in_dim3A_5 : vector<16xf32> to vector<1x16xf32>
    tpu.vector_store %arg10[%swap3A_336, %swap3A_337], %swap3A_340 {strides = array<i32>} : memref<8x128xf32, #tpu.memory_space<vmem>>, vector<1x16xf32>,
    %swap3A_341 = arith.constant 7 : i32
    %swap3A_342 = arith.index_cast %swap3A_341 : i32 to index
    %swap3A_343 = arith.constant 0 : index
    %swap3A_344 = tpu.vector_load %arg10[%swap3A_342, %swap3A_343] {strides = array<i32>} : memref<8x128xf32, #tpu.memory_space<vmem>>, vector<1x16xf32>,
    %swap3A_345 = vector.shape_cast %swap3A_344 : vector<1x16xf32> to vector<16xf32>
    %swap3A_346 = vector.shape_cast %broadcast_in_dim3A_5 : vector<16xf32> to vector<1x16xf32>
    tpu.vector_store %arg10[%swap3A_342, %swap3A_343], %swap3A_346 {strides = array<i32>} : memref<8x128xf32, #tpu.memory_space<vmem>>, vector<1x16xf32>,
    %swap3A_347 = arith.constant 7 : i32
    %swap3A_348 = arith.index_cast %swap3A_347 : i32 to index
    %swap3A_349 = arith.constant 16 : index
    %swap3A_350 = tpu.vector_load %arg10[%swap3A_348, %swap3A_349] {strides = array<i32>} : memref<8x128xf32, #tpu.memory_space<vmem>>, vector<1x16xf32>,
    %swap3A_351 = vector.shape_cast %swap3A_350 : vector<1x16xf32> to vector<16xf32>
    %swap3A_352 = vector.shape_cast %broadcast_in_dim3A_5 : vector<16xf32> to vector<1x16xf32>
    tpu.vector_store %arg10[%swap3A_348, %swap3A_349], %swap3A_352 {strides = array<i32>} : memref<8x128xf32, #tpu.memory_space<vmem>>, vector<1x16xf32>,
    %swap3A_353 = arith.constant 7 : i32
    %swap3A_354 = arith.index_cast %swap3A_353 : i32 to index
    %swap3A_355 = arith.constant 32 : index
    %swap3A_356 = tpu.vector_load %arg10[%swap3A_354, %swap3A_355] {strides = array<i32>} : memref<8x128xf32, #tpu.memory_space<vmem>>, vector<1x16xf32>,
    %swap3A_357 = vector.shape_cast %swap3A_356 : vector<1x16xf32> to vector<16xf32>
    %swap3A_358 = vector.shape_cast %broadcast_in_dim3A_5 : vector<16xf32> to vector<1x16xf32>
    tpu.vector_store %arg10[%swap3A_354, %swap3A_355], %swap3A_358 {strides = array<i32>} : memref<8x128xf32, #tpu.memory_space<vmem>>, vector<1x16xf32>,
    %swap3A_359 = arith.constant 7 : i32
    %swap3A_360 = arith.index_cast %swap3A_359 : i32 to index
    %swap3A_361 = arith.constant 48 : index
    %swap3A_362 = tpu.vector_load %arg10[%swap3A_360, %swap3A_361] {strides = array<i32>} : memref<8x128xf32, #tpu.memory_space<vmem>>, vector<1x16xf32>,
    %swap3A_363 = vector.shape_cast %swap3A_362 : vector<1x16xf32> to vector<16xf32>
    %swap3A_364 = vector.shape_cast %broadcast_in_dim3A_5 : vector<16xf32> to vector<1x16xf32>
    tpu.vector_store %arg10[%swap3A_360, %swap3A_361], %swap3A_364 {strides = array<i32>} : memref<8x128xf32, #tpu.memory_space<vmem>>, vector<1x16xf32>,
    %swap3A_365 = arith.constant 7 : i32
    %swap3A_366 = arith.index_cast %swap3A_365 : i32 to index
    %swap3A_367 = arith.constant 64 : index
    %swap3A_368 = tpu.vector_load %arg10[%swap3A_366, %swap3A_367] {strides = array<i32>} : memref<8x128xf32, #tpu.memory_space<vmem>>, vector<1x16xf32>,
    %swap3A_369 = vector.shape_cast %swap3A_368 : vector<1x16xf32> to vector<16xf32>
    %swap3A_370 = vector.shape_cast %broadcast_in_dim3A_5 : vector<16xf32> to vector<1x16xf32>
    tpu.vector_store %arg10[%swap3A_366, %swap3A_367], %swap3A_370 {strides = array<i32>} : memref<8x128xf32, #tpu.memory_space<vmem>>, vector<1x16xf32>,
    %swap3A_371 = arith.constant 7 : i32
    %swap3A_372 = arith.index_cast %swap3A_371 : i32 to index
    %swap3A_373 = arith.constant 80 : index
    %swap3A_374 = tpu.vector_load %arg10[%swap3A_372, %swap3A_373] {strides = array<i32>} : memref<8x128xf32, #tpu.memory_space<vmem>>, vector<1x16xf32>,
    %swap3A_375 = vector.shape_cast %swap3A_374 : vector<1x16xf32> to vector<16xf32>
    %swap3A_376 = vector.shape_cast %broadcast_in_dim3A_5 : vector<16xf32> to vector<1x16xf32>
    tpu.vector_store %arg10[%swap3A_372, %swap3A_373], %swap3A_376 {strides = array<i32>} : memref<8x128xf32, #tpu.memory_space<vmem>>, vector<1x16xf32>,
    %swap3A_377 = arith.constant 7 : i32
    %swap3A_378 = arith.index_cast %swap3A_377 : i32 to index
    %swap3A_379 = arith.constant 96 : index
    %swap3A_380 = tpu.vector_load %arg10[%swap3A_378, %swap3A_379] {strides = array<i32>} : memref<8x128xf32, #tpu.memory_space<vmem>>, vector<1x16xf32>,
    %swap3A_381 = vector.shape_cast %swap3A_380 : vector<1x16xf32> to vector<16xf32>
    %swap3A_382 = vector.shape_cast %broadcast_in_dim3A_5 : vector<16xf32> to vector<1x16xf32>
    tpu.vector_store %arg10[%swap3A_378, %swap3A_379], %swap3A_382 {strides = array<i32>} : memref<8x128xf32, #tpu.memory_space<vmem>>, vector<1x16xf32>,
    %swap3A_383 = arith.constant 7 : i32
    %swap3A_384 = arith.index_cast %swap3A_383 : i32 to index
    %swap3A_385 = arith.constant 112 : index
    %swap3A_386 = tpu.vector_load %arg10[%swap3A_384, %swap3A_385] {strides = array<i32>} : memref<8x128xf32, #tpu.memory_space<vmem>>, vector<1x16xf32>,
    %swap3A_387 = vector.shape_cast %swap3A_386 : vector<1x16xf32> to vector<16xf32>
    %swap3A_388 = vector.shape_cast %broadcast_in_dim3A_5 : vector<16xf32> to vector<1x16xf32>
    tpu.vector_store %arg10[%swap3A_384, %swap3A_385], %swap3A_388 {strides = array<i32>} : memref<8x128xf32, #tpu.memory_space<vmem>>, vector<1x16xf32>,
    %scan3A = arith.constant 0 : i32
    %scan3A_389 = arith.constant 0 : i32
    %scan3A_390 = arith.constant 79 : i32
    %scan3A_391 = arith.addi %scan3A_389, %scan3A_390 : i32
    %scan3A_392 = arith.constant 1 : i32
    scf.for %scan3A_406 = %scan3A_389 to %scan3A_391 step %scan3A_392  : i32 {
      %mul3A_407 = arith.constant 632 : i32
      %mul3A_408 = arith.muli %arg1, %mul3A_407 : i32
      %mul3A_409 = arith.constant 8 : i32
      %mul3A_410 = arith.muli %scan3A_406, %mul3A_409 : i32
      %add3A_411 = arith.addi %mul3A_408, %mul3A_410 : i32
      "tpu.region"() ({
        %run_scoped3A = tpu.sem_alloc : memref<!tpu.dma_semaphore, #tpu.memory_space<semaphore_mem>>
        %dma_start3A = arith.constant 0 : i32
        %dma_start3A_412 = tpu.memref_slice %arg11[%add3A_411, %dma_start3A] : memref<10112x128xf32, #tpu.memory_space<vmem_shared>> -> memref<8x128xf32, #tpu.memory_space<vmem_shared>>
        %dma_start3A_413 = arith.constant 0 : i32
        %dma_start3A_414 = tpu.memref_slice %arg11[%add3A_411, %dma_start3A_413] : memref<10112x128xf32, #tpu.memory_space<vmem_shared>> -> memref<8x128xf32, #tpu.memory_space<vmem_shared>>
        tpu.enqueue_dma source(%arg10 : memref<8x128xf32, #tpu.memory_space<vmem>>) target(%dma_start3A_414 : memref<8x128xf32, #tpu.memory_space<vmem_shared>>) target_semaphore(%run_scoped3A : memref<!tpu.dma_semaphore, #tpu.memory_space<semaphore_mem>>)
        %dma_wait3A = arith.constant 0 : i32
        %dma_wait3A_415 = tpu.memref_slice %arg11[%add3A_411, %dma_wait3A] : memref<10112x128xf32, #tpu.memory_space<vmem_shared>> -> memref<8x128xf32, #tpu.memory_space<vmem_shared>>
        %dma_wait3A_416 = arith.constant 0 : i32
        %dma_wait3A_417 = tpu.memref_slice %arg11[%add3A_411, %dma_wait3A_416] : memref<10112x128xf32, #tpu.memory_space<vmem_shared>> -> memref<8x128xf32, #tpu.memory_space<vmem_shared>>
        tpu.wait_dma2 semaphore(%run_scoped3A : memref<!tpu.dma_semaphore, #tpu.memory_space<semaphore_mem>>) src(%arg10 : memref<8x128xf32, #tpu.memory_space<vmem>>) dst(%dma_wait3A_417 : memref<8x128xf32, #tpu.memory_space<vmem_shared>>)
        tpu.yield
      }) : () -> ()
    }
    %scan3A_393 = arith.constant 79 : i32
    %barrier3A = arith.constant 0 : index
    tpu.barrier barrier_id(%barrier3A)
    %while3A = arith.constant 0 : i32
    %while3A_394 = arith.constant 0 : i32
    %while3A_395 = arith.subi %select_n3A, %while3A_394 : i32
    %while3A_396 = arith.addi %while3A_394, %while3A_395 : i32
    %while3A_397 = arith.constant 1 : i32
    %while3A_398 = arith.divsi %while3A_395, %while3A_397 : i32
    %while3A_399 = arith.muli %while3A_398, %while3A_397 : i32
    %while3A_400 = arith.addi %while3A_394, %while3A_399 : i32
    %while3A_401 = arith.constant 1 : i32
    scf.for %while3A_406 = %while3A_394 to %while3A_400 step %while3A_401  : i32 {
      %mul3A_407 = arith.constant 8 : i32
      %mul3A_408 = arith.muli %while3A_406, %mul3A_407 : i32
      %add3A_409 = arith.addi %add3A, %mul3A_408 : i32
      "tpu.region"() ({
        %run_scoped3A = tpu.sem_alloc : memref<!tpu.dma_semaphore, #tpu.memory_space<semaphore_mem>>
        %dma_start3A_632 = arith.constant 0 : i32
        %dma_start3A_633 = tpu.memref_slice %arg3[%add3A_409, %dma_start3A_632] : memref<2560x128xi32, #tpu.memory_space<hbm>> -> memref<8x128xi32, #tpu.memory_space<hbm>>
        %dma_start3A_634 = arith.constant 0 : i32
        %dma_start3A_635 = tpu.memref_slice %arg3[%add3A_409, %dma_start3A_634] : memref<2560x128xi32, #tpu.memory_space<hbm>> -> memref<8x128xi32, #tpu.memory_space<hbm>>
        tpu.enqueue_dma source(%dma_start3A_635 : memref<8x128xi32, #tpu.memory_space<hbm>>) target(%arg6 : memref<8x128xi32, #tpu.memory_space<vmem>>) target_semaphore(%run_scoped3A : memref<!tpu.dma_semaphore, #tpu.memory_space<semaphore_mem>>)
        %dma_wait3A_636 = arith.constant 0 : i32
        %dma_wait3A_637 = tpu.memref_slice %arg3[%add3A_409, %dma_wait3A_636] : memref<2560x128xi32, #tpu.memory_space<hbm>> -> memref<8x128xi32, #tpu.memory_space<hbm>>
        %dma_wait3A_638 = arith.constant 0 : i32
        %dma_wait3A_639 = tpu.memref_slice %arg3[%add3A_409, %dma_wait3A_638] : memref<2560x128xi32, #tpu.memory_space<hbm>> -> memref<8x128xi32, #tpu.memory_space<hbm>>
        tpu.wait_dma2 semaphore(%run_scoped3A : memref<!tpu.dma_semaphore, #tpu.memory_space<semaphore_mem>>) src(%dma_wait3A_639 : memref<8x128xi32, #tpu.memory_space<hbm>>) dst(%arg6 : memref<8x128xi32, #tpu.memory_space<vmem>>)
        tpu.yield
      }) : () -> ()
      "tpu.region"() ({
        %run_scoped3A = tpu.sem_alloc : memref<!tpu.dma_semaphore, #tpu.memory_space<semaphore_mem>>
        %dma_start3A_632 = arith.constant 0 : i32
        %dma_start3A_633 = tpu.memref_slice %arg4[%add3A_409, %dma_start3A_632] : memref<2560x128xi32, #tpu.memory_space<hbm>> -> memref<8x128xi32, #tpu.memory_space<hbm>>
        %dma_start3A_634 = arith.constant 0 : i32
        %dma_start3A_635 = tpu.memref_slice %arg4[%add3A_409, %dma_start3A_634] : memref<2560x128xi32, #tpu.memory_space<hbm>> -> memref<8x128xi32, #tpu.memory_space<hbm>>
        tpu.enqueue_dma source(%dma_start3A_635 : memref<8x128xi32, #tpu.memory_space<hbm>>) target(%arg7 : memref<8x128xi32, #tpu.memory_space<vmem>>) target_semaphore(%run_scoped3A : memref<!tpu.dma_semaphore, #tpu.memory_space<semaphore_mem>>)
        %dma_wait3A_636 = arith.constant 0 : i32
        %dma_wait3A_637 = tpu.memref_slice %arg4[%add3A_409, %dma_wait3A_636] : memref<2560x128xi32, #tpu.memory_space<hbm>> -> memref<8x128xi32, #tpu.memory_space<hbm>>
        %dma_wait3A_638 = arith.constant 0 : i32
        %dma_wait3A_639 = tpu.memref_slice %arg4[%add3A_409, %dma_wait3A_638] : memref<2560x128xi32, #tpu.memory_space<hbm>> -> memref<8x128xi32, #tpu.memory_space<hbm>>
        tpu.wait_dma2 semaphore(%run_scoped3A : memref<!tpu.dma_semaphore, #tpu.memory_space<semaphore_mem>>) src(%dma_wait3A_639 : memref<8x128xi32, #tpu.memory_space<hbm>>) dst(%arg7 : memref<8x128xi32, #tpu.memory_space<vmem>>)
        tpu.yield
      }) : () -> ()
      %dma_start3A = arith.constant 0 : i32
      %dma_start3A_410 = arith.constant 0 : i32
      %dma_start3A_411 = tpu.memref_slice %arg6[%dma_start3A, %dma_start3A_410] : memref<8x128xi32, #tpu.memory_space<vmem>> -> memref<1x128xi32, #tpu.memory_space<vmem>>
      %dma_start3A_412 = tpu.memref_squeeze %dma_start3A_411 : memref<1x128xi32, #tpu.memory_space<vmem>> -> memref<128xi32, #tpu.memory_space<vmem>>
      %dma_start3A_413 = arith.constant 0 : i32
      %dma_start3A_414 = arith.constant 0 : i32
      %dma_start3A_415 = tpu.memref_slice %arg2[%dma_start3A_413, %dma_start3A_414] : memref<10112x128xf32, #tpu.memory_space<hbm>> -> memref<10112x128xf32, #tpu.memory_space<hbm>>
      tpu.enqueue_indirect_dma source(%dma_start3A_415 : memref<10112x128xf32, #tpu.memory_space<hbm>>) target(%arg8 : memref<128x128xf32, #tpu.memory_space<vmem>>) offsets(%dma_start3A_412 : memref<128xi32, #tpu.memory_space<vmem>>) semaphore(%arg12 : memref<!tpu.dma_semaphore, #tpu.memory_space<semaphore_mem>>)
      %dma_wait3A = arith.constant 0 : i32
      %dma_wait3A_416 = arith.constant 0 : i32
      %dma_wait3A_417 = tpu.memref_slice %arg6[%dma_wait3A, %dma_wait3A_416] : memref<8x128xi32, #tpu.memory_space<vmem>> -> memref<1x128xi32, #tpu.memory_space<vmem>>
      %dma_wait3A_418 = tpu.memref_squeeze %dma_wait3A_417 : memref<1x128xi32, #tpu.memory_space<vmem>> -> memref<128xi32, #tpu.memory_space<vmem>>
      %dma_wait3A_419 = arith.constant 0 : i32
      %dma_wait3A_420 = arith.constant 0 : i32
      %dma_wait3A_421 = tpu.memref_slice %arg2[%dma_wait3A_419, %dma_wait3A_420] : memref<10112x128xf32, #tpu.memory_space<hbm>> -> memref<10112x128xf32, #tpu.memory_space<hbm>>
      tpu.wait_indirect_dma semaphore(%arg12 : memref<!tpu.dma_semaphore, #tpu.memory_space<semaphore_mem>>) src(%dma_wait3A_421 : memref<10112x128xf32, #tpu.memory_space<hbm>>) dst(%arg8 : memref<128x128xf32, #tpu.memory_space<vmem>>)
      %dma_start3A_422 = arith.constant 1 : i32
      %dma_start3A_423 = arith.constant 0 : i32
      %dma_start3A_424 = tpu.memref_slice %arg6[%dma_start3A_422, %dma_start3A_423] : memref<8x128xi32, #tpu.memory_space<vmem>> -> memref<1x128xi32, #tpu.memory_space<vmem>>
      %dma_start3A_425 = tpu.memref_squeeze %dma_start3A_424 : memref<1x128xi32, #tpu.memory_space<vmem>> -> memref<128xi32, #tpu.memory_space<vmem>>
      %dma_start3A_426 = arith.constant 0 : i32
      %dma_start3A_427 = arith.constant 0 : i32
      %dma_start3A_428 = tpu.memref_slice %arg2[%dma_start3A_426, %dma_start3A_427] : memref<10112x128xf32, #tpu.memory_space<hbm>> -> memref<10112x128xf32, #tpu.memory_space<hbm>>
      tpu.enqueue_indirect_dma source(%dma_start3A_428 : memref<10112x128xf32, #tpu.memory_space<hbm>>) target(%arg9 : memref<128x128xf32, #tpu.memory_space<vmem>>) offsets(%dma_start3A_425 : memref<128xi32, #tpu.memory_space<vmem>>) semaphore(%arg13 : memref<!tpu.dma_semaphore, #tpu.memory_space<semaphore_mem>>)
      %dma_start3A_429 = arith.constant 0 : i32
      %dma_start3A_430 = arith.constant 0 : i32
      %dma_start3A_431 = tpu.memref_slice %arg7[%dma_start3A_429, %dma_start3A_430] : memref<8x128xi32, #tpu.memory_space<vmem>> -> memref<1x128xi32, #tpu.memory_space<vmem>>
      %dma_start3A_432 = tpu.memref_squeeze %dma_start3A_431 : memref<1x128xi32, #tpu.memory_space<vmem>> -> memref<128xi32, #tpu.memory_space<vmem>>
      %dma_start3A_433 = arith.constant 0 : i32
      %dma_start3A_434 = arith.constant 0 : i32
      %dma_start3A_435 = tpu.memref_slice %arg11[%dma_start3A_433, %dma_start3A_434] : memref<10112x128xf32, #tpu.memory_space<vmem_shared>> -> memref<10112x128xf32, #tpu.memory_space<vmem_shared>>
      tpu.enqueue_indirect_dma source(%arg8 : memref<128x128xf32, #tpu.memory_space<vmem>>) target(%dma_start3A_435 : memref<10112x128xf32, #tpu.memory_space<vmem_shared>>) offsets(%dma_start3A_432 : memref<128xi32, #tpu.memory_space<vmem>>) semaphore(%arg14 : memref<!tpu.dma_semaphore, #tpu.memory_space<semaphore_mem>>) {add = true}
      %dma_wait3A_436 = arith.constant 1 : i32
      %dma_wait3A_437 = arith.constant 0 : i32
      %dma_wait3A_438 = tpu.memref_slice %arg6[%dma_wait3A_436, %dma_wait3A_437] : memref<8x128xi32, #tpu.memory_space<vmem>> -> memref<1x128xi32, #tpu.memory_space<vmem>>
      %dma_wait3A_439 = tpu.memref_squeeze %dma_wait3A_438 : memref<1x128xi32, #tpu.memory_space<vmem>> -> memref<128xi32, #tpu.memory_space<vmem>>
      %dma_wait3A_440 = arith.constant 0 : i32
      %dma_wait3A_441 = arith.constant 0 : i32
      %dma_wait3A_442 = tpu.memref_slice %arg2[%dma_wait3A_440, %dma_wait3A_441] : memref<10112x128xf32, #tpu.memory_space<hbm>> -> memref<10112x128xf32, #tpu.memory_space<hbm>>
      tpu.wait_indirect_dma semaphore(%arg13 : memref<!tpu.dma_semaphore, #tpu.memory_space<semaphore_mem>>) src(%dma_wait3A_442 : memref<10112x128xf32, #tpu.memory_space<hbm>>) dst(%arg9 : memref<128x128xf32, #tpu.memory_space<vmem>>)
      %dma_wait3A_443 = arith.constant 0 : i32
      %dma_wait3A_444 = arith.constant 0 : i32
      %dma_wait3A_445 = tpu.memref_slice %arg7[%dma_wait3A_443, %dma_wait3A_444] : memref<8x128xi32, #tpu.memory_space<vmem>> -> memref<1x128xi32, #tpu.memory_space<vmem>>
      %dma_wait3A_446 = tpu.memref_squeeze %dma_wait3A_445 : memref<1x128xi32, #tpu.memory_space<vmem>> -> memref<128xi32, #tpu.memory_space<vmem>>
      %dma_wait3A_447 = arith.constant 0 : i32
      %dma_wait3A_448 = arith.constant 0 : i32
      %dma_wait3A_449 = tpu.memref_slice %arg11[%dma_wait3A_447, %dma_wait3A_448] : memref<10112x128xf32, #tpu.memory_space<vmem_shared>> -> memref<10112x128xf32, #tpu.memory_space<vmem_shared>>
      tpu.wait_indirect_dma semaphore(%arg14 : memref<!tpu.dma_semaphore, #tpu.memory_space<semaphore_mem>>) src(%arg8 : memref<128x128xf32, #tpu.memory_space<vmem>>) dst(%dma_wait3A_449 : memref<10112x128xf32, #tpu.memory_space<vmem_shared>>)
      %dma_start3A_450 = arith.constant 2 : i32
      %dma_start3A_451 = arith.constant 0 : i32
      %dma_start3A_452 = tpu.memref_slice %arg6[%dma_start3A_450, %dma_start3A_451] : memref<8x128xi32, #tpu.memory_space<vmem>> -> memref<1x128xi32, #tpu.memory_space<vmem>>
      %dma_start3A_453 = tpu.memref_squeeze %dma_start3A_452 : memref<1x128xi32, #tpu.memory_space<vmem>> -> memref<128xi32, #tpu.memory_space<vmem>>
      %dma_start3A_454 = arith.constant 0 : i32
      %dma_start3A_455 = arith.constant 0 : i32
      %dma_start3A_456 = tpu.memref_slice %arg2[%dma_start3A_454, %dma_start3A_455] : memref<10112x128xf32, #tpu.memory_space<hbm>> -> memref<10112x128xf32, #tpu.memory_space<hbm>>
      tpu.enqueue_indirect_dma source(%dma_start3A_456 : memref<10112x128xf32, #tpu.memory_space<hbm>>) target(%arg8 : memref<128x128xf32, #tpu.memory_space<vmem>>) offsets(%dma_start3A_453 : memref<128xi32, #tpu.memory_space<vmem>>) semaphore(%arg12 : memref<!tpu.dma_semaphore, #tpu.memory_space<semaphore_mem>>)
      %dma_start3A_457 = arith.constant 1 : i32
      %dma_start3A_458 = arith.constant 0 : i32
      %dma_start3A_459 = tpu.memref_slice %arg7[%dma_start3A_457, %dma_start3A_458] : memref<8x128xi32, #tpu.memory_space<vmem>> -> memref<1x128xi32, #tpu.memory_space<vmem>>
      %dma_start3A_460 = tpu.memref_squeeze %dma_start3A_459 : memref<1x128xi32, #tpu.memory_space<vmem>> -> memref<128xi32, #tpu.memory_space<vmem>>
      %dma_start3A_461 = arith.constant 0 : i32
      %dma_start3A_462 = arith.constant 0 : i32
      %dma_start3A_463 = tpu.memref_slice %arg11[%dma_start3A_461, %dma_start3A_462] : memref<10112x128xf32, #tpu.memory_space<vmem_shared>> -> memref<10112x128xf32, #tpu.memory_space<vmem_shared>>
      tpu.enqueue_indirect_dma source(%arg9 : memref<128x128xf32, #tpu.memory_space<vmem>>) target(%dma_start3A_463 : memref<10112x128xf32, #tpu.memory_space<vmem_shared>>) offsets(%dma_start3A_460 : memref<128xi32, #tpu.memory_space<vmem>>) semaphore(%arg15 : memref<!tpu.dma_semaphore, #tpu.memory_space<semaphore_mem>>) {add = true}
      %dma_wait3A_464 = arith.constant 2 : i32
      %dma_wait3A_465 = arith.constant 0 : i32
      %dma_wait3A_466 = tpu.memref_slice %arg6[%dma_wait3A_464, %dma_wait3A_465] : memref<8x128xi32, #tpu.memory_space<vmem>> -> memref<1x128xi32, #tpu.memory_space<vmem>>
      %dma_wait3A_467 = tpu.memref_squeeze %dma_wait3A_466 : memref<1x128xi32, #tpu.memory_space<vmem>> -> memref<128xi32, #tpu.memory_space<vmem>>
      %dma_wait3A_468 = arith.constant 0 : i32
      %dma_wait3A_469 = arith.constant 0 : i32
      %dma_wait3A_470 = tpu.memref_slice %arg2[%dma_wait3A_468, %dma_wait3A_469] : memref<10112x128xf32, #tpu.memory_space<hbm>> -> memref<10112x128xf32, #tpu.memory_space<hbm>>
      tpu.wait_indirect_dma semaphore(%arg12 : memref<!tpu.dma_semaphore, #tpu.memory_space<semaphore_mem>>) src(%dma_wait3A_470 : memref<10112x128xf32, #tpu.memory_space<hbm>>) dst(%arg8 : memref<128x128xf32, #tpu.memory_space<vmem>>)
      %dma_wait3A_471 = arith.constant 1 : i32
      %dma_wait3A_472 = arith.constant 0 : i32
      %dma_wait3A_473 = tpu.memref_slice %arg7[%dma_wait3A_471, %dma_wait3A_472] : memref<8x128xi32, #tpu.memory_space<vmem>> -> memref<1x128xi32, #tpu.memory_space<vmem>>
      %dma_wait3A_474 = tpu.memref_squeeze %dma_wait3A_473 : memref<1x128xi32, #tpu.memory_space<vmem>> -> memref<128xi32, #tpu.memory_space<vmem>>
      %dma_wait3A_475 = arith.constant 0 : i32
      %dma_wait3A_476 = arith.constant 0 : i32
      %dma_wait3A_477 = tpu.memref_slice %arg11[%dma_wait3A_475, %dma_wait3A_476] : memref<10112x128xf32, #tpu.memory_space<vmem_shared>> -> memref<10112x128xf32, #tpu.memory_space<vmem_shared>>
      tpu.wait_indirect_dma semaphore(%arg15 : memref<!tpu.dma_semaphore, #tpu.memory_space<semaphore_mem>>) src(%arg9 : memref<128x128xf32, #tpu.memory_space<vmem>>) dst(%dma_wait3A_477 : memref<10112x128xf32, #tpu.memory_space<vmem_shared>>)
      %dma_start3A_478 = arith.constant 3 : i32
      %dma_start3A_479 = arith.constant 0 : i32
      %dma_start3A_480 = tpu.memref_slice %arg6[%dma_start3A_478, %dma_start3A_479] : memref<8x128xi32, #tpu.memory_space<vmem>> -> memref<1x128xi32, #tpu.memory_space<vmem>>
      %dma_start3A_481 = tpu.memref_squeeze %dma_start3A_480 : memref<1x128xi32, #tpu.memory_space<vmem>> -> memref<128xi32, #tpu.memory_space<vmem>>
      %dma_start3A_482 = arith.constant 0 : i32
      %dma_start3A_483 = arith.constant 0 : i32
      %dma_start3A_484 = tpu.memref_slice %arg2[%dma_start3A_482, %dma_start3A_483] : memref<10112x128xf32, #tpu.memory_space<hbm>> -> memref<10112x128xf32, #tpu.memory_space<hbm>>
      tpu.enqueue_indirect_dma source(%dma_start3A_484 : memref<10112x128xf32, #tpu.memory_space<hbm>>) target(%arg9 : memref<128x128xf32, #tpu.memory_space<vmem>>) offsets(%dma_start3A_481 : memref<128xi32, #tpu.memory_space<vmem>>) semaphore(%arg13 : memref<!tpu.dma_semaphore, #tpu.memory_space<semaphore_mem>>)
      %dma_start3A_485 = arith.constant 2 : i32
      %dma_start3A_486 = arith.constant 0 : i32
      %dma_start3A_487 = tpu.memref_slice %arg7[%dma_start3A_485, %dma_start3A_486] : memref<8x128xi32, #tpu.memory_space<vmem>> -> memref<1x128xi32, #tpu.memory_space<vmem>>
      %dma_start3A_488 = tpu.memref_squeeze %dma_start3A_487 : memref<1x128xi32, #tpu.memory_space<vmem>> -> memref<128xi32, #tpu.memory_space<vmem>>
      %dma_start3A_489 = arith.constant 0 : i32
      %dma_start3A_490 = arith.constant 0 : i32
      %dma_start3A_491 = tpu.memref_slice %arg11[%dma_start3A_489, %dma_start3A_490] : memref<10112x128xf32, #tpu.memory_space<vmem_shared>> -> memref<10112x128xf32, #tpu.memory_space<vmem_shared>>
      tpu.enqueue_indirect_dma source(%arg8 : memref<128x128xf32, #tpu.memory_space<vmem>>) target(%dma_start3A_491 : memref<10112x128xf32, #tpu.memory_space<vmem_shared>>) offsets(%dma_start3A_488 : memref<128xi32, #tpu.memory_space<vmem>>) semaphore(%arg14 : memref<!tpu.dma_semaphore, #tpu.memory_space<semaphore_mem>>) {add = true}
      %dma_wait3A_492 = arith.constant 3 : i32
      %dma_wait3A_493 = arith.constant 0 : i32
      %dma_wait3A_494 = tpu.memref_slice %arg6[%dma_wait3A_492, %dma_wait3A_493] : memref<8x128xi32, #tpu.memory_space<vmem>> -> memref<1x128xi32, #tpu.memory_space<vmem>>
      %dma_wait3A_495 = tpu.memref_squeeze %dma_wait3A_494 : memref<1x128xi32, #tpu.memory_space<vmem>> -> memref<128xi32, #tpu.memory_space<vmem>>
      %dma_wait3A_496 = arith.constant 0 : i32
      %dma_wait3A_497 = arith.constant 0 : i32
      %dma_wait3A_498 = tpu.memref_slice %arg2[%dma_wait3A_496, %dma_wait3A_497] : memref<10112x128xf32, #tpu.memory_space<hbm>> -> memref<10112x128xf32, #tpu.memory_space<hbm>>
      tpu.wait_indirect_dma semaphore(%arg13 : memref<!tpu.dma_semaphore, #tpu.memory_space<semaphore_mem>>) src(%dma_wait3A_498 : memref<10112x128xf32, #tpu.memory_space<hbm>>) dst(%arg9 : memref<128x128xf32, #tpu.memory_space<vmem>>)
      %dma_wait3A_499 = arith.constant 2 : i32
      %dma_wait3A_500 = arith.constant 0 : i32
      %dma_wait3A_501 = tpu.memref_slice %arg7[%dma_wait3A_499, %dma_wait3A_500] : memref<8x128xi32, #tpu.memory_space<vmem>> -> memref<1x128xi32, #tpu.memory_space<vmem>>
      %dma_wait3A_502 = tpu.memref_squeeze %dma_wait3A_501 : memref<1x128xi32, #tpu.memory_space<vmem>> -> memref<128xi32, #tpu.memory_space<vmem>>
      %dma_wait3A_503 = arith.constant 0 : i32
      %dma_wait3A_504 = arith.constant 0 : i32
      %dma_wait3A_505 = tpu.memref_slice %arg11[%dma_wait3A_503, %dma_wait3A_504] : memref<10112x128xf32, #tpu.memory_space<vmem_shared>> -> memref<10112x128xf32, #tpu.memory_space<vmem_shared>>
      tpu.wait_indirect_dma semaphore(%arg14 : memref<!tpu.dma_semaphore, #tpu.memory_space<semaphore_mem>>) src(%arg8 : memref<128x128xf32, #tpu.memory_space<vmem>>) dst(%dma_wait3A_505 : memref<10112x128xf32, #tpu.memory_space<vmem_shared>>)
      %dma_start3A_506 = arith.constant 4 : i32
      %dma_start3A_507 = arith.constant 0 : i32
      %dma_start3A_508 = tpu.memref_slice %arg6[%dma_start3A_506, %dma_start3A_507] : memref<8x128xi32, #tpu.memory_space<vmem>> -> memref<1x128xi32, #tpu.memory_space<vmem>>
      %dma_start3A_509 = tpu.memref_squeeze %dma_start3A_508 : memref<1x128xi32, #tpu.memory_space<vmem>> -> memref<128xi32, #tpu.memory_space<vmem>>
      %dma_start3A_510 = arith.constant 0 : i32
      %dma_start3A_511 = arith.constant 0 : i32
      %dma_start3A_512 = tpu.memref_slice %arg2[%dma_start3A_510, %dma_start3A_511] : memref<10112x128xf32, #tpu.memory_space<hbm>> -> memref<10112x128xf32, #tpu.memory_space<hbm>>
      tpu.enqueue_indirect_dma source(%dma_start3A_512 : memref<10112x128xf32, #tpu.memory_space<hbm>>) target(%arg8 : memref<128x128xf32, #tpu.memory_space<vmem>>) offsets(%dma_start3A_509 : memref<128xi32, #tpu.memory_space<vmem>>) semaphore(%arg12 : memref<!tpu.dma_semaphore, #tpu.memory_space<semaphore_mem>>)
      %dma_start3A_513 = arith.constant 3 : i32
      %dma_start3A_514 = arith.constant 0 : i32
      %dma_start3A_515 = tpu.memref_slice %arg7[%dma_start3A_513, %dma_start3A_514] : memref<8x128xi32, #tpu.memory_space<vmem>> -> memref<1x128xi32, #tpu.memory_space<vmem>>
      %dma_start3A_516 = tpu.memref_squeeze %dma_start3A_515 : memref<1x128xi32, #tpu.memory_space<vmem>> -> memref<128xi32, #tpu.memory_space<vmem>>
      %dma_start3A_517 = arith.constant 0 : i32
      %dma_start3A_518 = arith.constant 0 : i32
      %dma_start3A_519 = tpu.memref_slice %arg11[%dma_start3A_517, %dma_start3A_518] : memref<10112x128xf32, #tpu.memory_space<vmem_shared>> -> memref<10112x128xf32, #tpu.memory_space<vmem_shared>>
      tpu.enqueue_indirect_dma source(%arg9 : memref<128x128xf32, #tpu.memory_space<vmem>>) target(%dma_start3A_519 : memref<10112x128xf32, #tpu.memory_space<vmem_shared>>) offsets(%dma_start3A_516 : memref<128xi32, #tpu.memory_space<vmem>>) semaphore(%arg15 : memref<!tpu.dma_semaphore, #tpu.memory_space<semaphore_mem>>) {add = true}
      %dma_wait3A_520 = arith.constant 4 : i32
      %dma_wait3A_521 = arith.constant 0 : i32
      %dma_wait3A_522 = tpu.memref_slice %arg6[%dma_wait3A_520, %dma_wait3A_521] : memref<8x128xi32, #tpu.memory_space<vmem>> -> memref<1x128xi32, #tpu.memory_space<vmem>>
      %dma_wait3A_523 = tpu.memref_squeeze %dma_wait3A_522 : memref<1x128xi32, #tpu.memory_space<vmem>> -> memref<128xi32, #tpu.memory_space<vmem>>
      %dma_wait3A_524 = arith.constant 0 : i32
      %dma_wait3A_525 = arith.constant 0 : i32
      %dma_wait3A_526 = tpu.memref_slice %arg2[%dma_wait3A_524, %dma_wait3A_525] : memref<10112x128xf32, #tpu.memory_space<hbm>> -> memref<10112x128xf32, #tpu.memory_space<hbm>>
      tpu.wait_indirect_dma semaphore(%arg12 : memref<!tpu.dma_semaphore, #tpu.memory_space<semaphore_mem>>) src(%dma_wait3A_526 : memref<10112x128xf32, #tpu.memory_space<hbm>>) dst(%arg8 : memref<128x128xf32, #tpu.memory_space<vmem>>)
      %dma_wait3A_527 = arith.constant 3 : i32
      %dma_wait3A_528 = arith.constant 0 : i32
      %dma_wait3A_529 = tpu.memref_slice %arg7[%dma_wait3A_527, %dma_wait3A_528] : memref<8x128xi32, #tpu.memory_space<vmem>> -> memref<1x128xi32, #tpu.memory_space<vmem>>
      %dma_wait3A_530 = tpu.memref_squeeze %dma_wait3A_529 : memref<1x128xi32, #tpu.memory_space<vmem>> -> memref<128xi32, #tpu.memory_space<vmem>>
      %dma_wait3A_531 = arith.constant 0 : i32
      %dma_wait3A_532 = arith.constant 0 : i32
      %dma_wait3A_533 = tpu.memref_slice %arg11[%dma_wait3A_531, %dma_wait3A_532] : memref<10112x128xf32, #tpu.memory_space<vmem_shared>> -> memref<10112x128xf32, #tpu.memory_space<vmem_shared>>
      tpu.wait_indirect_dma semaphore(%arg15 : memref<!tpu.dma_semaphore, #tpu.memory_space<semaphore_mem>>) src(%arg9 : memref<128x128xf32, #tpu.memory_space<vmem>>) dst(%dma_wait3A_533 : memref<10112x128xf32, #tpu.memory_space<vmem_shared>>)
      %dma_start3A_534 = arith.constant 5 : i32
      %dma_start3A_535 = arith.constant 0 : i32
      %dma_start3A_536 = tpu.memref_slice %arg6[%dma_start3A_534, %dma_start3A_535] : memref<8x128xi32, #tpu.memory_space<vmem>> -> memref<1x128xi32, #tpu.memory_space<vmem>>
      %dma_start3A_537 = tpu.memref_squeeze %dma_start3A_536 : memref<1x128xi32, #tpu.memory_space<vmem>> -> memref<128xi32, #tpu.memory_space<vmem>>
      %dma_start3A_538 = arith.constant 0 : i32
      %dma_start3A_539 = arith.constant 0 : i32
      %dma_start3A_540 = tpu.memref_slice %arg2[%dma_start3A_538, %dma_start3A_539] : memref<10112x128xf32, #tpu.memory_space<hbm>> -> memref<10112x128xf32, #tpu.memory_space<hbm>>
      tpu.enqueue_indirect_dma source(%dma_start3A_540 : memref<10112x128xf32, #tpu.memory_space<hbm>>) target(%arg9 : memref<128x128xf32, #tpu.memory_space<vmem>>) offsets(%dma_start3A_537 : memref<128xi32, #tpu.memory_space<vmem>>) semaphore(%arg13 : memref<!tpu.dma_semaphore, #tpu.memory_space<semaphore_mem>>)
      %dma_start3A_541 = arith.constant 4 : i32
      %dma_start3A_542 = arith.constant 0 : i32
      %dma_start3A_543 = tpu.memref_slice %arg7[%dma_start3A_541, %dma_start3A_542] : memref<8x128xi32, #tpu.memory_space<vmem>> -> memref<1x128xi32, #tpu.memory_space<vmem>>
      %dma_start3A_544 = tpu.memref_squeeze %dma_start3A_543 : memref<1x128xi32, #tpu.memory_space<vmem>> -> memref<128xi32, #tpu.memory_space<vmem>>
      %dma_start3A_545 = arith.constant 0 : i32
      %dma_start3A_546 = arith.constant 0 : i32
      %dma_start3A_547 = tpu.memref_slice %arg11[%dma_start3A_545, %dma_start3A_546] : memref<10112x128xf32, #tpu.memory_space<vmem_shared>> -> memref<10112x128xf32, #tpu.memory_space<vmem_shared>>
      tpu.enqueue_indirect_dma source(%arg8 : memref<128x128xf32, #tpu.memory_space<vmem>>) target(%dma_start3A_547 : memref<10112x128xf32, #tpu.memory_space<vmem_shared>>) offsets(%dma_start3A_544 : memref<128xi32, #tpu.memory_space<vmem>>) semaphore(%arg14 : memref<!tpu.dma_semaphore, #tpu.memory_space<semaphore_mem>>) {add = true}
      %dma_wait3A_548 = arith.constant 5 : i32
      %dma_wait3A_549 = arith.constant 0 : i32
      %dma_wait3A_550 = tpu.memref_slice %arg6[%dma_wait3A_548, %dma_wait3A_549] : memref<8x128xi32, #tpu.memory_space<vmem>> -> memref<1x128xi32, #tpu.memory_space<vmem>>
      %dma_wait3A_551 = tpu.memref_squeeze %dma_wait3A_550 : memref<1x128xi32, #tpu.memory_space<vmem>> -> memref<128xi32, #tpu.memory_space<vmem>>
      %dma_wait3A_552 = arith.constant 0 : i32
      %dma_wait3A_553 = arith.constant 0 : i32
      %dma_wait3A_554 = tpu.memref_slice %arg2[%dma_wait3A_552, %dma_wait3A_553] : memref<10112x128xf32, #tpu.memory_space<hbm>> -> memref<10112x128xf32, #tpu.memory_space<hbm>>
      tpu.wait_indirect_dma semaphore(%arg13 : memref<!tpu.dma_semaphore, #tpu.memory_space<semaphore_mem>>) src(%dma_wait3A_554 : memref<10112x128xf32, #tpu.memory_space<hbm>>) dst(%arg9 : memref<128x128xf32, #tpu.memory_space<vmem>>)
      %dma_wait3A_555 = arith.constant 4 : i32
      %dma_wait3A_556 = arith.constant 0 : i32
      %dma_wait3A_557 = tpu.memref_slice %arg7[%dma_wait3A_555, %dma_wait3A_556] : memref<8x128xi32, #tpu.memory_space<vmem>> -> memref<1x128xi32, #tpu.memory_space<vmem>>
      %dma_wait3A_558 = tpu.memref_squeeze %dma_wait3A_557 : memref<1x128xi32, #tpu.memory_space<vmem>> -> memref<128xi32, #tpu.memory_space<vmem>>
      %dma_wait3A_559 = arith.constant 0 : i32
      %dma_wait3A_560 = arith.constant 0 : i32
      %dma_wait3A_561 = tpu.memref_slice %arg11[%dma_wait3A_559, %dma_wait3A_560] : memref<10112x128xf32, #tpu.memory_space<vmem_shared>> -> memref<10112x128xf32, #tpu.memory_space<vmem_shared>>
      tpu.wait_indirect_dma semaphore(%arg14 : memref<!tpu.dma_semaphore, #tpu.memory_space<semaphore_mem>>) src(%arg8 : memref<128x128xf32, #tpu.memory_space<vmem>>) dst(%dma_wait3A_561 : memref<10112x128xf32, #tpu.memory_space<vmem_shared>>)
      %dma_start3A_562 = arith.constant 6 : i32
      %dma_start3A_563 = arith.constant 0 : i32
      %dma_start3A_564 = tpu.memref_slice %arg6[%dma_start3A_562, %dma_start3A_563] : memref<8x128xi32, #tpu.memory_space<vmem>> -> memref<1x128xi32, #tpu.memory_space<vmem>>
      %dma_start3A_565 = tpu.memref_squeeze %dma_start3A_564 : memref<1x128xi32, #tpu.memory_space<vmem>> -> memref<128xi32, #tpu.memory_space<vmem>>
      %dma_start3A_566 = arith.constant 0 : i32
      %dma_start3A_567 = arith.constant 0 : i32
      %dma_start3A_568 = tpu.memref_slice %arg2[%dma_start3A_566, %dma_start3A_567] : memref<10112x128xf32, #tpu.memory_space<hbm>> -> memref<10112x128xf32, #tpu.memory_space<hbm>>
      tpu.enqueue_indirect_dma source(%dma_start3A_568 : memref<10112x128xf32, #tpu.memory_space<hbm>>) target(%arg8 : memref<128x128xf32, #tpu.memory_space<vmem>>) offsets(%dma_start3A_565 : memref<128xi32, #tpu.memory_space<vmem>>) semaphore(%arg12 : memref<!tpu.dma_semaphore, #tpu.memory_space<semaphore_mem>>)
      %dma_start3A_569 = arith.constant 5 : i32
      %dma_start3A_570 = arith.constant 0 : i32
      %dma_start3A_571 = tpu.memref_slice %arg7[%dma_start3A_569, %dma_start3A_570] : memref<8x128xi32, #tpu.memory_space<vmem>> -> memref<1x128xi32, #tpu.memory_space<vmem>>
      %dma_start3A_572 = tpu.memref_squeeze %dma_start3A_571 : memref<1x128xi32, #tpu.memory_space<vmem>> -> memref<128xi32, #tpu.memory_space<vmem>>
      %dma_start3A_573 = arith.constant 0 : i32
      %dma_start3A_574 = arith.constant 0 : i32
      %dma_start3A_575 = tpu.memref_slice %arg11[%dma_start3A_573, %dma_start3A_574] : memref<10112x128xf32, #tpu.memory_space<vmem_shared>> -> memref<10112x128xf32, #tpu.memory_space<vmem_shared>>
      tpu.enqueue_indirect_dma source(%arg9 : memref<128x128xf32, #tpu.memory_space<vmem>>) target(%dma_start3A_575 : memref<10112x128xf32, #tpu.memory_space<vmem_shared>>) offsets(%dma_start3A_572 : memref<128xi32, #tpu.memory_space<vmem>>) semaphore(%arg15 : memref<!tpu.dma_semaphore, #tpu.memory_space<semaphore_mem>>) {add = true}
      %dma_wait3A_576 = arith.constant 6 : i32
      %dma_wait3A_577 = arith.constant 0 : i32
      %dma_wait3A_578 = tpu.memref_slice %arg6[%dma_wait3A_576, %dma_wait3A_577] : memref<8x128xi32, #tpu.memory_space<vmem>> -> memref<1x128xi32, #tpu.memory_space<vmem>>
      %dma_wait3A_579 = tpu.memref_squeeze %dma_wait3A_578 : memref<1x128xi32, #tpu.memory_space<vmem>> -> memref<128xi32, #tpu.memory_space<vmem>>
      %dma_wait3A_580 = arith.constant 0 : i32
      %dma_wait3A_581 = arith.constant 0 : i32
      %dma_wait3A_582 = tpu.memref_slice %arg2[%dma_wait3A_580, %dma_wait3A_581] : memref<10112x128xf32, #tpu.memory_space<hbm>> -> memref<10112x128xf32, #tpu.memory_space<hbm>>
      tpu.wait_indirect_dma semaphore(%arg12 : memref<!tpu.dma_semaphore, #tpu.memory_space<semaphore_mem>>) src(%dma_wait3A_582 : memref<10112x128xf32, #tpu.memory_space<hbm>>) dst(%arg8 : memref<128x128xf32, #tpu.memory_space<vmem>>)
      %dma_wait3A_583 = arith.constant 5 : i32
      %dma_wait3A_584 = arith.constant 0 : i32
      %dma_wait3A_585 = tpu.memref_slice %arg7[%dma_wait3A_583, %dma_wait3A_584] : memref<8x128xi32, #tpu.memory_space<vmem>> -> memref<1x128xi32, #tpu.memory_space<vmem>>
      %dma_wait3A_586 = tpu.memref_squeeze %dma_wait3A_585 : memref<1x128xi32, #tpu.memory_space<vmem>> -> memref<128xi32, #tpu.memory_space<vmem>>
      %dma_wait3A_587 = arith.constant 0 : i32
      %dma_wait3A_588 = arith.constant 0 : i32
      %dma_wait3A_589 = tpu.memref_slice %arg11[%dma_wait3A_587, %dma_wait3A_588] : memref<10112x128xf32, #tpu.memory_space<vmem_shared>> -> memref<10112x128xf32, #tpu.memory_space<vmem_shared>>
      tpu.wait_indirect_dma semaphore(%arg15 : memref<!tpu.dma_semaphore, #tpu.memory_space<semaphore_mem>>) src(%arg9 : memref<128x128xf32, #tpu.memory_space<vmem>>) dst(%dma_wait3A_589 : memref<10112x128xf32, #tpu.memory_space<vmem_shared>>)
      %dma_start3A_590 = arith.constant 7 : i32
      %dma_start3A_591 = arith.constant 0 : i32
      %dma_start3A_592 = tpu.memref_slice %arg6[%dma_start3A_590, %dma_start3A_591] : memref<8x128xi32, #tpu.memory_space<vmem>> -> memref<1x128xi32, #tpu.memory_space<vmem>>
      %dma_start3A_593 = tpu.memref_squeeze %dma_start3A_592 : memref<1x128xi32, #tpu.memory_space<vmem>> -> memref<128xi32, #tpu.memory_space<vmem>>
      %dma_start3A_594 = arith.constant 0 : i32
      %dma_start3A_595 = arith.constant 0 : i32
      %dma_start3A_596 = tpu.memref_slice %arg2[%dma_start3A_594, %dma_start3A_595] : memref<10112x128xf32, #tpu.memory_space<hbm>> -> memref<10112x128xf32, #tpu.memory_space<hbm>>
      tpu.enqueue_indirect_dma source(%dma_start3A_596 : memref<10112x128xf32, #tpu.memory_space<hbm>>) target(%arg9 : memref<128x128xf32, #tpu.memory_space<vmem>>) offsets(%dma_start3A_593 : memref<128xi32, #tpu.memory_space<vmem>>) semaphore(%arg13 : memref<!tpu.dma_semaphore, #tpu.memory_space<semaphore_mem>>)
      %dma_start3A_597 = arith.constant 6 : i32
      %dma_start3A_598 = arith.constant 0 : i32
      %dma_start3A_599 = tpu.memref_slice %arg7[%dma_start3A_597, %dma_start3A_598] : memref<8x128xi32, #tpu.memory_space<vmem>> -> memref<1x128xi32, #tpu.memory_space<vmem>>
      %dma_start3A_600 = tpu.memref_squeeze %dma_start3A_599 : memref<1x128xi32, #tpu.memory_space<vmem>> -> memref<128xi32, #tpu.memory_space<vmem>>
      %dma_start3A_601 = arith.constant 0 : i32
      %dma_start3A_602 = arith.constant 0 : i32
      %dma_start3A_603 = tpu.memref_slice %arg11[%dma_start3A_601, %dma_start3A_602] : memref<10112x128xf32, #tpu.memory_space<vmem_shared>> -> memref<10112x128xf32, #tpu.memory_space<vmem_shared>>
      tpu.enqueue_indirect_dma source(%arg8 : memref<128x128xf32, #tpu.memory_space<vmem>>) target(%dma_start3A_603 : memref<10112x128xf32, #tpu.memory_space<vmem_shared>>) offsets(%dma_start3A_600 : memref<128xi32, #tpu.memory_space<vmem>>) semaphore(%arg14 : memref<!tpu.dma_semaphore, #tpu.memory_space<semaphore_mem>>) {add = true}
      %dma_wait3A_604 = arith.constant 7 : i32
      %dma_wait3A_605 = arith.constant 0 : i32
      %dma_wait3A_606 = tpu.memref_slice %arg6[%dma_wait3A_604, %dma_wait3A_605] : memref<8x128xi32, #tpu.memory_space<vmem>> -> memref<1x128xi32, #tpu.memory_space<vmem>>
      %dma_wait3A_607 = tpu.memref_squeeze %dma_wait3A_606 : memref<1x128xi32, #tpu.memory_space<vmem>> -> memref<128xi32, #tpu.memory_space<vmem>>
      %dma_wait3A_608 = arith.constant 0 : i32
      %dma_wait3A_609 = arith.constant 0 : i32
      %dma_wait3A_610 = tpu.memref_slice %arg2[%dma_wait3A_608, %dma_wait3A_609] : memref<10112x128xf32, #tpu.memory_space<hbm>> -> memref<10112x128xf32, #tpu.memory_space<hbm>>
      tpu.wait_indirect_dma semaphore(%arg13 : memref<!tpu.dma_semaphore, #tpu.memory_space<semaphore_mem>>) src(%dma_wait3A_610 : memref<10112x128xf32, #tpu.memory_space<hbm>>) dst(%arg9 : memref<128x128xf32, #tpu.memory_space<vmem>>)
      %dma_start3A_611 = arith.constant 7 : i32
      %dma_start3A_612 = arith.constant 0 : i32
      %dma_start3A_613 = tpu.memref_slice %arg7[%dma_start3A_611, %dma_start3A_612] : memref<8x128xi32, #tpu.memory_space<vmem>> -> memref<1x128xi32, #tpu.memory_space<vmem>>
      %dma_start3A_614 = tpu.memref_squeeze %dma_start3A_613 : memref<1x128xi32, #tpu.memory_space<vmem>> -> memref<128xi32, #tpu.memory_space<vmem>>
      %dma_start3A_615 = arith.constant 0 : i32
      %dma_start3A_616 = arith.constant 0 : i32
      %dma_start3A_617 = tpu.memref_slice %arg11[%dma_start3A_615, %dma_start3A_616] : memref<10112x128xf32, #tpu.memory_space<vmem_shared>> -> memref<10112x128xf32, #tpu.memory_space<vmem_shared>>
      tpu.enqueue_indirect_dma source(%arg9 : memref<128x128xf32, #tpu.memory_space<vmem>>) target(%dma_start3A_617 : memref<10112x128xf32, #tpu.memory_space<vmem_shared>>) offsets(%dma_start3A_614 : memref<128xi32, #tpu.memory_space<vmem>>) semaphore(%arg15 : memref<!tpu.dma_semaphore, #tpu.memory_space<semaphore_mem>>) {add = true}
      %dma_wait3A_618 = arith.constant 6 : i32
      %dma_wait3A_619 = arith.constant 0 : i32
      %dma_wait3A_620 = tpu.memref_slice %arg7[%dma_wait3A_618, %dma_wait3A_619] : memref<8x128xi32, #tpu.memory_space<vmem>> -> memref<1x128xi32, #tpu.memory_space<vmem>>
      %dma_wait3A_621 = tpu.memref_squeeze %dma_wait3A_620 : memref<1x128xi32, #tpu.memory_space<vmem>> -> memref<128xi32, #tpu.memory_space<vmem>>
      %dma_wait3A_622 = arith.constant 0 : i32
      %dma_wait3A_623 = arith.constant 0 : i32
      %dma_wait3A_624 = tpu.memref_slice %arg11[%dma_wait3A_622, %dma_wait3A_623] : memref<10112x128xf32, #tpu.memory_space<vmem_shared>> -> memref<10112x128xf32, #tpu.memory_space<vmem_shared>>
      tpu.wait_indirect_dma semaphore(%arg14 : memref<!tpu.dma_semaphore, #tpu.memory_space<semaphore_mem>>) src(%arg8 : memref<128x128xf32, #tpu.memory_space<vmem>>) dst(%dma_wait3A_624 : memref<10112x128xf32, #tpu.memory_space<vmem_shared>>)
      %dma_wait3A_625 = arith.constant 7 : i32
      %dma_wait3A_626 = arith.constant 0 : i32
      %dma_wait3A_627 = tpu.memref_slice %arg7[%dma_wait3A_625, %dma_wait3A_626] : memref<8x128xi32, #tpu.memory_space<vmem>> -> memref<1x128xi32, #tpu.memory_space<vmem>>
      %dma_wait3A_628 = tpu.memref_squeeze %dma_wait3A_627 : memref<1x128xi32, #tpu.memory_space<vmem>> -> memref<128xi32, #tpu.memory_space<vmem>>
      %dma_wait3A_629 = arith.constant 0 : i32
      %dma_wait3A_630 = arith.constant 0 : i32
      %dma_wait3A_631 = tpu.memref_slice %arg11[%dma_wait3A_629, %dma_wait3A_630] : memref<10112x128xf32, #tpu.memory_space<vmem_shared>> -> memref<10112x128xf32, #tpu.memory_space<vmem_shared>>
      tpu.wait_indirect_dma semaphore(%arg15 : memref<!tpu.dma_semaphore, #tpu.memory_space<semaphore_mem>>) src(%arg9 : memref<128x128xf32, #tpu.memory_space<vmem>>) dst(%dma_wait3A_631 : memref<10112x128xf32, #tpu.memory_space<vmem_shared>>)
    }
    %while3A_402 = arith.constant 1 : i32
    scf.for %while3A_406 = %while3A_400 to %while3A_396 step %while3A_402  : i32 {
      %mul3A_407 = arith.constant 8 : i32
      %mul3A_408 = arith.muli %while3A_406, %mul3A_407 : i32
      %add3A_409 = arith.addi %add3A, %mul3A_408 : i32
      "tpu.region"() ({
        %run_scoped3A = tpu.sem_alloc : memref<!tpu.dma_semaphore, #tpu.memory_space<semaphore_mem>>
        %dma_start3A_632 = arith.constant 0 : i32
        %dma_start3A_633 = tpu.memref_slice %arg3[%add3A_409, %dma_start3A_632] : memref<2560x128xi32, #tpu.memory_space<hbm>> -> memref<8x128xi32, #tpu.memory_space<hbm>>
        %dma_start3A_634 = arith.constant 0 : i32
        %dma_start3A_635 = tpu.memref_slice %arg3[%add3A_409, %dma_start3A_634] : memref<2560x128xi32, #tpu.memory_space<hbm>> -> memref<8x128xi32, #tpu.memory_space<hbm>>
        tpu.enqueue_dma source(%dma_start3A_635 : memref<8x128xi32, #tpu.memory_space<hbm>>) target(%arg6 : memref<8x128xi32, #tpu.memory_space<vmem>>) target_semaphore(%run_scoped3A : memref<!tpu.dma_semaphore, #tpu.memory_space<semaphore_mem>>)
        %dma_wait3A_636 = arith.constant 0 : i32
        %dma_wait3A_637 = tpu.memref_slice %arg3[%add3A_409, %dma_wait3A_636] : memref<2560x128xi32, #tpu.memory_space<hbm>> -> memref<8x128xi32, #tpu.memory_space<hbm>>
        %dma_wait3A_638 = arith.constant 0 : i32
        %dma_wait3A_639 = tpu.memref_slice %arg3[%add3A_409, %dma_wait3A_638] : memref<2560x128xi32, #tpu.memory_space<hbm>> -> memref<8x128xi32, #tpu.memory_space<hbm>>
        tpu.wait_dma2 semaphore(%run_scoped3A : memref<!tpu.dma_semaphore, #tpu.memory_space<semaphore_mem>>) src(%dma_wait3A_639 : memref<8x128xi32, #tpu.memory_space<hbm>>) dst(%arg6 : memref<8x128xi32, #tpu.memory_space<vmem>>)
        tpu.yield
      }) : () -> ()
      "tpu.region"() ({
        %run_scoped3A = tpu.sem_alloc : memref<!tpu.dma_semaphore, #tpu.memory_space<semaphore_mem>>
        %dma_start3A_632 = arith.constant 0 : i32
        %dma_start3A_633 = tpu.memref_slice %arg4[%add3A_409, %dma_start3A_632] : memref<2560x128xi32, #tpu.memory_space<hbm>> -> memref<8x128xi32, #tpu.memory_space<hbm>>
        %dma_start3A_634 = arith.constant 0 : i32
        %dma_start3A_635 = tpu.memref_slice %arg4[%add3A_409, %dma_start3A_634] : memref<2560x128xi32, #tpu.memory_space<hbm>> -> memref<8x128xi32, #tpu.memory_space<hbm>>
        tpu.enqueue_dma source(%dma_start3A_635 : memref<8x128xi32, #tpu.memory_space<hbm>>) target(%arg7 : memref<8x128xi32, #tpu.memory_space<vmem>>) target_semaphore(%run_scoped3A : memref<!tpu.dma_semaphore, #tpu.memory_space<semaphore_mem>>)
        %dma_wait3A_636 = arith.constant 0 : i32
        %dma_wait3A_637 = tpu.memref_slice %arg4[%add3A_409, %dma_wait3A_636] : memref<2560x128xi32, #tpu.memory_space<hbm>> -> memref<8x128xi32, #tpu.memory_space<hbm>>
        %dma_wait3A_638 = arith.constant 0 : i32
        %dma_wait3A_639 = tpu.memref_slice %arg4[%add3A_409, %dma_wait3A_638] : memref<2560x128xi32, #tpu.memory_space<hbm>> -> memref<8x128xi32, #tpu.memory_space<hbm>>
        tpu.wait_dma2 semaphore(%run_scoped3A : memref<!tpu.dma_semaphore, #tpu.memory_space<semaphore_mem>>) src(%dma_wait3A_639 : memref<8x128xi32, #tpu.memory_space<hbm>>) dst(%arg7 : memref<8x128xi32, #tpu.memory_space<vmem>>)
        tpu.yield
      }) : () -> ()
      %dma_start3A = arith.constant 0 : i32
      %dma_start3A_410 = arith.constant 0 : i32
      %dma_start3A_411 = tpu.memref_slice %arg6[%dma_start3A, %dma_start3A_410] : memref<8x128xi32, #tpu.memory_space<vmem>> -> memref<1x128xi32, #tpu.memory_space<vmem>>
      %dma_start3A_412 = tpu.memref_squeeze %dma_start3A_411 : memref<1x128xi32, #tpu.memory_space<vmem>> -> memref<128xi32, #tpu.memory_space<vmem>>
      %dma_start3A_413 = arith.constant 0 : i32
      %dma_start3A_414 = arith.constant 0 : i32
      %dma_start3A_415 = tpu.memref_slice %arg2[%dma_start3A_413, %dma_start3A_414] : memref<10112x128xf32, #tpu.memory_space<hbm>> -> memref<10112x128xf32, #tpu.memory_space<hbm>>
      tpu.enqueue_indirect_dma source(%dma_start3A_415 : memref<10112x128xf32, #tpu.memory_space<hbm>>) target(%arg8 : memref<128x128xf32, #tpu.memory_space<vmem>>) offsets(%dma_start3A_412 : memref<128xi32, #tpu.memory_space<vmem>>) semaphore(%arg12 : memref<!tpu.dma_semaphore, #tpu.memory_space<semaphore_mem>>)
      %dma_wait3A = arith.constant 0 : i32
      %dma_wait3A_416 = arith.constant 0 : i32
      %dma_wait3A_417 = tpu.memref_slice %arg6[%dma_wait3A, %dma_wait3A_416] : memref<8x128xi32, #tpu.memory_space<vmem>> -> memref<1x128xi32, #tpu.memory_space<vmem>>
      %dma_wait3A_418 = tpu.memref_squeeze %dma_wait3A_417 : memref<1x128xi32, #tpu.memory_space<vmem>> -> memref<128xi32, #tpu.memory_space<vmem>>
      %dma_wait3A_419 = arith.constant 0 : i32
      %dma_wait3A_420 = arith.constant 0 : i32
      %dma_wait3A_421 = tpu.memref_slice %arg2[%dma_wait3A_419, %dma_wait3A_420] : memref<10112x128xf32, #tpu.memory_space<hbm>> -> memref<10112x128xf32, #tpu.memory_space<hbm>>
      tpu.wait_indirect_dma semaphore(%arg12 : memref<!tpu.dma_semaphore, #tpu.memory_space<semaphore_mem>>) src(%dma_wait3A_421 : memref<10112x128xf32, #tpu.memory_space<hbm>>) dst(%arg8 : memref<128x128xf32, #tpu.memory_space<vmem>>)
      %dma_start3A_422 = arith.constant 1 : i32
      %dma_start3A_423 = arith.constant 0 : i32
      %dma_start3A_424 = tpu.memref_slice %arg6[%dma_start3A_422, %dma_start3A_423] : memref<8x128xi32, #tpu.memory_space<vmem>> -> memref<1x128xi32, #tpu.memory_space<vmem>>
      %dma_start3A_425 = tpu.memref_squeeze %dma_start3A_424 : memref<1x128xi32, #tpu.memory_space<vmem>> -> memref<128xi32, #tpu.memory_space<vmem>>
      %dma_start3A_426 = arith.constant 0 : i32
      %dma_start3A_427 = arith.constant 0 : i32
      %dma_start3A_428 = tpu.memref_slice %arg2[%dma_start3A_426, %dma_start3A_427] : memref<10112x128xf32, #tpu.memory_space<hbm>> -> memref<10112x128xf32, #tpu.memory_space<hbm>>
      tpu.enqueue_indirect_dma source(%dma_start3A_428 : memref<10112x128xf32, #tpu.memory_space<hbm>>) target(%arg9 : memref<128x128xf32, #tpu.memory_space<vmem>>) offsets(%dma_start3A_425 : memref<128xi32, #tpu.memory_space<vmem>>) semaphore(%arg13 : memref<!tpu.dma_semaphore, #tpu.memory_space<semaphore_mem>>)
      %dma_start3A_429 = arith.constant 0 : i32
      %dma_start3A_430 = arith.constant 0 : i32
      %dma_start3A_431 = tpu.memref_slice %arg7[%dma_start3A_429, %dma_start3A_430] : memref<8x128xi32, #tpu.memory_space<vmem>> -> memref<1x128xi32, #tpu.memory_space<vmem>>
      %dma_start3A_432 = tpu.memref_squeeze %dma_start3A_431 : memref<1x128xi32, #tpu.memory_space<vmem>> -> memref<128xi32, #tpu.memory_space<vmem>>
      %dma_start3A_433 = arith.constant 0 : i32
      %dma_start3A_434 = arith.constant 0 : i32
      %dma_start3A_435 = tpu.memref_slice %arg11[%dma_start3A_433, %dma_start3A_434] : memref<10112x128xf32, #tpu.memory_space<vmem_shared>> -> memref<10112x128xf32, #tpu.memory_space<vmem_shared>>
      tpu.enqueue_indirect_dma source(%arg8 : memref<128x128xf32, #tpu.memory_space<vmem>>) target(%dma_start3A_435 : memref<10112x128xf32, #tpu.memory_space<vmem_shared>>) offsets(%dma_start3A_432 : memref<128xi32, #tpu.memory_space<vmem>>) semaphore(%arg14 : memref<!tpu.dma_semaphore, #tpu.memory_space<semaphore_mem>>) {add = true}
      %dma_wait3A_436 = arith.constant 1 : i32
      %dma_wait3A_437 = arith.constant 0 : i32
      %dma_wait3A_438 = tpu.memref_slice %arg6[%dma_wait3A_436, %dma_wait3A_437] : memref<8x128xi32, #tpu.memory_space<vmem>> -> memref<1x128xi32, #tpu.memory_space<vmem>>
      %dma_wait3A_439 = tpu.memref_squeeze %dma_wait3A_438 : memref<1x128xi32, #tpu.memory_space<vmem>> -> memref<128xi32, #tpu.memory_space<vmem>>
      %dma_wait3A_440 = arith.constant 0 : i32
      %dma_wait3A_441 = arith.constant 0 : i32
      %dma_wait3A_442 = tpu.memref_slice %arg2[%dma_wait3A_440, %dma_wait3A_441] : memref<10112x128xf32, #tpu.memory_space<hbm>> -> memref<10112x128xf32, #tpu.memory_space<hbm>>
      tpu.wait_indirect_dma semaphore(%arg13 : memref<!tpu.dma_semaphore, #tpu.memory_space<semaphore_mem>>) src(%dma_wait3A_442 : memref<10112x128xf32, #tpu.memory_space<hbm>>) dst(%arg9 : memref<128x128xf32, #tpu.memory_space<vmem>>)
      %dma_wait3A_443 = arith.constant 0 : i32
      %dma_wait3A_444 = arith.constant 0 : i32
      %dma_wait3A_445 = tpu.memref_slice %arg7[%dma_wait3A_443, %dma_wait3A_444] : memref<8x128xi32, #tpu.memory_space<vmem>> -> memref<1x128xi32, #tpu.memory_space<vmem>>
      %dma_wait3A_446 = tpu.memref_squeeze %dma_wait3A_445 : memref<1x128xi32, #tpu.memory_space<vmem>> -> memref<128xi32, #tpu.memory_space<vmem>>
      %dma_wait3A_447 = arith.constant 0 : i32
      %dma_wait3A_448 = arith.constant 0 : i32
      %dma_wait3A_449 = tpu.memref_slice %arg11[%dma_wait3A_447, %dma_wait3A_448] : memref<10112x128xf32, #tpu.memory_space<vmem_shared>> -> memref<10112x128xf32, #tpu.memory_space<vmem_shared>>
      tpu.wait_indirect_dma semaphore(%arg14 : memref<!tpu.dma_semaphore, #tpu.memory_space<semaphore_mem>>) src(%arg8 : memref<128x128xf32, #tpu.memory_space<vmem>>) dst(%dma_wait3A_449 : memref<10112x128xf32, #tpu.memory_space<vmem_shared>>)
      %dma_start3A_450 = arith.constant 2 : i32
      %dma_start3A_451 = arith.constant 0 : i32
      %dma_start3A_452 = tpu.memref_slice %arg6[%dma_start3A_450, %dma_start3A_451] : memref<8x128xi32, #tpu.memory_space<vmem>> -> memref<1x128xi32, #tpu.memory_space<vmem>>
      %dma_start3A_453 = tpu.memref_squeeze %dma_start3A_452 : memref<1x128xi32, #tpu.memory_space<vmem>> -> memref<128xi32, #tpu.memory_space<vmem>>
      %dma_start3A_454 = arith.constant 0 : i32
      %dma_start3A_455 = arith.constant 0 : i32
      %dma_start3A_456 = tpu.memref_slice %arg2[%dma_start3A_454, %dma_start3A_455] : memref<10112x128xf32, #tpu.memory_space<hbm>> -> memref<10112x128xf32, #tpu.memory_space<hbm>>
      tpu.enqueue_indirect_dma source(%dma_start3A_456 : memref<10112x128xf32, #tpu.memory_space<hbm>>) target(%arg8 : memref<128x128xf32, #tpu.memory_space<vmem>>) offsets(%dma_start3A_453 : memref<128xi32, #tpu.memory_space<vmem>>) semaphore(%arg12 : memref<!tpu.dma_semaphore, #tpu.memory_space<semaphore_mem>>)
      %dma_start3A_457 = arith.constant 1 : i32
      %dma_start3A_458 = arith.constant 0 : i32
      %dma_start3A_459 = tpu.memref_slice %arg7[%dma_start3A_457, %dma_start3A_458] : memref<8x128xi32, #tpu.memory_space<vmem>> -> memref<1x128xi32, #tpu.memory_space<vmem>>
      %dma_start3A_460 = tpu.memref_squeeze %dma_start3A_459 : memref<1x128xi32, #tpu.memory_space<vmem>> -> memref<128xi32, #tpu.memory_space<vmem>>
      %dma_start3A_461 = arith.constant 0 : i32
      %dma_start3A_462 = arith.constant 0 : i32
      %dma_start3A_463 = tpu.memref_slice %arg11[%dma_start3A_461, %dma_start3A_462] : memref<10112x128xf32, #tpu.memory_space<vmem_shared>> -> memref<10112x128xf32, #tpu.memory_space<vmem_shared>>
      tpu.enqueue_indirect_dma source(%arg9 : memref<128x128xf32, #tpu.memory_space<vmem>>) target(%dma_start3A_463 : memref<10112x128xf32, #tpu.memory_space<vmem_shared>>) offsets(%dma_start3A_460 : memref<128xi32, #tpu.memory_space<vmem>>) semaphore(%arg15 : memref<!tpu.dma_semaphore, #tpu.memory_space<semaphore_mem>>) {add = true}
      %dma_wait3A_464 = arith.constant 2 : i32
      %dma_wait3A_465 = arith.constant 0 : i32
      %dma_wait3A_466 = tpu.memref_slice %arg6[%dma_wait3A_464, %dma_wait3A_465] : memref<8x128xi32, #tpu.memory_space<vmem>> -> memref<1x128xi32, #tpu.memory_space<vmem>>
      %dma_wait3A_467 = tpu.memref_squeeze %dma_wait3A_466 : memref<1x128xi32, #tpu.memory_space<vmem>> -> memref<128xi32, #tpu.memory_space<vmem>>
      %dma_wait3A_468 = arith.constant 0 : i32
      %dma_wait3A_469 = arith.constant 0 : i32
      %dma_wait3A_470 = tpu.memref_slice %arg2[%dma_wait3A_468, %dma_wait3A_469] : memref<10112x128xf32, #tpu.memory_space<hbm>> -> memref<10112x128xf32, #tpu.memory_space<hbm>>
      tpu.wait_indirect_dma semaphore(%arg12 : memref<!tpu.dma_semaphore, #tpu.memory_space<semaphore_mem>>) src(%dma_wait3A_470 : memref<10112x128xf32, #tpu.memory_space<hbm>>) dst(%arg8 : memref<128x128xf32, #tpu.memory_space<vmem>>)
      %dma_wait3A_471 = arith.constant 1 : i32
      %dma_wait3A_472 = arith.constant 0 : i32
      %dma_wait3A_473 = tpu.memref_slice %arg7[%dma_wait3A_471, %dma_wait3A_472] : memref<8x128xi32, #tpu.memory_space<vmem>> -> memref<1x128xi32, #tpu.memory_space<vmem>>
      %dma_wait3A_474 = tpu.memref_squeeze %dma_wait3A_473 : memref<1x128xi32, #tpu.memory_space<vmem>> -> memref<128xi32, #tpu.memory_space<vmem>>
      %dma_wait3A_475 = arith.constant 0 : i32
      %dma_wait3A_476 = arith.constant 0 : i32
      %dma_wait3A_477 = tpu.memref_slice %arg11[%dma_wait3A_475, %dma_wait3A_476] : memref<10112x128xf32, #tpu.memory_space<vmem_shared>> -> memref<10112x128xf32, #tpu.memory_space<vmem_shared>>
      tpu.wait_indirect_dma semaphore(%arg15 : memref<!tpu.dma_semaphore, #tpu.memory_space<semaphore_mem>>) src(%arg9 : memref<128x128xf32, #tpu.memory_space<vmem>>) dst(%dma_wait3A_477 : memref<10112x128xf32, #tpu.memory_space<vmem_shared>>)
      %dma_start3A_478 = arith.constant 3 : i32
      %dma_start3A_479 = arith.constant 0 : i32
      %dma_start3A_480 = tpu.memref_slice %arg6[%dma_start3A_478, %dma_start3A_479] : memref<8x128xi32, #tpu.memory_space<vmem>> -> memref<1x128xi32, #tpu.memory_space<vmem>>
      %dma_start3A_481 = tpu.memref_squeeze %dma_start3A_480 : memref<1x128xi32, #tpu.memory_space<vmem>> -> memref<128xi32, #tpu.memory_space<vmem>>
      %dma_start3A_482 = arith.constant 0 : i32
      %dma_start3A_483 = arith.constant 0 : i32
      %dma_start3A_484 = tpu.memref_slice %arg2[%dma_start3A_482, %dma_start3A_483] : memref<10112x128xf32, #tpu.memory_space<hbm>> -> memref<10112x128xf32, #tpu.memory_space<hbm>>
      tpu.enqueue_indirect_dma source(%dma_start3A_484 : memref<10112x128xf32, #tpu.memory_space<hbm>>) target(%arg9 : memref<128x128xf32, #tpu.memory_space<vmem>>) offsets(%dma_start3A_481 : memref<128xi32, #tpu.memory_space<vmem>>) semaphore(%arg13 : memref<!tpu.dma_semaphore, #tpu.memory_space<semaphore_mem>>)
      %dma_start3A_485 = arith.constant 2 : i32
      %dma_start3A_486 = arith.constant 0 : i32
      %dma_start3A_487 = tpu.memref_slice %arg7[%dma_start3A_485, %dma_start3A_486] : memref<8x128xi32, #tpu.memory_space<vmem>> -> memref<1x128xi32, #tpu.memory_space<vmem>>
      %dma_start3A_488 = tpu.memref_squeeze %dma_start3A_487 : memref<1x128xi32, #tpu.memory_space<vmem>> -> memref<128xi32, #tpu.memory_space<vmem>>
      %dma_start3A_489 = arith.constant 0 : i32
      %dma_start3A_490 = arith.constant 0 : i32
      %dma_start3A_491 = tpu.memref_slice %arg11[%dma_start3A_489, %dma_start3A_490] : memref<10112x128xf32, #tpu.memory_space<vmem_shared>> -> memref<10112x128xf32, #tpu.memory_space<vmem_shared>>
      tpu.enqueue_indirect_dma source(%arg8 : memref<128x128xf32, #tpu.memory_space<vmem>>) target(%dma_start3A_491 : memref<10112x128xf32, #tpu.memory_space<vmem_shared>>) offsets(%dma_start3A_488 : memref<128xi32, #tpu.memory_space<vmem>>) semaphore(%arg14 : memref<!tpu.dma_semaphore, #tpu.memory_space<semaphore_mem>>) {add = true}
      %dma_wait3A_492 = arith.constant 3 : i32
      %dma_wait3A_493 = arith.constant 0 : i32
      %dma_wait3A_494 = tpu.memref_slice %arg6[%dma_wait3A_492, %dma_wait3A_493] : memref<8x128xi32, #tpu.memory_space<vmem>> -> memref<1x128xi32, #tpu.memory_space<vmem>>
      %dma_wait3A_495 = tpu.memref_squeeze %dma_wait3A_494 : memref<1x128xi32, #tpu.memory_space<vmem>> -> memref<128xi32, #tpu.memory_space<vmem>>
      %dma_wait3A_496 = arith.constant 0 : i32
      %dma_wait3A_497 = arith.constant 0 : i32
      %dma_wait3A_498 = tpu.memref_slice %arg2[%dma_wait3A_496, %dma_wait3A_497] : memref<10112x128xf32, #tpu.memory_space<hbm>> -> memref<10112x128xf32, #tpu.memory_space<hbm>>
      tpu.wait_indirect_dma semaphore(%arg13 : memref<!tpu.dma_semaphore, #tpu.memory_space<semaphore_mem>>) src(%dma_wait3A_498 : memref<10112x128xf32, #tpu.memory_space<hbm>>) dst(%arg9 : memref<128x128xf32, #tpu.memory_space<vmem>>)
      %dma_wait3A_499 = arith.constant 2 : i32
      %dma_wait3A_500 = arith.constant 0 : i32
      %dma_wait3A_501 = tpu.memref_slice %arg7[%dma_wait3A_499, %dma_wait3A_500] : memref<8x128xi32, #tpu.memory_space<vmem>> -> memref<1x128xi32, #tpu.memory_space<vmem>>
      %dma_wait3A_502 = tpu.memref_squeeze %dma_wait3A_501 : memref<1x128xi32, #tpu.memory_space<vmem>> -> memref<128xi32, #tpu.memory_space<vmem>>
      %dma_wait3A_503 = arith.constant 0 : i32
      %dma_wait3A_504 = arith.constant 0 : i32
      %dma_wait3A_505 = tpu.memref_slice %arg11[%dma_wait3A_503, %dma_wait3A_504] : memref<10112x128xf32, #tpu.memory_space<vmem_shared>> -> memref<10112x128xf32, #tpu.memory_space<vmem_shared>>
      tpu.wait_indirect_dma semaphore(%arg14 : memref<!tpu.dma_semaphore, #tpu.memory_space<semaphore_mem>>) src(%arg8 : memref<128x128xf32, #tpu.memory_space<vmem>>) dst(%dma_wait3A_505 : memref<10112x128xf32, #tpu.memory_space<vmem_shared>>)
      %dma_start3A_506 = arith.constant 4 : i32
      %dma_start3A_507 = arith.constant 0 : i32
      %dma_start3A_508 = tpu.memref_slice %arg6[%dma_start3A_506, %dma_start3A_507] : memref<8x128xi32, #tpu.memory_space<vmem>> -> memref<1x128xi32, #tpu.memory_space<vmem>>
      %dma_start3A_509 = tpu.memref_squeeze %dma_start3A_508 : memref<1x128xi32, #tpu.memory_space<vmem>> -> memref<128xi32, #tpu.memory_space<vmem>>
      %dma_start3A_510 = arith.constant 0 : i32
      %dma_start3A_511 = arith.constant 0 : i32
      %dma_start3A_512 = tpu.memref_slice %arg2[%dma_start3A_510, %dma_start3A_511] : memref<10112x128xf32, #tpu.memory_space<hbm>> -> memref<10112x128xf32, #tpu.memory_space<hbm>>
      tpu.enqueue_indirect_dma source(%dma_start3A_512 : memref<10112x128xf32, #tpu.memory_space<hbm>>) target(%arg8 : memref<128x128xf32, #tpu.memory_space<vmem>>) offsets(%dma_start3A_509 : memref<128xi32, #tpu.memory_space<vmem>>) semaphore(%arg12 : memref<!tpu.dma_semaphore, #tpu.memory_space<semaphore_mem>>)
      %dma_start3A_513 = arith.constant 3 : i32
      %dma_start3A_514 = arith.constant 0 : i32
      %dma_start3A_515 = tpu.memref_slice %arg7[%dma_start3A_513, %dma_start3A_514] : memref<8x128xi32, #tpu.memory_space<vmem>> -> memref<1x128xi32, #tpu.memory_space<vmem>>
      %dma_start3A_516 = tpu.memref_squeeze %dma_start3A_515 : memref<1x128xi32, #tpu.memory_space<vmem>> -> memref<128xi32, #tpu.memory_space<vmem>>
      %dma_start3A_517 = arith.constant 0 : i32
      %dma_start3A_518 = arith.constant 0 : i32
      %dma_start3A_519 = tpu.memref_slice %arg11[%dma_start3A_517, %dma_start3A_518] : memref<10112x128xf32, #tpu.memory_space<vmem_shared>> -> memref<10112x128xf32, #tpu.memory_space<vmem_shared>>
      tpu.enqueue_indirect_dma source(%arg9 : memref<128x128xf32, #tpu.memory_space<vmem>>) target(%dma_start3A_519 : memref<10112x128xf32, #tpu.memory_space<vmem_shared>>) offsets(%dma_start3A_516 : memref<128xi32, #tpu.memory_space<vmem>>) semaphore(%arg15 : memref<!tpu.dma_semaphore, #tpu.memory_space<semaphore_mem>>) {add = true}
      %dma_wait3A_520 = arith.constant 4 : i32
      %dma_wait3A_521 = arith.constant 0 : i32
      %dma_wait3A_522 = tpu.memref_slice %arg6[%dma_wait3A_520, %dma_wait3A_521] : memref<8x128xi32, #tpu.memory_space<vmem>> -> memref<1x128xi32, #tpu.memory_space<vmem>>
      %dma_wait3A_523 = tpu.memref_squeeze %dma_wait3A_522 : memref<1x128xi32, #tpu.memory_space<vmem>> -> memref<128xi32, #tpu.memory_space<vmem>>
      %dma_wait3A_524 = arith.constant 0 : i32
      %dma_wait3A_525 = arith.constant 0 : i32
      %dma_wait3A_526 = tpu.memref_slice %arg2[%dma_wait3A_524, %dma_wait3A_525] : memref<10112x128xf32, #tpu.memory_space<hbm>> -> memref<10112x128xf32, #tpu.memory_space<hbm>>
      tpu.wait_indirect_dma semaphore(%arg12 : memref<!tpu.dma_semaphore, #tpu.memory_space<semaphore_mem>>) src(%dma_wait3A_526 : memref<10112x128xf32, #tpu.memory_space<hbm>>) dst(%arg8 : memref<128x128xf32, #tpu.memory_space<vmem>>)
      %dma_wait3A_527 = arith.constant 3 : i32
      %dma_wait3A_528 = arith.constant 0 : i32
      %dma_wait3A_529 = tpu.memref_slice %arg7[%dma_wait3A_527, %dma_wait3A_528] : memref<8x128xi32, #tpu.memory_space<vmem>> -> memref<1x128xi32, #tpu.memory_space<vmem>>
      %dma_wait3A_530 = tpu.memref_squeeze %dma_wait3A_529 : memref<1x128xi32, #tpu.memory_space<vmem>> -> memref<128xi32, #tpu.memory_space<vmem>>
      %dma_wait3A_531 = arith.constant 0 : i32
      %dma_wait3A_532 = arith.constant 0 : i32
      %dma_wait3A_533 = tpu.memref_slice %arg11[%dma_wait3A_531, %dma_wait3A_532] : memref<10112x128xf32, #tpu.memory_space<vmem_shared>> -> memref<10112x128xf32, #tpu.memory_space<vmem_shared>>
      tpu.wait_indirect_dma semaphore(%arg15 : memref<!tpu.dma_semaphore, #tpu.memory_space<semaphore_mem>>) src(%arg9 : memref<128x128xf32, #tpu.memory_space<vmem>>) dst(%dma_wait3A_533 : memref<10112x128xf32, #tpu.memory_space<vmem_shared>>)
      %dma_start3A_534 = arith.constant 5 : i32
      %dma_start3A_535 = arith.constant 0 : i32
      %dma_start3A_536 = tpu.memref_slice %arg6[%dma_start3A_534, %dma_start3A_535] : memref<8x128xi32, #tpu.memory_space<vmem>> -> memref<1x128xi32, #tpu.memory_space<vmem>>
      %dma_start3A_537 = tpu.memref_squeeze %dma_start3A_536 : memref<1x128xi32, #tpu.memory_space<vmem>> -> memref<128xi32, #tpu.memory_space<vmem>>
      %dma_start3A_538 = arith.constant 0 : i32
      %dma_start3A_539 = arith.constant 0 : i32
      %dma_start3A_540 = tpu.memref_slice %arg2[%dma_start3A_538, %dma_start3A_539] : memref<10112x128xf32, #tpu.memory_space<hbm>> -> memref<10112x128xf32, #tpu.memory_space<hbm>>
      tpu.enqueue_indirect_dma source(%dma_start3A_540 : memref<10112x128xf32, #tpu.memory_space<hbm>>) target(%arg9 : memref<128x128xf32, #tpu.memory_space<vmem>>) offsets(%dma_start3A_537 : memref<128xi32, #tpu.memory_space<vmem>>) semaphore(%arg13 : memref<!tpu.dma_semaphore, #tpu.memory_space<semaphore_mem>>)
      %dma_start3A_541 = arith.constant 4 : i32
      %dma_start3A_542 = arith.constant 0 : i32
      %dma_start3A_543 = tpu.memref_slice %arg7[%dma_start3A_541, %dma_start3A_542] : memref<8x128xi32, #tpu.memory_space<vmem>> -> memref<1x128xi32, #tpu.memory_space<vmem>>
      %dma_start3A_544 = tpu.memref_squeeze %dma_start3A_543 : memref<1x128xi32, #tpu.memory_space<vmem>> -> memref<128xi32, #tpu.memory_space<vmem>>
      %dma_start3A_545 = arith.constant 0 : i32
      %dma_start3A_546 = arith.constant 0 : i32
      %dma_start3A_547 = tpu.memref_slice %arg11[%dma_start3A_545, %dma_start3A_546] : memref<10112x128xf32, #tpu.memory_space<vmem_shared>> -> memref<10112x128xf32, #tpu.memory_space<vmem_shared>>
      tpu.enqueue_indirect_dma source(%arg8 : memref<128x128xf32, #tpu.memory_space<vmem>>) target(%dma_start3A_547 : memref<10112x128xf32, #tpu.memory_space<vmem_shared>>) offsets(%dma_start3A_544 : memref<128xi32, #tpu.memory_space<vmem>>) semaphore(%arg14 : memref<!tpu.dma_semaphore, #tpu.memory_space<semaphore_mem>>) {add = true}
      %dma_wait3A_548 = arith.constant 5 : i32
      %dma_wait3A_549 = arith.constant 0 : i32
      %dma_wait3A_550 = tpu.memref_slice %arg6[%dma_wait3A_548, %dma_wait3A_549] : memref<8x128xi32, #tpu.memory_space<vmem>> -> memref<1x128xi32, #tpu.memory_space<vmem>>
      %dma_wait3A_551 = tpu.memref_squeeze %dma_wait3A_550 : memref<1x128xi32, #tpu.memory_space<vmem>> -> memref<128xi32, #tpu.memory_space<vmem>>
      %dma_wait3A_552 = arith.constant 0 : i32
      %dma_wait3A_553 = arith.constant 0 : i32
      %dma_wait3A_554 = tpu.memref_slice %arg2[%dma_wait3A_552, %dma_wait3A_553] : memref<10112x128xf32, #tpu.memory_space<hbm>> -> memref<10112x128xf32, #tpu.memory_space<hbm>>
      tpu.wait_indirect_dma semaphore(%arg13 : memref<!tpu.dma_semaphore, #tpu.memory_space<semaphore_mem>>) src(%dma_wait3A_554 : memref<10112x128xf32, #tpu.memory_space<hbm>>) dst(%arg9 : memref<128x128xf32, #tpu.memory_space<vmem>>)
      %dma_wait3A_555 = arith.constant 4 : i32
      %dma_wait3A_556 = arith.constant 0 : i32
      %dma_wait3A_557 = tpu.memref_slice %arg7[%dma_wait3A_555, %dma_wait3A_556] : memref<8x128xi32, #tpu.memory_space<vmem>> -> memref<1x128xi32, #tpu.memory_space<vmem>>
      %dma_wait3A_558 = tpu.memref_squeeze %dma_wait3A_557 : memref<1x128xi32, #tpu.memory_space<vmem>> -> memref<128xi32, #tpu.memory_space<vmem>>
      %dma_wait3A_559 = arith.constant 0 : i32
      %dma_wait3A_560 = arith.constant 0 : i32
      %dma_wait3A_561 = tpu.memref_slice %arg11[%dma_wait3A_559, %dma_wait3A_560] : memref<10112x128xf32, #tpu.memory_space<vmem_shared>> -> memref<10112x128xf32, #tpu.memory_space<vmem_shared>>
      tpu.wait_indirect_dma semaphore(%arg14 : memref<!tpu.dma_semaphore, #tpu.memory_space<semaphore_mem>>) src(%arg8 : memref<128x128xf32, #tpu.memory_space<vmem>>) dst(%dma_wait3A_561 : memref<10112x128xf32, #tpu.memory_space<vmem_shared>>)
      %dma_start3A_562 = arith.constant 6 : i32
      %dma_start3A_563 = arith.constant 0 : i32
      %dma_start3A_564 = tpu.memref_slice %arg6[%dma_start3A_562, %dma_start3A_563] : memref<8x128xi32, #tpu.memory_space<vmem>> -> memref<1x128xi32, #tpu.memory_space<vmem>>
      %dma_start3A_565 = tpu.memref_squeeze %dma_start3A_564 : memref<1x128xi32, #tpu.memory_space<vmem>> -> memref<128xi32, #tpu.memory_space<vmem>>
      %dma_start3A_566 = arith.constant 0 : i32
      %dma_start3A_567 = arith.constant 0 : i32
      %dma_start3A_568 = tpu.memref_slice %arg2[%dma_start3A_566, %dma_start3A_567] : memref<10112x128xf32, #tpu.memory_space<hbm>> -> memref<10112x128xf32, #tpu.memory_space<hbm>>
      tpu.enqueue_indirect_dma source(%dma_start3A_568 : memref<10112x128xf32, #tpu.memory_space<hbm>>) target(%arg8 : memref<128x128xf32, #tpu.memory_space<vmem>>) offsets(%dma_start3A_565 : memref<128xi32, #tpu.memory_space<vmem>>) semaphore(%arg12 : memref<!tpu.dma_semaphore, #tpu.memory_space<semaphore_mem>>)
      %dma_start3A_569 = arith.constant 5 : i32
      %dma_start3A_570 = arith.constant 0 : i32
      %dma_start3A_571 = tpu.memref_slice %arg7[%dma_start3A_569, %dma_start3A_570] : memref<8x128xi32, #tpu.memory_space<vmem>> -> memref<1x128xi32, #tpu.memory_space<vmem>>
      %dma_start3A_572 = tpu.memref_squeeze %dma_start3A_571 : memref<1x128xi32, #tpu.memory_space<vmem>> -> memref<128xi32, #tpu.memory_space<vmem>>
      %dma_start3A_573 = arith.constant 0 : i32
      %dma_start3A_574 = arith.constant 0 : i32
      %dma_start3A_575 = tpu.memref_slice %arg11[%dma_start3A_573, %dma_start3A_574] : memref<10112x128xf32, #tpu.memory_space<vmem_shared>> -> memref<10112x128xf32, #tpu.memory_space<vmem_shared>>
      tpu.enqueue_indirect_dma source(%arg9 : memref<128x128xf32, #tpu.memory_space<vmem>>) target(%dma_start3A_575 : memref<10112x128xf32, #tpu.memory_space<vmem_shared>>) offsets(%dma_start3A_572 : memref<128xi32, #tpu.memory_space<vmem>>) semaphore(%arg15 : memref<!tpu.dma_semaphore, #tpu.memory_space<semaphore_mem>>) {add = true}
      %dma_wait3A_576 = arith.constant 6 : i32
      %dma_wait3A_577 = arith.constant 0 : i32
      %dma_wait3A_578 = tpu.memref_slice %arg6[%dma_wait3A_576, %dma_wait3A_577] : memref<8x128xi32, #tpu.memory_space<vmem>> -> memref<1x128xi32, #tpu.memory_space<vmem>>
      %dma_wait3A_579 = tpu.memref_squeeze %dma_wait3A_578 : memref<1x128xi32, #tpu.memory_space<vmem>> -> memref<128xi32, #tpu.memory_space<vmem>>
      %dma_wait3A_580 = arith.constant 0 : i32
      %dma_wait3A_581 = arith.constant 0 : i32
      %dma_wait3A_582 = tpu.memref_slice %arg2[%dma_wait3A_580, %dma_wait3A_581] : memref<10112x128xf32, #tpu.memory_space<hbm>> -> memref<10112x128xf32, #tpu.memory_space<hbm>>
      tpu.wait_indirect_dma semaphore(%arg12 : memref<!tpu.dma_semaphore, #tpu.memory_space<semaphore_mem>>) src(%dma_wait3A_582 : memref<10112x128xf32, #tpu.memory_space<hbm>>) dst(%arg8 : memref<128x128xf32, #tpu.memory_space<vmem>>)
      %dma_wait3A_583 = arith.constant 5 : i32
      %dma_wait3A_584 = arith.constant 0 : i32
      %dma_wait3A_585 = tpu.memref_slice %arg7[%dma_wait3A_583, %dma_wait3A_584] : memref<8x128xi32, #tpu.memory_space<vmem>> -> memref<1x128xi32, #tpu.memory_space<vmem>>
      %dma_wait3A_586 = tpu.memref_squeeze %dma_wait3A_585 : memref<1x128xi32, #tpu.memory_space<vmem>> -> memref<128xi32, #tpu.memory_space<vmem>>
      %dma_wait3A_587 = arith.constant 0 : i32
      %dma_wait3A_588 = arith.constant 0 : i32
      %dma_wait3A_589 = tpu.memref_slice %arg11[%dma_wait3A_587, %dma_wait3A_588] : memref<10112x128xf32, #tpu.memory_space<vmem_shared>> -> memref<10112x128xf32, #tpu.memory_space<vmem_shared>>
      tpu.wait_indirect_dma semaphore(%arg15 : memref<!tpu.dma_semaphore, #tpu.memory_space<semaphore_mem>>) src(%arg9 : memref<128x128xf32, #tpu.memory_space<vmem>>) dst(%dma_wait3A_589 : memref<10112x128xf32, #tpu.memory_space<vmem_shared>>)
      %dma_start3A_590 = arith.constant 7 : i32
      %dma_start3A_591 = arith.constant 0 : i32
      %dma_start3A_592 = tpu.memref_slice %arg6[%dma_start3A_590, %dma_start3A_591] : memref<8x128xi32, #tpu.memory_space<vmem>> -> memref<1x128xi32, #tpu.memory_space<vmem>>
      %dma_start3A_593 = tpu.memref_squeeze %dma_start3A_592 : memref<1x128xi32, #tpu.memory_space<vmem>> -> memref<128xi32, #tpu.memory_space<vmem>>
      %dma_start3A_594 = arith.constant 0 : i32
      %dma_start3A_595 = arith.constant 0 : i32
      %dma_start3A_596 = tpu.memref_slice %arg2[%dma_start3A_594, %dma_start3A_595] : memref<10112x128xf32, #tpu.memory_space<hbm>> -> memref<10112x128xf32, #tpu.memory_space<hbm>>
      tpu.enqueue_indirect_dma source(%dma_start3A_596 : memref<10112x128xf32, #tpu.memory_space<hbm>>) target(%arg9 : memref<128x128xf32, #tpu.memory_space<vmem>>) offsets(%dma_start3A_593 : memref<128xi32, #tpu.memory_space<vmem>>) semaphore(%arg13 : memref<!tpu.dma_semaphore, #tpu.memory_space<semaphore_mem>>)
      %dma_start3A_597 = arith.constant 6 : i32
      %dma_start3A_598 = arith.constant 0 : i32
      %dma_start3A_599 = tpu.memref_slice %arg7[%dma_start3A_597, %dma_start3A_598] : memref<8x128xi32, #tpu.memory_space<vmem>> -> memref<1x128xi32, #tpu.memory_space<vmem>>
      %dma_start3A_600 = tpu.memref_squeeze %dma_start3A_599 : memref<1x128xi32, #tpu.memory_space<vmem>> -> memref<128xi32, #tpu.memory_space<vmem>>
      %dma_start3A_601 = arith.constant 0 : i32
      %dma_start3A_602 = arith.constant 0 : i32
      %dma_start3A_603 = tpu.memref_slice %arg11[%dma_start3A_601, %dma_start3A_602] : memref<10112x128xf32, #tpu.memory_space<vmem_shared>> -> memref<10112x128xf32, #tpu.memory_space<vmem_shared>>
      tpu.enqueue_indirect_dma source(%arg8 : memref<128x128xf32, #tpu.memory_space<vmem>>) target(%dma_start3A_603 : memref<10112x128xf32, #tpu.memory_space<vmem_shared>>) offsets(%dma_start3A_600 : memref<128xi32, #tpu.memory_space<vmem>>) semaphore(%arg14 : memref<!tpu.dma_semaphore, #tpu.memory_space<semaphore_mem>>) {add = true}
      %dma_wait3A_604 = arith.constant 7 : i32
      %dma_wait3A_605 = arith.constant 0 : i32
      %dma_wait3A_606 = tpu.memref_slice %arg6[%dma_wait3A_604, %dma_wait3A_605] : memref<8x128xi32, #tpu.memory_space<vmem>> -> memref<1x128xi32, #tpu.memory_space<vmem>>
      %dma_wait3A_607 = tpu.memref_squeeze %dma_wait3A_606 : memref<1x128xi32, #tpu.memory_space<vmem>> -> memref<128xi32, #tpu.memory_space<vmem>>
      %dma_wait3A_608 = arith.constant 0 : i32
      %dma_wait3A_609 = arith.constant 0 : i32
      %dma_wait3A_610 = tpu.memref_slice %arg2[%dma_wait3A_608, %dma_wait3A_609] : memref<10112x128xf32, #tpu.memory_space<hbm>> -> memref<10112x128xf32, #tpu.memory_space<hbm>>
      tpu.wait_indirect_dma semaphore(%arg13 : memref<!tpu.dma_semaphore, #tpu.memory_space<semaphore_mem>>) src(%dma_wait3A_610 : memref<10112x128xf32, #tpu.memory_space<hbm>>) dst(%arg9 : memref<128x128xf32, #tpu.memory_space<vmem>>)
      %dma_start3A_611 = arith.constant 7 : i32
      %dma_start3A_612 = arith.constant 0 : i32
      %dma_start3A_613 = tpu.memref_slice %arg7[%dma_start3A_611, %dma_start3A_612] : memref<8x128xi32, #tpu.memory_space<vmem>> -> memref<1x128xi32, #tpu.memory_space<vmem>>
      %dma_start3A_614 = tpu.memref_squeeze %dma_start3A_613 : memref<1x128xi32, #tpu.memory_space<vmem>> -> memref<128xi32, #tpu.memory_space<vmem>>
      %dma_start3A_615 = arith.constant 0 : i32
      %dma_start3A_616 = arith.constant 0 : i32
      %dma_start3A_617 = tpu.memref_slice %arg11[%dma_start3A_615, %dma_start3A_616] : memref<10112x128xf32, #tpu.memory_space<vmem_shared>> -> memref<10112x128xf32, #tpu.memory_space<vmem_shared>>
      tpu.enqueue_indirect_dma source(%arg9 : memref<128x128xf32, #tpu.memory_space<vmem>>) target(%dma_start3A_617 : memref<10112x128xf32, #tpu.memory_space<vmem_shared>>) offsets(%dma_start3A_614 : memref<128xi32, #tpu.memory_space<vmem>>) semaphore(%arg15 : memref<!tpu.dma_semaphore, #tpu.memory_space<semaphore_mem>>) {add = true}
      %dma_wait3A_618 = arith.constant 6 : i32
      %dma_wait3A_619 = arith.constant 0 : i32
      %dma_wait3A_620 = tpu.memref_slice %arg7[%dma_wait3A_618, %dma_wait3A_619] : memref<8x128xi32, #tpu.memory_space<vmem>> -> memref<1x128xi32, #tpu.memory_space<vmem>>
      %dma_wait3A_621 = tpu.memref_squeeze %dma_wait3A_620 : memref<1x128xi32, #tpu.memory_space<vmem>> -> memref<128xi32, #tpu.memory_space<vmem>>
      %dma_wait3A_622 = arith.constant 0 : i32
      %dma_wait3A_623 = arith.constant 0 : i32
      %dma_wait3A_624 = tpu.memref_slice %arg11[%dma_wait3A_622, %dma_wait3A_623] : memref<10112x128xf32, #tpu.memory_space<vmem_shared>> -> memref<10112x128xf32, #tpu.memory_space<vmem_shared>>
      tpu.wait_indirect_dma semaphore(%arg14 : memref<!tpu.dma_semaphore, #tpu.memory_space<semaphore_mem>>) src(%arg8 : memref<128x128xf32, #tpu.memory_space<vmem>>) dst(%dma_wait3A_624 : memref<10112x128xf32, #tpu.memory_space<vmem_shared>>)
      %dma_wait3A_625 = arith.constant 7 : i32
      %dma_wait3A_626 = arith.constant 0 : i32
      %dma_wait3A_627 = tpu.memref_slice %arg7[%dma_wait3A_625, %dma_wait3A_626] : memref<8x128xi32, #tpu.memory_space<vmem>> -> memref<1x128xi32, #tpu.memory_space<vmem>>
      %dma_wait3A_628 = tpu.memref_squeeze %dma_wait3A_627 : memref<1x128xi32, #tpu.memory_space<vmem>> -> memref<128xi32, #tpu.memory_space<vmem>>
      %dma_wait3A_629 = arith.constant 0 : i32
      %dma_wait3A_630 = arith.constant 0 : i32
      %dma_wait3A_631 = tpu.memref_slice %arg11[%dma_wait3A_629, %dma_wait3A_630] : memref<10112x128xf32, #tpu.memory_space<vmem_shared>> -> memref<10112x128xf32, #tpu.memory_space<vmem_shared>>
      tpu.wait_indirect_dma semaphore(%arg15 : memref<!tpu.dma_semaphore, #tpu.memory_space<semaphore_mem>>) src(%arg9 : memref<128x128xf32, #tpu.memory_space<vmem>>) dst(%dma_wait3A_631 : memref<10112x128xf32, #tpu.memory_space<vmem_shared>>)
    }
    %barrier3A_403 = arith.constant 0 : index
    tpu.barrier barrier_id(%barrier3A_403)
    %mul3A_404 = arith.constant 632 : i32
    %mul3A_405 = arith.muli %arg1, %mul3A_404 : i32
    "tpu.region"() ({
      %run_scoped3A = tpu.sem_alloc : memref<!tpu.dma_semaphore, #tpu.memory_space<semaphore_mem>>
      %dma_start3A = arith.constant 0 : i32
      %dma_start3A_406 = arith.constant 0 : i32
      %dma_start3A_407 = tpu.memref_slice %arg5[%arg0, %dma_start3A, %dma_start3A_406] : memref<2x10112x128xf32, #tpu.memory_space<hbm>> -> memref<1x10112x128xf32, #tpu.memory_space<hbm>>
      %dma_start3A_408 = tpu.memref_squeeze %dma_start3A_407 : memref<1x10112x128xf32, #tpu.memory_space<hbm>> -> memref<10112x128xf32, #tpu.memory_space<hbm>>
      %dma_start3A_409 = arith.constant 0 : i32
      %dma_start3A_410 = tpu.memref_slice %dma_start3A_408[%mul3A_405, %dma_start3A_409] : memref<10112x128xf32, #tpu.memory_space<hbm>> -> memref<632x128xf32, #tpu.memory_space<hbm>>
      %dma_start3A_411 = arith.constant 0 : i32
      %dma_start3A_412 = tpu.memref_slice %arg11[%mul3A_405, %dma_start3A_411] : memref<10112x128xf32, #tpu.memory_space<vmem_shared>> -> memref<632x128xf32, #tpu.memory_space<vmem_shared>>
      tpu.enqueue_dma source(%dma_start3A_412 : memref<632x128xf32, #tpu.memory_space<vmem_shared>>) target(%dma_start3A_410 : memref<632x128xf32, #tpu.memory_space<hbm>>) target_semaphore(%run_scoped3A : memref<!tpu.dma_semaphore, #tpu.memory_space<semaphore_mem>>)
      %dma_wait3A = arith.constant 0 : i32
      %dma_wait3A_413 = arith.constant 0 : i32
      %dma_wait3A_414 = tpu.memref_slice %arg5[%arg0, %dma_wait3A, %dma_wait3A_413] : memref<2x10112x128xf32, #tpu.memory_space<hbm>> -> memref<1x10112x128xf32, #tpu.memory_space<hbm>>
      %dma_wait3A_415 = tpu.memref_squeeze %dma_wait3A_414 : memref<1x10112x128xf32, #tpu.memory_space<hbm>> -> memref<10112x128xf32, #tpu.memory_space<hbm>>
      %dma_wait3A_416 = arith.constant 0 : i32
      %dma_wait3A_417 = tpu.memref_slice %dma_wait3A_415[%mul3A_405, %dma_wait3A_416] : memref<10112x128xf32, #tpu.memory_space<hbm>> -> memref<632x128xf32, #tpu.memory_space<hbm>>
      %dma_wait3A_418 = arith.constant 0 : i32
      %dma_wait3A_419 = tpu.memref_slice %arg11[%mul3A_405, %dma_wait3A_418] : memref<10112x128xf32, #tpu.memory_space<vmem_shared>> -> memref<632x128xf32, #tpu.memory_space<vmem_shared>>
      tpu.wait_dma2 semaphore(%run_scoped3A : memref<!tpu.dma_semaphore, #tpu.memory_space<semaphore_mem>>) src(%dma_wait3A_419 : memref<632x128xf32, #tpu.memory_space<vmem_shared>>) dst(%dma_wait3A_417 : memref<632x128xf32, #tpu.memory_space<hbm>>)
      tpu.yield
    }) : () -> ()
    return
  }
}

module attributes {stable_mosaic.version = 14 : i64} {
  func.func @_tc1_body(%arg0: i32, %arg1: memref<632x128xf32, #tpu.memory_space<vmem>>, %arg2: memref<128x128xf32, #tpu.memory_space<vmem>>, %arg3: memref<128x128xf32, #tpu.memory_space<vmem>>, %arg4: memref<1x128xf32, #tpu.memory_space<vmem>>, %arg5: memref<128x128xf32, #tpu.memory_space<vmem>>, %arg6: memref<1x128xf32, #tpu.memory_space<vmem>>, %arg7: memref<128x32xf32, #tpu.memory_space<vmem>>, %arg8: memref<1x32xf32, #tpu.memory_space<vmem>>, %arg9: memref<632x128xf32, #tpu.memory_space<vmem>>, %arg10: memref<632x144xf32, #tpu.memory_space<vmem>>, %arg11: memref<632x32xf32, #tpu.memory_space<vmem>>) attributes {dimension_semantics = [#tpu.dimension_semantics<arbitrary>], iteration_bounds = array<i64: 16>, scalar_prefetch = 0 : i64, scratch_operands = 0 : i64, tpu.core_type = #tpu.core_type<tc>, window_params = [{transform_indices = @transform_0, window_bounds = array<i64: 632, 128>}, {pipeline_mode = #tpu.pipeline_mode<synchronous>, transform_indices = @transform_1, window_bounds = array<i64: 128, 128>}, {pipeline_mode = #tpu.pipeline_mode<synchronous>, transform_indices = @transform_2, window_bounds = array<i64: 128, 128>}, {pipeline_mode = #tpu.pipeline_mode<synchronous>, transform_indices = @transform_3, window_bounds = array<i64: 1, 128>}, {pipeline_mode = #tpu.pipeline_mode<synchronous>, transform_indices = @transform_4, window_bounds = array<i64: 128, 128>}, {pipeline_mode = #tpu.pipeline_mode<synchronous>, transform_indices = @transform_5, window_bounds = array<i64: 1, 128>}, {pipeline_mode = #tpu.pipeline_mode<synchronous>, transform_indices = @transform_6, window_bounds = array<i64: 128, 32>}, {pipeline_mode = #tpu.pipeline_mode<synchronous>, transform_indices = @transform_7, window_bounds = array<i64: 1, 32>}, {transform_indices = @transform_8, window_bounds = array<i64: 632, 128>}, {transform_indices = @transform_9, window_bounds = array<i64: 632, 144>}, {transform_indices = @transform_10, window_bounds = array<i64: 632, 32>}]} {
    %get3A = arith.constant 0 : index
    %get3A_0 = arith.constant 0 : index
    %get3A_1 = vector.load %arg1[%get3A, %get3A_0] : memref<632x128xf32, #tpu.memory_space<vmem>>, vector<632x128xf32>
    %add3A = arith.constant 1.000000e+00 : f32
    %add3A_2 = vector.broadcast %add3A : f32 to vector<632x128xf32>
    %add3A_3 = arith.addf %get3A_1, %add3A_2 : vector<632x128xf32>
    %log3A = math.log %add3A_3 : vector<632x128xf32>
    %get3A_4 = arith.constant 0 : index
    %get3A_5 = arith.constant 0 : index
    %get3A_6 = vector.load %arg2[%get3A_4, %get3A_5] : memref<128x128xf32, #tpu.memory_space<vmem>>, vector<128x128xf32>
    %dot_general3A = arith.constant dense<0.000000e+00> : vector<632x128xf32>
    %dot_general3A_7 = tpu.matmul %log3A, %get3A_6, %dot_general3A {dimension_numbers = #tpu.dot_dimension_numbers<[1], [0], [0], [1], [0, 0, 1, 1], [], []>, transpose_lhs_hint = false} : vector<632x128xf32>, vector<128x128xf32>, vector<632x128xf32> -> vector<632x128xf32>
    %get3A_8 = arith.constant 0 : index
    %get3A_9 = arith.constant 0 : index
    %get3A_10 = vector.load %arg4[%get3A_8, %get3A_9] : memref<1x128xf32, #tpu.memory_space<vmem>>, vector<1x128xf32>
    %add3A_11 = vector.broadcast %get3A_10 : vector<1x128xf32> to vector<632x128xf32>
    %add3A_12 = arith.addf %dot_general3A_7, %add3A_11 : vector<632x128xf32>
    %swap3A = arith.constant 0 : index
    %swap3A_13 = arith.constant 0 : index
    %swap3A_14 = vector.load %arg9[%swap3A, %swap3A_13] : memref<632x128xf32, #tpu.memory_space<vmem>>, vector<632x128xf32>
    tpu.vector_store %arg9[%swap3A, %swap3A_13], %add3A_12 {strides = array<i32>} : memref<632x128xf32, #tpu.memory_space<vmem>>, vector<632x128xf32>,
    %get3A_15 = arith.constant 0 : index
    %get3A_16 = arith.constant 0 : index
    %get3A_17 = vector.load %arg3[%get3A_15, %get3A_16] : memref<128x128xf32, #tpu.memory_space<vmem>>, vector<128x128xf32>
    %dot_general3A_18 = arith.constant dense<0.000000e+00> : vector<632x128xf32>
    %dot_general3A_19 = tpu.matmul %log3A, %get3A_17, %dot_general3A_18 {dimension_numbers = #tpu.dot_dimension_numbers<[1], [0], [0], [1], [0, 0, 1, 1], [], []>, transpose_lhs_hint = false} : vector<632x128xf32>, vector<128x128xf32>, vector<632x128xf32> -> vector<632x128xf32>
    %swap3A_20 = arith.constant 0 : index
    %swap3A_21 = arith.constant 0 : index
    %swap3A_22 = vector.load %arg10[%swap3A_20, %swap3A_21] : memref<632x144xf32, #tpu.memory_space<vmem>>, vector<632x128xf32>
    tpu.vector_store %arg10[%swap3A_20, %swap3A_21], %dot_general3A_19 {strides = array<i32>} : memref<632x144xf32, #tpu.memory_space<vmem>>, vector<632x128xf32>,
    %broadcast_in_dim3A = arith.constant 1.000000e+00 : f32
    %broadcast_in_dim3A_23 = vector.broadcast %broadcast_in_dim3A : f32 to vector<632x16xf32>
    %swap3A_24 = arith.constant 0 : index
    %swap3A_25 = arith.constant 128 : index
    %swap3A_26 = vector.load %arg10[%swap3A_24, %swap3A_25] : memref<632x144xf32, #tpu.memory_space<vmem>>, vector<632x16xf32>
    tpu.vector_store %arg10[%swap3A_24, %swap3A_25], %broadcast_in_dim3A_23 {strides = array<i32>} : memref<632x144xf32, #tpu.memory_space<vmem>>, vector<632x16xf32>,
    %get3A_27 = arith.constant 0 : index
    %get3A_28 = arith.constant 0 : index
    %get3A_29 = vector.load %arg5[%get3A_27, %get3A_28] : memref<128x128xf32, #tpu.memory_space<vmem>>, vector<128x128xf32>
    %dot_general3A_30 = arith.constant dense<0.000000e+00> : vector<632x128xf32>
    %dot_general3A_31 = tpu.matmul %log3A, %get3A_29, %dot_general3A_30 {dimension_numbers = #tpu.dot_dimension_numbers<[1], [0], [0], [1], [0, 0, 1, 1], [], []>, transpose_lhs_hint = false} : vector<632x128xf32>, vector<128x128xf32>, vector<632x128xf32> -> vector<632x128xf32>
    %get3A_32 = arith.constant 0 : index
    %get3A_33 = arith.constant 0 : index
    %get3A_34 = vector.load %arg6[%get3A_32, %get3A_33] : memref<1x128xf32, #tpu.memory_space<vmem>>, vector<1x128xf32>
    %add3A_35 = vector.broadcast %get3A_34 : vector<1x128xf32> to vector<632x128xf32>
    %add3A_36 = arith.addf %dot_general3A_31, %add3A_35 : vector<632x128xf32>
    %max3A = arith.constant 0.000000e+00 : f32
    %max3A_37 = vector.broadcast %max3A : f32 to vector<632x128xf32>
    %max3A_38 = arith.maximumf %add3A_36, %max3A_37 : vector<632x128xf32>
    %get3A_39 = arith.constant 0 : index
    %get3A_40 = arith.constant 0 : index
    %get3A_41 = vector.load %arg7[%get3A_39, %get3A_40] : memref<128x32xf32, #tpu.memory_space<vmem>>, vector<128x32xf32>
    %dot_general3A_42 = arith.constant dense<0.000000e+00> : vector<632x32xf32>
    %dot_general3A_43 = tpu.matmul %max3A_38, %get3A_41, %dot_general3A_42 {dimension_numbers = #tpu.dot_dimension_numbers<[1], [0], [0], [1], [0, 0, 1, 1], [], []>, transpose_lhs_hint = false} : vector<632x128xf32>, vector<128x32xf32>, vector<632x32xf32> -> vector<632x32xf32>
    %get3A_44 = arith.constant 0 : index
    %get3A_45 = arith.constant 0 : index
    %get3A_46 = vector.load %arg8[%get3A_44, %get3A_45] : memref<1x32xf32, #tpu.memory_space<vmem>>, vector<1x32xf32>
    %add3A_47 = vector.broadcast %get3A_46 : vector<1x32xf32> to vector<632x32xf32>
    %add3A_48 = arith.addf %dot_general3A_43, %add3A_47 : vector<632x32xf32>
    %swap3A_49 = arith.constant 0 : index
    %swap3A_50 = arith.constant 0 : index
    %swap3A_51 = vector.load %arg11[%swap3A_49, %swap3A_50] : memref<632x32xf32, #tpu.memory_space<vmem>>, vector<632x32xf32>
    tpu.vector_store %arg11[%swap3A_49, %swap3A_50], %add3A_48 {strides = array<i32>} : memref<632x32xf32, #tpu.memory_space<vmem>>, vector<632x32xf32>,
    return
  }
  func.func @transform_0(%arg0: i32) -> (i32, i32) {
    %c0_i32 = arith.constant 0 : i32
    %c0_i32_0 = arith.constant 0 : i32
    return %arg0, %c0_i32 : i32, i32
  }
  func.func @transform_1(%arg0: i32) -> (i32, i32) {
    %c0_i32 = arith.constant 0 : i32
    %c0_i32_0 = arith.constant 0 : i32
    %c0_i32_1 = arith.constant 0 : i32
    return %c0_i32, %c0_i32_0 : i32, i32
  }
  func.func @transform_2(%arg0: i32) -> (i32, i32) {
    %c0_i32 = arith.constant 0 : i32
    %c0_i32_0 = arith.constant 0 : i32
    %c0_i32_1 = arith.constant 0 : i32
    return %c0_i32, %c0_i32_0 : i32, i32
  }
  func.func @transform_3(%arg0: i32) -> (i32, i32) {
    %c0_i32 = arith.constant 0 : i32
    %c0_i32_0 = arith.constant 0 : i32
    %c0_i32_1 = arith.constant 0 : i32
    return %c0_i32, %c0_i32_0 : i32, i32
  }
  func.func @transform_4(%arg0: i32) -> (i32, i32) {
    %c0_i32 = arith.constant 0 : i32
    %c0_i32_0 = arith.constant 0 : i32
    %c0_i32_1 = arith.constant 0 : i32
    return %c0_i32, %c0_i32_0 : i32, i32
  }
  func.func @transform_5(%arg0: i32) -> (i32, i32) {
    %c0_i32 = arith.constant 0 : i32
    %c0_i32_0 = arith.constant 0 : i32
    %c0_i32_1 = arith.constant 0 : i32
    return %c0_i32, %c0_i32_0 : i32, i32
  }
  func.func @transform_6(%arg0: i32) -> (i32, i32) {
    %c0_i32 = arith.constant 0 : i32
    %c0_i32_0 = arith.constant 0 : i32
    %c0_i32_1 = arith.constant 0 : i32
    return %c0_i32, %c0_i32_0 : i32, i32
  }
  func.func @transform_7(%arg0: i32) -> (i32, i32) {
    %c0_i32 = arith.constant 0 : i32
    %c0_i32_0 = arith.constant 0 : i32
    %c0_i32_1 = arith.constant 0 : i32
    return %c0_i32, %c0_i32_0 : i32, i32
  }
  func.func @transform_8(%arg0: i32) -> (i32, i32) {
    %c0_i32 = arith.constant 0 : i32
    %c0_i32_0 = arith.constant 0 : i32
    return %arg0, %c0_i32 : i32, i32
  }
  func.func @transform_9(%arg0: i32) -> (i32, i32) {
    %c0_i32 = arith.constant 0 : i32
    %c0_i32_0 = arith.constant 0 : i32
    return %arg0, %c0_i32 : i32, i32
  }
  func.func @transform_10(%arg0: i32) -> (i32, i32) {
    %c0_i32 = arith.constant 0 : i32
    %c0_i32_0 = arith.constant 0 : i32
    return %arg0, %c0_i32 : i32, i32
  }
}

module attributes {stable_mosaic.version = 14 : i64} {
  func.func @_tc2_body(%arg0: i32, %arg1: memref<632x128xf32, #tpu.memory_space<vmem>>, %arg2: memref<632x144xf32, #tpu.memory_space<vmem>>, %arg3: memref<632x144xf32, #tpu.memory_space<vmem>>, %arg4: memref<128x128xf32, #tpu.memory_space<vmem>>, %arg5: memref<128x128xf32, #tpu.memory_space<vmem>>, %arg6: memref<1x128xf32, #tpu.memory_space<vmem>>, %arg7: memref<632x128xf32, #tpu.memory_space<vmem>>, %arg8: memref<632x128xf32, #tpu.memory_space<vmem>>) attributes {dimension_semantics = [#tpu.dimension_semantics<arbitrary>], iteration_bounds = array<i64: 16>, scalar_prefetch = 0 : i64, scratch_operands = 0 : i64, tpu.core_type = #tpu.core_type<tc>, window_params = [{transform_indices = @transform_0, window_bounds = array<i64: 632, 128>}, {transform_indices = @transform_1, window_bounds = array<i64: 632, 144>}, {transform_indices = @transform_2, window_bounds = array<i64: 632, 144>}, {pipeline_mode = #tpu.pipeline_mode<synchronous>, transform_indices = @transform_3, window_bounds = array<i64: 128, 128>}, {pipeline_mode = #tpu.pipeline_mode<synchronous>, transform_indices = @transform_4, window_bounds = array<i64: 128, 128>}, {pipeline_mode = #tpu.pipeline_mode<synchronous>, transform_indices = @transform_5, window_bounds = array<i64: 1, 128>}, {transform_indices = @transform_6, window_bounds = array<i64: 632, 128>}, {transform_indices = @transform_7, window_bounds = array<i64: 632, 128>}]} {
    %get3A = arith.constant 0 : index
    %get3A_0 = arith.constant 0 : index
    %get3A_1 = vector.load %arg2[%get3A, %get3A_0] : memref<632x144xf32, #tpu.memory_space<vmem>>, vector<632x144xf32>
    %get3A_2 = arith.constant 0 : index
    %get3A_3 = arith.constant 0 : index
    %get3A_4 = vector.load %arg3[%get3A_2, %get3A_3] : memref<632x144xf32, #tpu.memory_space<vmem>>, vector<632x144xf32>
    %slice3A = vector.extract_strided_slice %get3A_1 {offsets = [0, 128], sizes = [632, 1], strides = [1, 1]} : vector<632x144xf32> to vector<632x1xf32>
    %slice3A_5 = vector.extract_strided_slice %get3A_4 {offsets = [0, 128], sizes = [632, 1], strides = [1, 1]} : vector<632x144xf32> to vector<632x1xf32>
    %add3A = arith.addf %slice3A, %slice3A_5 : vector<632x1xf32>
    %max3A = arith.constant 1.000000e+00 : f32
    %max3A_6 = vector.broadcast %max3A : f32 to vector<632x1xf32>
    %max3A_7 = arith.maximumf %add3A, %max3A_6 : vector<632x1xf32>
    %div3A = arith.constant 1.000000e+00 : f32
    %div3A_8 = vector.broadcast %div3A : f32 to vector<632x1xf32>
    %div3A_9 = arith.divf %div3A_8, %max3A_7 : vector<632x1xf32>
    %get3A_10 = arith.constant 0 : index
    %get3A_11 = arith.constant 0 : index
    %get3A_12 = vector.load %arg2[%get3A_10, %get3A_11] : memref<632x144xf32, #tpu.memory_space<vmem>>, vector<632x128xf32>
    %get3A_13 = arith.constant 0 : index
    %get3A_14 = arith.constant 0 : index
    %get3A_15 = vector.load %arg3[%get3A_13, %get3A_14] : memref<632x144xf32, #tpu.memory_space<vmem>>, vector<632x128xf32>
    %get3A_16 = arith.constant 0 : index
    %get3A_17 = arith.constant 0 : index
    %get3A_18 = vector.load %arg1[%get3A_16, %get3A_17] : memref<632x128xf32, #tpu.memory_space<vmem>>, vector<632x128xf32>
    %add3A_19 = arith.addf %get3A_12, %get3A_15 : vector<632x128xf32>
    %mul3A = vector.broadcast %div3A_9 : vector<632x1xf32> to vector<632x128xf32>
    %mul3A_20 = arith.mulf %add3A_19, %mul3A : vector<632x128xf32>
    %add3A_21 = arith.addf %get3A_18, %mul3A_20 : vector<632x128xf32>
    %max3A_22 = arith.constant 0.000000e+00 : f32
    %max3A_23 = vector.broadcast %max3A_22 : f32 to vector<632x128xf32>
    %max3A_24 = arith.maximumf %add3A_21, %max3A_23 : vector<632x128xf32>
    %mul3A_25 = arith.mulf %max3A_24, %max3A_24 : vector<632x128xf32>
    %reduce_sum3A = arith.constant dense<0.000000e+00> : vector<632xf32>
    %reduce_sum3A_26 = vector.multi_reduction <add>, %mul3A_25, %reduce_sum3A [1] : vector<632x128xf32> to vector<632xf32>
    %broadcast_in_dim3A = vector.shape_cast %reduce_sum3A_26 : vector<632xf32> to vector<632x1xf32>
    %sqrt3A = math.sqrt %broadcast_in_dim3A : vector<632x1xf32>
    %max3A_27 = arith.constant 9.99999996E-13 : f32
    %max3A_28 = vector.broadcast %max3A_27 : f32 to vector<632x1xf32>
    %max3A_29 = arith.maximumf %sqrt3A, %max3A_28 : vector<632x1xf32>
    %div3A_30 = vector.broadcast %max3A_29 : vector<632x1xf32> to vector<632x128xf32>
    %div3A_31 = arith.divf %max3A_24, %div3A_30 : vector<632x128xf32>
    %get3A_32 = arith.constant 0 : index
    %get3A_33 = arith.constant 0 : index
    %get3A_34 = vector.load %arg4[%get3A_32, %get3A_33] : memref<128x128xf32, #tpu.memory_space<vmem>>, vector<128x128xf32>
    %dot_general3A = arith.constant dense<0.000000e+00> : vector<632x128xf32>
    %dot_general3A_35 = tpu.matmul %div3A_31, %get3A_34, %dot_general3A {dimension_numbers = #tpu.dot_dimension_numbers<[1], [0], [0], [1], [0, 0, 1, 1], [], []>, transpose_lhs_hint = false} : vector<632x128xf32>, vector<128x128xf32>, vector<632x128xf32> -> vector<632x128xf32>
    %get3A_36 = arith.constant 0 : index
    %get3A_37 = arith.constant 0 : index
    %get3A_38 = vector.load %arg6[%get3A_36, %get3A_37] : memref<1x128xf32, #tpu.memory_space<vmem>>, vector<1x128xf32>
    %add3A_39 = vector.broadcast %get3A_38 : vector<1x128xf32> to vector<632x128xf32>
    %add3A_40 = arith.addf %dot_general3A_35, %add3A_39 : vector<632x128xf32>
    %swap3A = arith.constant 0 : index
    %swap3A_41 = arith.constant 0 : index
    %swap3A_42 = vector.load %arg7[%swap3A, %swap3A_41] : memref<632x128xf32, #tpu.memory_space<vmem>>, vector<632x128xf32>
    tpu.vector_store %arg7[%swap3A, %swap3A_41], %add3A_40 {strides = array<i32>} : memref<632x128xf32, #tpu.memory_space<vmem>>, vector<632x128xf32>,
    %get3A_43 = arith.constant 0 : index
    %get3A_44 = arith.constant 0 : index
    %get3A_45 = vector.load %arg5[%get3A_43, %get3A_44] : memref<128x128xf32, #tpu.memory_space<vmem>>, vector<128x128xf32>
    %dot_general3A_46 = arith.constant dense<0.000000e+00> : vector<632x128xf32>
    %dot_general3A_47 = tpu.matmul %div3A_31, %get3A_45, %dot_general3A_46 {dimension_numbers = #tpu.dot_dimension_numbers<[1], [0], [0], [1], [0, 0, 1, 1], [], []>, transpose_lhs_hint = false} : vector<632x128xf32>, vector<128x128xf32>, vector<632x128xf32> -> vector<632x128xf32>
    %swap3A_48 = arith.constant 0 : index
    %swap3A_49 = arith.constant 0 : index
    %swap3A_50 = vector.load %arg8[%swap3A_48, %swap3A_49] : memref<632x128xf32, #tpu.memory_space<vmem>>, vector<632x128xf32>
    tpu.vector_store %arg8[%swap3A_48, %swap3A_49], %dot_general3A_47 {strides = array<i32>} : memref<632x128xf32, #tpu.memory_space<vmem>>, vector<632x128xf32>,
    return
  }
  func.func @transform_0(%arg0: i32) -> (i32, i32) {
    %c0_i32 = arith.constant 0 : i32
    %c0_i32_0 = arith.constant 0 : i32
    return %arg0, %c0_i32 : i32, i32
  }
  func.func @transform_1(%arg0: i32) -> (i32, i32) {
    %c0_i32 = arith.constant 0 : i32
    %c0_i32_0 = arith.constant 0 : i32
    return %arg0, %c0_i32 : i32, i32
  }
  func.func @transform_2(%arg0: i32) -> (i32, i32) {
    %c0_i32 = arith.constant 0 : i32
    %c0_i32_0 = arith.constant 0 : i32
    return %arg0, %c0_i32 : i32, i32
  }
  func.func @transform_3(%arg0: i32) -> (i32, i32) {
    %c0_i32 = arith.constant 0 : i32
    %c0_i32_0 = arith.constant 0 : i32
    %c0_i32_1 = arith.constant 0 : i32
    return %c0_i32, %c0_i32_0 : i32, i32
  }
  func.func @transform_4(%arg0: i32) -> (i32, i32) {
    %c0_i32 = arith.constant 0 : i32
    %c0_i32_0 = arith.constant 0 : i32
    %c0_i32_1 = arith.constant 0 : i32
    return %c0_i32, %c0_i32_0 : i32, i32
  }
  func.func @transform_5(%arg0: i32) -> (i32, i32) {
    %c0_i32 = arith.constant 0 : i32
    %c0_i32_0 = arith.constant 0 : i32
    %c0_i32_1 = arith.constant 0 : i32
    return %c0_i32, %c0_i32_0 : i32, i32
  }
  func.func @transform_6(%arg0: i32) -> (i32, i32) {
    %c0_i32 = arith.constant 0 : i32
    %c0_i32_0 = arith.constant 0 : i32
    return %arg0, %c0_i32 : i32, i32
  }
  func.func @transform_7(%arg0: i32) -> (i32, i32) {
    %c0_i32 = arith.constant 0 : i32
    %c0_i32_0 = arith.constant 0 : i32
    return %arg0, %c0_i32 : i32, i32
  }
}

module attributes {stable_mosaic.version = 14 : i64} {
  func.func @_tc3_body(%arg0: i32, %arg1: memref<632x128xf32, #tpu.memory_space<vmem>>, %arg2: memref<632x128xf32, #tpu.memory_space<vmem>>, %arg3: memref<632x128xf32, #tpu.memory_space<vmem>>, %arg4: memref<632x144xf32, #tpu.memory_space<vmem>>, %arg5: memref<632x144xf32, #tpu.memory_space<vmem>>, %arg6: memref<632x32xf32, #tpu.memory_space<vmem>>, %arg7: memref<128x32xf32, #tpu.memory_space<vmem>>, %arg8: memref<1x32xf32, #tpu.memory_space<vmem>>, %arg9: memref<32x128xf32, #tpu.memory_space<vmem>>, %arg10: memref<1x128xf32, #tpu.memory_space<vmem>>, %arg11: memref<128x16xf32, #tpu.memory_space<vmem>>, %arg12: memref<1x16xf32, #tpu.memory_space<vmem>>, %arg13: memref<128x128xf32, #tpu.memory_space<vmem>>, %arg14: memref<1x128xf32, #tpu.memory_space<vmem>>, %arg15: memref<128x128xf32, #tpu.memory_space<vmem>>, %arg16: memref<1x128xf32, #tpu.memory_space<vmem>>, %arg17: memref<632x16xf32, #tpu.memory_space<vmem>>, %arg18: memref<632x128xf32, #tpu.memory_space<vmem>>, %arg19: memref<632x128xf32, #tpu.memory_space<vmem>>) attributes {dimension_semantics = [#tpu.dimension_semantics<arbitrary>], iteration_bounds = array<i64: 16>, scalar_prefetch = 0 : i64, scratch_operands = 0 : i64, tpu.core_type = #tpu.core_type<tc>, window_params = [{transform_indices = @transform_0, window_bounds = array<i64: 632, 128>}, {transform_indices = @transform_1, window_bounds = array<i64: 632, 128>}, {transform_indices = @transform_2, window_bounds = array<i64: 632, 128>}, {transform_indices = @transform_3, window_bounds = array<i64: 632, 144>}, {transform_indices = @transform_4, window_bounds = array<i64: 632, 144>}, {transform_indices = @transform_5, window_bounds = array<i64: 632, 32>}, {pipeline_mode = #tpu.pipeline_mode<synchronous>, transform_indices = @transform_6, window_bounds = array<i64: 128, 32>}, {pipeline_mode = #tpu.pipeline_mode<synchronous>, transform_indices = @transform_7, window_bounds = array<i64: 1, 32>}, {pipeline_mode = #tpu.pipeline_mode<synchronous>, transform_indices = @transform_8, window_bounds = array<i64: 32, 128>}, {pipeline_mode = #tpu.pipeline_mode<synchronous>, transform_indices = @transform_9, window_bounds = array<i64: 1, 128>}, {pipeline_mode = #tpu.pipeline_mode<synchronous>, transform_indices = @transform_10, window_bounds = array<i64: 128, 16>}, {pipeline_mode = #tpu.pipeline_mode<synchronous>, transform_indices = @transform_11, window_bounds = array<i64: 1, 16>}, {pipeline_mode = #tpu.pipeline_mode<synchronous>, transform_indices = @transform_12, window_bounds = array<i64: 128, 128>}, {pipeline_mode = #tpu.pipeline_mode<synchronous>, transform_indices = @transform_13, window_bounds = array<i64: 1, 128>}, {pipeline_mode = #tpu.pipeline_mode<synchronous>, transform_indices = @transform_14, window_bounds = array<i64: 128, 128>}, {pipeline_mode = #tpu.pipeline_mode<synchronous>, transform_indices = @transform_15, window_bounds = array<i64: 1, 128>}, {transform_indices = @transform_16, window_bounds = array<i64: 632, 16>}, {transform_indices = @transform_17, window_bounds = array<i64: 632, 128>}, {transform_indices = @transform_18, window_bounds = array<i64: 632, 128>}]} {
    %get3A = arith.constant 0 : index
    %get3A_0 = arith.constant 0 : index
    %get3A_1 = vector.load %arg4[%get3A, %get3A_0] : memref<632x144xf32, #tpu.memory_space<vmem>>, vector<632x144xf32>
    %get3A_2 = arith.constant 0 : index
    %get3A_3 = arith.constant 0 : index
    %get3A_4 = vector.load %arg5[%get3A_2, %get3A_3] : memref<632x144xf32, #tpu.memory_space<vmem>>, vector<632x144xf32>
    %slice3A = vector.extract_strided_slice %get3A_1 {offsets = [0, 128], sizes = [632, 1], strides = [1, 1]} : vector<632x144xf32> to vector<632x1xf32>
    %slice3A_5 = vector.extract_strided_slice %get3A_4 {offsets = [0, 128], sizes = [632, 1], strides = [1, 1]} : vector<632x144xf32> to vector<632x1xf32>
    %add3A = arith.addf %slice3A, %slice3A_5 : vector<632x1xf32>
    %max3A = arith.constant 1.000000e+00 : f32
    %max3A_6 = vector.broadcast %max3A : f32 to vector<632x1xf32>
    %max3A_7 = arith.maximumf %add3A, %max3A_6 : vector<632x1xf32>
    %div3A = arith.constant 1.000000e+00 : f32
    %div3A_8 = vector.broadcast %div3A : f32 to vector<632x1xf32>
    %div3A_9 = arith.divf %div3A_8, %max3A_7 : vector<632x1xf32>
    %get3A_10 = arith.constant 0 : index
    %get3A_11 = arith.constant 0 : index
    %get3A_12 = vector.load %arg2[%get3A_10, %get3A_11] : memref<632x128xf32, #tpu.memory_space<vmem>>, vector<632x128xf32>
    %get3A_13 = arith.constant 0 : index
    %get3A_14 = arith.constant 0 : index
    %get3A_15 = vector.load %arg3[%get3A_13, %get3A_14] : memref<632x128xf32, #tpu.memory_space<vmem>>, vector<632x128xf32>
    %get3A_16 = arith.constant 0 : index
    %get3A_17 = arith.constant 0 : index
    %get3A_18 = vector.load %arg1[%get3A_16, %get3A_17] : memref<632x128xf32, #tpu.memory_space<vmem>>, vector<632x128xf32>
    %add3A_19 = arith.addf %get3A_12, %get3A_15 : vector<632x128xf32>
    %mul3A = vector.broadcast %div3A_9 : vector<632x1xf32> to vector<632x128xf32>
    %mul3A_20 = arith.mulf %add3A_19, %mul3A : vector<632x128xf32>
    %add3A_21 = arith.addf %get3A_18, %mul3A_20 : vector<632x128xf32>
    %max3A_22 = arith.constant 0.000000e+00 : f32
    %max3A_23 = vector.broadcast %max3A_22 : f32 to vector<632x128xf32>
    %max3A_24 = arith.maximumf %add3A_21, %max3A_23 : vector<632x128xf32>
    %mul3A_25 = arith.mulf %max3A_24, %max3A_24 : vector<632x128xf32>
    %reduce_sum3A = arith.constant dense<0.000000e+00> : vector<632xf32>
    %reduce_sum3A_26 = vector.multi_reduction <add>, %mul3A_25, %reduce_sum3A [1] : vector<632x128xf32> to vector<632xf32>
    %broadcast_in_dim3A = vector.shape_cast %reduce_sum3A_26 : vector<632xf32> to vector<632x1xf32>
    %sqrt3A = math.sqrt %broadcast_in_dim3A : vector<632x1xf32>
    %max3A_27 = arith.constant 9.99999996E-13 : f32
    %max3A_28 = vector.broadcast %max3A_27 : f32 to vector<632x1xf32>
    %max3A_29 = arith.maximumf %sqrt3A, %max3A_28 : vector<632x1xf32>
    %div3A_30 = vector.broadcast %max3A_29 : vector<632x1xf32> to vector<632x128xf32>
    %div3A_31 = arith.divf %max3A_24, %div3A_30 : vector<632x128xf32>
    %get3A_32 = arith.constant 0 : index
    %get3A_33 = arith.constant 0 : index
    %get3A_34 = vector.load %arg7[%get3A_32, %get3A_33] : memref<128x32xf32, #tpu.memory_space<vmem>>, vector<128x32xf32>
    %dot_general3A = arith.constant dense<0.000000e+00> : vector<632x32xf32>
    %dot_general3A_35 = tpu.matmul %div3A_31, %get3A_34, %dot_general3A {dimension_numbers = #tpu.dot_dimension_numbers<[1], [0], [0], [1], [0, 0, 1, 1], [], []>, transpose_lhs_hint = false} : vector<632x128xf32>, vector<128x32xf32>, vector<632x32xf32> -> vector<632x32xf32>
    %get3A_36 = arith.constant 0 : index
    %get3A_37 = arith.constant 0 : index
    %get3A_38 = vector.load %arg8[%get3A_36, %get3A_37] : memref<1x32xf32, #tpu.memory_space<vmem>>, vector<1x32xf32>
    %add3A_39 = vector.broadcast %get3A_38 : vector<1x32xf32> to vector<632x32xf32>
    %add3A_40 = arith.addf %dot_general3A_35, %add3A_39 : vector<632x32xf32>
    %get3A_41 = arith.constant 0 : index
    %get3A_42 = arith.constant 0 : index
    %get3A_43 = vector.load %arg6[%get3A_41, %get3A_42] : memref<632x32xf32, #tpu.memory_space<vmem>>, vector<632x32xf32>
    %mul3A_44 = arith.mulf %add3A_40, %get3A_43 : vector<632x32xf32>
    %get3A_45 = arith.constant 0 : index
    %get3A_46 = arith.constant 0 : index
    %get3A_47 = vector.load %arg9[%get3A_45, %get3A_46] : memref<32x128xf32, #tpu.memory_space<vmem>>, vector<32x128xf32>
    %dot_general3A_48 = arith.constant dense<0.000000e+00> : vector<632x128xf32>
    %dot_general3A_49 = tpu.matmul %mul3A_44, %get3A_47, %dot_general3A_48 {dimension_numbers = #tpu.dot_dimension_numbers<[1], [0], [0], [1], [0, 0, 1, 1], [], []>, transpose_lhs_hint = false} : vector<632x32xf32>, vector<32x128xf32>, vector<632x128xf32> -> vector<632x128xf32>
    %get3A_50 = arith.constant 0 : index
    %get3A_51 = arith.constant 0 : index
    %get3A_52 = vector.load %arg10[%get3A_50, %get3A_51] : memref<1x128xf32, #tpu.memory_space<vmem>>, vector<1x128xf32>
    %add3A_53 = vector.broadcast %get3A_52 : vector<1x128xf32> to vector<632x128xf32>
    %add3A_54 = arith.addf %dot_general3A_49, %add3A_53 : vector<632x128xf32>
    %max3A_55 = arith.constant 0.000000e+00 : f32
    %max3A_56 = vector.broadcast %max3A_55 : f32 to vector<632x128xf32>
    %max3A_57 = arith.maximumf %add3A_54, %max3A_56 : vector<632x128xf32>
    %get3A_58 = arith.constant 0 : index
    %get3A_59 = arith.constant 0 : index
    %get3A_60 = vector.load %arg11[%get3A_58, %get3A_59] : memref<128x16xf32, #tpu.memory_space<vmem>>, vector<128x16xf32>
    %dot_general3A_61 = arith.constant dense<0.000000e+00> : vector<632x16xf32>
    %dot_general3A_62 = tpu.matmul %max3A_57, %get3A_60, %dot_general3A_61 {dimension_numbers = #tpu.dot_dimension_numbers<[1], [0], [0], [1], [0, 0, 1, 1], [], []>, transpose_lhs_hint = false} : vector<632x128xf32>, vector<128x16xf32>, vector<632x16xf32> -> vector<632x16xf32>
    %get3A_63 = arith.constant 0 : index
    %get3A_64 = arith.constant 0 : index
    %get3A_65 = vector.load %arg12[%get3A_63, %get3A_64] : memref<1x16xf32, #tpu.memory_space<vmem>>, vector<1x16xf32>
    %add3A_66 = vector.broadcast %get3A_65 : vector<1x16xf32> to vector<632x16xf32>
    %add3A_67 = arith.addf %dot_general3A_62, %add3A_66 : vector<632x16xf32>
    %reduce_max3A = arith.constant dense<0xFF800000> : vector<632xf32>
    %reduce_max3A_68 = vector.multi_reduction <maximumf>, %add3A_67, %reduce_max3A [1] : vector<632x16xf32> to vector<632xf32>
    %broadcast_in_dim3A_69 = vector.shape_cast %reduce_max3A_68 : vector<632xf32> to vector<632x1xf32>
    %sub3A = vector.broadcast %broadcast_in_dim3A_69 : vector<632x1xf32> to vector<632x16xf32>
    %sub3A_70 = arith.subf %add3A_67, %sub3A : vector<632x16xf32>
    %exp3A = math.exp %sub3A_70 : vector<632x16xf32>
    %reduce_sum3A_71 = arith.constant dense<0.000000e+00> : vector<632xf32>
    %reduce_sum3A_72 = vector.multi_reduction <add>, %exp3A, %reduce_sum3A_71 [1] : vector<632x16xf32> to vector<632xf32>
    %broadcast_in_dim3A_73 = vector.shape_cast %reduce_sum3A_72 : vector<632xf32> to vector<632x1xf32>
    %div3A_74 = vector.broadcast %broadcast_in_dim3A_73 : vector<632x1xf32> to vector<632x16xf32>
    %div3A_75 = arith.divf %exp3A, %div3A_74 : vector<632x16xf32>
    %swap3A = arith.constant 0 : index
    %swap3A_76 = arith.constant 0 : index
    %swap3A_77 = vector.load %arg17[%swap3A, %swap3A_76] : memref<632x16xf32, #tpu.memory_space<vmem>>, vector<632x16xf32>
    tpu.vector_store %arg17[%swap3A, %swap3A_76], %div3A_75 {strides = array<i32>} : memref<632x16xf32, #tpu.memory_space<vmem>>, vector<632x16xf32>,
    %get3A_78 = arith.constant 0 : index
    %get3A_79 = arith.constant 0 : index
    %get3A_80 = vector.load %arg13[%get3A_78, %get3A_79] : memref<128x128xf32, #tpu.memory_space<vmem>>, vector<128x128xf32>
    %dot_general3A_81 = arith.constant dense<0.000000e+00> : vector<632x128xf32>
    %dot_general3A_82 = tpu.matmul %max3A_57, %get3A_80, %dot_general3A_81 {dimension_numbers = #tpu.dot_dimension_numbers<[1], [0], [0], [1], [0, 0, 1, 1], [], []>, transpose_lhs_hint = false} : vector<632x128xf32>, vector<128x128xf32>, vector<632x128xf32> -> vector<632x128xf32>
    %get3A_83 = arith.constant 0 : index
    %get3A_84 = arith.constant 0 : index
    %get3A_85 = vector.load %arg14[%get3A_83, %get3A_84] : memref<1x128xf32, #tpu.memory_space<vmem>>, vector<1x128xf32>
    %add3A_86 = vector.broadcast %get3A_85 : vector<1x128xf32> to vector<632x128xf32>
    %add3A_87 = arith.addf %dot_general3A_82, %add3A_86 : vector<632x128xf32>
    %swap3A_88 = arith.constant 0 : index
    %swap3A_89 = arith.constant 0 : index
    %swap3A_90 = vector.load %arg18[%swap3A_88, %swap3A_89] : memref<632x128xf32, #tpu.memory_space<vmem>>, vector<632x128xf32>
    tpu.vector_store %arg18[%swap3A_88, %swap3A_89], %add3A_87 {strides = array<i32>} : memref<632x128xf32, #tpu.memory_space<vmem>>, vector<632x128xf32>,
    %get3A_91 = arith.constant 0 : index
    %get3A_92 = arith.constant 0 : index
    %get3A_93 = vector.load %arg15[%get3A_91, %get3A_92] : memref<128x128xf32, #tpu.memory_space<vmem>>, vector<128x128xf32>
    %dot_general3A_94 = arith.constant dense<0.000000e+00> : vector<632x128xf32>
    %dot_general3A_95 = tpu.matmul %max3A_57, %get3A_93, %dot_general3A_94 {dimension_numbers = #tpu.dot_dimension_numbers<[1], [0], [0], [1], [0, 0, 1, 1], [], []>, transpose_lhs_hint = false} : vector<632x128xf32>, vector<128x128xf32>, vector<632x128xf32> -> vector<632x128xf32>
    %get3A_96 = arith.constant 0 : index
    %get3A_97 = arith.constant 0 : index
    %get3A_98 = vector.load %arg16[%get3A_96, %get3A_97] : memref<1x128xf32, #tpu.memory_space<vmem>>, vector<1x128xf32>
    %add3A_99 = vector.broadcast %get3A_98 : vector<1x128xf32> to vector<632x128xf32>
    %add3A_100 = arith.addf %dot_general3A_95, %add3A_99 : vector<632x128xf32>
    %swap3A_101 = arith.constant 0 : index
    %swap3A_102 = arith.constant 0 : index
    %swap3A_103 = vector.load %arg19[%swap3A_101, %swap3A_102] : memref<632x128xf32, #tpu.memory_space<vmem>>, vector<632x128xf32>
    tpu.vector_store %arg19[%swap3A_101, %swap3A_102], %add3A_100 {strides = array<i32>} : memref<632x128xf32, #tpu.memory_space<vmem>>, vector<632x128xf32>,
    return
  }
  func.func @transform_0(%arg0: i32) -> (i32, i32) {
    %c0_i32 = arith.constant 0 : i32
    %c0_i32_0 = arith.constant 0 : i32
    return %arg0, %c0_i32 : i32, i32
  }
  func.func @transform_1(%arg0: i32) -> (i32, i32) {
    %c0_i32 = arith.constant 0 : i32
    %c0_i32_0 = arith.constant 0 : i32
    return %arg0, %c0_i32 : i32, i32
  }
  func.func @transform_2(%arg0: i32) -> (i32, i32) {
    %c0_i32 = arith.constant 0 : i32
    %c0_i32_0 = arith.constant 0 : i32
    return %arg0, %c0_i32 : i32, i32
  }
  func.func @transform_3(%arg0: i32) -> (i32, i32) {
    %c0_i32 = arith.constant 0 : i32
    %c0_i32_0 = arith.constant 0 : i32
    return %arg0, %c0_i32 : i32, i32
  }
  func.func @transform_4(%arg0: i32) -> (i32, i32) {
    %c0_i32 = arith.constant 0 : i32
    %c0_i32_0 = arith.constant 0 : i32
    return %arg0, %c0_i32 : i32, i32
  }
  func.func @transform_5(%arg0: i32) -> (i32, i32) {
    %c0_i32 = arith.constant 0 : i32
    %c0_i32_0 = arith.constant 0 : i32
    return %arg0, %c0_i32 : i32, i32
  }
  func.func @transform_6(%arg0: i32) -> (i32, i32) {
    %c0_i32 = arith.constant 0 : i32
    %c0_i32_0 = arith.constant 0 : i32
    %c0_i32_1 = arith.constant 0 : i32
    return %c0_i32, %c0_i32_0 : i32, i32
  }
  func.func @transform_7(%arg0: i32) -> (i32, i32) {
    %c0_i32 = arith.constant 0 : i32
    %c0_i32_0 = arith.constant 0 : i32
    %c0_i32_1 = arith.constant 0 : i32
    return %c0_i32, %c0_i32_0 : i32, i32
  }
  func.func @transform_8(%arg0: i32) -> (i32, i32) {
    %c0_i32 = arith.constant 0 : i32
    %c0_i32_0 = arith.constant 0 : i32
    %c0_i32_1 = arith.constant 0 : i32
    return %c0_i32, %c0_i32_0 : i32, i32
  }
  func.func @transform_9(%arg0: i32) -> (i32, i32) {
    %c0_i32 = arith.constant 0 : i32
    %c0_i32_0 = arith.constant 0 : i32
    %c0_i32_1 = arith.constant 0 : i32
    return %c0_i32, %c0_i32_0 : i32, i32
  }
  func.func @transform_10(%arg0: i32) -> (i32, i32) {
    %c0_i32 = arith.constant 0 : i32
    %c0_i32_0 = arith.constant 0 : i32
    %c0_i32_1 = arith.constant 0 : i32
    return %c0_i32, %c0_i32_0 : i32, i32
  }
  func.func @transform_11(%arg0: i32) -> (i32, i32) {
    %c0_i32 = arith.constant 0 : i32
    %c0_i32_0 = arith.constant 0 : i32
    %c0_i32_1 = arith.constant 0 : i32
    return %c0_i32, %c0_i32_0 : i32, i32
  }
  func.func @transform_12(%arg0: i32) -> (i32, i32) {
    %c0_i32 = arith.constant 0 : i32
    %c0_i32_0 = arith.constant 0 : i32
    %c0_i32_1 = arith.constant 0 : i32
    return %c0_i32, %c0_i32_0 : i32, i32
  }
  func.func @transform_13(%arg0: i32) -> (i32, i32) {
    %c0_i32 = arith.constant 0 : i32
    %c0_i32_0 = arith.constant 0 : i32
    %c0_i32_1 = arith.constant 0 : i32
    return %c0_i32, %c0_i32_0 : i32, i32
  }
  func.func @transform_14(%arg0: i32) -> (i32, i32) {
    %c0_i32 = arith.constant 0 : i32
    %c0_i32_0 = arith.constant 0 : i32
    %c0_i32_1 = arith.constant 0 : i32
    return %c0_i32, %c0_i32_0 : i32, i32
  }
  func.func @transform_15(%arg0: i32) -> (i32, i32) {
    %c0_i32 = arith.constant 0 : i32
    %c0_i32_0 = arith.constant 0 : i32
    %c0_i32_1 = arith.constant 0 : i32
    return %c0_i32, %c0_i32_0 : i32, i32
  }
  func.func @transform_16(%arg0: i32) -> (i32, i32) {
    %c0_i32 = arith.constant 0 : i32
    %c0_i32_0 = arith.constant 0 : i32
    return %arg0, %c0_i32 : i32, i32
  }
  func.func @transform_17(%arg0: i32) -> (i32, i32) {
    %c0_i32 = arith.constant 0 : i32
    %c0_i32_0 = arith.constant 0 : i32
    return %arg0, %c0_i32 : i32, i32
  }
  func.func @transform_18(%arg0: i32) -> (i32, i32) {
    %c0_i32 = arith.constant 0 : i32
    %c0_i32_0 = arith.constant 0 : i32
    return %arg0, %c0_i32 : i32, i32
  }
}

</mosaic_0001>

<sc_bundles>
// kernel: kernel.10.cloned.1.call-start
scs
__scs_entry_jumppad:
0x0: {  	(pc) =	sbr.rel $0x88, $3  }
0x1: {  	(tag) =	ssettag $0x0;
	lr =	simm.s32 $0x1  }
0x2: {  	[smem:$0x3F8B] =	sst lr;
	_ =	strace $0xD0000000  }
0x3: {  	_ = 	snop  }
0x4: {  	_ = 	snop  }
0x5: {  	_ = 	snop  }
0x6: {  	_ = 	snop  }
0x7: {  	_ = 	snop  }
__scs_overlays_trampoline_lowered:
0x8: {  	[smem:$0x3F9A] =	sst s0  }
0x9: {  	[smem:$0x3F9B] =	sst s1  }
0xa: {  	[smem:$0x3F9C] =	sst s2  }
0xb: {  	[smem:$0x3F9D] =	sst s3  }
0xc: {  	[smem:$0x3F9E] =	sst s4  }
0xd: {  	[smem:$0x3F9F] =	sst s5  }
0xe: {  	[smem:$0x3FA0] =	sst s6  }
0xf: {  	[smem:$0x3FA1] =	sst s7  }
0x10: {  	[smem:$0x3FA2] =	sst s8  }
0x11: {  	[smem:$0x3FA3] =	sst s9;
	s0 =	simm.s32 @!p0 $0x0  }
0x12: {  	s1 =	sld [smem:$0x3F89];
	s0 =	simm.s32 @p0 $0x1  }
0x13: {  	[smem:$0x3FA4] =	sst s0;
	s0 =	simm.s32 @!p1 $0x0  }
0x14: {  	s2 =	sld [smem:$0x3F88];
	s0 =	simm.s32 @p1 $0x1  }
0x15: {  	[smem:$0x3FA5] =	sst s0;
	s0 =	simm.s32 @!p2 $0x0  }
0x16: {  	s3 =	sld [smem:$0x3FDB];
	s0 =	simm.s32 @p2 $0x1  }
0x17: {  	s4 =	simm.s32 $0x1BF5;
	[smem:$0x3FA7] =	sst s0  }
0x18: {  	s0 =	sld [smem:$0x3F8A];
	_ =	swait.ge [sflag:s4], $0x0  }
0x19: {  	s7 =	sld [smem:$0x3F8B]  }
0x1a: {  	s8 =	sadd.s32 $0xFFFFE003, lr  }
0x1b: {  	s9 =	sadd.s32 $0xFFFFFEF7, lr;
	s5 =	simm.s32 $0xFFFFFFFF;
	p2 =	slt.u32 s8, $0xFFFFF086  }
0x1c: {  	p1 =	slt.u32 s9, $0xF7A;
	s5 =	simm.s32 @!p2 $0x0  }
0x1d: {  	s5 =	simm.s32 @p1 $0x1;
	p0 =	seq.s32 s7, s2  }
0x1e: {  	s7 =	smul.u32 @!p0 $0xF7A, s2;
	p2 =	seq.s32 @!p0 s5, $0x0  }
0x1f: {  	s9 =	smul.u32 $0xF7A, s1;
	s8 =	simm.s32 @!p0 $0x1BF5;
	p2 =	por !p2, p0  }
0x20: {  	[sflag:s8] =	ssyncset.s32 @!p0 $0xFFFFF086;
	s6 =	sadd.s32 @!p0 s3, s7;
	s7 =	simm.s32 @!p0 $0x108  }
0x21: {  	s3 =	sadd.s32 s3, s9;
	s6 =	sadd.s32 @!p0 $0x88, s6;
	s7 =	simm.s32 @p2 $0x1082  }
0x22: {  	[simem:s7], [sflag:s8] =	dma.local @!p0 [hbm:s6], $0xF7A  }
0x23: {  	s9 =	sor.u32 $0xD0000000, s2;
	s6 =	simm.s32 $0x108;
	_ =	swait.ge @!p0 [sflag:s8], $0x0  }
0x24: {  	s3 =	sadd.s32 $0x88, s3;
	s6 =	simm.s32 @!p1 $0x1082;
	[sflag:s4] =	ssyncset.s32 $0xFFFFF086  }
0x25: {  	[simem:s6], [sflag:s4] =	dma.local [hbm:s3], $0xF7A  }
0x26: {  	[smem:$0x3F8B] =	sst s1;
	(tag) =	ssettag s2;
	_ =	strace s9  }
0x27: {  	s1 =	sld [smem:$0x3F9B]  }
0x28: {  	s2 =	sld [smem:$0x3F9C]  }
0x29: {  	s4 =	sld [smem:$0x3F9E]  }
0x2a: {  	p0 =	seq.s32 s5, $0x0;
	s5 =	sld [smem:$0x3F9F]  }
0x2b: {  	s6 =	sld [smem:$0x3FA0]  }
0x2c: {  	s7 =	sld [smem:$0x3FA1]  }
0x2d: {  	s3 =	simm.s32 $0x108;
	s8 =	sld [smem:$0x3FA2]  }
0x2e: {  	s3 =	simm.s32 @!p0 $0x1082;
	s9 =	sld [smem:$0x3FA3]  }
0x2f: {  	lr =	sadd.s32 s0, s3;
	s0 =	sld [smem:$0x3F9A]  }
0x30: {  	s3 =	sld [smem:$0x3F9D]  }
0x31: {  	[smem:$0x3FA6] =	sst s10  }
0x32: {  	s10 =	sld [smem:$0x3FA4];
	_ =	sdelay $0x3  }
0x33: {  	p0 =	seq.s32 s10, $0x1;
	s10 =	sld [smem:$0x3FA6];
	_ =	sdelay $0x3  }
0x34: {  	[smem:$0x3FA6] =	sst s10  }
0x35: {  	s10 =	sld [smem:$0x3FA5];
	_ =	sdelay $0x3  }
0x36: {  	p1 =	seq.s32 s10, $0x1;
	s10 =	sld [smem:$0x3FA6];
	_ =	sdelay $0x3  }
0x37: {  	[smem:$0x3FA6] =	sst s10  }
0x38: {  	s10 =	sld [smem:$0x3FA7]  }
0x39: {  	_ = 	snop;
	(pc) =	sbr.ind lr, $3  }
0x3a: {  	_ = 	snop  }
0x3b: {  	_ = 	snop  }
0x3c: {  	p2 =	seq.s32 s10, $0x1;
	s10 =	sld [smem:$0x3FA6]  }
0x3d: {  	_ =	shalt  }
0x3e: {  	_ =	shalt  }
0x3f: {  	_ =	shalt  }
0x40: {  	_ =	shalt  }
0x41: {  	_ =	shalt  }
0x42: {  	_ =	shalt  }
0x43: {  	_ =	shalt  }
0x44: {  	_ =	shalt  }
0x45: {  	_ =	shalt  }
0x46: {  	_ =	shalt  }
0x47: {  	_ =	shalt  }
0x48: {  	_ =	shalt  }
0x49: {  	_ =	shalt  }
0x4a: {  	_ =	shalt  }
0x4b: {  	_ =	shalt  }
0x4c: {  	_ =	shalt  }
0x4d: {  	_ =	shalt  }
0x4e: {  	_ =	shalt  }
0x4f: {  	_ =	shalt  }
0x50: {  	_ =	shalt  }
0x51: {  	_ =	shalt  }
0x52: {  	_ =	shalt  }
0x53: {  	_ =	shalt  }
0x54: {  	_ =	shalt  }
0x55: {  	_ =	shalt  }
0x56: {  	_ =	shalt  }
0x57: {  	_ =	shalt  }
0x58: {  	_ =	shalt  }
0x59: {  	_ =	shalt  }
0x5a: {  	_ =	shalt  }
0x5b: {  	_ =	shalt  }
0x5c: {  	_ =	shalt  }
0x5d: {  	_ =	shalt  }
0x5e: {  	_ =	shalt  }
0x5f: {  	_ =	shalt  }
0x60: {  	_ =	shalt  }
0x61: {  	_ =	shalt  }
0x62: {  	_ =	shalt  }
0x63: {  	_ =	shalt  }
0x64: {  	_ =	shalt  }
0x65: {  	_ =	shalt  }
0x66: {  	_ =	shalt  }
0x67: {  	_ =	shalt  }
0x68: {  	_ =	shalt  }
0x69: {  	_ =	shalt  }
0x6a: {  	_ =	shalt  }
0x6b: {  	_ =	shalt  }
0x6c: {  	_ =	shalt  }
0x6d: {  	_ =	shalt  }
0x6e: {  	_ =	shalt  }
0x6f: {  	_ =	shalt  }
0x70: {  	_ =	shalt  }
0x71: {  	_ =	shalt  }
0x72: {  	_ =	shalt  }
0x73: {  	_ =	shalt  }
0x74: {  	_ =	shalt  }
0x75: {  	_ =	shalt  }
0x76: {  	_ =	shalt  }
0x77: {  	_ =	shalt  }
0x78: {  	_ =	shalt  }
0x79: {  	_ =	shalt  }
0x7a: {  	_ =	shalt  }
0x7b: {  	_ =	shalt  }
0x7c: {  	_ =	shalt  }
0x7d: {  	_ =	shalt  }
0x7e: {  	_ =	shalt  }
0x7f: {  	_ =	shalt  }
0x80: {  	_ =	shalt  }
0x81: {  	_ =	shalt  }
0x82: {  	_ =	shalt  }
0x83: {  	_ =	shalt  }
0x84: {  	_ =	shalt  }
0x85: {  	_ =	shalt  }
0x86: {  	_ =	shalt  }
0x87: {  	_ =	shalt  }
.Lfunc_end0:
.L_simem_size_0:
called_computation.1_lowered:
.L_overlay_start_0:
0x88: {  	s2 =	sld [smem:$0x3FD9]  }
0x89: {  	s3 =	sld [smem:$0x3FFE];
	_ =	sdelay $0x1  }
0x8a: {  	s1 =	srdreg.scid  }
0x8b: {  	s0 =	sand.u32 $0x1, s1  }
0x8c: {  	s14 =	sshll.u32 s0, $0xA;
	s2 =	sadd.s32 s3, s2  }
0x8d: {  	s2 =	sadd.s32 s2, s14  }
0x8e: {  	[smem:$0x3FB2] =	sst s2  }
0x8f: {  	_ = 	snop  }
0x90: {  	s2 =	sld [smem:$0x3FD0];
	_ =	sdelay $0x2  }
0x91: {  	s15 =	simm.s32 $0xA;
	s4 =	simm.s32 $0x10  }
0x92: {  	[smem:s4], [sflag:s15] =	dma.local [hbm:s2], $0x1  }
0x93: {  	_ =	swait.eq [sflag:s15], $0x1  }
0x94: {  	[sflag:s15] =	ssyncset.done $0x0  }
0x95: {  	s16 =	sld [smem:$0x11];
	[sflag:s15] =	ssyncadd.s32 $0xFFFFFFFF  }
0x96: {  	s17 =	sld [smem:$0x12];
	(tm) =	ssettm $0x1  }
0x97: {  	s18 =	sld [smem:$0x3FFB];
	_ =	sdelay $0x3  }
0x98: {  	_ =	strace s18  }
0x99: {  	s4 =	sld [smem:$0x3FFC];
	_ =	sdelay $0x3  }
0x9a: {  	_ =	strace s4  }
0x9b: {  	s4 =	sld [smem:$0x3FFD];
	_ =	sdelay $0x3  }
0x9c: {  	_ =	strace s4  }
0x9d: {  	_ =	strace $0x8FFFFFFF  }
0x9e: {  	s19 =	sld [smem:$0x3FDB];
	_ =	sdelay $0x1  }
0x9f: {  	s5 =	simm.s32 $_scs_section_size  }
0xa0: {  	s6 =	simm.s32 $_size__tile_overlayer_lowered;
	s7 =	simm.s32 $_tile_overlayer_lowered  }
0xa1: {  	s22 =	simm.s32 $0x1BFF;
	s21 =	sshll.u32 s7, $0x1;
	s4 =	sadd.s32 s5, s19  }
0xa2: {  	s8 =	simm.s32 $0x0;
	s20 =	sshll.u32 s6, $0x1;
	s6 =	sadd.s32 s21, s4  }
0xa3: {  	[timem:s8], [sflag:s22] =	dma.local [hbm:s6], s20  }
0xa4: {  	_ =	swait.ge [sflag:s22], s20  }
0xa5: {  	s5 =	ssub.s32 $0x0, s20;
	[sflag:s22] =	ssyncset.done $0x0  }
0xa6: {  	[sflag:s22] =	ssyncadd.s32 s5;
	_ =	sdelay $0x1  }
0xa7: {  	s23 =	simm.s32 $0x1B8B  }
0xa8: {  	_ =	swait.ge [sflag:s23], $0x1  }
0xa9: {  	[sflag:s23] =	ssyncset.done $0x0  }
0xaa: {  	s25 =	simm.s32 $0x1B8E;
	s24 =	sld [smem:$0x3FFE];
	[sflag:s23] =	ssyncadd.s32 $0xFFFFFFFF  }
0xab: {  	s26 =	simm.s32 $execute0_lowered;
	[smem:$0x3FD2] =	sst s25  }
0xac: {  	s6 =	sshll.u32 s26, $0x1;
	_ =	strace $0x80000049;
	[dreg:$0x1] =	wrdreg $0xFFFFFFFF  }
0xad: {  	s28 =	simm.s32 $_size_execute0_lowered;
	s4 =	sadd.s32 s4, s6;
	[dreg:$0x0] =	wrdreg $0x0  }
0xae: {  	s6 =	sshll.u32 s28, $0x1;
	[dreg:$0x2] =	wrdreg s4  }
0xaf: {  	[dreg:$0x3] =	wrdreg s6  }
0xb0: {  	[dreg:$0x4] =	wrdreg $0xC0  }
0xb1: {  	_ =	task [dreg:s8], $0x5FFFF  }
0xb2: {  	[dreg:$0x1] =	wrdreg $0xFFFFFFFF  }
0xb3: {  	[dreg:$0x0] =	wrdreg $0x60  }
0xb4: {  	[dreg:$0x2] =	wrdreg s24  }
0xb5: {  	[dreg:$0x3] =	wrdreg s17  }
0xb6: {  	[dreg:$0x4] =	wrdreg s16  }
0xb7: {  	[dreg:$0x5] =	wrdreg $0x8C000  }
0xb8: {  	[dreg:$0x6] =	wrdreg $0x9  }
0xb9: {  	_ =	task.clear_ibuf [dreg:s8], $0x7FFFF;
	_ =	strace $0x90000049  }
0xba: {  	s29 =	simm.s32 $0x9;
	_ =	strace $0x8000004B  }
0xbb: {  	_ =	swait.ge [sflag:s29], $0x1  }
0xbc: {  	[sflag:s29] =	ssyncadd.s32 $0xFFFFFFFF  }
0xbd: {  	_ =	strace $0x9000004B  }
0xbe: {  	_ =	sfence  }
0xbf: {  	s30 =	sld [smem:$0x0];
	_ =	sdelay $0x2  }
0xc0: {  	s31 =	sshll.u32 s1, $0xD;
	s1 =	sshrl.u32 s1, $0x2  }
0xc1: {  	s3 =	sand.u32 $0x4000, s31;
	s1 =	sadd.s32 s1, s30  }
0xc2: {  	s0 =	sor.u32 s3, s0;
	s1 =	sshll.u32 s1, $0x11  }
0xc3: {  	s0 =	sor.u32 s1, s0  }
0xc4: {  	s0 =	sadd.s32 $0x8F2B, s0  }
0xc5: {  	[sflag:s0] =	ssyncadd.remote.s32 $0x1  }
0xc6: {  	_ =	sfence.sel $0xFFFF  }
0xc7: {  	[dreg:$0x0] =	wrdreg $0xFFFFFFFF;
	(pc) =	sbr.abs _section_cstart, $3  }
0xc8: {  	[dreg:$0x1] =	wrdreg $0xFFFFFFFF  }
0xc9: {  	_ =	task.clear_ibuf [dreg:s8], $0x2FFFF;
	_ =	strace $0x9FFFFFFF  }
0xca: {  	(tm) =	ssettm $0x7FFFFFFF  }
0xcb: {  	_ =	shalt  }
tec
execute0_lowered:
.L_overlay_start_1:
0x0: {  	(tag) =	ssettag $0x1  }
0x1: {  	s0 =	rddreg [dreg:$0x0]  }
0x2: {  	s3 =	rddreg [dreg:$0x1]  }
0x3: {  	s5 =	rddreg [dreg:$0x2]  }
0x4: {  	s1 =	rddreg [dreg:$0x3];
	s2 =	simm.s32 $0x0;
	s4 =	srdreg.scid  }
0x5: {  	s12 =	stileid.u32;
	s13 =	simm.s32 $0x80;
	s14 =	simm.s32 $0x800  }
0x6: {  	s15 =	simm.s32 $0x1;
	s16 =	simm.s32 $0x4800;
	s17 =	simm.s32 $0x2  }
0x7: {  	s25 =	simm.s32 $0x100;
	s18 =	simm.s32 $0x3;
	s19 =	simm.s32 $0x480  }
0x8: {  	s20 =	simm.s32 $0x4;
	s21 =	simm.s32 $0x180;
	s28 =	simm.s32 $0x280  }
0x9: {  	s29 =	simm.s32 $0x600;
	s30 =	simm.s32 $0x300;
	s8 =	smul.u32 $0x5000, s12  }
0xa: {  	s31 =	simm.s32 $0x680;
	[smem:$0x7FF] =	sst s2;
	s11 =	smul.u32 $0x4F000, s12  }
0xb: {  	s6 =	sand.u32 $0x1, s4;
	s4 =	sadd.s32 $0xC8E00, s0;
	s24 =	smul.u32 $0x13C00, s12  }
0xc: {  	s12 =	simm.s32 $0x400;
	s7 =	smul.u32 $0x27800, s6;
	_ =	strace $0x8000004A  }
0xd: {  	s9 =	ssub.s32 $0x2, s6;
	s10 =	smul.u32 $0x3C00, s6;
	p0 =	seq.s32 s6, $0x0  }
0xe: {  	[dreg:$0x5] =	wrdreg s25;
	s22 =	sshrl.u32 s9, $0x1;
	s23 =	sshrl.u32 s11, $0x2  }
0xf: {  	s11 =	simm.s32 $0x5;
	s0 =	sadd.s32 s7, s0;
	s7 =	ssub.s32 s9, s22  }
0x10: {  	s8 =	sadd.s32 s10, s8;
	s10 =	simm.s32 $0xF;
	s6 =	sadd.s32 s23, s1  }
0x11: {  	s23 =	sshrl.u32 s24, $0x3;
	s9 =	sadd.s32 s24, s1;
	s22 =	simm.s32 $0x500  }
0x12: {  	s24 =	simm.s32 $0x200;
	s10 =	simm.s32 @!p0 $0x5;
	s0 =	sadd.s32 $0xF0600, s0  }
0x13: {  	s8 =	sshrl.u32 s8, $0x3;
	s7 =	smax.u32 s7, $0x1;
	[dreg:$0x6] =	wrdreg s10  }
0x14: {  	s26 =	sshrl.u32 s9, $0x3;
	[dreg:$0x7] =	wrdreg s7;
	s5 =	sadd.s32 s8, s5  }
0x15: {  	s3 =	sadd.s32 s8, s3;
	s10 =	simm.s32 $0x8800;
	[dreg:$0xb] =	wrdreg s26  }
0x16: {  	s0 =	sadd.s32 s23, s0;
	s26 =	simm.s32 $0x580;
	[dreg:$0x8] =	wrdreg s5  }
0x17: {  	s7 =	simm.s32 $0x780;
	s8 =	simm.s32 $0x0;
	[dreg:$0x9] =	wrdreg s3  }
0x18: {  	v0 =	vimm.f32 $0.0e+00;
	[dreg:$0xa] =	wrdreg s0;
	s0 =	simm.s32 $0x380;
	s3 =	simm.s32 $0x700  }
.LBB2_1:
0x19: {  	[tilespmem:$0x8800] =	vst v0  }
0x1a: {  	[tilespmem:$0x8810] =	vst v0  }
0x1b: {  	[tilespmem:$0x8820] =	vst v0  }
0x1c: {  	[tilespmem:$0x8830] =	vst v0  }
0x1d: {  	[tilespmem:$0x8840] =	vst v0  }
0x1e: {  	[tilespmem:$0x8850] =	vst v0  }
0x1f: {  	[tilespmem:$0x8860] =	vst v0  }
0x20: {  	[tilespmem:$0x8870] =	vst v0  }
0x21: {  	[tilespmem:$0x8880] =	vst v0  }
0x22: {  	[tilespmem:$0x8890] =	vst v0  }
0x23: {  	[tilespmem:$0x88A0] =	vst v0  }
0x24: {  	[tilespmem:$0x88B0] =	vst v0  }
0x25: {  	[tilespmem:$0x88C0] =	vst v0  }
0x26: {  	[tilespmem:$0x88D0] =	vst v0  }
0x27: {  	[tilespmem:$0x88E0] =	vst v0  }
0x28: {  	[tilespmem:$0x88F0] =	vst v0  }
0x29: {  	[tilespmem:$0x8900] =	vst v0  }
0x2a: {  	[tilespmem:$0x8910] =	vst v0  }
0x2b: {  	[tilespmem:$0x8920] =	vst v0  }
0x2c: {  	[tilespmem:$0x8930] =	vst v0  }
0x2d: {  	[tilespmem:$0x8940] =	vst v0  }
0x2e: {  	[tilespmem:$0x8950] =	vst v0  }
0x2f: {  	[tilespmem:$0x8960] =	vst v0  }
0x30: {  	[tilespmem:$0x8970] =	vst v0  }
0x31: {  	[tilespmem:$0x8980] =	vst v0  }
0x32: {  	[tilespmem:$0x8990] =	vst v0  }
0x33: {  	[tilespmem:$0x89A0] =	vst v0  }
0x34: {  	[tilespmem:$0x89B0] =	vst v0  }
0x35: {  	[tilespmem:$0x89C0] =	vst v0  }
0x36: {  	[tilespmem:$0x89D0] =	vst v0  }
0x37: {  	[tilespmem:$0x89E0] =	vst v0  }
0x38: {  	[tilespmem:$0x89F0] =	vst v0  }
0x39: {  	[tilespmem:$0x8A00] =	vst v0  }
0x3a: {  	[tilespmem:$0x8A10] =	vst v0  }
0x3b: {  	[tilespmem:$0x8A20] =	vst v0  }
0x3c: {  	[tilespmem:$0x8A30] =	vst v0  }
0x3d: {  	[tilespmem:$0x8A40] =	vst v0  }
0x3e: {  	[tilespmem:$0x8A50] =	vst v0  }
0x3f: {  	[tilespmem:$0x8A60] =	vst v0  }
0x40: {  	[tilespmem:$0x8A70] =	vst v0  }
0x41: {  	[tilespmem:$0x8A80] =	vst v0  }
0x42: {  	[tilespmem:$0x8A90] =	vst v0  }
0x43: {  	[tilespmem:$0x8AA0] =	vst v0  }
0x44: {  	[tilespmem:$0x8AB0] =	vst v0  }
0x45: {  	[tilespmem:$0x8AC0] =	vst v0  }
0x46: {  	[tilespmem:$0x8AD0] =	vst v0  }
0x47: {  	[tilespmem:$0x8AE0] =	vst v0  }
0x48: {  	[tilespmem:$0x8AF0] =	vst v0  }
0x49: {  	[tilespmem:$0x8B00] =	vst v0  }
0x4a: {  	[tilespmem:$0x8B10] =	vst v0  }
0x4b: {  	[tilespmem:$0x8B20] =	vst v0  }
0x4c: {  	[tilespmem:$0x8B30] =	vst v0  }
0x4d: {  	[tilespmem:$0x8B40] =	vst v0  }
0x4e: {  	[tilespmem:$0x8B50] =	vst v0  }
0x4f: {  	[tilespmem:$0x8B60] =	vst v0  }
0x50: {  	[tilespmem:$0x8B70] =	vst v0  }
0x51: {  	[tilespmem:$0x8B80] =	vst v0  }
0x52: {  	[tilespmem:$0x8B90] =	vst v0  }
0x53: {  	[tilespmem:$0x8BA0] =	vst v0  }
0x54: {  	[tilespmem:$0x8BB0] =	vst v0  }
0x55: {  	[tilespmem:$0x8BC0] =	vst v0  }
0x56: {  	[tilespmem:$0x8BD0] =	vst v0  }
0x57: {  	[tilespmem:$0x8BE0] =	vst v0  }
0x58: {  	[dreg:$0xc] =	wrdreg s8;
	[tilespmem:$0x8BF0] =	vst v0;
	s25 =	sadd.s32 $0x0, s6  }
0x59: {  	[spmem:s25] =	stream.linear.scatter [tilespmem:s10], [sflag:$0x5], $0x400, $0x38;
	[tilespmem:$0x1C800] =	vst v63  }
0x5a: {  	s8 =	simm.s32 $0x1000;
	_ =	swait.ge [sflag:s11], $0x400  }
.LBB2_2:
0x5b: {  	s9 =	sshra.s32 s8, $0x2;
	[sflag:s11] =	ssyncset.done $0x0;
	p0 =	sne.s32 s8, $0x4E000  }
.Ltmp0:
0x5c: {  	s9 =	sadd.s32 s9, s6;
	[sflag:s11] =	ssyncadd.s32 $0xFFFFFC00;
	(pc) =	sbr.rel @p0 .LBB2_2-.Ltmp0, $3  }
0x5d: {  	[spmem:s9] =	stream.linear.scatter [tilespmem:s10], [sflag:$0x5], $0x400, $0x38;
	[tilespmem:$0x1C800] =	vst v63  }
0x5e: {  	s8 =	sadd.s32 $0x1000, s8;
	_ =	sdelay $0x1  }
0x5f: {  	_ =	swait.ge [sflag:s11], $0x400  }
0x60: {  	[sflag:s11] =	ssyncset.done $0x0  }
0x61: {  	[sflag:s11] =	ssyncadd.s32 $0xFFFFFC00  }
0x62: {  	[bflag:$0x0] =	sbarrier.arrive $0xFFFF  }
0x63: {  	s23 =	rddreg [dreg:$0x9]  }
0x64: {  	[tilespmem:s2], [sflag:$0x5] =	stream.linear.gather [hbm4b:s23+s2], $0x400, $0x38;
	[tilespmem:$0x1C800] =	vst v63  }
0x65: {  	_ =	swait.ge [sflag:s11], $0x400  }
0x66: {  	[sflag:s11] =	ssyncset.done $0x0  }
0x67: {  	s9 =	rddreg [dreg:$0x8];
	[sflag:s11] =	ssyncadd.s32 $0xFFFFFC00  }
0x68: {  	[tilespmem:s12], [sflag:$0x5] =	stream.linear.gather [hbm4b:s9+s2], $0x400, $0x38;
	[tilespmem:$0x1C800] =	vst v63  }
0x69: {  	_ =	swait.ge [sflag:s11], $0x400  }
0x6a: {  	[sflag:s11] =	ssyncset.done $0x0  }
0x6b: {  	[sflag:s11] =	ssyncadd.s32 $0xFFFFFC00  }
0x6c: {  	[tilespmem:s14], [sflag:$0x1] =	stream.indirect.gather [hbm4b:s4+s13], $0x80, s2, s13, $0xb8;
	[tilespmem:$0x1C800] =	vst v63  }
0x6d: {  	_ =	swait.ge [sflag:s15], $0x4000  }
0x6e: {  	[sflag:s15] =	ssyncset.done $0x0  }
0x6f: {  	[sflag:s15] =	ssyncadd.s32 $0xFFFFC000  }
0x70: {  	[tilespmem:s16], [sflag:$0x2] =	stream.indirect.gather [hbm4b:s4+s13], $0x80, s13, s13, $0xb8;
	[tilespmem:$0x1C800] =	vst v63  }
0x71: {  	_ = 	snop  }
0x72: {  	[spmem:s1] =	stream.indirect.scatter.add.f32 [tilespmem:s14], [sflag:$0x3], $0x80, s12, s13, $0xb8;
	[tilespmem:$0x1C800] =	vst v63  }
0x73: {  	_ =	swait.ge [sflag:s17], $0x4000  }
0x74: {  	[sflag:s17] =	ssyncset.done $0x0  }
0x75: {  	[sflag:s17] =	ssyncadd.s32 $0xFFFFC000  }
0x76: {  	_ =	swait.ge [sflag:s18], $0x4000  }
0x77: {  	[sflag:s18] =	ssyncset.done $0x0  }
0x78: {  	s8 =	rddreg [dreg:$0x5];
	[sflag:s18] =	ssyncadd.s32 $0xFFFFC000  }
0x79: {  	[tilespmem:s14], [sflag:$0x1] =	stream.indirect.gather [hbm4b:s4+s13], $0x80, s8, s13, $0xb8;
	[tilespmem:$0x1C800] =	vst v63  }
0x7a: {  	_ = 	snop  }
0x7b: {  	[spmem:s1] =	stream.indirect.scatter.add.f32 [tilespmem:s16], [sflag:$0x4], $0x80, s19, s13, $0xb8;
	[tilespmem:$0x1C800] =	vst v63  }
0x7c: {  	_ =	swait.ge [sflag:s15], $0x4000  }
0x7d: {  	[sflag:s15] =	ssyncset.done $0x0  }
0x7e: {  	[sflag:s15] =	ssyncadd.s32 $0xFFFFC000  }
0x7f: {  	_ =	swait.ge [sflag:s20], $0x4000  }
0x80: {  	[sflag:s20] =	ssyncset.done $0x0  }
0x81: {  	[sflag:s20] =	ssyncadd.s32 $0xFFFFC000  }
0x82: {  	[tilespmem:s16], [sflag:$0x2] =	stream.indirect.gather [hbm4b:s4+s13], $0x80, s21, s13, $0xb8;
	[tilespmem:$0x1C800] =	vst v63  }
0x83: {  	_ = 	snop  }
0x84: {  	[spmem:s1] =	stream.indirect.scatter.add.f32 [tilespmem:s14], [sflag:$0x3], $0x80, s22, s13, $0xb8;
	[tilespmem:$0x1C800] =	vst v63  }
0x85: {  	_ =	swait.ge [sflag:s17], $0x4000  }
0x86: {  	[sflag:s17] =	ssyncset.done $0x0  }
0x87: {  	[sflag:s17] =	ssyncadd.s32 $0xFFFFC000  }
0x88: {  	_ =	swait.ge [sflag:s18], $0x4000  }
0x89: {  	[sflag:s18] =	ssyncset.done $0x0  }
0x8a: {  	[sflag:s18] =	ssyncadd.s32 $0xFFFFC000  }
0x8b: {  	[tilespmem:s14], [sflag:$0x1] =	stream.indirect.gather [hbm4b:s4+s13], $0x80, s24, s13, $0xb8;
	[tilespmem:$0x1C800] =	vst v63  }
0x8c: {  	_ = 	snop  }
0x8d: {  	[spmem:s1] =	stream.indirect.scatter.add.f32 [tilespmem:s16], [sflag:$0x4], $0x80, s26, s13, $0xb8;
	[tilespmem:$0x1C800] =	vst v63  }
0x8e: {  	_ =	swait.ge [sflag:s15], $0x4000  }
0x8f: {  	[sflag:s15] =	ssyncset.done $0x0  }
0x90: {  	[sflag:s15] =	ssyncadd.s32 $0xFFFFC000  }
0x91: {  	_ =	swait.ge [sflag:s20], $0x4000  }
0x92: {  	[sflag:s20] =	ssyncset.done $0x0  }
0x93: {  	[sflag:s20] =	ssyncadd.s32 $0xFFFFC000  }
0x94: {  	[tilespmem:s16], [sflag:$0x2] =	stream.indirect.gather [hbm4b:s4+s13], $0x80, s28, s13, $0xb8;
	[tilespmem:$0x1C800] =	vst v63  }
0x95: {  	_ = 	snop  }
0x96: {  	[spmem:s1] =	stream.indirect.scatter.add.f32 [tilespmem:s14], [sflag:$0x3], $0x80, s29, s13, $0xb8;
	[tilespmem:$0x1C800] =	vst v63  }
0x97: {  	_ =	swait.ge [sflag:s17], $0x4000  }
0x98: {  	[sflag:s17] =	ssyncset.done $0x0  }
0x99: {  	[sflag:s17] =	ssyncadd.s32 $0xFFFFC000  }
0x9a: {  	_ =	swait.ge [sflag:s18], $0x4000  }
0x9b: {  	[sflag:s18] =	ssyncset.done $0x0  }
0x9c: {  	[sflag:s18] =	ssyncadd.s32 $0xFFFFC000  }
0x9d: {  	[tilespmem:s14], [sflag:$0x1] =	stream.indirect.gather [hbm4b:s4+s13], $0x80, s30, s13, $0xb8;
	[tilespmem:$0x1C800] =	vst v63  }
0x9e: {  	_ = 	snop  }
0x9f: {  	[spmem:s1] =	stream.indirect.scatter.add.f32 [tilespmem:s16], [sflag:$0x4], $0x80, s31, s13, $0xb8;
	[tilespmem:$0x1C800] =	vst v63  }
0xa0: {  	_ =	swait.ge [sflag:s15], $0x4000  }
0xa1: {  	[sflag:s15] =	ssyncset.done $0x0  }
0xa2: {  	[sflag:s15] =	ssyncadd.s32 $0xFFFFC000  }
0xa3: {  	_ =	swait.ge [sflag:s20], $0x4000  }
0xa4: {  	[sflag:s20] =	ssyncset.done $0x0  }
0xa5: {  	[sflag:s20] =	ssyncadd.s32 $0xFFFFC000  }
0xa6: {  	[tilespmem:s16], [sflag:$0x2] =	stream.indirect.gather [hbm4b:s4+s13], $0x80, s0, s13, $0xb8;
	[tilespmem:$0x1C800] =	vst v63  }
0xa7: {  	_ = 	snop  }
0xa8: {  	[spmem:s1] =	stream.indirect.scatter.add.f32 [tilespmem:s14], [sflag:$0x3], $0x80, s3, s13, $0xb8;
	[tilespmem:$0x1C800] =	vst v63  }
0xa9: {  	_ =	swait.ge [sflag:s17], $0x4000  }
0xaa: {  	[sflag:s17] =	ssyncset.done $0x0  }
0xab: {  	[sflag:s17] =	ssyncadd.s32 $0xFFFFC000  }
0xac: {  	[spmem:s1] =	stream.indirect.scatter.add.f32 [tilespmem:s16], [sflag:$0x4], $0x80, s7, s13, $0xb8;
	[tilespmem:$0x1C800] =	vst v63  }
0xad: {  	_ =	swait.ge [sflag:s18], $0x4000  }
0xae: {  	s5 =	rddreg [dreg:$0x6]  }
0xaf: {  	p0 =	sne.s32 s5, $0x1  }
.Ltmp1:
0xb0: {  	_ = 	snop;
	(pc) =	sbr.rel @!p0 .LBB2_5-.Ltmp1, $4  }
0xb1: {  	[sflag:s18] =	ssyncset.done $0x0  }
0xb2: {  	[sflag:s18] =	ssyncadd.s32 $0xFFFFC000  }
0xb3: {  	_ =	swait.ge [sflag:s20], $0x4000  }
0xb4: {  	s8 =	smov.u32 s9;
	s25 =	sadd.s32 $0xFFFFFFFF, s5;
	[sflag:s20] =	ssyncset.done $0x0  }
.LBB2_4:
0xb5: {  	[sflag:s20] =	ssyncadd.s32 $0xFFFFC000;
	s23 =	sadd.s32 $0x80, s23  }
0xb6: {  	[tilespmem:s2], [sflag:$0x5] =	stream.linear.gather [hbm4b:s23+s2], $0x400, $0x38;
	[tilespmem:$0x1C800] =	vst v63  }
0xb7: {  	_ =	swait.ge [sflag:s11], $0x400  }
0xb8: {  	[sflag:s11] =	ssyncset.done $0x0  }
0xb9: {  	s8 =	sadd.s32 $0x80, s8;
	[sflag:s11] =	ssyncadd.s32 $0xFFFFFC00  }
0xba: {  	[tilespmem:s12], [sflag:$0x5] =	stream.linear.gather [hbm4b:s8+s2], $0x400, $0x38;
	[tilespmem:$0x1C800] =	vst v63  }
0xbb: {  	_ =	swait.ge [sflag:s11], $0x400  }
0xbc: {  	[sflag:s11] =	ssyncset.done $0x0  }
0xbd: {  	[sflag:s11] =	ssyncadd.s32 $0xFFFFFC00  }
0xbe: {  	[tilespmem:s14], [sflag:$0x1] =	stream.indirect.gather [hbm4b:s4+s13], $0x80, s2, s13, $0xb8;
	[tilespmem:$0x1C800] =	vst v63  }
0xbf: {  	_ =	swait.ge [sflag:s15], $0x4000  }
0xc0: {  	[sflag:s15] =	ssyncset.done $0x0  }
0xc1: {  	[sflag:s15] =	ssyncadd.s32 $0xFFFFC000  }
0xc2: {  	[tilespmem:s16], [sflag:$0x2] =	stream.indirect.gather [hbm4b:s4+s13], $0x80, s13, s13, $0xb8;
	[tilespmem:$0x1C800] =	vst v63  }
0xc3: {  	_ = 	snop  }
0xc4: {  	[spmem:s1] =	stream.indirect.scatter.add.f32 [tilespmem:s14], [sflag:$0x3], $0x80, s12, s13, $0xb8;
	[tilespmem:$0x1C800] =	vst v63  }
0xc5: {  	_ =	swait.ge [sflag:s17], $0x4000  }
0xc6: {  	[sflag:s17] =	ssyncset.done $0x0  }
0xc7: {  	[sflag:s17] =	ssyncadd.s32 $0xFFFFC000  }
0xc8: {  	_ =	swait.ge [sflag:s18], $0x4000  }
0xc9: {  	[sflag:s18] =	ssyncset.done $0x0  }
0xca: {  	s5 =	rddreg [dreg:$0x5];
	[sflag:s18] =	ssyncadd.s32 $0xFFFFC000  }
0xcb: {  	[tilespmem:s14], [sflag:$0x1] =	stream.indirect.gather [hbm4b:s4+s13], $0x80, s5, s13, $0xb8;
	[tilespmem:$0x1C800] =	vst v63  }
0xcc: {  	_ = 	snop  }
0xcd: {  	[spmem:s1] =	stream.indirect.scatter.add.f32 [tilespmem:s16], [sflag:$0x4], $0x80, s19, s13, $0xb8;
	[tilespmem:$0x1C800] =	vst v63  }
0xce: {  	_ =	swait.ge [sflag:s15], $0x4000  }
0xcf: {  	[sflag:s15] =	ssyncset.done $0x0  }
0xd0: {  	[sflag:s15] =	ssyncadd.s32 $0xFFFFC000  }
0xd1: {  	_ =	swait.ge [sflag:s20], $0x4000  }
0xd2: {  	[sflag:s20] =	ssyncset.done $0x0  }
0xd3: {  	[sflag:s20] =	ssyncadd.s32 $0xFFFFC000  }
0xd4: {  	[tilespmem:s16], [sflag:$0x2] =	stream.indirect.gather [hbm4b:s4+s13], $0x80, s21, s13, $0xb8;
	[tilespmem:$0x1C800] =	vst v63  }
0xd5: {  	_ = 	snop  }
0xd6: {  	[spmem:s1] =	stream.indirect.scatter.add.f32 [tilespmem:s14], [sflag:$0x3], $0x80, s22, s13, $0xb8;
	[tilespmem:$0x1C800] =	vst v63  }
0xd7: {  	_ =	swait.ge [sflag:s17], $0x4000  }
0xd8: {  	[sflag:s17] =	ssyncset.done $0x0  }
0xd9: {  	[sflag:s17] =	ssyncadd.s32 $0xFFFFC000  }
0xda: {  	_ =	swait.ge [sflag:s18], $0x4000  }
0xdb: {  	[sflag:s18] =	ssyncset.done $0x0  }
0xdc: {  	[sflag:s18] =	ssyncadd.s32 $0xFFFFC000  }
0xdd: {  	[tilespmem:s14], [sflag:$0x1] =	stream.indirect.gather [hbm4b:s4+s13], $0x80, s24, s13, $0xb8;
	[tilespmem:$0x1C800] =	vst v63  }
0xde: {  	_ = 	snop  }
0xdf: {  	[spmem:s1] =	stream.indirect.scatter.add.f32 [tilespmem:s16], [sflag:$0x4], $0x80, s26, s13, $0xb8;
	[tilespmem:$0x1C800] =	vst v63  }
0xe0: {  	_ =	swait.ge [sflag:s15], $0x4000  }
0xe1: {  	[sflag:s15] =	ssyncset.done $0x0  }
0xe2: {  	[sflag:s15] =	ssyncadd.s32 $0xFFFFC000  }
0xe3: {  	_ =	swait.ge [sflag:s20], $0x4000  }
0xe4: {  	[sflag:s20] =	ssyncset.done $0x0  }
0xe5: {  	[sflag:s20] =	ssyncadd.s32 $0xFFFFC000  }
0xe6: {  	[tilespmem:s16], [sflag:$0x2] =	stream.indirect.gather [hbm4b:s4+s13], $0x80, s28, s13, $0xb8;
	[tilespmem:$0x1C800] =	vst v63  }
0xe7: {  	_ = 	snop  }
0xe8: {  	[spmem:s1] =	stream.indirect.scatter.add.f32 [tilespmem:s14], [sflag:$0x3], $0x80, s29, s13, $0xb8;
	[tilespmem:$0x1C800] =	vst v63  }
0xe9: {  	_ =	swait.ge [sflag:s17], $0x4000  }
0xea: {  	[sflag:s17] =	ssyncset.done $0x0  }
0xeb: {  	[sflag:s17] =	ssyncadd.s32 $0xFFFFC000  }
0xec: {  	_ =	swait.ge [sflag:s18], $0x4000  }
0xed: {  	[sflag:s18] =	ssyncset.done $0x0  }
0xee: {  	[sflag:s18] =	ssyncadd.s32 $0xFFFFC000  }
0xef: {  	[tilespmem:s14], [sflag:$0x1] =	stream.indirect.gather [hbm4b:s4+s13], $0x80, s30, s13, $0xb8;
	[tilespmem:$0x1C800] =	vst v63  }
0xf0: {  	_ = 	snop  }
0xf1: {  	[spmem:s1] =	stream.indirect.scatter.add.f32 [tilespmem:s16], [sflag:$0x4], $0x80, s31, s13, $0xb8;
	[tilespmem:$0x1C800] =	vst v63  }
0xf2: {  	_ =	swait.ge [sflag:s15], $0x4000  }
0xf3: {  	[sflag:s15] =	ssyncset.done $0x0  }
0xf4: {  	[sflag:s15] =	ssyncadd.s32 $0xFFFFC000  }
0xf5: {  	_ =	swait.ge [sflag:s20], $0x4000  }
0xf6: {  	[sflag:s20] =	ssyncset.done $0x0  }
0xf7: {  	[sflag:s20] =	ssyncadd.s32 $0xFFFFC000  }
0xf8: {  	[tilespmem:s16], [sflag:$0x2] =	stream.indirect.gather [hbm4b:s4+s13], $0x80, s0, s13, $0xb8;
	[tilespmem:$0x1C800] =	vst v63  }
0xf9: {  	_ = 	snop  }
0xfa: {  	[spmem:s1] =	stream.indirect.scatter.add.f32 [tilespmem:s14], [sflag:$0x3], $0x80, s3, s13, $0xb8;
	[tilespmem:$0x1C800] =	vst v63  }
0xfb: {  	_ =	swait.ge [sflag:s17], $0x4000  }
0xfc: {  	[sflag:s17] =	ssyncset.done $0x0  }
0xfd: {  	p0 =	sne.s32 s25, $0x1;
	[sflag:s17] =	ssyncadd.s32 $0xFFFFC000  }
0xfe: {  	[spmem:s1] =	stream.indirect.scatter.add.f32 [tilespmem:s16], [sflag:$0x4], $0x80, s7, s13, $0xb8;
	[tilespmem:$0x1C800] =	vst v63  }
.Ltmp2:
0xff: {  	_ =	swait.ge [sflag:s18], $0x4000;
	(pc) =	sbr.rel @p0 .LBB2_4-.Ltmp2, $4  }
0x100: {  	[sflag:s18] =	ssyncset.done $0x0  }
0x101: {  	[sflag:s18] =	ssyncadd.s32 $0xFFFFC000  }
0x102: {  	_ =	swait.ge [sflag:s20], $0x4000  }
0x103: {  	s25 =	sadd.s32 $0xFFFFFFFF, s25;
	[sflag:s20] =	ssyncset.done $0x0  }
.LBB2_5:
0x104: {  	[sflag:s20] =	ssyncadd.s32 $0xFFFFC000  }
0x105: {  	s5 =	stileid.u32;
	[bflag:$0x0] =	sbarrier.arrive $0xFFFF  }
0x106: {  	s5 =	sshll.u32 s5, $0x6;
	s8 =	rddreg [dreg:$0xa]  }
0x107: {  	s5 =	sor.u32 $0x1C05, s5;
	s9 =	rddreg [dreg:$0xb]  }
0x108: {  	[hbm:s8], [sflag:s5] =	dma.local [spmem:s9], $0x2780  }
0x109: {  	_ =	swait.ge [sflag:s11], $0x2780  }
0x10a: {  	s23 =	rddreg [dreg:$0xc]  }
0x10b: {  	s25 =	rddreg [dreg:$0x7];
	s8 =	sadd.s32 $0x1, s23  }
0x10c: {  	p0 =	sne.s32 s8, s25  }
.Ltmp3:
0x10d: {  	_ = 	snop;
	(pc) =	sbr.rel @p0 .LBB2_1-.Ltmp3, $3  }
0x10e: {  	_ =	sdelay $0x1  }
0x10f: {  	[sflag:s11] =	ssyncset.done $0x0  }
0x110: {  	[sflag:s11] =	ssyncadd.s32 $0xFFFFD880  }
0x111: {  	_ =	sfence.sel $0x180000  }
0x112: {  	[bflag:$0x0] =	sbarrier.arrive $0xFFFF  }
0x113: {  	_ =	strace $0x9000004A  }
0x114: {  	s0 =	stileid.u32;
	[bflag:$0x2] =	sbarrier.arrive $0xFFFF  }
0x115: {  	p0 =	sne.s32 s0, $0x0;
	s0 =	rddreg [dreg:$0x4]  }
0x116: {  	s0 =	sadd.s32 @!p0 $0x100000, s0  }
0x117: {  	[sflag:s0] =	ssyncadd.tile.s32 @!p0 $0x1;
	_ =	shalt  }
.Lfunc_end2:
_tile_overlayer_lowered:
.L_overlay_start_2:
0x118: {  	(tag) =	ssettag $0x2  }
0x119: {  	s0 =	rddreg [dreg:$0x0];
	s2 =	stileid.u32  }
0x11a: {  	s1 =	rddreg [dreg:$0x1];
	p0 =	sne.s32 s2, $0x0  }
0x11b: {  	s3 =	rddreg [dreg:$0x2];
	[bflag:$0x3] =	sbarrier.arrive $0xFFFF;
	s2 =	simm.s32 @!p0 $0x1C05  }
0x11c: {  	[timem:s3], [sflag:s2] =	dma.local @!p0 [hbm:s0], s1  }
0x11d: {  	s0 =	simm.s32 @!p0 $0x5  }
0x11e: {  	_ =	swait.ge @!p0 [sflag:s0], s1  }
0x11f: {  	s1 =	ssub.s32 @!p0 $0x0, s1;
	[sflag:s0] =	ssyncset.done @!p0 $0x0  }
0x120: {  	[sflag:s0] =	ssyncadd.s32 @!p0 s1  }
0x121: {  	[bflag:$0x3] =	sbarrier.arrive $0xFFFF  }
0x122: {  	_ =	shalt  }

// kernel: kernel.7.cloned.1.call-start
scs
__scs_entry_jumppad:
0x0: {  	(pc) =	sbr.rel $0x88, $3  }
0x1: {  	(tag) =	ssettag $0x0;
	lr =	simm.s32 $0x1  }
0x2: {  	[smem:$0x3F8B] =	sst lr;
	_ =	strace $0xD0000000  }
0x3: {  	_ = 	snop  }
0x4: {  	_ = 	snop  }
0x5: {  	_ = 	snop  }
0x6: {  	_ = 	snop  }
0x7: {  	_ = 	snop  }
__scs_overlays_trampoline_lowered:
0x8: {  	[smem:$0x3F9A] =	sst s0  }
0x9: {  	[smem:$0x3F9B] =	sst s1  }
0xa: {  	[smem:$0x3F9C] =	sst s2  }
0xb: {  	[smem:$0x3F9D] =	sst s3  }
0xc: {  	[smem:$0x3F9E] =	sst s4  }
0xd: {  	[smem:$0x3F9F] =	sst s5  }
0xe: {  	[smem:$0x3FA0] =	sst s6  }
0xf: {  	[smem:$0x3FA1] =	sst s7  }
0x10: {  	[smem:$0x3FA2] =	sst s8  }
0x11: {  	[smem:$0x3FA3] =	sst s9;
	s0 =	simm.s32 @!p0 $0x0  }
0x12: {  	s1 =	sld [smem:$0x3F89];
	s0 =	simm.s32 @p0 $0x1  }
0x13: {  	[smem:$0x3FA4] =	sst s0;
	s0 =	simm.s32 @!p1 $0x0  }
0x14: {  	s2 =	sld [smem:$0x3F88];
	s0 =	simm.s32 @p1 $0x1  }
0x15: {  	[smem:$0x3FA5] =	sst s0;
	s0 =	simm.s32 @!p2 $0x0  }
0x16: {  	s3 =	sld [smem:$0x3FDB];
	s0 =	simm.s32 @p2 $0x1  }
0x17: {  	s4 =	simm.s32 $0x1BF5;
	[smem:$0x3FA7] =	sst s0  }
0x18: {  	s0 =	sld [smem:$0x3F8A];
	_ =	swait.ge [sflag:s4], $0x0  }
0x19: {  	s7 =	sld [smem:$0x3F8B]  }
0x1a: {  	s8 =	sadd.s32 $0xFFFFE003, lr  }
0x1b: {  	s9 =	sadd.s32 $0xFFFFFEF7, lr;
	s5 =	simm.s32 $0xFFFFFFFF;
	p2 =	slt.u32 s8, $0xFFFFF086  }
0x1c: {  	p1 =	slt.u32 s9, $0xF7A;
	s5 =	simm.s32 @!p2 $0x0  }
0x1d: {  	s5 =	simm.s32 @p1 $0x1;
	p0 =	seq.s32 s7, s2  }
0x1e: {  	s7 =	smul.u32 @!p0 $0xF7A, s2;
	p2 =	seq.s32 @!p0 s5, $0x0  }
0x1f: {  	s9 =	smul.u32 $0xF7A, s1;
	s8 =	simm.s32 @!p0 $0x1BF5;
	p2 =	por !p2, p0  }
0x20: {  	[sflag:s8] =	ssyncset.s32 @!p0 $0xFFFFF086;
	s6 =	sadd.s32 @!p0 s3, s7;
	s7 =	simm.s32 @!p0 $0x108  }
0x21: {  	s3 =	sadd.s32 s3, s9;
	s6 =	sadd.s32 @!p0 $0x88, s6;
	s7 =	simm.s32 @p2 $0x1082  }
0x22: {  	[simem:s7], [sflag:s8] =	dma.local @!p0 [hbm:s6], $0xF7A  }
0x23: {  	s9 =	sor.u32 $0xD0000000, s2;
	s6 =	simm.s32 $0x108;
	_ =	swait.ge @!p0 [sflag:s8], $0x0  }
0x24: {  	s3 =	sadd.s32 $0x88, s3;
	s6 =	simm.s32 @!p1 $0x1082;
	[sflag:s4] =	ssyncset.s32 $0xFFFFF086  }
0x25: {  	[simem:s6], [sflag:s4] =	dma.local [hbm:s3], $0xF7A  }
0x26: {  	[smem:$0x3F8B] =	sst s1;
	(tag) =	ssettag s2;
	_ =	strace s9  }
0x27: {  	s1 =	sld [smem:$0x3F9B]  }
0x28: {  	s2 =	sld [smem:$0x3F9C]  }
0x29: {  	s4 =	sld [smem:$0x3F9E]  }
0x2a: {  	p0 =	seq.s32 s5, $0x0;
	s5 =	sld [smem:$0x3F9F]  }
0x2b: {  	s6 =	sld [smem:$0x3FA0]  }
0x2c: {  	s7 =	sld [smem:$0x3FA1]  }
0x2d: {  	s3 =	simm.s32 $0x108;
	s8 =	sld [smem:$0x3FA2]  }
0x2e: {  	s3 =	simm.s32 @!p0 $0x1082;
	s9 =	sld [smem:$0x3FA3]  }
0x2f: {  	lr =	sadd.s32 s0, s3;
	s0 =	sld [smem:$0x3F9A]  }
0x30: {  	s3 =	sld [smem:$0x3F9D]  }
0x31: {  	[smem:$0x3FA6] =	sst s10  }
0x32: {  	s10 =	sld [smem:$0x3FA4];
	_ =	sdelay $0x3  }
0x33: {  	p0 =	seq.s32 s10, $0x1;
	s10 =	sld [smem:$0x3FA6];
	_ =	sdelay $0x3  }
0x34: {  	[smem:$0x3FA6] =	sst s10  }
0x35: {  	s10 =	sld [smem:$0x3FA5];
	_ =	sdelay $0x3  }
0x36: {  	p1 =	seq.s32 s10, $0x1;
	s10 =	sld [smem:$0x3FA6];
	_ =	sdelay $0x3  }
0x37: {  	[smem:$0x3FA6] =	sst s10  }
0x38: {  	s10 =	sld [smem:$0x3FA7]  }
0x39: {  	_ = 	snop;
	(pc) =	sbr.ind lr, $3  }
0x3a: {  	_ = 	snop  }
0x3b: {  	_ = 	snop  }
0x3c: {  	p2 =	seq.s32 s10, $0x1;
	s10 =	sld [smem:$0x3FA6]  }
0x3d: {  	_ =	shalt  }
0x3e: {  	_ =	shalt  }
0x3f: {  	_ =	shalt  }
0x40: {  	_ =	shalt  }
0x41: {  	_ =	shalt  }
0x42: {  	_ =	shalt  }
0x43: {  	_ =	shalt  }
0x44: {  	_ =	shalt  }
0x45: {  	_ =	shalt  }
0x46: {  	_ =	shalt  }
0x47: {  	_ =	shalt  }
0x48: {  	_ =	shalt  }
0x49: {  	_ =	shalt  }
0x4a: {  	_ =	shalt  }
0x4b: {  	_ =	shalt  }
0x4c: {  	_ =	shalt  }
0x4d: {  	_ =	shalt  }
0x4e: {  	_ =	shalt  }
0x4f: {  	_ =	shalt  }
0x50: {  	_ =	shalt  }
0x51: {  	_ =	shalt  }
0x52: {  	_ =	shalt  }
0x53: {  	_ =	shalt  }
0x54: {  	_ =	shalt  }
0x55: {  	_ =	shalt  }
0x56: {  	_ =	shalt  }
0x57: {  	_ =	shalt  }
0x58: {  	_ =	shalt  }
0x59: {  	_ =	shalt  }
0x5a: {  	_ =	shalt  }
0x5b: {  	_ =	shalt  }
0x5c: {  	_ =	shalt  }
0x5d: {  	_ =	shalt  }
0x5e: {  	_ =	shalt  }
0x5f: {  	_ =	shalt  }
0x60: {  	_ =	shalt  }
0x61: {  	_ =	shalt  }
0x62: {  	_ =	shalt  }
0x63: {  	_ =	shalt  }
0x64: {  	_ =	shalt  }
0x65: {  	_ =	shalt  }
0x66: {  	_ =	shalt  }
0x67: {  	_ =	shalt  }
0x68: {  	_ =	shalt  }
0x69: {  	_ =	shalt  }
0x6a: {  	_ =	shalt  }
0x6b: {  	_ =	shalt  }
0x6c: {  	_ =	shalt  }
0x6d: {  	_ =	shalt  }
0x6e: {  	_ =	shalt  }
0x6f: {  	_ =	shalt  }
0x70: {  	_ =	shalt  }
0x71: {  	_ =	shalt  }
0x72: {  	_ =	shalt  }
0x73: {  	_ =	shalt  }
0x74: {  	_ =	shalt  }
0x75: {  	_ =	shalt  }
0x76: {  	_ =	shalt  }
0x77: {  	_ =	shalt  }
0x78: {  	_ =	shalt  }
0x79: {  	_ =	shalt  }
0x7a: {  	_ =	shalt  }
0x7b: {  	_ =	shalt  }
0x7c: {  	_ =	shalt  }
0x7d: {  	_ =	shalt  }
0x7e: {  	_ =	shalt  }
0x7f: {  	_ =	shalt  }
0x80: {  	_ =	shalt  }
0x81: {  	_ =	shalt  }
0x82: {  	_ =	shalt  }
0x83: {  	_ =	shalt  }
0x84: {  	_ =	shalt  }
0x85: {  	_ =	shalt  }
0x86: {  	_ =	shalt  }
0x87: {  	_ =	shalt  }
.Lfunc_end0:
.L_simem_size_0:
called_computation_lowered:
.L_overlay_start_0:
0x88: {  	s2 =	sld [smem:$0x3FD9]  }
0x89: {  	s3 =	sld [smem:$0x3FFE];
	_ =	sdelay $0x1  }
0x8a: {  	s1 =	srdreg.scid  }
0x8b: {  	s0 =	sand.u32 $0x1, s1  }
0x8c: {  	s14 =	sshll.u32 s0, $0xA;
	s2 =	sadd.s32 s3, s2  }
0x8d: {  	s2 =	sadd.s32 s2, s14  }
0x8e: {  	[smem:$0x3FB2] =	sst s2  }
0x8f: {  	_ = 	snop  }
0x90: {  	s2 =	sld [smem:$0x3FD0];
	_ =	sdelay $0x2  }
0x91: {  	s15 =	simm.s32 $0xA;
	s4 =	simm.s32 $0x10  }
0x92: {  	[smem:s4], [sflag:s15] =	dma.local [hbm:s2], $0x1  }
0x93: {  	_ =	swait.eq [sflag:s15], $0x1  }
0x94: {  	[sflag:s15] =	ssyncset.done $0x0  }
0x95: {  	s16 =	sld [smem:$0x11];
	[sflag:s15] =	ssyncadd.s32 $0xFFFFFFFF  }
0x96: {  	s17 =	sld [smem:$0x12];
	(tm) =	ssettm $0x1  }
0x97: {  	s18 =	sld [smem:$0x3FFB];
	_ =	sdelay $0x3  }
0x98: {  	_ =	strace s18  }
0x99: {  	s4 =	sld [smem:$0x3FFC];
	_ =	sdelay $0x3  }
0x9a: {  	_ =	strace s4  }
0x9b: {  	s4 =	sld [smem:$0x3FFD];
	_ =	sdelay $0x3  }
0x9c: {  	_ =	strace s4  }
0x9d: {  	_ =	strace $0x8FFFFFFF  }
0x9e: {  	s19 =	sld [smem:$0x3FDB];
	_ =	sdelay $0x1  }
0x9f: {  	s5 =	simm.s32 $_scs_section_size  }
0xa0: {  	s6 =	simm.s32 $_size__tile_overlayer_lowered;
	s7 =	simm.s32 $_tile_overlayer_lowered  }
0xa1: {  	s22 =	simm.s32 $0x1BFF;
	s21 =	sshll.u32 s7, $0x1;
	s4 =	sadd.s32 s5, s19  }
0xa2: {  	s8 =	simm.s32 $0x0;
	s20 =	sshll.u32 s6, $0x1;
	s6 =	sadd.s32 s21, s4  }
0xa3: {  	[timem:s8], [sflag:s22] =	dma.local [hbm:s6], s20  }
0xa4: {  	_ =	swait.ge [sflag:s22], s20  }
0xa5: {  	s5 =	ssub.s32 $0x0, s20;
	[sflag:s22] =	ssyncset.done $0x0  }
0xa6: {  	[sflag:s22] =	ssyncadd.s32 s5;
	_ =	sdelay $0x1  }
0xa7: {  	s23 =	simm.s32 $0x1B8B  }
0xa8: {  	_ =	swait.ge [sflag:s23], $0x1  }
0xa9: {  	[sflag:s23] =	ssyncset.done $0x0  }
0xaa: {  	s25 =	simm.s32 $0x1B8E;
	s24 =	sld [smem:$0x3FFE];
	[sflag:s23] =	ssyncadd.s32 $0xFFFFFFFF  }
0xab: {  	s26 =	simm.s32 $execute0_lowered;
	[smem:$0x3FD2] =	sst s25  }
0xac: {  	s6 =	sshll.u32 s26, $0x1;
	_ =	strace $0x80000046;
	[dreg:$0x1] =	wrdreg $0xFFFFFFFF  }
0xad: {  	s28 =	simm.s32 $_size_execute0_lowered;
	s4 =	sadd.s32 s4, s6;
	[dreg:$0x0] =	wrdreg $0x0  }
0xae: {  	s6 =	sshll.u32 s28, $0x1;
	[dreg:$0x2] =	wrdreg s4  }
0xaf: {  	[dreg:$0x3] =	wrdreg s6  }
0xb0: {  	[dreg:$0x4] =	wrdreg $0xC0  }
0xb1: {  	_ =	task [dreg:s8], $0x5FFFF  }
0xb2: {  	[dreg:$0x1] =	wrdreg $0xFFFFFFFF  }
0xb3: {  	[dreg:$0x0] =	wrdreg $0x60  }
0xb4: {  	[dreg:$0x2] =	wrdreg s24  }
0xb5: {  	[dreg:$0x3] =	wrdreg s17  }
0xb6: {  	[dreg:$0x4] =	wrdreg s16  }
0xb7: {  	[dreg:$0x5] =	wrdreg $0x9C800  }
0xb8: {  	[dreg:$0x6] =	wrdreg $0x9  }
0xb9: {  	_ =	task.clear_ibuf [dreg:s8], $0x7FFFF;
	_ =	strace $0x90000046  }
0xba: {  	s29 =	simm.s32 $0x9;
	_ =	strace $0x80000048  }
0xbb: {  	_ =	swait.ge [sflag:s29], $0x1  }
0xbc: {  	[sflag:s29] =	ssyncadd.s32 $0xFFFFFFFF  }
0xbd: {  	_ =	strace $0x90000048  }
0xbe: {  	_ =	sfence  }
0xbf: {  	s30 =	sld [smem:$0x0];
	_ =	sdelay $0x2  }
0xc0: {  	s31 =	sshll.u32 s1, $0xD;
	s1 =	sshrl.u32 s1, $0x2  }
0xc1: {  	s3 =	sand.u32 $0x4000, s31;
	s1 =	sadd.s32 s1, s30  }
0xc2: {  	s0 =	sor.u32 s3, s0;
	s1 =	sshll.u32 s1, $0x11  }
0xc3: {  	s0 =	sor.u32 s1, s0  }
0xc4: {  	s0 =	sadd.s32 $0x8F2B, s0  }
0xc5: {  	[sflag:s0] =	ssyncadd.remote.s32 $0x1  }
0xc6: {  	_ =	sfence.sel $0xFFFF  }
0xc7: {  	[dreg:$0x0] =	wrdreg $0xFFFFFFFF;
	(pc) =	sbr.abs _section_cstart, $3  }
0xc8: {  	[dreg:$0x1] =	wrdreg $0xFFFFFFFF  }
0xc9: {  	_ =	task.clear_ibuf [dreg:s8], $0x2FFFF;
	_ =	strace $0x9FFFFFFF  }
0xca: {  	(tm) =	ssettm $0x7FFFFFFF  }
0xcb: {  	_ =	shalt  }
tec
execute0_lowered:
.L_overlay_start_1:
0x0: {  	(tag) =	ssettag $0x1  }
0x1: {  	s0 =	rddreg [dreg:$0x0]  }
0x2: {  	s3 =	rddreg [dreg:$0x1]  }
0x3: {  	s5 =	rddreg [dreg:$0x2]  }
0x4: {  	s1 =	rddreg [dreg:$0x3];
	s2 =	simm.s32 $0x0;
	s4 =	srdreg.scid  }
0x5: {  	s11 =	stileid.u32;
	s12 =	simm.s32 $0x400;
	s13 =	simm.s32 $0x80  }
0x6: {  	s14 =	simm.s32 $0x800;
	s15 =	simm.s32 $0x1;
	s16 =	simm.s32 $0x5000  }
0x7: {  	s17 =	simm.s32 $0x2;
	s25 =	simm.s32 $0x100;
	s18 =	simm.s32 $0x3  }
0x8: {  	s28 =	simm.s32 $0x280;
	s29 =	simm.s32 $0x600;
	s10 =	smul.u32 $0x5000, s11  }
0x9: {  	s30 =	simm.s32 $0x300;
	s31 =	simm.s32 $0x680;
	s21 =	smul.u32 $0x16380, s11  }
0xa: {  	[smem:$0x7FF] =	sst s2;
	s6 =	sand.u32 $0x1, s4;
	s22 =	smul.u32 $0x58E00, s11  }
0xb: {  	s4 =	sadd.s32 $0x79E00, s0;
	s11 =	simm.s32 $0x5;
	s7 =	smul.u32 $0x2C700, s6  }
0xc: {  	_ =	strace $0x80000047;
	s8 =	ssub.s32 $0x2, s6;
	s20 =	smul.u32 $0x3C00, s6  }
0xd: {  	p0 =	seq.s32 s6, $0x0;
	[dreg:$0x5] =	wrdreg s25;
	s9 =	sshrl.u32 s8, $0x1  }
0xe: {  	s23 =	sshrl.u32 s21, $0x3;
	s6 =	sadd.s32 s21, s1;
	s24 =	sshrl.u32 s22, $0x2  }
0xf: {  	s21 =	simm.s32 $0x180;
	s22 =	simm.s32 $0x500;
	s0 =	sadd.s32 s7, s0  }
0x10: {  	s19 =	ssub.s32 s8, s9;
	s9 =	simm.s32 $0xF;
	s8 =	sadd.s32 s20, s10  }
0x11: {  	s10 =	simm.s32 $0x9800;
	s20 =	simm.s32 $0x4;
	s26 =	sshrl.u32 s6, $0x3  }
0x12: {  	s6 =	simm.s32 $0x780;
	s9 =	simm.s32 @!p0 $0x5;
	s0 =	sadd.s32 $0xA6600, s0  }
0x13: {  	s7 =	smax.u32 s19, $0x1;
	s8 =	sshrl.u32 s8, $0x3;
	[dreg:$0xb] =	wrdreg s26  }
0x14: {  	s19 =	simm.s32 $0x480;
	s26 =	simm.s32 $0x580;
	[dreg:$0x6] =	wrdreg s9  }
0x15: {  	[dreg:$0x7] =	wrdreg s7;
	s7 =	sadd.s32 s24, s1;
	s5 =	sadd.s32 s8, s5  }
0x16: {  	s3 =	sadd.s32 s8, s3;
	s0 =	sadd.s32 s23, s0;
	[dreg:$0x8] =	wrdreg s5  }
0x17: {  	s24 =	simm.s32 $0x200;
	s8 =	simm.s32 $0x0;
	[dreg:$0x9] =	wrdreg s3  }
0x18: {  	v0 =	vimm.f32 $0.0e+00;
	[dreg:$0xa] =	wrdreg s0;
	s0 =	simm.s32 $0x380;
	s3 =	simm.s32 $0x700  }
.LBB2_1:
0x19: {  	[tilespmem:$0x9800] =	vst v0  }
0x1a: {  	[tilespmem:$0x9810] =	vst v0  }
0x1b: {  	[tilespmem:$0x9820] =	vst v0  }
0x1c: {  	[tilespmem:$0x9830] =	vst v0  }
0x1d: {  	[tilespmem:$0x9840] =	vst v0  }
0x1e: {  	[tilespmem:$0x9850] =	vst v0  }
0x1f: {  	[tilespmem:$0x9860] =	vst v0  }
0x20: {  	[tilespmem:$0x9870] =	vst v0  }
0x21: {  	[tilespmem:$0x9880] =	vst v0  }
0x22: {  	[tilespmem:$0x9890] =	vst v0  }
0x23: {  	[tilespmem:$0x98A0] =	vst v0  }
0x24: {  	[tilespmem:$0x98B0] =	vst v0  }
0x25: {  	[tilespmem:$0x98C0] =	vst v0  }
0x26: {  	[tilespmem:$0x98D0] =	vst v0  }
0x27: {  	[tilespmem:$0x98E0] =	vst v0  }
0x28: {  	[tilespmem:$0x98F0] =	vst v0  }
0x29: {  	[tilespmem:$0x9900] =	vst v0  }
0x2a: {  	[tilespmem:$0x9910] =	vst v0  }
0x2b: {  	[tilespmem:$0x9920] =	vst v0  }
0x2c: {  	[tilespmem:$0x9930] =	vst v0  }
0x2d: {  	[tilespmem:$0x9940] =	vst v0  }
0x2e: {  	[tilespmem:$0x9950] =	vst v0  }
0x2f: {  	[tilespmem:$0x9960] =	vst v0  }
0x30: {  	[tilespmem:$0x9970] =	vst v0  }
0x31: {  	[tilespmem:$0x9980] =	vst v0  }
0x32: {  	[tilespmem:$0x9990] =	vst v0  }
0x33: {  	[tilespmem:$0x99A0] =	vst v0  }
0x34: {  	[tilespmem:$0x99B0] =	vst v0  }
0x35: {  	[tilespmem:$0x99C0] =	vst v0  }
0x36: {  	[tilespmem:$0x99D0] =	vst v0  }
0x37: {  	[tilespmem:$0x99E0] =	vst v0  }
0x38: {  	[tilespmem:$0x99F0] =	vst v0  }
0x39: {  	[tilespmem:$0x9A00] =	vst v0  }
0x3a: {  	[tilespmem:$0x9A10] =	vst v0  }
0x3b: {  	[tilespmem:$0x9A20] =	vst v0  }
0x3c: {  	[tilespmem:$0x9A30] =	vst v0  }
0x3d: {  	[tilespmem:$0x9A40] =	vst v0  }
0x3e: {  	[tilespmem:$0x9A50] =	vst v0  }
0x3f: {  	[tilespmem:$0x9A60] =	vst v0  }
0x40: {  	[tilespmem:$0x9A70] =	vst v0  }
0x41: {  	[tilespmem:$0x9A80] =	vst v0  }
0x42: {  	[tilespmem:$0x9A90] =	vst v0  }
0x43: {  	[tilespmem:$0x9AA0] =	vst v0  }
0x44: {  	[tilespmem:$0x9AB0] =	vst v0  }
0x45: {  	[tilespmem:$0x9AC0] =	vst v0  }
0x46: {  	[tilespmem:$0x9AD0] =	vst v0  }
0x47: {  	[tilespmem:$0x9AE0] =	vst v0  }
0x48: {  	[tilespmem:$0x9AF0] =	vst v0  }
0x49: {  	[tilespmem:$0x9B00] =	vst v0  }
0x4a: {  	[tilespmem:$0x9B10] =	vst v0  }
0x4b: {  	[tilespmem:$0x9B20] =	vst v0  }
0x4c: {  	[tilespmem:$0x9B30] =	vst v0  }
0x4d: {  	[tilespmem:$0x9B40] =	vst v0  }
0x4e: {  	[tilespmem:$0x9B50] =	vst v0  }
0x4f: {  	[tilespmem:$0x9B60] =	vst v0  }
0x50: {  	[tilespmem:$0x9B70] =	vst v0  }
0x51: {  	[tilespmem:$0x9B80] =	vst v0  }
0x52: {  	[tilespmem:$0x9B90] =	vst v0  }
0x53: {  	[tilespmem:$0x9BA0] =	vst v0  }
0x54: {  	[tilespmem:$0x9BB0] =	vst v0  }
0x55: {  	[tilespmem:$0x9BC0] =	vst v0  }
0x56: {  	[tilespmem:$0x9BD0] =	vst v0  }
0x57: {  	[tilespmem:$0x9BE0] =	vst v0  }
0x58: {  	[tilespmem:$0x9BF0] =	vst v0  }
0x59: {  	[tilespmem:$0x9C00] =	vst v0  }
0x5a: {  	[tilespmem:$0x9C10] =	vst v0  }
0x5b: {  	[tilespmem:$0x9C20] =	vst v0  }
0x5c: {  	[tilespmem:$0x9C30] =	vst v0  }
0x5d: {  	[tilespmem:$0x9C40] =	vst v0  }
0x5e: {  	[tilespmem:$0x9C50] =	vst v0  }
0x5f: {  	[tilespmem:$0x9C60] =	vst v0  }
0x60: {  	[dreg:$0xc] =	wrdreg s8;
	[tilespmem:$0x9C70] =	vst v0;
	s25 =	sadd.s32 $0x0, s7  }
0x61: {  	[spmem:s25] =	stream.linear.scatter [tilespmem:s10], [sflag:$0x5], $0x480, $0x38;
	v63 =	vld [tilespmem:$0x0]  }
0x62: {  	s8 =	simm.s32 $0x1200;
	_ =	swait.ge [sflag:s11], $0x480  }
.LBB2_2:
0x63: {  	s9 =	sshra.s32 s8, $0x2;
	[sflag:s11] =	ssyncset.done $0x0;
	p0 =	sne.s32 s8, $0x57C00  }
.Ltmp0:
0x64: {  	s9 =	sadd.s32 s9, s7;
	[sflag:s11] =	ssyncadd.s32 $0xFFFFFB80;
	(pc) =	sbr.rel @p0 .LBB2_2-.Ltmp0, $3  }
0x65: {  	[spmem:s9] =	stream.linear.scatter [tilespmem:s10], [sflag:$0x5], $0x480, $0x38;
	v63 =	vld [tilespmem:$0x0]  }
0x66: {  	s8 =	sadd.s32 $0x1200, s8;
	_ =	sdelay $0x1  }
0x67: {  	_ =	swait.ge [sflag:s11], $0x480  }
0x68: {  	[sflag:s11] =	ssyncset.done $0x0  }
0x69: {  	[sflag:s11] =	ssyncadd.s32 $0xFFFFFB80  }
0x6a: {  	[bflag:$0x0] =	sbarrier.arrive $0xFFFF  }
0x6b: {  	s23 =	rddreg [dreg:$0x9]  }
0x6c: {  	[tilespmem:s2], [sflag:$0x5] =	stream.linear.gather [hbm4b:s23+s2], $0x400, $0x38;
	v63 =	vld [tilespmem:$0x0]  }
0x6d: {  	_ =	swait.ge [sflag:s11], $0x400  }
0x6e: {  	[sflag:s11] =	ssyncset.done $0x0  }
0x6f: {  	s9 =	rddreg [dreg:$0x8];
	[sflag:s11] =	ssyncadd.s32 $0xFFFFFC00  }
0x70: {  	[tilespmem:s12], [sflag:$0x5] =	stream.linear.gather [hbm4b:s9+s2], $0x400, $0x38;
	v63 =	vld [tilespmem:$0x0]  }
0x71: {  	_ =	swait.ge [sflag:s11], $0x400  }
0x72: {  	[sflag:s11] =	ssyncset.done $0x0  }
0x73: {  	[sflag:s11] =	ssyncadd.s32 $0xFFFFFC00  }
0x74: {  	[tilespmem:s14], [sflag:$0x1] =	stream.indirect.gather [hbm4b:s4+s13], $0x90, s2, s13, $0xb8;
	v63 =	vld [tilespmem:$0x0]  }
0x75: {  	_ =	swait.ge [sflag:s15], $0x4800  }
0x76: {  	[sflag:s15] =	ssyncset.done $0x0  }
0x77: {  	[sflag:s15] =	ssyncadd.s32 $0xFFFFB800  }
0x78: {  	[tilespmem:s16], [sflag:$0x2] =	stream.indirect.gather [hbm4b:s4+s13], $0x90, s13, s13, $0xb8;
	v63 =	vld [tilespmem:$0x0]  }
0x79: {  	_ = 	snop  }
0x7a: {  	[spmem:s1] =	stream.indirect.scatter.add.f32 [tilespmem:s14], [sflag:$0x3], $0x90, s12, s13, $0xb8;
	v63 =	vld [tilespmem:$0x0]  }
0x7b: {  	_ =	swait.ge [sflag:s17], $0x4800  }
0x7c: {  	[sflag:s17] =	ssyncset.done $0x0  }
0x7d: {  	[sflag:s17] =	ssyncadd.s32 $0xFFFFB800  }
0x7e: {  	_ =	swait.ge [sflag:s18], $0x4800  }
0x7f: {  	[sflag:s18] =	ssyncset.done $0x0  }
0x80: {  	s8 =	rddreg [dreg:$0x5];
	[sflag:s18] =	ssyncadd.s32 $0xFFFFB800  }
0x81: {  	[tilespmem:s14], [sflag:$0x1] =	stream.indirect.gather [hbm4b:s4+s13], $0x90, s8, s13, $0xb8;
	v63 =	vld [tilespmem:$0x0]  }
0x82: {  	_ = 	snop  }
0x83: {  	[spmem:s1] =	stream.indirect.scatter.add.f32 [tilespmem:s16], [sflag:$0x4], $0x90, s19, s13, $0xb8;
	v63 =	vld [tilespmem:$0x0]  }
0x84: {  	_ =	swait.ge [sflag:s15], $0x4800  }
0x85: {  	[sflag:s15] =	ssyncset.done $0x0  }
0x86: {  	[sflag:s15] =	ssyncadd.s32 $0xFFFFB800  }
0x87: {  	_ =	swait.ge [sflag:s20], $0x4800  }
0x88: {  	[sflag:s20] =	ssyncset.done $0x0  }
0x89: {  	[sflag:s20] =	ssyncadd.s32 $0xFFFFB800  }
0x8a: {  	[tilespmem:s16], [sflag:$0x2] =	stream.indirect.gather [hbm4b:s4+s13], $0x90, s21, s13, $0xb8;
	v63 =	vld [tilespmem:$0x0]  }
0x8b: {  	_ = 	snop  }
0x8c: {  	[spmem:s1] =	stream.indirect.scatter.add.f32 [tilespmem:s14], [sflag:$0x3], $0x90, s22, s13, $0xb8;
	v63 =	vld [tilespmem:$0x0]  }
0x8d: {  	_ =	swait.ge [sflag:s17], $0x4800  }
0x8e: {  	[sflag:s17] =	ssyncset.done $0x0  }
0x8f: {  	[sflag:s17] =	ssyncadd.s32 $0xFFFFB800  }
0x90: {  	_ =	swait.ge [sflag:s18], $0x4800  }
0x91: {  	[sflag:s18] =	ssyncset.done $0x0  }
0x92: {  	[sflag:s18] =	ssyncadd.s32 $0xFFFFB800  }
0x93: {  	[tilespmem:s14], [sflag:$0x1] =	stream.indirect.gather [hbm4b:s4+s13], $0x90, s24, s13, $0xb8;
	v63 =	vld [tilespmem:$0x0]  }
0x94: {  	_ = 	snop  }
0x95: {  	[spmem:s1] =	stream.indirect.scatter.add.f32 [tilespmem:s16], [sflag:$0x4], $0x90, s26, s13, $0xb8;
	v63 =	vld [tilespmem:$0x0]  }
0x96: {  	_ =	swait.ge [sflag:s15], $0x4800  }
0x97: {  	[sflag:s15] =	ssyncset.done $0x0  }
0x98: {  	[sflag:s15] =	ssyncadd.s32 $0xFFFFB800  }
0x99: {  	_ =	swait.ge [sflag:s20], $0x4800  }
0x9a: {  	[sflag:s20] =	ssyncset.done $0x0  }
0x9b: {  	[sflag:s20] =	ssyncadd.s32 $0xFFFFB800  }
0x9c: {  	[tilespmem:s16], [sflag:$0x2] =	stream.indirect.gather [hbm4b:s4+s13], $0x90, s28, s13, $0xb8;
	v63 =	vld [tilespmem:$0x0]  }
0x9d: {  	_ = 	snop  }
0x9e: {  	[spmem:s1] =	stream.indirect.scatter.add.f32 [tilespmem:s14], [sflag:$0x3], $0x90, s29, s13, $0xb8;
	v63 =	vld [tilespmem:$0x0]  }
0x9f: {  	_ =	swait.ge [sflag:s17], $0x4800  }
0xa0: {  	[sflag:s17] =	ssyncset.done $0x0  }
0xa1: {  	[sflag:s17] =	ssyncadd.s32 $0xFFFFB800  }
0xa2: {  	_ =	swait.ge [sflag:s18], $0x4800  }
0xa3: {  	[sflag:s18] =	ssyncset.done $0x0  }
0xa4: {  	[sflag:s18] =	ssyncadd.s32 $0xFFFFB800  }
0xa5: {  	[tilespmem:s14], [sflag:$0x1] =	stream.indirect.gather [hbm4b:s4+s13], $0x90, s30, s13, $0xb8;
	v63 =	vld [tilespmem:$0x0]  }
0xa6: {  	_ = 	snop  }
0xa7: {  	[spmem:s1] =	stream.indirect.scatter.add.f32 [tilespmem:s16], [sflag:$0x4], $0x90, s31, s13, $0xb8;
	v63 =	vld [tilespmem:$0x0]  }
0xa8: {  	_ =	swait.ge [sflag:s15], $0x4800  }
0xa9: {  	[sflag:s15] =	ssyncset.done $0x0  }
0xaa: {  	[sflag:s15] =	ssyncadd.s32 $0xFFFFB800  }
0xab: {  	_ =	swait.ge [sflag:s20], $0x4800  }
0xac: {  	[sflag:s20] =	ssyncset.done $0x0  }
0xad: {  	[sflag:s20] =	ssyncadd.s32 $0xFFFFB800  }
0xae: {  	[tilespmem:s16], [sflag:$0x2] =	stream.indirect.gather [hbm4b:s4+s13], $0x90, s0, s13, $0xb8;
	v63 =	vld [tilespmem:$0x0]  }
0xaf: {  	_ = 	snop  }
0xb0: {  	[spmem:s1] =	stream.indirect.scatter.add.f32 [tilespmem:s14], [sflag:$0x3], $0x90, s3, s13, $0xb8;
	v63 =	vld [tilespmem:$0x0]  }
0xb1: {  	_ =	swait.ge [sflag:s17], $0x4800  }
0xb2: {  	[sflag:s17] =	ssyncset.done $0x0  }
0xb3: {  	[sflag:s17] =	ssyncadd.s32 $0xFFFFB800  }
0xb4: {  	[spmem:s1] =	stream.indirect.scatter.add.f32 [tilespmem:s16], [sflag:$0x4], $0x90, s6, s13, $0xb8;
	v63 =	vld [tilespmem:$0x0]  }
0xb5: {  	_ =	swait.ge [sflag:s18], $0x4800  }
0xb6: {  	s5 =	rddreg [dreg:$0x6]  }
0xb7: {  	p0 =	sne.s32 s5, $0x1  }
.Ltmp1:
0xb8: {  	_ = 	snop;
	(pc) =	sbr.rel @!p0 .LBB2_5-.Ltmp1, $4  }
0xb9: {  	[sflag:s18] =	ssyncset.done $0x0  }
0xba: {  	[sflag:s18] =	ssyncadd.s32 $0xFFFFB800  }
0xbb: {  	_ =	swait.ge [sflag:s20], $0x4800  }
0xbc: {  	s8 =	smov.u32 s9;
	s25 =	sadd.s32 $0xFFFFFFFF, s5;
	[sflag:s20] =	ssyncset.done $0x0  }
.LBB2_4:
0xbd: {  	[sflag:s20] =	ssyncadd.s32 $0xFFFFB800;
	s23 =	sadd.s32 $0x80, s23  }
0xbe: {  	[tilespmem:s2], [sflag:$0x5] =	stream.linear.gather [hbm4b:s23+s2], $0x400, $0x38;
	v63 =	vld [tilespmem:$0x0]  }
0xbf: {  	_ =	swait.ge [sflag:s11], $0x400  }
0xc0: {  	[sflag:s11] =	ssyncset.done $0x0  }
0xc1: {  	s8 =	sadd.s32 $0x80, s8;
	[sflag:s11] =	ssyncadd.s32 $0xFFFFFC00  }
0xc2: {  	[tilespmem:s12], [sflag:$0x5] =	stream.linear.gather [hbm4b:s8+s2], $0x400, $0x38;
	v63 =	vld [tilespmem:$0x0]  }
0xc3: {  	_ =	swait.ge [sflag:s11], $0x400  }
0xc4: {  	[sflag:s11] =	ssyncset.done $0x0  }
0xc5: {  	[sflag:s11] =	ssyncadd.s32 $0xFFFFFC00  }
0xc6: {  	[tilespmem:s14], [sflag:$0x1] =	stream.indirect.gather [hbm4b:s4+s13], $0x90, s2, s13, $0xb8;
	v63 =	vld [tilespmem:$0x0]  }
0xc7: {  	_ =	swait.ge [sflag:s15], $0x4800  }
0xc8: {  	[sflag:s15] =	ssyncset.done $0x0  }
0xc9: {  	[sflag:s15] =	ssyncadd.s32 $0xFFFFB800  }
0xca: {  	[tilespmem:s16], [sflag:$0x2] =	stream.indirect.gather [hbm4b:s4+s13], $0x90, s13, s13, $0xb8;
	v63 =	vld [tilespmem:$0x0]  }
0xcb: {  	_ = 	snop  }
0xcc: {  	[spmem:s1] =	stream.indirect.scatter.add.f32 [tilespmem:s14], [sflag:$0x3], $0x90, s12, s13, $0xb8;
	v63 =	vld [tilespmem:$0x0]  }
0xcd: {  	_ =	swait.ge [sflag:s17], $0x4800  }
0xce: {  	[sflag:s17] =	ssyncset.done $0x0  }
0xcf: {  	[sflag:s17] =	ssyncadd.s32 $0xFFFFB800  }
0xd0: {  	_ =	swait.ge [sflag:s18], $0x4800  }
0xd1: {  	[sflag:s18] =	ssyncset.done $0x0  }
0xd2: {  	s5 =	rddreg [dreg:$0x5];
	[sflag:s18] =	ssyncadd.s32 $0xFFFFB800  }
0xd3: {  	[tilespmem:s14], [sflag:$0x1] =	stream.indirect.gather [hbm4b:s4+s13], $0x90, s5, s13, $0xb8;
	v63 =	vld [tilespmem:$0x0]  }
0xd4: {  	_ = 	snop  }
0xd5: {  	[spmem:s1] =	stream.indirect.scatter.add.f32 [tilespmem:s16], [sflag:$0x4], $0x90, s19, s13, $0xb8;
	v63 =	vld [tilespmem:$0x0]  }
0xd6: {  	_ =	swait.ge [sflag:s15], $0x4800  }
0xd7: {  	[sflag:s15] =	ssyncset.done $0x0  }
0xd8: {  	[sflag:s15] =	ssyncadd.s32 $0xFFFFB800  }
0xd9: {  	_ =	swait.ge [sflag:s20], $0x4800  }
0xda: {  	[sflag:s20] =	ssyncset.done $0x0  }
0xdb: {  	[sflag:s20] =	ssyncadd.s32 $0xFFFFB800  }
0xdc: {  	[tilespmem:s16], [sflag:$0x2] =	stream.indirect.gather [hbm4b:s4+s13], $0x90, s21, s13, $0xb8;
	v63 =	vld [tilespmem:$0x0]  }
0xdd: {  	_ = 	snop  }
0xde: {  	[spmem:s1] =	stream.indirect.scatter.add.f32 [tilespmem:s14], [sflag:$0x3], $0x90, s22, s13, $0xb8;
	v63 =	vld [tilespmem:$0x0]  }
0xdf: {  	_ =	swait.ge [sflag:s17], $0x4800  }
0xe0: {  	[sflag:s17] =	ssyncset.done $0x0  }
0xe1: {  	[sflag:s17] =	ssyncadd.s32 $0xFFFFB800  }
0xe2: {  	_ =	swait.ge [sflag:s18], $0x4800  }
0xe3: {  	[sflag:s18] =	ssyncset.done $0x0  }
0xe4: {  	[sflag:s18] =	ssyncadd.s32 $0xFFFFB800  }
0xe5: {  	[tilespmem:s14], [sflag:$0x1] =	stream.indirect.gather [hbm4b:s4+s13], $0x90, s24, s13, $0xb8;
	v63 =	vld [tilespmem:$0x0]  }
0xe6: {  	_ = 	snop  }
0xe7: {  	[spmem:s1] =	stream.indirect.scatter.add.f32 [tilespmem:s16], [sflag:$0x4], $0x90, s26, s13, $0xb8;
	v63 =	vld [tilespmem:$0x0]  }
0xe8: {  	_ =	swait.ge [sflag:s15], $0x4800  }
0xe9: {  	[sflag:s15] =	ssyncset.done $0x0  }
0xea: {  	[sflag:s15] =	ssyncadd.s32 $0xFFFFB800  }
0xeb: {  	_ =	swait.ge [sflag:s20], $0x4800  }
0xec: {  	[sflag:s20] =	ssyncset.done $0x0  }
0xed: {  	[sflag:s20] =	ssyncadd.s32 $0xFFFFB800  }
0xee: {  	[tilespmem:s16], [sflag:$0x2] =	stream.indirect.gather [hbm4b:s4+s13], $0x90, s28, s13, $0xb8;
	v63 =	vld [tilespmem:$0x0]  }
0xef: {  	_ = 	snop  }
0xf0: {  	[spmem:s1] =	stream.indirect.scatter.add.f32 [tilespmem:s14], [sflag:$0x3], $0x90, s29, s13, $0xb8;
	v63 =	vld [tilespmem:$0x0]  }
0xf1: {  	_ =	swait.ge [sflag:s17], $0x4800  }
0xf2: {  	[sflag:s17] =	ssyncset.done $0x0  }
0xf3: {  	[sflag:s17] =	ssyncadd.s32 $0xFFFFB800  }
0xf4: {  	_ =	swait.ge [sflag:s18], $0x4800  }
0xf5: {  	[sflag:s18] =	ssyncset.done $0x0  }
0xf6: {  	[sflag:s18] =	ssyncadd.s32 $0xFFFFB800  }
0xf7: {  	[tilespmem:s14], [sflag:$0x1] =	stream.indirect.gather [hbm4b:s4+s13], $0x90, s30, s13, $0xb8;
	v63 =	vld [tilespmem:$0x0]  }
0xf8: {  	_ = 	snop  }
0xf9: {  	[spmem:s1] =	stream.indirect.scatter.add.f32 [tilespmem:s16], [sflag:$0x4], $0x90, s31, s13, $0xb8;
	v63 =	vld [tilespmem:$0x0]  }
0xfa: {  	_ =	swait.ge [sflag:s15], $0x4800  }
0xfb: {  	[sflag:s15] =	ssyncset.done $0x0  }
0xfc: {  	[sflag:s15] =	ssyncadd.s32 $0xFFFFB800  }
0xfd: {  	_ =	swait.ge [sflag:s20], $0x4800  }
0xfe: {  	[sflag:s20] =	ssyncset.done $0x0  }
0xff: {  	[sflag:s20] =	ssyncadd.s32 $0xFFFFB800  }
0x100: {  	[tilespmem:s16], [sflag:$0x2] =	stream.indirect.gather [hbm4b:s4+s13], $0x90, s0, s13, $0xb8;
	v63 =	vld [tilespmem:$0x0]  }
0x101: {  	_ = 	snop  }
0x102: {  	[spmem:s1] =	stream.indirect.scatter.add.f32 [tilespmem:s14], [sflag:$0x3], $0x90, s3, s13, $0xb8;
	v63 =	vld [tilespmem:$0x0]  }
0x103: {  	_ =	swait.ge [sflag:s17], $0x4800  }
0x104: {  	[sflag:s17] =	ssyncset.done $0x0  }
0x105: {  	p0 =	sne.s32 s25, $0x1;
	[sflag:s17] =	ssyncadd.s32 $0xFFFFB800  }
0x106: {  	[spmem:s1] =	stream.indirect.scatter.add.f32 [tilespmem:s16], [sflag:$0x4], $0x90, s6, s13, $0xb8;
	v63 =	vld [tilespmem:$0x0]  }
.Ltmp2:
0x107: {  	_ =	swait.ge [sflag:s18], $0x4800;
	(pc) =	sbr.rel @p0 .LBB2_4-.Ltmp2, $4  }
0x108: {  	[sflag:s18] =	ssyncset.done $0x0  }
0x109: {  	[sflag:s18] =	ssyncadd.s32 $0xFFFFB800  }
0x10a: {  	_ =	swait.ge [sflag:s20], $0x4800  }
0x10b: {  	s25 =	sadd.s32 $0xFFFFFFFF, s25;
	[sflag:s20] =	ssyncset.done $0x0  }
.LBB2_5:
0x10c: {  	[sflag:s20] =	ssyncadd.s32 $0xFFFFB800  }
0x10d: {  	s5 =	stileid.u32;
	[bflag:$0x0] =	sbarrier.arrive $0xFFFF  }
0x10e: {  	s5 =	sshll.u32 s5, $0x6;
	s8 =	rddreg [dreg:$0xa]  }
0x10f: {  	s5 =	sor.u32 $0x1C05, s5;
	s9 =	rddreg [dreg:$0xb]  }
0x110: {  	[hbm:s8], [sflag:s5] =	dma.local [spmem:s9], $0x2C70  }
0x111: {  	_ =	swait.ge [sflag:s11], $0x2C70  }
0x112: {  	s23 =	rddreg [dreg:$0xc]  }
0x113: {  	s25 =	rddreg [dreg:$0x7];
	s8 =	sadd.s32 $0x1, s23  }
0x114: {  	p0 =	sne.s32 s8, s25  }
.Ltmp3:
0x115: {  	_ = 	snop;
	(pc) =	sbr.rel @p0 .LBB2_1-.Ltmp3, $3  }
0x116: {  	_ =	sdelay $0x1  }
0x117: {  	[sflag:s11] =	ssyncset.done $0x0  }
0x118: {  	[sflag:s11] =	ssyncadd.s32 $0xFFFFD390  }
0x119: {  	_ =	sfence.sel $0x180000  }
0x11a: {  	[bflag:$0x0] =	sbarrier.arrive $0xFFFF  }
0x11b: {  	_ =	strace $0x90000047  }
0x11c: {  	s0 =	stileid.u32;
	[bflag:$0x2] =	sbarrier.arrive $0xFFFF  }
0x11d: {  	p0 =	sne.s32 s0, $0x0;
	s0 =	rddreg [dreg:$0x4]  }
0x11e: {  	s0 =	sadd.s32 @!p0 $0x100000, s0  }
0x11f: {  	[sflag:s0] =	ssyncadd.tile.s32 @!p0 $0x1;
	_ =	shalt  }
.Lfunc_end2:
_tile_overlayer_lowered:
.L_overlay_start_2:
0x120: {  	(tag) =	ssettag $0x2  }
0x121: {  	s0 =	rddreg [dreg:$0x0];
	s2 =	stileid.u32  }
0x122: {  	s1 =	rddreg [dreg:$0x1];
	p0 =	sne.s32 s2, $0x0  }
0x123: {  	s3 =	rddreg [dreg:$0x2];
	[bflag:$0x3] =	sbarrier.arrive $0xFFFF;
	s2 =	simm.s32 @!p0 $0x1C05  }
0x124: {  	[timem:s3], [sflag:s2] =	dma.local @!p0 [hbm:s0], s1  }
0x125: {  	s0 =	simm.s32 @!p0 $0x5  }
0x126: {  	_ =	swait.ge @!p0 [sflag:s0], s1  }
0x127: {  	s1 =	ssub.s32 @!p0 $0x0, s1;
	[sflag:s0] =	ssyncset.done @!p0 $0x0  }
0x128: {  	[sflag:s0] =	ssyncadd.s32 @!p0 s1  }
0x129: {  	[bflag:$0x3] =	sbarrier.arrive $0xFFFF  }
0x12a: {  	_ =	shalt  }

</sc_bundles>
